<compile_context>
chip_gen: v7x
topology: tpu7x:2x2x1
jax: 0.10.2.dev20260603
libtpu: 0.0.44.dev20260713+nightly
codegen_flags: <defaults>
</compile_context>

<pallas_src>
import functools

import jax
import jax.numpy as jnp
from jax import lax
from jax.experimental import pallas as pl
from jax.experimental.pallas import tpu as pltpu
from jax.experimental.pallas import tpu_sc as plsc

NC = 2
NS = 16
NW = NC * NS
CH = 80


def _mesh():
    return plsc.VectorSubcoreMesh(core_axis_name="c", subcore_axis_name="s",
                                  num_cores=NC, num_subcores=NS)


def _worker_ids():
    c = lax.axis_index("c")
    s = lax.axis_index("s")
    return c, s, s * NC + c


def _load_chunk_idx(comb1, cb, idx_sd, idx_d):
    pltpu.sync_copy(comb1.at[pl.ds(cb, 2 * CH)], idx_sd)
    for v in range(CH // 16):
        idx_d[pl.ds(v * 16, 16)] = idx_sd[pl.ds(CH + v * 16, 16)]


def _agg_body(rows_per_tile, nch, table, comb1, zeros_h, part,
              *scr):
    idx_sd = scr[0:4]
    idx_d = scr[4:8]
    rows = scr[8:12]
    acc_sh = scr[12]
    sem_g = scr[13:17]
    sem_s = scr[17:21]
    c, s, wid = _worker_ids()
    r0 = s * rows_per_tile
    pltpu.sync_copy(zeros_h.at[pl.ds(r0, rows_per_tile)],
                    acc_sh.at[pl.ds(r0, rows_per_tile)])
    plsc.subcore_barrier()

    cbase0 = wid * jnp.int32(nch * 2 * CH)
    for x in (0, 1):
        cb = cbase0 + x * jnp.int32(2 * CH)
        _load_chunk_idx(comb1, cb, idx_sd[x], idx_d[x])
        pltpu.async_copy(table.at[idx_sd[x].at[pl.ds(0, CH)]], rows[x],
                         sem_g[x])

    def group(g, carry):
        j0 = 4 * g
        for x in range(4):
            j = j0 + x
            xn = (x + 2) % 4
            pltpu.make_async_copy(table.at[idx_sd[x].at[pl.ds(0, CH)]],
                                  rows[x], sem_g[x]).wait()
            pltpu.async_copy(rows[x], acc_sh.at[idx_d[x]], sem_s[x],
                             add=True)

            @pl.when(j >= 2)
            def _():
                pltpu.make_async_copy(rows[xn], acc_sh.at[idx_d[xn]],
                                      sem_s[xn]).wait()

            @pl.when(j + 2 < nch)
            def _():
                cb = cbase0 + (j + 2) * jnp.int32(2 * CH)
                _load_chunk_idx(comb1, cb, idx_sd[xn], idx_d[xn])
                pltpu.async_copy(table.at[idx_sd[xn].at[pl.ds(0, CH)]],
                                 rows[xn], sem_g[xn])
        return carry

    lax.fori_loop(jnp.int32(0), jnp.int32((nch - 1) // 4), group,
                  jnp.int32(0))
    pltpu.make_async_copy(table.at[idx_sd[0].at[pl.ds(0, CH)]], rows[0],
                          sem_g[0]).wait()
    pltpu.async_copy(rows[0], acc_sh.at[idx_d[0]], sem_s[0], add=True)
    for x in (2, 3, 0):
        pltpu.make_async_copy(rows[x], acc_sh.at[idx_d[x]], sem_s[x]).wait()
    plsc.subcore_barrier()
    pltpu.sync_copy(acc_sh.at[pl.ds(r0, rows_per_tile)],
                    part.at[c, pl.ds(r0, rows_per_tile)])


def _make_agg(n, d, nch):
    assert nch % 4 == 1
    rows_per_tile = n // NS
    out_type = [jax.ShapeDtypeStruct((NC, n, d), jnp.float32)]
    scratch = (
        [pltpu.VMEM((2 * CH,), jnp.int32) for _ in range(4)]
        + [pltpu.VMEM((CH,), jnp.int32) for _ in range(4)]
        + [pltpu.VMEM((CH, d), jnp.float32) for _ in range(4)]
        + [pltpu.VMEM_SHARED((n, d), jnp.float32)]
        + [pltpu.SemaphoreType.DMA for _ in range(8)]
    )
    body = functools.partial(_agg_body, rows_per_tile, nch)
    return pl.kernel(body, mesh=_mesh(), out_type=out_type,
                     scratch_types=scratch)


def _deg_body(rows_per_tile, nch, epw, dst1, zeros_h, ones_h, degp,
              idx_d0, idx_d1, ones_v, deg_sh, sem0, sem1):
    c, s, wid = _worker_ids()
    r0 = s * rows_per_tile
    pltpu.sync_copy(zeros_h.at[pl.ds(r0, rows_per_tile)],
                    deg_sh.at[pl.ds(r0, rows_per_tile)])
    pltpu.sync_copy(ones_h, ones_v)
    plsc.subcore_barrier()

    base0 = wid * jnp.int32(epw)
    pltpu.sync_copy(dst1.at[pl.ds(base0, CH)], idx_d0)
    pltpu.async_copy(ones_v, deg_sh.at[idx_d0], sem0, add=True)

    def pair(t, carry):
        b1 = base0 + (2 * t + 1) * jnp.int32(CH)
        pltpu.sync_copy(dst1.at[pl.ds(b1, CH)], idx_d1)
        pltpu.async_copy(ones_v, deg_sh.at[idx_d1], sem1, add=True)
        pltpu.make_async_copy(ones_v, deg_sh.at[idx_d0], sem0).wait()
        b2 = base0 + (2 * t + 2) * jnp.int32(CH)
        pltpu.sync_copy(dst1.at[pl.ds(b2, CH)], idx_d0)
        pltpu.async_copy(ones_v, deg_sh.at[idx_d0], sem0, add=True)
        pltpu.make_async_copy(ones_v, deg_sh.at[idx_d1], sem1).wait()
        return carry

    lax.fori_loop(jnp.int32(0), jnp.int32((nch - 1) // 2), pair, jnp.int32(0))
    pltpu.make_async_copy(ones_v, deg_sh.at[idx_d0], sem0).wait()
    plsc.subcore_barrier()
    pltpu.sync_copy(deg_sh.at[pl.ds(r0, rows_per_tile)],
                    degp.at[c, pl.ds(r0, rows_per_tile)])


def _make_deg(n, d, nch, epw):
    assert nch % 2 == 1
    rows_per_tile = n // NS
    out_type = [jax.ShapeDtypeStruct((NC, n, d), jnp.float32)]
    scratch = [
        pltpu.VMEM((CH,), jnp.int32),
        pltpu.VMEM((CH,), jnp.int32),
        pltpu.VMEM((CH, d), jnp.float32),
        pltpu.VMEM_SHARED((n, d), jnp.float32),
        pltpu.SemaphoreType.DMA,
        pltpu.SemaphoreType.DMA,
    ]
    body = functools.partial(_deg_body, rows_per_tile, nch, epw)
    return pl.kernel(body, mesh=_mesh(), out_type=out_type,
                     scratch_types=scratch)


def _gather_body(epw, nch, table, comb1, out_s, out_d, *scr):
    idx_sd = scr[0:4]
    rs = scr[4:8]
    rd = scr[8:12]
    sem_gs = scr[12:16]
    sem_gd = scr[16:20]
    sem_ws = scr[20:24]
    sem_wd = scr[24:28]
    c, s, wid = _worker_ids()
    base0 = wid * jnp.int32(epw)
    cbase0 = wid * jnp.int32(nch * 2 * CH)
    for x in (0, 1):
        cb = cbase0 + x * jnp.int32(2 * CH)
        pltpu.sync_copy(comb1.at[pl.ds(cb, 2 * CH)], idx_sd[x])
        pltpu.async_copy(table.at[idx_sd[x].at[pl.ds(0, CH)]], rs[x],
                         sem_gs[x])
        pltpu.async_copy(table.at[idx_sd[x].at[pl.ds(CH, CH)]], rd[x],
                         sem_gd[x])

    def group(g, carry):
        j0 = 4 * g
        for x in range(4):
            j = j0 + x
            xn = (x + 2) % 4
            b = base0 + j * jnp.int32(CH)
            pltpu.make_async_copy(table.at[idx_sd[x].at[pl.ds(0, CH)]],
                                  rs[x], sem_gs[x]).wait()
            pltpu.async_copy(rs[x], out_s.at[pl.ds(b, CH)], sem_ws[x])
            pltpu.make_async_copy(table.at[idx_sd[x].at[pl.ds(CH, CH)]],
                                  rd[x], sem_gd[x]).wait()
            pltpu.async_copy(rd[x], out_d.at[pl.ds(b, CH)], sem_wd[x])

            @pl.when(j >= 2)
            def _():
                bp = base0 + (j - 2) * jnp.int32(CH)
                pltpu.make_async_copy(rs[xn], out_s.at[pl.ds(bp, CH)],
                                      sem_ws[xn]).wait()
                pltpu.make_async_copy(rd[xn], out_d.at[pl.ds(bp, CH)],
                                      sem_wd[xn]).wait()

            @pl.when(j + 2 < nch)
            def _():
                cb = cbase0 + (j + 2) * jnp.int32(2 * CH)
                pltpu.sync_copy(comb1.at[pl.ds(cb, 2 * CH)], idx_sd[xn])
                pltpu.async_copy(table.at[idx_sd[xn].at[pl.ds(0, CH)]],
                                 rs[xn], sem_gs[xn])
                pltpu.async_copy(table.at[idx_sd[xn].at[pl.ds(CH, CH)]],
                                 rd[xn], sem_gd[xn])
        return carry

    lax.fori_loop(jnp.int32(0), jnp.int32((nch - 1) // 4), group,
                  jnp.int32(0))
    blast = base0 + (nch - 1) * jnp.int32(CH)
    pltpu.make_async_copy(table.at[idx_sd[0].at[pl.ds(0, CH)]], rs[0],
                          sem_gs[0]).wait()
    pltpu.async_copy(rs[0], out_s.at[pl.ds(blast, CH)], sem_ws[0])
    pltpu.make_async_copy(table.at[idx_sd[0].at[pl.ds(CH, CH)]], rd[0],
                          sem_gd[0]).wait()
    pltpu.async_copy(rd[0], out_d.at[pl.ds(blast, CH)], sem_wd[0])
    for x in (2, 3, 0):
        bx = base0 + (nch - 3 + ((x - 2) % 4)) * jnp.int32(CH)
        pltpu.make_async_copy(rs[x], out_s.at[pl.ds(bx, CH)],
                              sem_ws[x]).wait()
        pltpu.make_async_copy(rd[x], out_d.at[pl.ds(bx, CH)],
                              sem_wd[x]).wait()


def _make_gather2(e, d, nch):
    assert nch % 4 == 1
    epw = e // NW
    out_type = [jax.ShapeDtypeStruct((e, d), jnp.float32),
                jax.ShapeDtypeStruct((e, d), jnp.float32)]
    scratch = (
        [pltpu.VMEM((2 * CH,), jnp.int32) for _ in range(4)]
        + [pltpu.VMEM((CH, d), jnp.float32) for _ in range(8)]
        + [pltpu.SemaphoreType.DMA for _ in range(16)]
    )
    body = functools.partial(_gather_body, epw, nch)
    return pl.kernel(body, mesh=_mesh(), out_type=out_type,
                     scratch_types=scratch)


def _dense_body(relu, x_ref, p0, p1, d0, d1, ws, bs, wn, bn, o_ref):
    deg = jnp.maximum(d0[:, 0:1] + d1[:, 0:1], 1.0)
    hn = (p0[...] + p1[...]) / deg
    acc = jnp.dot(x_ref[...], ws[...], preferred_element_type=jnp.float32)
    acc = acc + jnp.dot(hn, wn[...], preferred_element_type=jnp.float32)
    acc = acc + bs[...] + bn[...]
    if relu:
        acc = jnp.maximum(acc, 0.0)
    o_ref[...] = acc


def _dense(relu, n, d, h, x, p0, p1, d0, d1, ws, bs, wn, bn):
    blk = next(b for b in (1000, 512, 256, 128, 8) if n % b == 0)
    grid = (n // blk,)
    row = lambda i: (i, jnp.int32(0))
    fixed = lambda i: (jnp.int32(0), jnp.int32(0))
    return pl.pallas_call(
        functools.partial(_dense_body, relu),
        grid=grid,
        in_specs=[
            pl.BlockSpec((blk, d), row),
            pl.BlockSpec((blk, d), row),
            pl.BlockSpec((blk, d), row),
            pl.BlockSpec((blk, d), row),
            pl.BlockSpec((blk, d), row),
            pl.BlockSpec((d, h), fixed),
            pl.BlockSpec((1, h), fixed),
            pl.BlockSpec((d, h), fixed),
            pl.BlockSpec((1, h), fixed),
        ],
        out_specs=pl.BlockSpec((blk, h), row),
        out_shape=jax.ShapeDtypeStruct((n, h), jnp.float32),
    )(x, p0, p1, d0, d1, ws, bs.reshape(1, h), wn, bn.reshape(1, h))


def kernel(features, edge_index, Ws1, bs1, Wn1, bn1, Ws2, bs2, Wn2, bn2):
    features = features.astype(jnp.float32)
    n, d = features.shape
    h = Ws1.shape[1]
    o = Ws2.shape[1]
    e = edge_index.shape[1]
    epw = e // NW
    nch = epw // CH
    npad = -(-n // (NS * 8)) * (NS * 8)

    ei = edge_index.astype(jnp.int32)
    dst1 = ei[1]
    comb1 = jnp.stack([ei[0].reshape(NW, nch, CH),
                       ei[1].reshape(NW, nch, CH)], axis=2).reshape(-1)
    z128 = jnp.zeros((npad, d), jnp.float32)
    ones_h = jnp.ones((CH, d), jnp.float32)

    (degp,) = _make_deg(npad, d, nch, epw)(dst1, z128, ones_h)
    (part1,) = _make_agg(npad, d, nch)(features, comb1, z128)
    h1 = _dense(True, n, d, h, features, part1[0, :n], part1[1, :n],
                degp[0, :n], degp[1, :n], Ws1, bs1, Wn1, bn1)
    (part2,) = _make_agg(npad, h, nch)(h1, comb1, z128)
    h2 = _dense(False, n, h, o, h1, part2[0, :n], part2[1, :n],
                degp[0, :n], degp[1, :n], Ws2, bs2, Wn2, bn2)
    src_feat2, dst_feat2 = _make_gather2(e, o, nch)(h2, comb1)
    return (src_feat2, dst_feat2)

# --- scband reference (transcript-rebuilt; emitter-appended) ---
"""Pipeline reference for scband-tgraph-sage-33483565040238 (READ-ONLY COPY).

The authoritative reference and input builder live on the scoring server;
editing this copy changes nothing except your own understanding.
"""

import jax, jax.numpy as jnp
import numpy as np
jax.config.update('jax_enable_x64', True)

N = 10000
E = 320000
D = 128
H = 128
O = 128

def setup_inputs(seed: int = 0) -> dict:
    key = jax.random.key(seed)
    ks = jax.random.split(key, 12)
    features = jax.random.normal(ks[0], (N, D), dtype=jnp.float32)
    edge_index = jax.random.randint(ks[1], (2, E), 0, N, dtype=jnp.int64)
    s_in = 1.0 / np.sqrt(D)
    s_h = 1.0 / np.sqrt(H)
    # Layer 1: TSAGEConv(in_feats=D, n_hidden=H, mean) -> fc_self + fc_neigh
    Ws1 = jax.random.uniform(ks[2], (D, H), dtype=jnp.float32, minval=-s_in, maxval=s_in)
    bs1 = jax.random.uniform(ks[3], (H,), dtype=jnp.float32, minval=-s_in, maxval=s_in)
    Wn1 = jax.random.uniform(ks[4], (D, H), dtype=jnp.float32, minval=-s_in, maxval=s_in)
    bn1 = jax.random.uniform(ks[5], (H,), dtype=jnp.float32, minval=-s_in, maxval=s_in)
    # Layer 2 (output layer, no activation): TSAGEConv(H, O, mean)
    Ws2 = jax.random.uniform(ks[6], (H, O), dtype=jnp.float32, minval=-s_h, maxval=s_h)
    bs2 = jax.random.uniform(ks[7], (O,), dtype=jnp.float32, minval=-s_h, maxval=s_h)
    Wn2 = jax.random.uniform(ks[8], (H, O), dtype=jnp.float32, minval=-s_h, maxval=s_h)
    bn2 = jax.random.uniform(ks[9], (O,), dtype=jnp.float32, minval=-s_h, maxval=s_h)
    return {"features": features, "edge_index": edge_index,
            "Ws1": Ws1, "bs1": bs1, "Wn1": Wn1, "bn1": bn1,
            "Ws2": Ws2, "bs2": bs2, "Wn2": Wn2, "bn2": bn2}

def reference(features, edge_index, Ws1, bs1, Wn1, bn1, Ws2, bs2, Wn2, bn2):
    src = edge_index[0]
    dst = edge_index[1]
    ones = jnp.ones((E,), dtype=jnp.float32)
    deg = jax.ops.segment_sum(ones, dst, num_segments=N)
    deg = jnp.clip(deg, 1.0, None)[:, None]
    # Layer 1 (cl=1): messages are src-node features on each edge; mean-aggregate at dst
    m1 = jnp.take(features, src, axis=0)
    h_neigh1 = jax.ops.segment_sum(m1, dst, num_segments=N) / deg
    h1 = jax.nn.relu(features @ Ws1 + bs1 + h_neigh1 @ Wn1 + bn1)
    src_feat1 = jnp.take(h1, src, axis=0)
    dst_feat1 = jnp.take(h1, dst, axis=0)
    # Layer 2 (cl=2): messages are the stored edge src_feat from previous layer; no activation
    h_neigh2 = jax.ops.segment_sum(src_feat1, dst, num_segments=N) / deg
    h2 = h1 @ Ws2 + bs2 + h_neigh2 @ Wn2 + bn2
    src_feat2 = jnp.take(h2, src, axis=0)
    dst_feat2 = jnp.take(h2, dst, axis=0)
    return (src_feat2, dst_feat2)

if __name__ == "__main__":
    import jax
    _d = setup_inputs()
    print(jax.jit(kernel)(*tuple(_d.values())))

</pallas_src>

<mosaic_0001>
#map = affine_map<(d0, d1) -> (0, 0)>
#map1 = affine_map<(d0, d1) -> (0)>
#map2 = affine_map<(d0, d1) -> (0, 0, 0)>
module attributes {stable_mosaic.version = 14 : i64} {
  func.func @_agg_body(%arg0: i32, %arg1: i32, %arg2: memref<10000x128xf32, #tpu.memory_space<hbm>>, %arg3: memref<640000xi32, #tpu.memory_space<hbm>>, %arg4: memref<10112x128xf32, #tpu.memory_space<hbm>>, %arg5: memref<2x10112x128xf32, #tpu.memory_space<hbm>>, %arg6: memref<160xi32, #tpu.memory_space<vmem>>, %arg7: memref<160xi32, #tpu.memory_space<vmem>>, %arg8: memref<160xi32, #tpu.memory_space<vmem>>, %arg9: memref<160xi32, #tpu.memory_space<vmem>>, %arg10: memref<80xi32, #tpu.memory_space<vmem>>, %arg11: memref<80xi32, #tpu.memory_space<vmem>>, %arg12: memref<80xi32, #tpu.memory_space<vmem>>, %arg13: memref<80xi32, #tpu.memory_space<vmem>>, %arg14: memref<80x128xf32, #tpu.memory_space<vmem>>, %arg15: memref<80x128xf32, #tpu.memory_space<vmem>>, %arg16: memref<80x128xf32, #tpu.memory_space<vmem>>, %arg17: memref<80x128xf32, #tpu.memory_space<vmem>>, %arg18: memref<10112x128xf32, #tpu.memory_space<vmem_shared>>, %arg19: memref<!tpu.dma_semaphore, #tpu.memory_space<semaphore_mem>>, %arg20: memref<!tpu.dma_semaphore, #tpu.memory_space<semaphore_mem>>, %arg21: memref<!tpu.dma_semaphore, #tpu.memory_space<semaphore_mem>>, %arg22: memref<!tpu.dma_semaphore, #tpu.memory_space<semaphore_mem>>, %arg23: memref<!tpu.dma_semaphore, #tpu.memory_space<semaphore_mem>>, %arg24: memref<!tpu.dma_semaphore, #tpu.memory_space<semaphore_mem>>, %arg25: memref<!tpu.dma_semaphore, #tpu.memory_space<semaphore_mem>>, %arg26: memref<!tpu.dma_semaphore, #tpu.memory_space<semaphore_mem>>) attributes {dimension_semantics = [#tpu.dimension_semantics<core_parallel>, #tpu.dimension_semantics<subcore_parallel>], iteration_bounds = array<i64: 2, 16>, scalar_prefetch = 0 : i64, scratch_operands = 21 : i64, tpu.core_type = #tpu.core_type<sc_vector_subcore>, window_params = [{transform_indices = #map}, {transform_indices = #map1}, {transform_indices = #map}, {transform_indices = #map2}]} {
    %mul3A = arith.constant 2 : i32
    %mul3A_0 = arith.muli %arg1, %mul3A : i32
    %add3A = arith.addi %mul3A_0, %arg0 : i32
    %mul3A_1 = arith.constant 632 : i32
    %mul3A_2 = arith.muli %arg1, %mul3A_1 : i32
    "tpu.region"() ({
      %run_scoped3A = tpu.sem_alloc : memref<!tpu.dma_semaphore, #tpu.memory_space<semaphore_mem>>
      %dma_start3A_117 = arith.constant 0 : i32
      %dma_start3A_118 = tpu.memref_slice %arg18[%mul3A_2, %dma_start3A_117] : memref<10112x128xf32, #tpu.memory_space<vmem_shared>> -> memref<632x128xf32, #tpu.memory_space<vmem_shared>>
      %dma_start3A_119 = arith.constant 0 : i32
      %dma_start3A_120 = tpu.memref_slice %arg4[%mul3A_2, %dma_start3A_119] : memref<10112x128xf32, #tpu.memory_space<hbm>> -> memref<632x128xf32, #tpu.memory_space<hbm>>
      tpu.enqueue_dma source(%dma_start3A_120 : memref<632x128xf32, #tpu.memory_space<hbm>>) target(%dma_start3A_118 : memref<632x128xf32, #tpu.memory_space<vmem_shared>>) target_semaphore(%run_scoped3A : memref<!tpu.dma_semaphore, #tpu.memory_space<semaphore_mem>>)
      %dma_wait3A_121 = arith.constant 0 : i32
      %dma_wait3A_122 = tpu.memref_slice %arg18[%mul3A_2, %dma_wait3A_121] : memref<10112x128xf32, #tpu.memory_space<vmem_shared>> -> memref<632x128xf32, #tpu.memory_space<vmem_shared>>
      %dma_wait3A_123 = arith.constant 0 : i32
      %dma_wait3A_124 = tpu.memref_slice %arg4[%mul3A_2, %dma_wait3A_123] : memref<10112x128xf32, #tpu.memory_space<hbm>> -> memref<632x128xf32, #tpu.memory_space<hbm>>
      tpu.wait_dma2 semaphore(%run_scoped3A : memref<!tpu.dma_semaphore, #tpu.memory_space<semaphore_mem>>) src(%dma_wait3A_124 : memref<632x128xf32, #tpu.memory_space<hbm>>) dst(%dma_wait3A_122 : memref<632x128xf32, #tpu.memory_space<vmem_shared>>)
      tpu.yield
    }) : () -> ()
    %barrier3A = arith.constant 0 : index
    tpu.barrier barrier_id(%barrier3A)
    %mul3A_3 = arith.constant 20000 : i32
    %mul3A_4 = arith.muli %add3A, %mul3A_3 : i32
    %mul3A_5 = arith.constant 0 : i32
    %mul3A_6 = arith.constant 160 : i32
    %mul3A_7 = arith.muli %mul3A_5, %mul3A_6 : i32
    %add3A_8 = arith.addi %mul3A_4, %mul3A_7 : i32
    "tpu.region"() ({
      %run_scoped3A = tpu.sem_alloc : memref<!tpu.dma_semaphore, #tpu.memory_space<semaphore_mem>>
      %dma_start3A_117 = tpu.memref_slice %arg3[%add3A_8] : memref<640000xi32, #tpu.memory_space<hbm>> -> memref<160xi32, #tpu.memory_space<hbm>>
      %dma_start3A_118 = tpu.memref_slice %arg3[%add3A_8] : memref<640000xi32, #tpu.memory_space<hbm>> -> memref<160xi32, #tpu.memory_space<hbm>>
      tpu.enqueue_dma source(%dma_start3A_118 : memref<160xi32, #tpu.memory_space<hbm>>) target(%arg6 : memref<160xi32, #tpu.memory_space<vmem>>) target_semaphore(%run_scoped3A : memref<!tpu.dma_semaphore, #tpu.memory_space<semaphore_mem>>)
      %dma_wait3A_119 = tpu.memref_slice %arg3[%add3A_8] : memref<640000xi32, #tpu.memory_space<hbm>> -> memref<160xi32, #tpu.memory_space<hbm>>
      %dma_wait3A_120 = tpu.memref_slice %arg3[%add3A_8] : memref<640000xi32, #tpu.memory_space<hbm>> -> memref<160xi32, #tpu.memory_space<hbm>>
      tpu.wait_dma2 semaphore(%run_scoped3A : memref<!tpu.dma_semaphore, #tpu.memory_space<semaphore_mem>>) src(%dma_wait3A_120 : memref<160xi32, #tpu.memory_space<hbm>>) dst(%arg6 : memref<160xi32, #tpu.memory_space<vmem>>)
      tpu.yield
    }) : () -> ()
    %get3A = arith.constant 80 : index
    %get3A_9 = tpu.vector_load %arg6[%get3A] {strides = array<i32>} : memref<160xi32, #tpu.memory_space<vmem>>, vector<16xi32>,
    %get3A_10 = vector.shape_cast %get3A_9 : vector<16xi32> to vector<16xi32>
    %swap3A = arith.constant 0 : index
    %swap3A_11 = tpu.vector_load %arg10[%swap3A] {strides = array<i32>} : memref<80xi32, #tpu.memory_space<vmem>>, vector<16xi32>,
    %swap3A_12 = vector.shape_cast %swap3A_11 : vector<16xi32> to vector<16xi32>
    %swap3A_13 = vector.shape_cast %get3A_10 : vector<16xi32> to vector<16xi32>
    tpu.vector_store %arg10[%swap3A], %swap3A_13 {strides = array<i32>} : memref<80xi32, #tpu.memory_space<vmem>>, vector<16xi32>,
    %get3A_14 = arith.constant 96 : index
    %get3A_15 = tpu.vector_load %arg6[%get3A_14] {strides = array<i32>} : memref<160xi32, #tpu.memory_space<vmem>>, vector<16xi32>,
    %get3A_16 = vector.shape_cast %get3A_15 : vector<16xi32> to vector<16xi32>
    %swap3A_17 = arith.constant 16 : index
    %swap3A_18 = tpu.vector_load %arg10[%swap3A_17] {strides = array<i32>} : memref<80xi32, #tpu.memory_space<vmem>>, vector<16xi32>,
    %swap3A_19 = vector.shape_cast %swap3A_18 : vector<16xi32> to vector<16xi32>
    %swap3A_20 = vector.shape_cast %get3A_16 : vector<16xi32> to vector<16xi32>
    tpu.vector_store %arg10[%swap3A_17], %swap3A_20 {strides = array<i32>} : memref<80xi32, #tpu.memory_space<vmem>>, vector<16xi32>,
    %get3A_21 = arith.constant 112 : index
    %get3A_22 = tpu.vector_load %arg6[%get3A_21] {strides = array<i32>} : memref<160xi32, #tpu.memory_space<vmem>>, vector<16xi32>,
    %get3A_23 = vector.shape_cast %get3A_22 : vector<16xi32> to vector<16xi32>
    %swap3A_24 = arith.constant 32 : index
    %swap3A_25 = tpu.vector_load %arg10[%swap3A_24] {strides = array<i32>} : memref<80xi32, #tpu.memory_space<vmem>>, vector<16xi32>,
    %swap3A_26 = vector.shape_cast %swap3A_25 : vector<16xi32> to vector<16xi32>
    %swap3A_27 = vector.shape_cast %get3A_23 : vector<16xi32> to vector<16xi32>
    tpu.vector_store %arg10[%swap3A_24], %swap3A_27 {strides = array<i32>} : memref<80xi32, #tpu.memory_space<vmem>>, vector<16xi32>,
    %get3A_28 = arith.constant 128 : index
    %get3A_29 = tpu.vector_load %arg6[%get3A_28] {strides = array<i32>} : memref<160xi32, #tpu.memory_space<vmem>>, vector<16xi32>,
    %get3A_30 = vector.shape_cast %get3A_29 : vector<16xi32> to vector<16xi32>
    %swap3A_31 = arith.constant 48 : index
    %swap3A_32 = tpu.vector_load %arg10[%swap3A_31] {strides = array<i32>} : memref<80xi32, #tpu.memory_space<vmem>>, vector<16xi32>,
    %swap3A_33 = vector.shape_cast %swap3A_32 : vector<16xi32> to vector<16xi32>
    %swap3A_34 = vector.shape_cast %get3A_30 : vector<16xi32> to vector<16xi32>
    tpu.vector_store %arg10[%swap3A_31], %swap3A_34 {strides = array<i32>} : memref<80xi32, #tpu.memory_space<vmem>>, vector<16xi32>,
    %get3A_35 = arith.constant 144 : index
    %get3A_36 = tpu.vector_load %arg6[%get3A_35] {strides = array<i32>} : memref<160xi32, #tpu.memory_space<vmem>>, vector<16xi32>,
    %get3A_37 = vector.shape_cast %get3A_36 : vector<16xi32> to vector<16xi32>
    %swap3A_38 = arith.constant 64 : index
    %swap3A_39 = tpu.vector_load %arg10[%swap3A_38] {strides = array<i32>} : memref<80xi32, #tpu.memory_space<vmem>>, vector<16xi32>,
    %swap3A_40 = vector.shape_cast %swap3A_39 : vector<16xi32> to vector<16xi32>
    %swap3A_41 = vector.shape_cast %get3A_37 : vector<16xi32> to vector<16xi32>
    tpu.vector_store %arg10[%swap3A_38], %swap3A_41 {strides = array<i32>} : memref<80xi32, #tpu.memory_space<vmem>>, vector<16xi32>,
    %dma_start3A = arith.constant 0 : i32
    %dma_start3A_42 = tpu.memref_slice %arg6[%dma_start3A] : memref<160xi32, #tpu.memory_space<vmem>> -> memref<80xi32, #tpu.memory_space<vmem>>
    %dma_start3A_43 = arith.constant 0 : i32
    %dma_start3A_44 = arith.constant 0 : i32
    %dma_start3A_45 = tpu.memref_slice %arg2[%dma_start3A_43, %dma_start3A_44] : memref<10000x128xf32, #tpu.memory_space<hbm>> -> memref<10000x128xf32, #tpu.memory_space<hbm>>
    tpu.enqueue_indirect_dma source(%dma_start3A_45 : memref<10000x128xf32, #tpu.memory_space<hbm>>) target(%arg14 : memref<80x128xf32, #tpu.memory_space<vmem>>) offsets(%dma_start3A_42 : memref<80xi32, #tpu.memory_space<vmem>>) semaphore(%arg19 : memref<!tpu.dma_semaphore, #tpu.memory_space<semaphore_mem>>)
    %mul3A_46 = arith.constant 1 : i32
    %mul3A_47 = arith.constant 160 : i32
    %mul3A_48 = arith.muli %mul3A_46, %mul3A_47 : i32
    %add3A_49 = arith.addi %mul3A_4, %mul3A_48 : i32
    "tpu.region"() ({
      %run_scoped3A = tpu.sem_alloc : memref<!tpu.dma_semaphore, #tpu.memory_space<semaphore_mem>>
      %dma_start3A_117 = tpu.memref_slice %arg3[%add3A_49] : memref<640000xi32, #tpu.memory_space<hbm>> -> memref<160xi32, #tpu.memory_space<hbm>>
      %dma_start3A_118 = tpu.memref_slice %arg3[%add3A_49] : memref<640000xi32, #tpu.memory_space<hbm>> -> memref<160xi32, #tpu.memory_space<hbm>>
      tpu.enqueue_dma source(%dma_start3A_118 : memref<160xi32, #tpu.memory_space<hbm>>) target(%arg7 : memref<160xi32, #tpu.memory_space<vmem>>) target_semaphore(%run_scoped3A : memref<!tpu.dma_semaphore, #tpu.memory_space<semaphore_mem>>)
      %dma_wait3A_119 = tpu.memref_slice %arg3[%add3A_49] : memref<640000xi32, #tpu.memory_space<hbm>> -> memref<160xi32, #tpu.memory_space<hbm>>
      %dma_wait3A_120 = tpu.memref_slice %arg3[%add3A_49] : memref<640000xi32, #tpu.memory_space<hbm>> -> memref<160xi32, #tpu.memory_space<hbm>>
      tpu.wait_dma2 semaphore(%run_scoped3A : memref<!tpu.dma_semaphore, #tpu.memory_space<semaphore_mem>>) src(%dma_wait3A_120 : memref<160xi32, #tpu.memory_space<hbm>>) dst(%arg7 : memref<160xi32, #tpu.memory_space<vmem>>)
      tpu.yield
    }) : () -> ()
    %get3A_50 = arith.constant 80 : index
    %get3A_51 = tpu.vector_load %arg7[%get3A_50] {strides = array<i32>} : memref<160xi32, #tpu.memory_space<vmem>>, vector<16xi32>,
    %get3A_52 = vector.shape_cast %get3A_51 : vector<16xi32> to vector<16xi32>
    %swap3A_53 = arith.constant 0 : index
    %swap3A_54 = tpu.vector_load %arg11[%swap3A_53] {strides = array<i32>} : memref<80xi32, #tpu.memory_space<vmem>>, vector<16xi32>,
    %swap3A_55 = vector.shape_cast %swap3A_54 : vector<16xi32> to vector<16xi32>
    %swap3A_56 = vector.shape_cast %get3A_52 : vector<16xi32> to vector<16xi32>
    tpu.vector_store %arg11[%swap3A_53], %swap3A_56 {strides = array<i32>} : memref<80xi32, #tpu.memory_space<vmem>>, vector<16xi32>,
    %get3A_57 = arith.constant 96 : index
    %get3A_58 = tpu.vector_load %arg7[%get3A_57] {strides = array<i32>} : memref<160xi32, #tpu.memory_space<vmem>>, vector<16xi32>,
    %get3A_59 = vector.shape_cast %get3A_58 : vector<16xi32> to vector<16xi32>
    %swap3A_60 = arith.constant 16 : index
    %swap3A_61 = tpu.vector_load %arg11[%swap3A_60] {strides = array<i32>} : memref<80xi32, #tpu.memory_space<vmem>>, vector<16xi32>,
    %swap3A_62 = vector.shape_cast %swap3A_61 : vector<16xi32> to vector<16xi32>
    %swap3A_63 = vector.shape_cast %get3A_59 : vector<16xi32> to vector<16xi32>
    tpu.vector_store %arg11[%swap3A_60], %swap3A_63 {strides = array<i32>} : memref<80xi32, #tpu.memory_space<vmem>>, vector<16xi32>,
    %get3A_64 = arith.constant 112 : index
    %get3A_65 = tpu.vector_load %arg7[%get3A_64] {strides = array<i32>} : memref<160xi32, #tpu.memory_space<vmem>>, vector<16xi32>,
    %get3A_66 = vector.shape_cast %get3A_65 : vector<16xi32> to vector<16xi32>
    %swap3A_67 = arith.constant 32 : index
    %swap3A_68 = tpu.vector_load %arg11[%swap3A_67] {strides = array<i32>} : memref<80xi32, #tpu.memory_space<vmem>>, vector<16xi32>,
    %swap3A_69 = vector.shape_cast %swap3A_68 : vector<16xi32> to vector<16xi32>
    %swap3A_70 = vector.shape_cast %get3A_66 : vector<16xi32> to vector<16xi32>
    tpu.vector_store %arg11[%swap3A_67], %swap3A_70 {strides = array<i32>} : memref<80xi32, #tpu.memory_space<vmem>>, vector<16xi32>,
    %get3A_71 = arith.constant 128 : index
    %get3A_72 = tpu.vector_load %arg7[%get3A_71] {strides = array<i32>} : memref<160xi32, #tpu.memory_space<vmem>>, vector<16xi32>,
    %get3A_73 = vector.shape_cast %get3A_72 : vector<16xi32> to vector<16xi32>
    %swap3A_74 = arith.constant 48 : index
    %swap3A_75 = tpu.vector_load %arg11[%swap3A_74] {strides = array<i32>} : memref<80xi32, #tpu.memory_space<vmem>>, vector<16xi32>,
    %swap3A_76 = vector.shape_cast %swap3A_75 : vector<16xi32> to vector<16xi32>
    %swap3A_77 = vector.shape_cast %get3A_73 : vector<16xi32> to vector<16xi32>
    tpu.vector_store %arg11[%swap3A_74], %swap3A_77 {strides = array<i32>} : memref<80xi32, #tpu.memory_space<vmem>>, vector<16xi32>,
    %get3A_78 = arith.constant 144 : index
    %get3A_79 = tpu.vector_load %arg7[%get3A_78] {strides = array<i32>} : memref<160xi32, #tpu.memory_space<vmem>>, vector<16xi32>,
    %get3A_80 = vector.shape_cast %get3A_79 : vector<16xi32> to vector<16xi32>
    %swap3A_81 = arith.constant 64 : index
    %swap3A_82 = tpu.vector_load %arg11[%swap3A_81] {strides = array<i32>} : memref<80xi32, #tpu.memory_space<vmem>>, vector<16xi32>,
    %swap3A_83 = vector.shape_cast %swap3A_82 : vector<16xi32> to vector<16xi32>
    %swap3A_84 = vector.shape_cast %get3A_80 : vector<16xi32> to vector<16xi32>
    tpu.vector_store %arg11[%swap3A_81], %swap3A_84 {strides = array<i32>} : memref<80xi32, #tpu.memory_space<vmem>>, vector<16xi32>,
    %dma_start3A_85 = arith.constant 0 : i32
    %dma_start3A_86 = tpu.memref_slice %arg7[%dma_start3A_85] : memref<160xi32, #tpu.memory_space<vmem>> -> memref<80xi32, #tpu.memory_space<vmem>>
    %dma_start3A_87 = arith.constant 0 : i32
    %dma_start3A_88 = arith.constant 0 : i32
    %dma_start3A_89 = tpu.memref_slice %arg2[%dma_start3A_87, %dma_start3A_88] : memref<10000x128xf32, #tpu.memory_space<hbm>> -> memref<10000x128xf32, #tpu.memory_space<hbm>>
    tpu.enqueue_indirect_dma source(%dma_start3A_89 : memref<10000x128xf32, #tpu.memory_space<hbm>>) target(%arg15 : memref<80x128xf32, #tpu.memory_space<vmem>>) offsets(%dma_start3A_86 : memref<80xi32, #tpu.memory_space<vmem>>) semaphore(%arg20 : memref<!tpu.dma_semaphore, #tpu.memory_space<semaphore_mem>>)
    %while3A = arith.constant 0 : i32
    %while3A_90 = arith.constant 0 : i32
    %while3A_91 = arith.constant 31 : i32
    %while3A_92 = arith.subi %while3A_91, %while3A_90 : i32
    %while3A_93 = arith.addi %while3A_90, %while3A_92 : i32
    %while3A_94 = arith.constant 1 : i32
    %while3A_95 = arith.divsi %while3A_92, %while3A_94 : i32
    %while3A_96 = arith.muli %while3A_95, %while3A_94 : i32
    %while3A_97 = arith.addi %while3A_90, %while3A_96 : i32
    %while3A_98 = arith.constant 1 : i32
    scf.for %while3A_117 = %while3A_90 to %while3A_97 step %while3A_98  : i32 {
      %mul3A_118 = arith.constant 4 : i32
      %mul3A_119 = arith.muli %mul3A_118, %while3A_117 : i32
      %add3A_120 = arith.constant 0 : i32
      %add3A_121 = arith.addi %mul3A_119, %add3A_120 : i32
      %dma_wait3A_122 = arith.constant 0 : i32
      %dma_wait3A_123 = tpu.memref_slice %arg6[%dma_wait3A_122] : memref<160xi32, #tpu.memory_space<vmem>> -> memref<80xi32, #tpu.memory_space<vmem>>
      %dma_wait3A_124 = arith.constant 0 : i32
      %dma_wait3A_125 = arith.constant 0 : i32
      %dma_wait3A_126 = tpu.memref_slice %arg2[%dma_wait3A_124, %dma_wait3A_125] : memref<10000x128xf32, #tpu.memory_space<hbm>> -> memref<10000x128xf32, #tpu.memory_space<hbm>>
      tpu.wait_indirect_dma semaphore(%arg19 : memref<!tpu.dma_semaphore, #tpu.memory_space<semaphore_mem>>) src(%dma_wait3A_126 : memref<10000x128xf32, #tpu.memory_space<hbm>>) dst(%arg14 : memref<80x128xf32, #tpu.memory_space<vmem>>)
      %dma_start3A_127 = arith.constant 0 : i32
      %dma_start3A_128 = arith.constant 0 : i32
      %dma_start3A_129 = tpu.memref_slice %arg18[%dma_start3A_127, %dma_start3A_128] : memref<10112x128xf32, #tpu.memory_space<vmem_shared>> -> memref<10112x128xf32, #tpu.memory_space<vmem_shared>>
      tpu.enqueue_indirect_dma source(%arg14 : memref<80x128xf32, #tpu.memory_space<vmem>>) target(%dma_start3A_129 : memref<10112x128xf32, #tpu.memory_space<vmem_shared>>) offsets(%arg10 : memref<80xi32, #tpu.memory_space<vmem>>) semaphore(%arg23 : memref<!tpu.dma_semaphore, #tpu.memory_space<semaphore_mem>>) {add = true}
      %ge3A = arith.constant 2 : i32
      %ge3A_130 = arith.cmpi sge, %add3A_121, %ge3A : i32
      %convert_element_type3A = arith.extui %ge3A_130 : i1 to i32
      %cond3A = arith.constant 0 : i32
      %cond3A_131 = arith.cmpi ne, %convert_element_type3A, %cond3A : i32
      scf.if %cond3A_131 {
        %dma_wait3A_204 = arith.constant 0 : i32
        %dma_wait3A_205 = arith.constant 0 : i32
        %dma_wait3A_206 = tpu.memref_slice %arg18[%dma_wait3A_204, %dma_wait3A_205] : memref<10112x128xf32, #tpu.memory_space<vmem_shared>> -> memref<10112x128xf32, #tpu.memory_space<vmem_shared>>
        tpu.wait_indirect_dma semaphore(%arg25 : memref<!tpu.dma_semaphore, #tpu.memory_space<semaphore_mem>>) src(%arg16 : memref<80x128xf32, #tpu.memory_space<vmem>>) dst(%dma_wait3A_206 : memref<10112x128xf32, #tpu.memory_space<vmem_shared>>)
      } else {
      }
      %add3A_132 = arith.constant 2 : i32
      %add3A_133 = arith.addi %add3A_121, %add3A_132 : i32
      %lt3A = arith.constant 125 : i32
      %lt3A_134 = arith.cmpi slt, %add3A_133, %lt3A : i32
      %convert_element_type3A_135 = arith.extui %lt3A_134 : i1 to i32
      %cond3A_136 = arith.constant 0 : i32
      %cond3A_137 = arith.cmpi ne, %convert_element_type3A_135, %cond3A_136 : i32
      scf.if %cond3A_137 {
        %add3A_204 = arith.constant 2 : i32
        %add3A_205 = arith.addi %add3A_121, %add3A_204 : i32
        %mul3A_206 = arith.constant 160 : i32
        %mul3A_207 = arith.muli %add3A_205, %mul3A_206 : i32
        %add3A_208 = arith.addi %mul3A_4, %mul3A_207 : i32
        "tpu.region"() ({
          %run_scoped3A = tpu.sem_alloc : memref<!tpu.dma_semaphore, #tpu.memory_space<semaphore_mem>>
          %dma_start3A_249 = tpu.memref_slice %arg3[%add3A_208] : memref<640000xi32, #tpu.memory_space<hbm>> -> memref<160xi32, #tpu.memory_space<hbm>>
          %dma_start3A_250 = tpu.memref_slice %arg3[%add3A_208] : memref<640000xi32, #tpu.memory_space<hbm>> -> memref<160xi32, #tpu.memory_space<hbm>>
          tpu.enqueue_dma source(%dma_start3A_250 : memref<160xi32, #tpu.memory_space<hbm>>) target(%arg8 : memref<160xi32, #tpu.memory_space<vmem>>) target_semaphore(%run_scoped3A : memref<!tpu.dma_semaphore, #tpu.memory_space<semaphore_mem>>)
          %dma_wait3A_251 = tpu.memref_slice %arg3[%add3A_208] : memref<640000xi32, #tpu.memory_space<hbm>> -> memref<160xi32, #tpu.memory_space<hbm>>
          %dma_wait3A_252 = tpu.memref_slice %arg3[%add3A_208] : memref<640000xi32, #tpu.memory_space<hbm>> -> memref<160xi32, #tpu.memory_space<hbm>>
          tpu.wait_dma2 semaphore(%run_scoped3A : memref<!tpu.dma_semaphore, #tpu.memory_space<semaphore_mem>>) src(%dma_wait3A_252 : memref<160xi32, #tpu.memory_space<hbm>>) dst(%arg8 : memref<160xi32, #tpu.memory_space<vmem>>)
          tpu.yield
        }) : () -> ()
        %get3A_209 = arith.constant 80 : index
        %get3A_210 = tpu.vector_load %arg8[%get3A_209] {strides = array<i32>} : memref<160xi32, #tpu.memory_space<vmem>>, vector<16xi32>,
        %get3A_211 = vector.shape_cast %get3A_210 : vector<16xi32> to vector<16xi32>
        %swap3A_212 = arith.constant 0 : index
        %swap3A_213 = tpu.vector_load %arg12[%swap3A_212] {strides = array<i32>} : memref<80xi32, #tpu.memory_space<vmem>>, vector<16xi32>,
        %swap3A_214 = vector.shape_cast %swap3A_213 : vector<16xi32> to vector<16xi32>
        %swap3A_215 = vector.shape_cast %get3A_211 : vector<16xi32> to vector<16xi32>
        tpu.vector_store %arg12[%swap3A_212], %swap3A_215 {strides = array<i32>} : memref<80xi32, #tpu.memory_space<vmem>>, vector<16xi32>,
        %get3A_216 = arith.constant 96 : index
        %get3A_217 = tpu.vector_load %arg8[%get3A_216] {strides = array<i32>} : memref<160xi32, #tpu.memory_space<vmem>>, vector<16xi32>,
        %get3A_218 = vector.shape_cast %get3A_217 : vector<16xi32> to vector<16xi32>
        %swap3A_219 = arith.constant 16 : index
        %swap3A_220 = tpu.vector_load %arg12[%swap3A_219] {strides = array<i32>} : memref<80xi32, #tpu.memory_space<vmem>>, vector<16xi32>,
        %swap3A_221 = vector.shape_cast %swap3A_220 : vector<16xi32> to vector<16xi32>
        %swap3A_222 = vector.shape_cast %get3A_218 : vector<16xi32> to vector<16xi32>
        tpu.vector_store %arg12[%swap3A_219], %swap3A_222 {strides = array<i32>} : memref<80xi32, #tpu.memory_space<vmem>>, vector<16xi32>,
        %get3A_223 = arith.constant 112 : index
        %get3A_224 = tpu.vector_load %arg8[%get3A_223] {strides = array<i32>} : memref<160xi32, #tpu.memory_space<vmem>>, vector<16xi32>,
        %get3A_225 = vector.shape_cast %get3A_224 : vector<16xi32> to vector<16xi32>
        %swap3A_226 = arith.constant 32 : index
        %swap3A_227 = tpu.vector_load %arg12[%swap3A_226] {strides = array<i32>} : memref<80xi32, #tpu.memory_space<vmem>>, vector<16xi32>,
        %swap3A_228 = vector.shape_cast %swap3A_227 : vector<16xi32> to vector<16xi32>
        %swap3A_229 = vector.shape_cast %get3A_225 : vector<16xi32> to vector<16xi32>
        tpu.vector_store %arg12[%swap3A_226], %swap3A_229 {strides = array<i32>} : memref<80xi32, #tpu.memory_space<vmem>>, vector<16xi32>,
        %get3A_230 = arith.constant 128 : index
        %get3A_231 = tpu.vector_load %arg8[%get3A_230] {strides = array<i32>} : memref<160xi32, #tpu.memory_space<vmem>>, vector<16xi32>,
        %get3A_232 = vector.shape_cast %get3A_231 : vector<16xi32> to vector<16xi32>
        %swap3A_233 = arith.constant 48 : index
        %swap3A_234 = tpu.vector_load %arg12[%swap3A_233] {strides = array<i32>} : memref<80xi32, #tpu.memory_space<vmem>>, vector<16xi32>,
        %swap3A_235 = vector.shape_cast %swap3A_234 : vector<16xi32> to vector<16xi32>
        %swap3A_236 = vector.shape_cast %get3A_232 : vector<16xi32> to vector<16xi32>
        tpu.vector_store %arg12[%swap3A_233], %swap3A_236 {strides = array<i32>} : memref<80xi32, #tpu.memory_space<vmem>>, vector<16xi32>,
        %get3A_237 = arith.constant 144 : index
        %get3A_238 = tpu.vector_load %arg8[%get3A_237] {strides = array<i32>} : memref<160xi32, #tpu.memory_space<vmem>>, vector<16xi32>,
        %get3A_239 = vector.shape_cast %get3A_238 : vector<16xi32> to vector<16xi32>
        %swap3A_240 = arith.constant 64 : index
        %swap3A_241 = tpu.vector_load %arg12[%swap3A_240] {strides = array<i32>} : memref<80xi32, #tpu.memory_space<vmem>>, vector<16xi32>,
        %swap3A_242 = vector.shape_cast %swap3A_241 : vector<16xi32> to vector<16xi32>
        %swap3A_243 = vector.shape_cast %get3A_239 : vector<16xi32> to vector<16xi32>
        tpu.vector_store %arg12[%swap3A_240], %swap3A_243 {strides = array<i32>} : memref<80xi32, #tpu.memory_space<vmem>>, vector<16xi32>,
        %dma_start3A_244 = arith.constant 0 : i32
        %dma_start3A_245 = tpu.memref_slice %arg8[%dma_start3A_244] : memref<160xi32, #tpu.memory_space<vmem>> -> memref<80xi32, #tpu.memory_space<vmem>>
        %dma_start3A_246 = arith.constant 0 : i32
        %dma_start3A_247 = arith.constant 0 : i32
        %dma_start3A_248 = tpu.memref_slice %arg2[%dma_start3A_246, %dma_start3A_247] : memref<10000x128xf32, #tpu.memory_space<hbm>> -> memref<10000x128xf32, #tpu.memory_space<hbm>>
        tpu.enqueue_indirect_dma source(%dma_start3A_248 : memref<10000x128xf32, #tpu.memory_space<hbm>>) target(%arg16 : memref<80x128xf32, #tpu.memory_space<vmem>>) offsets(%dma_start3A_245 : memref<80xi32, #tpu.memory_space<vmem>>) semaphore(%arg21 : memref<!tpu.dma_semaphore, #tpu.memory_space<semaphore_mem>>)
      } else {
      }
      %add3A_138 = arith.constant 1 : i32
      %add3A_139 = arith.addi %mul3A_119, %add3A_138 : i32
      %dma_wait3A_140 = arith.constant 0 : i32
      %dma_wait3A_141 = tpu.memref_slice %arg7[%dma_wait3A_140] : memref<160xi32, #tpu.memory_space<vmem>> -> memref<80xi32, #tpu.memory_space<vmem>>
      %dma_wait3A_142 = arith.constant 0 : i32
      %dma_wait3A_143 = arith.constant 0 : i32
      %dma_wait3A_144 = tpu.memref_slice %arg2[%dma_wait3A_142, %dma_wait3A_143] : memref<10000x128xf32, #tpu.memory_space<hbm>> -> memref<10000x128xf32, #tpu.memory_space<hbm>>
      tpu.wait_indirect_dma semaphore(%arg20 : memref<!tpu.dma_semaphore, #tpu.memory_space<semaphore_mem>>) src(%dma_wait3A_144 : memref<10000x128xf32, #tpu.memory_space<hbm>>) dst(%arg15 : memref<80x128xf32, #tpu.memory_space<vmem>>)
      %dma_start3A_145 = arith.constant 0 : i32
      %dma_start3A_146 = arith.constant 0 : i32
      %dma_start3A_147 = tpu.memref_slice %arg18[%dma_start3A_145, %dma_start3A_146] : memref<10112x128xf32, #tpu.memory_space<vmem_shared>> -> memref<10112x128xf32, #tpu.memory_space<vmem_shared>>
      tpu.enqueue_indirect_dma source(%arg15 : memref<80x128xf32, #tpu.memory_space<vmem>>) target(%dma_start3A_147 : memref<10112x128xf32, #tpu.memory_space<vmem_shared>>) offsets(%arg11 : memref<80xi32, #tpu.memory_space<vmem>>) semaphore(%arg24 : memref<!tpu.dma_semaphore, #tpu.memory_space<semaphore_mem>>) {add = true}
      %ge3A_148 = arith.constant 2 : i32
      %ge3A_149 = arith.cmpi sge, %add3A_139, %ge3A_148 : i32
      %convert_element_type3A_150 = arith.extui %ge3A_149 : i1 to i32
      %cond3A_151 = arith.constant 0 : i32
      %cond3A_152 = arith.cmpi ne, %convert_element_type3A_150, %cond3A_151 : i32
      scf.if %cond3A_152 {
        %dma_wait3A_204 = arith.constant 0 : i32
        %dma_wait3A_205 = arith.constant 0 : i32
        %dma_wait3A_206 = tpu.memref_slice %arg18[%dma_wait3A_204, %dma_wait3A_205] : memref<10112x128xf32, #tpu.memory_space<vmem_shared>> -> memref<10112x128xf32, #tpu.memory_space<vmem_shared>>
        tpu.wait_indirect_dma semaphore(%arg26 : memref<!tpu.dma_semaphore, #tpu.memory_space<semaphore_mem>>) src(%arg17 : memref<80x128xf32, #tpu.memory_space<vmem>>) dst(%dma_wait3A_206 : memref<10112x128xf32, #tpu.memory_space<vmem_shared>>)
      } else {
      }
      %add3A_153 = arith.constant 2 : i32
      %add3A_154 = arith.addi %add3A_139, %add3A_153 : i32
      %lt3A_155 = arith.constant 125 : i32
      %lt3A_156 = arith.cmpi slt, %add3A_154, %lt3A_155 : i32
      %convert_element_type3A_157 = arith.extui %lt3A_156 : i1 to i32
      %cond3A_158 = arith.constant 0 : i32
      %cond3A_159 = arith.cmpi ne, %convert_element_type3A_157, %cond3A_158 : i32
      scf.if %cond3A_159 {
        %add3A_204 = arith.constant 2 : i32
        %add3A_205 = arith.addi %add3A_139, %add3A_204 : i32
        %mul3A_206 = arith.constant 160 : i32
        %mul3A_207 = arith.muli %add3A_205, %mul3A_206 : i32
        %add3A_208 = arith.addi %mul3A_4, %mul3A_207 : i32
        "tpu.region"() ({
          %run_scoped3A = tpu.sem_alloc : memref<!tpu.dma_semaphore, #tpu.memory_space<semaphore_mem>>
          %dma_start3A_249 = tpu.memref_slice %arg3[%add3A_208] : memref<640000xi32, #tpu.memory_space<hbm>> -> memref<160xi32, #tpu.memory_space<hbm>>
          %dma_start3A_250 = tpu.memref_slice %arg3[%add3A_208] : memref<640000xi32, #tpu.memory_space<hbm>> -> memref<160xi32, #tpu.memory_space<hbm>>
          tpu.enqueue_dma source(%dma_start3A_250 : memref<160xi32, #tpu.memory_space<hbm>>) target(%arg9 : memref<160xi32, #tpu.memory_space<vmem>>) target_semaphore(%run_scoped3A : memref<!tpu.dma_semaphore, #tpu.memory_space<semaphore_mem>>)
          %dma_wait3A_251 = tpu.memref_slice %arg3[%add3A_208] : memref<640000xi32, #tpu.memory_space<hbm>> -> memref<160xi32, #tpu.memory_space<hbm>>
          %dma_wait3A_252 = tpu.memref_slice %arg3[%add3A_208] : memref<640000xi32, #tpu.memory_space<hbm>> -> memref<160xi32, #tpu.memory_space<hbm>>
          tpu.wait_dma2 semaphore(%run_scoped3A : memref<!tpu.dma_semaphore, #tpu.memory_space<semaphore_mem>>) src(%dma_wait3A_252 : memref<160xi32, #tpu.memory_space<hbm>>) dst(%arg9 : memref<160xi32, #tpu.memory_space<vmem>>)
          tpu.yield
        }) : () -> ()
        %get3A_209 = arith.constant 80 : index
        %get3A_210 = tpu.vector_load %arg9[%get3A_209] {strides = array<i32>} : memref<160xi32, #tpu.memory_space<vmem>>, vector<16xi32>,
        %get3A_211 = vector.shape_cast %get3A_210 : vector<16xi32> to vector<16xi32>
        %swap3A_212 = arith.constant 0 : index
        %swap3A_213 = tpu.vector_load %arg13[%swap3A_212] {strides = array<i32>} : memref<80xi32, #tpu.memory_space<vmem>>, vector<16xi32>,
        %swap3A_214 = vector.shape_cast %swap3A_213 : vector<16xi32> to vector<16xi32>
        %swap3A_215 = vector.shape_cast %get3A_211 : vector<16xi32> to vector<16xi32>
        tpu.vector_store %arg13[%swap3A_212], %swap3A_215 {strides = array<i32>} : memref<80xi32, #tpu.memory_space<vmem>>, vector<16xi32>,
        %get3A_216 = arith.constant 96 : index
        %get3A_217 = tpu.vector_load %arg9[%get3A_216] {strides = array<i32>} : memref<160xi32, #tpu.memory_space<vmem>>, vector<16xi32>,
        %get3A_218 = vector.shape_cast %get3A_217 : vector<16xi32> to vector<16xi32>
        %swap3A_219 = arith.constant 16 : index
        %swap3A_220 = tpu.vector_load %arg13[%swap3A_219] {strides = array<i32>} : memref<80xi32, #tpu.memory_space<vmem>>, vector<16xi32>,
        %swap3A_221 = vector.shape_cast %swap3A_220 : vector<16xi32> to vector<16xi32>
        %swap3A_222 = vector.shape_cast %get3A_218 : vector<16xi32> to vector<16xi32>
        tpu.vector_store %arg13[%swap3A_219], %swap3A_222 {strides = array<i32>} : memref<80xi32, #tpu.memory_space<vmem>>, vector<16xi32>,
        %get3A_223 = arith.constant 112 : index
        %get3A_224 = tpu.vector_load %arg9[%get3A_223] {strides = array<i32>} : memref<160xi32, #tpu.memory_space<vmem>>, vector<16xi32>,
        %get3A_225 = vector.shape_cast %get3A_224 : vector<16xi32> to vector<16xi32>
        %swap3A_226 = arith.constant 32 : index
        %swap3A_227 = tpu.vector_load %arg13[%swap3A_226] {strides = array<i32>} : memref<80xi32, #tpu.memory_space<vmem>>, vector<16xi32>,
        %swap3A_228 = vector.shape_cast %swap3A_227 : vector<16xi32> to vector<16xi32>
        %swap3A_229 = vector.shape_cast %get3A_225 : vector<16xi32> to vector<16xi32>
        tpu.vector_store %arg13[%swap3A_226], %swap3A_229 {strides = array<i32>} : memref<80xi32, #tpu.memory_space<vmem>>, vector<16xi32>,
        %get3A_230 = arith.constant 128 : index
        %get3A_231 = tpu.vector_load %arg9[%get3A_230] {strides = array<i32>} : memref<160xi32, #tpu.memory_space<vmem>>, vector<16xi32>,
        %get3A_232 = vector.shape_cast %get3A_231 : vector<16xi32> to vector<16xi32>
        %swap3A_233 = arith.constant 48 : index
        %swap3A_234 = tpu.vector_load %arg13[%swap3A_233] {strides = array<i32>} : memref<80xi32, #tpu.memory_space<vmem>>, vector<16xi32>,
        %swap3A_235 = vector.shape_cast %swap3A_234 : vector<16xi32> to vector<16xi32>
        %swap3A_236 = vector.shape_cast %get3A_232 : vector<16xi32> to vector<16xi32>
        tpu.vector_store %arg13[%swap3A_233], %swap3A_236 {strides = array<i32>} : memref<80xi32, #tpu.memory_space<vmem>>, vector<16xi32>,
        %get3A_237 = arith.constant 144 : index
        %get3A_238 = tpu.vector_load %arg9[%get3A_237] {strides = array<i32>} : memref<160xi32, #tpu.memory_space<vmem>>, vector<16xi32>,
        %get3A_239 = vector.shape_cast %get3A_238 : vector<16xi32> to vector<16xi32>
        %swap3A_240 = arith.constant 64 : index
        %swap3A_241 = tpu.vector_load %arg13[%swap3A_240] {strides = array<i32>} : memref<80xi32, #tpu.memory_space<vmem>>, vector<16xi32>,
        %swap3A_242 = vector.shape_cast %swap3A_241 : vector<16xi32> to vector<16xi32>
        %swap3A_243 = vector.shape_cast %get3A_239 : vector<16xi32> to vector<16xi32>
        tpu.vector_store %arg13[%swap3A_240], %swap3A_243 {strides = array<i32>} : memref<80xi32, #tpu.memory_space<vmem>>, vector<16xi32>,
        %dma_start3A_244 = arith.constant 0 : i32
        %dma_start3A_245 = tpu.memref_slice %arg9[%dma_start3A_244] : memref<160xi32, #tpu.memory_space<vmem>> -> memref<80xi32, #tpu.memory_space<vmem>>
        %dma_start3A_246 = arith.constant 0 : i32
        %dma_start3A_247 = arith.constant 0 : i32
        %dma_start3A_248 = tpu.memref_slice %arg2[%dma_start3A_246, %dma_start3A_247] : memref<10000x128xf32, #tpu.memory_space<hbm>> -> memref<10000x128xf32, #tpu.memory_space<hbm>>
        tpu.enqueue_indirect_dma source(%dma_start3A_248 : memref<10000x128xf32, #tpu.memory_space<hbm>>) target(%arg17 : memref<80x128xf32, #tpu.memory_space<vmem>>) offsets(%dma_start3A_245 : memref<80xi32, #tpu.memory_space<vmem>>) semaphore(%arg22 : memref<!tpu.dma_semaphore, #tpu.memory_space<semaphore_mem>>)
      } else {
      }
      %add3A_160 = arith.constant 2 : i32
      %add3A_161 = arith.addi %mul3A_119, %add3A_160 : i32
      %dma_wait3A_162 = arith.constant 0 : i32
      %dma_wait3A_163 = tpu.memref_slice %arg8[%dma_wait3A_162] : memref<160xi32, #tpu.memory_space<vmem>> -> memref<80xi32, #tpu.memory_space<vmem>>
      %dma_wait3A_164 = arith.constant 0 : i32
      %dma_wait3A_165 = arith.constant 0 : i32
      %dma_wait3A_166 = tpu.memref_slice %arg2[%dma_wait3A_164, %dma_wait3A_165] : memref<10000x128xf32, #tpu.memory_space<hbm>> -> memref<10000x128xf32, #tpu.memory_space<hbm>>
      tpu.wait_indirect_dma semaphore(%arg21 : memref<!tpu.dma_semaphore, #tpu.memory_space<semaphore_mem>>) src(%dma_wait3A_166 : memref<10000x128xf32, #tpu.memory_space<hbm>>) dst(%arg16 : memref<80x128xf32, #tpu.memory_space<vmem>>)
      %dma_start3A_167 = arith.constant 0 : i32
      %dma_start3A_168 = arith.constant 0 : i32
      %dma_start3A_169 = tpu.memref_slice %arg18[%dma_start3A_167, %dma_start3A_168] : memref<10112x128xf32, #tpu.memory_space<vmem_shared>> -> memref<10112x128xf32, #tpu.memory_space<vmem_shared>>
      tpu.enqueue_indirect_dma source(%arg16 : memref<80x128xf32, #tpu.memory_space<vmem>>) target(%dma_start3A_169 : memref<10112x128xf32, #tpu.memory_space<vmem_shared>>) offsets(%arg12 : memref<80xi32, #tpu.memory_space<vmem>>) semaphore(%arg25 : memref<!tpu.dma_semaphore, #tpu.memory_space<semaphore_mem>>) {add = true}
      %ge3A_170 = arith.constant 2 : i32
      %ge3A_171 = arith.cmpi sge, %add3A_161, %ge3A_170 : i32
      %convert_element_type3A_172 = arith.extui %ge3A_171 : i1 to i32
      %cond3A_173 = arith.constant 0 : i32
      %cond3A_174 = arith.cmpi ne, %convert_element_type3A_172, %cond3A_173 : i32
      scf.if %cond3A_174 {
        %dma_wait3A_204 = arith.constant 0 : i32
        %dma_wait3A_205 = arith.constant 0 : i32
        %dma_wait3A_206 = tpu.memref_slice %arg18[%dma_wait3A_204, %dma_wait3A_205] : memref<10112x128xf32, #tpu.memory_space<vmem_shared>> -> memref<10112x128xf32, #tpu.memory_space<vmem_shared>>
        tpu.wait_indirect_dma semaphore(%arg23 : memref<!tpu.dma_semaphore, #tpu.memory_space<semaphore_mem>>) src(%arg14 : memref<80x128xf32, #tpu.memory_space<vmem>>) dst(%dma_wait3A_206 : memref<10112x128xf32, #tpu.memory_space<vmem_shared>>)
      } else {
      }
      %add3A_175 = arith.constant 2 : i32
      %add3A_176 = arith.addi %add3A_161, %add3A_175 : i32
      %lt3A_177 = arith.constant 125 : i32
      %lt3A_178 = arith.cmpi slt, %add3A_176, %lt3A_177 : i32
      %convert_element_type3A_179 = arith.extui %lt3A_178 : i1 to i32
      %cond3A_180 = arith.constant 0 : i32
      %cond3A_181 = arith.cmpi ne, %convert_element_type3A_179, %cond3A_180 : i32
      scf.if %cond3A_181 {
        %add3A_204 = arith.constant 2 : i32
        %add3A_205 = arith.addi %add3A_161, %add3A_204 : i32
        %mul3A_206 = arith.constant 160 : i32
        %mul3A_207 = arith.muli %add3A_205, %mul3A_206 : i32
        %add3A_208 = arith.addi %mul3A_4, %mul3A_207 : i32
        "tpu.region"() ({
          %run_scoped3A = tpu.sem_alloc : memref<!tpu.dma_semaphore, #tpu.memory_space<semaphore_mem>>
          %dma_start3A_249 = tpu.memref_slice %arg3[%add3A_208] : memref<640000xi32, #tpu.memory_space<hbm>> -> memref<160xi32, #tpu.memory_space<hbm>>
          %dma_start3A_250 = tpu.memref_slice %arg3[%add3A_208] : memref<640000xi32, #tpu.memory_space<hbm>> -> memref<160xi32, #tpu.memory_space<hbm>>
          tpu.enqueue_dma source(%dma_start3A_250 : memref<160xi32, #tpu.memory_space<hbm>>) target(%arg6 : memref<160xi32, #tpu.memory_space<vmem>>) target_semaphore(%run_scoped3A : memref<!tpu.dma_semaphore, #tpu.memory_space<semaphore_mem>>)
          %dma_wait3A_251 = tpu.memref_slice %arg3[%add3A_208] : memref<640000xi32, #tpu.memory_space<hbm>> -> memref<160xi32, #tpu.memory_space<hbm>>
          %dma_wait3A_252 = tpu.memref_slice %arg3[%add3A_208] : memref<640000xi32, #tpu.memory_space<hbm>> -> memref<160xi32, #tpu.memory_space<hbm>>
          tpu.wait_dma2 semaphore(%run_scoped3A : memref<!tpu.dma_semaphore, #tpu.memory_space<semaphore_mem>>) src(%dma_wait3A_252 : memref<160xi32, #tpu.memory_space<hbm>>) dst(%arg6 : memref<160xi32, #tpu.memory_space<vmem>>)
          tpu.yield
        }) : () -> ()
        %get3A_209 = arith.constant 80 : index
        %get3A_210 = tpu.vector_load %arg6[%get3A_209] {strides = array<i32>} : memref<160xi32, #tpu.memory_space<vmem>>, vector<16xi32>,
        %get3A_211 = vector.shape_cast %get3A_210 : vector<16xi32> to vector<16xi32>
        %swap3A_212 = arith.constant 0 : index
        %swap3A_213 = tpu.vector_load %arg10[%swap3A_212] {strides = array<i32>} : memref<80xi32, #tpu.memory_space<vmem>>, vector<16xi32>,
        %swap3A_214 = vector.shape_cast %swap3A_213 : vector<16xi32> to vector<16xi32>
        %swap3A_215 = vector.shape_cast %get3A_211 : vector<16xi32> to vector<16xi32>
        tpu.vector_store %arg10[%swap3A_212], %swap3A_215 {strides = array<i32>} : memref<80xi32, #tpu.memory_space<vmem>>, vector<16xi32>,
        %get3A_216 = arith.constant 96 : index
        %get3A_217 = tpu.vector_load %arg6[%get3A_216] {strides = array<i32>} : memref<160xi32, #tpu.memory_space<vmem>>, vector<16xi32>,
        %get3A_218 = vector.shape_cast %get3A_217 : vector<16xi32> to vector<16xi32>
        %swap3A_219 = arith.constant 16 : index
        %swap3A_220 = tpu.vector_load %arg10[%swap3A_219] {strides = array<i32>} : memref<80xi32, #tpu.memory_space<vmem>>, vector<16xi32>,
        %swap3A_221 = vector.shape_cast %swap3A_220 : vector<16xi32> to vector<16xi32>
        %swap3A_222 = vector.shape_cast %get3A_218 : vector<16xi32> to vector<16xi32>
        tpu.vector_store %arg10[%swap3A_219], %swap3A_222 {strides = array<i32>} : memref<80xi32, #tpu.memory_space<vmem>>, vector<16xi32>,
        %get3A_223 = arith.constant 112 : index
        %get3A_224 = tpu.vector_load %arg6[%get3A_223] {strides = array<i32>} : memref<160xi32, #tpu.memory_space<vmem>>, vector<16xi32>,
        %get3A_225 = vector.shape_cast %get3A_224 : vector<16xi32> to vector<16xi32>
        %swap3A_226 = arith.constant 32 : index
        %swap3A_227 = tpu.vector_load %arg10[%swap3A_226] {strides = array<i32>} : memref<80xi32, #tpu.memory_space<vmem>>, vector<16xi32>,
        %swap3A_228 = vector.shape_cast %swap3A_227 : vector<16xi32> to vector<16xi32>
        %swap3A_229 = vector.shape_cast %get3A_225 : vector<16xi32> to vector<16xi32>
        tpu.vector_store %arg10[%swap3A_226], %swap3A_229 {strides = array<i32>} : memref<80xi32, #tpu.memory_space<vmem>>, vector<16xi32>,
        %get3A_230 = arith.constant 128 : index
        %get3A_231 = tpu.vector_load %arg6[%get3A_230] {strides = array<i32>} : memref<160xi32, #tpu.memory_space<vmem>>, vector<16xi32>,
        %get3A_232 = vector.shape_cast %get3A_231 : vector<16xi32> to vector<16xi32>
        %swap3A_233 = arith.constant 48 : index
        %swap3A_234 = tpu.vector_load %arg10[%swap3A_233] {strides = array<i32>} : memref<80xi32, #tpu.memory_space<vmem>>, vector<16xi32>,
        %swap3A_235 = vector.shape_cast %swap3A_234 : vector<16xi32> to vector<16xi32>
        %swap3A_236 = vector.shape_cast %get3A_232 : vector<16xi32> to vector<16xi32>
        tpu.vector_store %arg10[%swap3A_233], %swap3A_236 {strides = array<i32>} : memref<80xi32, #tpu.memory_space<vmem>>, vector<16xi32>,
        %get3A_237 = arith.constant 144 : index
        %get3A_238 = tpu.vector_load %arg6[%get3A_237] {strides = array<i32>} : memref<160xi32, #tpu.memory_space<vmem>>, vector<16xi32>,
        %get3A_239 = vector.shape_cast %get3A_238 : vector<16xi32> to vector<16xi32>
        %swap3A_240 = arith.constant 64 : index
        %swap3A_241 = tpu.vector_load %arg10[%swap3A_240] {strides = array<i32>} : memref<80xi32, #tpu.memory_space<vmem>>, vector<16xi32>,
        %swap3A_242 = vector.shape_cast %swap3A_241 : vector<16xi32> to vector<16xi32>
        %swap3A_243 = vector.shape_cast %get3A_239 : vector<16xi32> to vector<16xi32>
        tpu.vector_store %arg10[%swap3A_240], %swap3A_243 {strides = array<i32>} : memref<80xi32, #tpu.memory_space<vmem>>, vector<16xi32>,
        %dma_start3A_244 = arith.constant 0 : i32
        %dma_start3A_245 = tpu.memref_slice %arg6[%dma_start3A_244] : memref<160xi32, #tpu.memory_space<vmem>> -> memref<80xi32, #tpu.memory_space<vmem>>
        %dma_start3A_246 = arith.constant 0 : i32
        %dma_start3A_247 = arith.constant 0 : i32
        %dma_start3A_248 = tpu.memref_slice %arg2[%dma_start3A_246, %dma_start3A_247] : memref<10000x128xf32, #tpu.memory_space<hbm>> -> memref<10000x128xf32, #tpu.memory_space<hbm>>
        tpu.enqueue_indirect_dma source(%dma_start3A_248 : memref<10000x128xf32, #tpu.memory_space<hbm>>) target(%arg14 : memref<80x128xf32, #tpu.memory_space<vmem>>) offsets(%dma_start3A_245 : memref<80xi32, #tpu.memory_space<vmem>>) semaphore(%arg19 : memref<!tpu.dma_semaphore, #tpu.memory_space<semaphore_mem>>)
      } else {
      }
      %add3A_182 = arith.constant 3 : i32
      %add3A_183 = arith.addi %mul3A_119, %add3A_182 : i32
      %dma_wait3A_184 = arith.constant 0 : i32
      %dma_wait3A_185 = tpu.memref_slice %arg9[%dma_wait3A_184] : memref<160xi32, #tpu.memory_space<vmem>> -> memref<80xi32, #tpu.memory_space<vmem>>
      %dma_wait3A_186 = arith.constant 0 : i32
      %dma_wait3A_187 = arith.constant 0 : i32
      %dma_wait3A_188 = tpu.memref_slice %arg2[%dma_wait3A_186, %dma_wait3A_187] : memref<10000x128xf32, #tpu.memory_space<hbm>> -> memref<10000x128xf32, #tpu.memory_space<hbm>>
      tpu.wait_indirect_dma semaphore(%arg22 : memref<!tpu.dma_semaphore, #tpu.memory_space<semaphore_mem>>) src(%dma_wait3A_188 : memref<10000x128xf32, #tpu.memory_space<hbm>>) dst(%arg17 : memref<80x128xf32, #tpu.memory_space<vmem>>)
      %dma_start3A_189 = arith.constant 0 : i32
      %dma_start3A_190 = arith.constant 0 : i32
      %dma_start3A_191 = tpu.memref_slice %arg18[%dma_start3A_189, %dma_start3A_190] : memref<10112x128xf32, #tpu.memory_space<vmem_shared>> -> memref<10112x128xf32, #tpu.memory_space<vmem_shared>>
      tpu.enqueue_indirect_dma source(%arg17 : memref<80x128xf32, #tpu.memory_space<vmem>>) target(%dma_start3A_191 : memref<10112x128xf32, #tpu.memory_space<vmem_shared>>) offsets(%arg13 : memref<80xi32, #tpu.memory_space<vmem>>) semaphore(%arg26 : memref<!tpu.dma_semaphore, #tpu.memory_space<semaphore_mem>>) {add = true}
      %ge3A_192 = arith.constant 2 : i32
      %ge3A_193 = arith.cmpi sge, %add3A_183, %ge3A_192 : i32
      %convert_element_type3A_194 = arith.extui %ge3A_193 : i1 to i32
      %cond3A_195 = arith.constant 0 : i32
      %cond3A_196 = arith.cmpi ne, %convert_element_type3A_194, %cond3A_195 : i32
      scf.if %cond3A_196 {
        %dma_wait3A_204 = arith.constant 0 : i32
        %dma_wait3A_205 = arith.constant 0 : i32
        %dma_wait3A_206 = tpu.memref_slice %arg18[%dma_wait3A_204, %dma_wait3A_205] : memref<10112x128xf32, #tpu.memory_space<vmem_shared>> -> memref<10112x128xf32, #tpu.memory_space<vmem_shared>>
        tpu.wait_indirect_dma semaphore(%arg24 : memref<!tpu.dma_semaphore, #tpu.memory_space<semaphore_mem>>) src(%arg15 : memref<80x128xf32, #tpu.memory_space<vmem>>) dst(%dma_wait3A_206 : memref<10112x128xf32, #tpu.memory_space<vmem_shared>>)
      } else {
      }
      %add3A_197 = arith.constant 2 : i32
      %add3A_198 = arith.addi %add3A_183, %add3A_197 : i32
      %lt3A_199 = arith.constant 125 : i32
      %lt3A_200 = arith.cmpi slt, %add3A_198, %lt3A_199 : i32
      %convert_element_type3A_201 = arith.extui %lt3A_200 : i1 to i32
      %cond3A_202 = arith.constant 0 : i32
      %cond3A_203 = arith.cmpi ne, %convert_element_type3A_201, %cond3A_202 : i32
      scf.if %cond3A_203 {
        %add3A_204 = arith.constant 2 : i32
        %add3A_205 = arith.addi %add3A_183, %add3A_204 : i32
        %mul3A_206 = arith.constant 160 : i32
        %mul3A_207 = arith.muli %add3A_205, %mul3A_206 : i32
        %add3A_208 = arith.addi %mul3A_4, %mul3A_207 : i32
        "tpu.region"() ({
          %run_scoped3A = tpu.sem_alloc : memref<!tpu.dma_semaphore, #tpu.memory_space<semaphore_mem>>
          %dma_start3A_249 = tpu.memref_slice %arg3[%add3A_208] : memref<640000xi32, #tpu.memory_space<hbm>> -> memref<160xi32, #tpu.memory_space<hbm>>
          %dma_start3A_250 = tpu.memref_slice %arg3[%add3A_208] : memref<640000xi32, #tpu.memory_space<hbm>> -> memref<160xi32, #tpu.memory_space<hbm>>
          tpu.enqueue_dma source(%dma_start3A_250 : memref<160xi32, #tpu.memory_space<hbm>>) target(%arg7 : memref<160xi32, #tpu.memory_space<vmem>>) target_semaphore(%run_scoped3A : memref<!tpu.dma_semaphore, #tpu.memory_space<semaphore_mem>>)
          %dma_wait3A_251 = tpu.memref_slice %arg3[%add3A_208] : memref<640000xi32, #tpu.memory_space<hbm>> -> memref<160xi32, #tpu.memory_space<hbm>>
          %dma_wait3A_252 = tpu.memref_slice %arg3[%add3A_208] : memref<640000xi32, #tpu.memory_space<hbm>> -> memref<160xi32, #tpu.memory_space<hbm>>
          tpu.wait_dma2 semaphore(%run_scoped3A : memref<!tpu.dma_semaphore, #tpu.memory_space<semaphore_mem>>) src(%dma_wait3A_252 : memref<160xi32, #tpu.memory_space<hbm>>) dst(%arg7 : memref<160xi32, #tpu.memory_space<vmem>>)
          tpu.yield
        }) : () -> ()
        %get3A_209 = arith.constant 80 : index
        %get3A_210 = tpu.vector_load %arg7[%get3A_209] {strides = array<i32>} : memref<160xi32, #tpu.memory_space<vmem>>, vector<16xi32>,
        %get3A_211 = vector.shape_cast %get3A_210 : vector<16xi32> to vector<16xi32>
        %swap3A_212 = arith.constant 0 : index
        %swap3A_213 = tpu.vector_load %arg11[%swap3A_212] {strides = array<i32>} : memref<80xi32, #tpu.memory_space<vmem>>, vector<16xi32>,
        %swap3A_214 = vector.shape_cast %swap3A_213 : vector<16xi32> to vector<16xi32>
        %swap3A_215 = vector.shape_cast %get3A_211 : vector<16xi32> to vector<16xi32>
        tpu.vector_store %arg11[%swap3A_212], %swap3A_215 {strides = array<i32>} : memref<80xi32, #tpu.memory_space<vmem>>, vector<16xi32>,
        %get3A_216 = arith.constant 96 : index
        %get3A_217 = tpu.vector_load %arg7[%get3A_216] {strides = array<i32>} : memref<160xi32, #tpu.memory_space<vmem>>, vector<16xi32>,
        %get3A_218 = vector.shape_cast %get3A_217 : vector<16xi32> to vector<16xi32>
        %swap3A_219 = arith.constant 16 : index
        %swap3A_220 = tpu.vector_load %arg11[%swap3A_219] {strides = array<i32>} : memref<80xi32, #tpu.memory_space<vmem>>, vector<16xi32>,
        %swap3A_221 = vector.shape_cast %swap3A_220 : vector<16xi32> to vector<16xi32>
        %swap3A_222 = vector.shape_cast %get3A_218 : vector<16xi32> to vector<16xi32>
        tpu.vector_store %arg11[%swap3A_219], %swap3A_222 {strides = array<i32>} : memref<80xi32, #tpu.memory_space<vmem>>, vector<16xi32>,
        %get3A_223 = arith.constant 112 : index
        %get3A_224 = tpu.vector_load %arg7[%get3A_223] {strides = array<i32>} : memref<160xi32, #tpu.memory_space<vmem>>, vector<16xi32>,
        %get3A_225 = vector.shape_cast %get3A_224 : vector<16xi32> to vector<16xi32>
        %swap3A_226 = arith.constant 32 : index
        %swap3A_227 = tpu.vector_load %arg11[%swap3A_226] {strides = array<i32>} : memref<80xi32, #tpu.memory_space<vmem>>, vector<16xi32>,
        %swap3A_228 = vector.shape_cast %swap3A_227 : vector<16xi32> to vector<16xi32>
        %swap3A_229 = vector.shape_cast %get3A_225 : vector<16xi32> to vector<16xi32>
        tpu.vector_store %arg11[%swap3A_226], %swap3A_229 {strides = array<i32>} : memref<80xi32, #tpu.memory_space<vmem>>, vector<16xi32>,
        %get3A_230 = arith.constant 128 : index
        %get3A_231 = tpu.vector_load %arg7[%get3A_230] {strides = array<i32>} : memref<160xi32, #tpu.memory_space<vmem>>, vector<16xi32>,
        %get3A_232 = vector.shape_cast %get3A_231 : vector<16xi32> to vector<16xi32>
        %swap3A_233 = arith.constant 48 : index
        %swap3A_234 = tpu.vector_load %arg11[%swap3A_233] {strides = array<i32>} : memref<80xi32, #tpu.memory_space<vmem>>, vector<16xi32>,
        %swap3A_235 = vector.shape_cast %swap3A_234 : vector<16xi32> to vector<16xi32>
        %swap3A_236 = vector.shape_cast %get3A_232 : vector<16xi32> to vector<16xi32>
        tpu.vector_store %arg11[%swap3A_233], %swap3A_236 {strides = array<i32>} : memref<80xi32, #tpu.memory_space<vmem>>, vector<16xi32>,
        %get3A_237 = arith.constant 144 : index
        %get3A_238 = tpu.vector_load %arg7[%get3A_237] {strides = array<i32>} : memref<160xi32, #tpu.memory_space<vmem>>, vector<16xi32>,
        %get3A_239 = vector.shape_cast %get3A_238 : vector<16xi32> to vector<16xi32>
        %swap3A_240 = arith.constant 64 : index
        %swap3A_241 = tpu.vector_load %arg11[%swap3A_240] {strides = array<i32>} : memref<80xi32, #tpu.memory_space<vmem>>, vector<16xi32>,
        %swap3A_242 = vector.shape_cast %swap3A_241 : vector<16xi32> to vector<16xi32>
        %swap3A_243 = vector.shape_cast %get3A_239 : vector<16xi32> to vector<16xi32>
        tpu.vector_store %arg11[%swap3A_240], %swap3A_243 {strides = array<i32>} : memref<80xi32, #tpu.memory_space<vmem>>, vector<16xi32>,
        %dma_start3A_244 = arith.constant 0 : i32
        %dma_start3A_245 = tpu.memref_slice %arg7[%dma_start3A_244] : memref<160xi32, #tpu.memory_space<vmem>> -> memref<80xi32, #tpu.memory_space<vmem>>
        %dma_start3A_246 = arith.constant 0 : i32
        %dma_start3A_247 = arith.constant 0 : i32
        %dma_start3A_248 = tpu.memref_slice %arg2[%dma_start3A_246, %dma_start3A_247] : memref<10000x128xf32, #tpu.memory_space<hbm>> -> memref<10000x128xf32, #tpu.memory_space<hbm>>
        tpu.enqueue_indirect_dma source(%dma_start3A_248 : memref<10000x128xf32, #tpu.memory_space<hbm>>) target(%arg15 : memref<80x128xf32, #tpu.memory_space<vmem>>) offsets(%dma_start3A_245 : memref<80xi32, #tpu.memory_space<vmem>>) semaphore(%arg20 : memref<!tpu.dma_semaphore, #tpu.memory_space<semaphore_mem>>)
      } else {
      }
    }
    %while3A_99 = arith.constant 1 : i32
    scf.for %while3A_117 = %while3A_97 to %while3A_93 step %while3A_99  : i32 {
      %mul3A_118 = arith.constant 4 : i32
      %mul3A_119 = arith.muli %mul3A_118, %while3A_117 : i32
      %add3A_120 = arith.constant 0 : i32
      %add3A_121 = arith.addi %mul3A_119, %add3A_120 : i32
      %dma_wait3A_122 = arith.constant 0 : i32
      %dma_wait3A_123 = tpu.memref_slice %arg6[%dma_wait3A_122] : memref<160xi32, #tpu.memory_space<vmem>> -> memref<80xi32, #tpu.memory_space<vmem>>
      %dma_wait3A_124 = arith.constant 0 : i32
      %dma_wait3A_125 = arith.constant 0 : i32
      %dma_wait3A_126 = tpu.memref_slice %arg2[%dma_wait3A_124, %dma_wait3A_125] : memref<10000x128xf32, #tpu.memory_space<hbm>> -> memref<10000x128xf32, #tpu.memory_space<hbm>>
      tpu.wait_indirect_dma semaphore(%arg19 : memref<!tpu.dma_semaphore, #tpu.memory_space<semaphore_mem>>) src(%dma_wait3A_126 : memref<10000x128xf32, #tpu.memory_space<hbm>>) dst(%arg14 : memref<80x128xf32, #tpu.memory_space<vmem>>)
      %dma_start3A_127 = arith.constant 0 : i32
      %dma_start3A_128 = arith.constant 0 : i32
      %dma_start3A_129 = tpu.memref_slice %arg18[%dma_start3A_127, %dma_start3A_128] : memref<10112x128xf32, #tpu.memory_space<vmem_shared>> -> memref<10112x128xf32, #tpu.memory_space<vmem_shared>>
      tpu.enqueue_indirect_dma source(%arg14 : memref<80x128xf32, #tpu.memory_space<vmem>>) target(%dma_start3A_129 : memref<10112x128xf32, #tpu.memory_space<vmem_shared>>) offsets(%arg10 : memref<80xi32, #tpu.memory_space<vmem>>) semaphore(%arg23 : memref<!tpu.dma_semaphore, #tpu.memory_space<semaphore_mem>>) {add = true}
      %ge3A = arith.constant 2 : i32
      %ge3A_130 = arith.cmpi sge, %add3A_121, %ge3A : i32
      %convert_element_type3A = arith.extui %ge3A_130 : i1 to i32
      %cond3A = arith.constant 0 : i32
      %cond3A_131 = arith.cmpi ne, %convert_element_type3A, %cond3A : i32
      scf.if %cond3A_131 {
        %dma_wait3A_204 = arith.constant 0 : i32
        %dma_wait3A_205 = arith.constant 0 : i32
        %dma_wait3A_206 = tpu.memref_slice %arg18[%dma_wait3A_204, %dma_wait3A_205] : memref<10112x128xf32, #tpu.memory_space<vmem_shared>> -> memref<10112x128xf32, #tpu.memory_space<vmem_shared>>
        tpu.wait_indirect_dma semaphore(%arg25 : memref<!tpu.dma_semaphore, #tpu.memory_space<semaphore_mem>>) src(%arg16 : memref<80x128xf32, #tpu.memory_space<vmem>>) dst(%dma_wait3A_206 : memref<10112x128xf32, #tpu.memory_space<vmem_shared>>)
      } else {
      }
      %add3A_132 = arith.constant 2 : i32
      %add3A_133 = arith.addi %add3A_121, %add3A_132 : i32
      %lt3A = arith.constant 125 : i32
      %lt3A_134 = arith.cmpi slt, %add3A_133, %lt3A : i32
      %convert_element_type3A_135 = arith.extui %lt3A_134 : i1 to i32
      %cond3A_136 = arith.constant 0 : i32
      %cond3A_137 = arith.cmpi ne, %convert_element_type3A_135, %cond3A_136 : i32
      scf.if %cond3A_137 {
        %add3A_204 = arith.constant 2 : i32
        %add3A_205 = arith.addi %add3A_121, %add3A_204 : i32
        %mul3A_206 = arith.constant 160 : i32
        %mul3A_207 = arith.muli %add3A_205, %mul3A_206 : i32
        %add3A_208 = arith.addi %mul3A_4, %mul3A_207 : i32
        "tpu.region"() ({
          %run_scoped3A = tpu.sem_alloc : memref<!tpu.dma_semaphore, #tpu.memory_space<semaphore_mem>>
          %dma_start3A_249 = tpu.memref_slice %arg3[%add3A_208] : memref<640000xi32, #tpu.memory_space<hbm>> -> memref<160xi32, #tpu.memory_space<hbm>>
          %dma_start3A_250 = tpu.memref_slice %arg3[%add3A_208] : memref<640000xi32, #tpu.memory_space<hbm>> -> memref<160xi32, #tpu.memory_space<hbm>>
          tpu.enqueue_dma source(%dma_start3A_250 : memref<160xi32, #tpu.memory_space<hbm>>) target(%arg8 : memref<160xi32, #tpu.memory_space<vmem>>) target_semaphore(%run_scoped3A : memref<!tpu.dma_semaphore, #tpu.memory_space<semaphore_mem>>)
          %dma_wait3A_251 = tpu.memref_slice %arg3[%add3A_208] : memref<640000xi32, #tpu.memory_space<hbm>> -> memref<160xi32, #tpu.memory_space<hbm>>
          %dma_wait3A_252 = tpu.memref_slice %arg3[%add3A_208] : memref<640000xi32, #tpu.memory_space<hbm>> -> memref<160xi32, #tpu.memory_space<hbm>>
          tpu.wait_dma2 semaphore(%run_scoped3A : memref<!tpu.dma_semaphore, #tpu.memory_space<semaphore_mem>>) src(%dma_wait3A_252 : memref<160xi32, #tpu.memory_space<hbm>>) dst(%arg8 : memref<160xi32, #tpu.memory_space<vmem>>)
          tpu.yield
        }) : () -> ()
        %get3A_209 = arith.constant 80 : index
        %get3A_210 = tpu.vector_load %arg8[%get3A_209] {strides = array<i32>} : memref<160xi32, #tpu.memory_space<vmem>>, vector<16xi32>,
        %get3A_211 = vector.shape_cast %get3A_210 : vector<16xi32> to vector<16xi32>
        %swap3A_212 = arith.constant 0 : index
        %swap3A_213 = tpu.vector_load %arg12[%swap3A_212] {strides = array<i32>} : memref<80xi32, #tpu.memory_space<vmem>>, vector<16xi32>,
        %swap3A_214 = vector.shape_cast %swap3A_213 : vector<16xi32> to vector<16xi32>
        %swap3A_215 = vector.shape_cast %get3A_211 : vector<16xi32> to vector<16xi32>
        tpu.vector_store %arg12[%swap3A_212], %swap3A_215 {strides = array<i32>} : memref<80xi32, #tpu.memory_space<vmem>>, vector<16xi32>,
        %get3A_216 = arith.constant 96 : index
        %get3A_217 = tpu.vector_load %arg8[%get3A_216] {strides = array<i32>} : memref<160xi32, #tpu.memory_space<vmem>>, vector<16xi32>,
        %get3A_218 = vector.shape_cast %get3A_217 : vector<16xi32> to vector<16xi32>
        %swap3A_219 = arith.constant 16 : index
        %swap3A_220 = tpu.vector_load %arg12[%swap3A_219] {strides = array<i32>} : memref<80xi32, #tpu.memory_space<vmem>>, vector<16xi32>,
        %swap3A_221 = vector.shape_cast %swap3A_220 : vector<16xi32> to vector<16xi32>
        %swap3A_222 = vector.shape_cast %get3A_218 : vector<16xi32> to vector<16xi32>
        tpu.vector_store %arg12[%swap3A_219], %swap3A_222 {strides = array<i32>} : memref<80xi32, #tpu.memory_space<vmem>>, vector<16xi32>,
        %get3A_223 = arith.constant 112 : index
        %get3A_224 = tpu.vector_load %arg8[%get3A_223] {strides = array<i32>} : memref<160xi32, #tpu.memory_space<vmem>>, vector<16xi32>,
        %get3A_225 = vector.shape_cast %get3A_224 : vector<16xi32> to vector<16xi32>
        %swap3A_226 = arith.constant 32 : index
        %swap3A_227 = tpu.vector_load %arg12[%swap3A_226] {strides = array<i32>} : memref<80xi32, #tpu.memory_space<vmem>>, vector<16xi32>,
        %swap3A_228 = vector.shape_cast %swap3A_227 : vector<16xi32> to vector<16xi32>
        %swap3A_229 = vector.shape_cast %get3A_225 : vector<16xi32> to vector<16xi32>
        tpu.vector_store %arg12[%swap3A_226], %swap3A_229 {strides = array<i32>} : memref<80xi32, #tpu.memory_space<vmem>>, vector<16xi32>,
        %get3A_230 = arith.constant 128 : index
        %get3A_231 = tpu.vector_load %arg8[%get3A_230] {strides = array<i32>} : memref<160xi32, #tpu.memory_space<vmem>>, vector<16xi32>,
        %get3A_232 = vector.shape_cast %get3A_231 : vector<16xi32> to vector<16xi32>
        %swap3A_233 = arith.constant 48 : index
        %swap3A_234 = tpu.vector_load %arg12[%swap3A_233] {strides = array<i32>} : memref<80xi32, #tpu.memory_space<vmem>>, vector<16xi32>,
        %swap3A_235 = vector.shape_cast %swap3A_234 : vector<16xi32> to vector<16xi32>
        %swap3A_236 = vector.shape_cast %get3A_232 : vector<16xi32> to vector<16xi32>
        tpu.vector_store %arg12[%swap3A_233], %swap3A_236 {strides = array<i32>} : memref<80xi32, #tpu.memory_space<vmem>>, vector<16xi32>,
        %get3A_237 = arith.constant 144 : index
        %get3A_238 = tpu.vector_load %arg8[%get3A_237] {strides = array<i32>} : memref<160xi32, #tpu.memory_space<vmem>>, vector<16xi32>,
        %get3A_239 = vector.shape_cast %get3A_238 : vector<16xi32> to vector<16xi32>
        %swap3A_240 = arith.constant 64 : index
        %swap3A_241 = tpu.vector_load %arg12[%swap3A_240] {strides = array<i32>} : memref<80xi32, #tpu.memory_space<vmem>>, vector<16xi32>,
        %swap3A_242 = vector.shape_cast %swap3A_241 : vector<16xi32> to vector<16xi32>
        %swap3A_243 = vector.shape_cast %get3A_239 : vector<16xi32> to vector<16xi32>
        tpu.vector_store %arg12[%swap3A_240], %swap3A_243 {strides = array<i32>} : memref<80xi32, #tpu.memory_space<vmem>>, vector<16xi32>,
        %dma_start3A_244 = arith.constant 0 : i32
        %dma_start3A_245 = tpu.memref_slice %arg8[%dma_start3A_244] : memref<160xi32, #tpu.memory_space<vmem>> -> memref<80xi32, #tpu.memory_space<vmem>>
        %dma_start3A_246 = arith.constant 0 : i32
        %dma_start3A_247 = arith.constant 0 : i32
        %dma_start3A_248 = tpu.memref_slice %arg2[%dma_start3A_246, %dma_start3A_247] : memref<10000x128xf32, #tpu.memory_space<hbm>> -> memref<10000x128xf32, #tpu.memory_space<hbm>>
        tpu.enqueue_indirect_dma source(%dma_start3A_248 : memref<10000x128xf32, #tpu.memory_space<hbm>>) target(%arg16 : memref<80x128xf32, #tpu.memory_space<vmem>>) offsets(%dma_start3A_245 : memref<80xi32, #tpu.memory_space<vmem>>) semaphore(%arg21 : memref<!tpu.dma_semaphore, #tpu.memory_space<semaphore_mem>>)
      } else {
      }
      %add3A_138 = arith.constant 1 : i32
      %add3A_139 = arith.addi %mul3A_119, %add3A_138 : i32
      %dma_wait3A_140 = arith.constant 0 : i32
      %dma_wait3A_141 = tpu.memref_slice %arg7[%dma_wait3A_140] : memref<160xi32, #tpu.memory_space<vmem>> -> memref<80xi32, #tpu.memory_space<vmem>>
      %dma_wait3A_142 = arith.constant 0 : i32
      %dma_wait3A_143 = arith.constant 0 : i32
      %dma_wait3A_144 = tpu.memref_slice %arg2[%dma_wait3A_142, %dma_wait3A_143] : memref<10000x128xf32, #tpu.memory_space<hbm>> -> memref<10000x128xf32, #tpu.memory_space<hbm>>
      tpu.wait_indirect_dma semaphore(%arg20 : memref<!tpu.dma_semaphore, #tpu.memory_space<semaphore_mem>>) src(%dma_wait3A_144 : memref<10000x128xf32, #tpu.memory_space<hbm>>) dst(%arg15 : memref<80x128xf32, #tpu.memory_space<vmem>>)
      %dma_start3A_145 = arith.constant 0 : i32
      %dma_start3A_146 = arith.constant 0 : i32
      %dma_start3A_147 = tpu.memref_slice %arg18[%dma_start3A_145, %dma_start3A_146] : memref<10112x128xf32, #tpu.memory_space<vmem_shared>> -> memref<10112x128xf32, #tpu.memory_space<vmem_shared>>
      tpu.enqueue_indirect_dma source(%arg15 : memref<80x128xf32, #tpu.memory_space<vmem>>) target(%dma_start3A_147 : memref<10112x128xf32, #tpu.memory_space<vmem_shared>>) offsets(%arg11 : memref<80xi32, #tpu.memory_space<vmem>>) semaphore(%arg24 : memref<!tpu.dma_semaphore, #tpu.memory_space<semaphore_mem>>) {add = true}
      %ge3A_148 = arith.constant 2 : i32
      %ge3A_149 = arith.cmpi sge, %add3A_139, %ge3A_148 : i32
      %convert_element_type3A_150 = arith.extui %ge3A_149 : i1 to i32
      %cond3A_151 = arith.constant 0 : i32
      %cond3A_152 = arith.cmpi ne, %convert_element_type3A_150, %cond3A_151 : i32
      scf.if %cond3A_152 {
        %dma_wait3A_204 = arith.constant 0 : i32
        %dma_wait3A_205 = arith.constant 0 : i32
        %dma_wait3A_206 = tpu.memref_slice %arg18[%dma_wait3A_204, %dma_wait3A_205] : memref<10112x128xf32, #tpu.memory_space<vmem_shared>> -> memref<10112x128xf32, #tpu.memory_space<vmem_shared>>
        tpu.wait_indirect_dma semaphore(%arg26 : memref<!tpu.dma_semaphore, #tpu.memory_space<semaphore_mem>>) src(%arg17 : memref<80x128xf32, #tpu.memory_space<vmem>>) dst(%dma_wait3A_206 : memref<10112x128xf32, #tpu.memory_space<vmem_shared>>)
      } else {
      }
      %add3A_153 = arith.constant 2 : i32
      %add3A_154 = arith.addi %add3A_139, %add3A_153 : i32
      %lt3A_155 = arith.constant 125 : i32
      %lt3A_156 = arith.cmpi slt, %add3A_154, %lt3A_155 : i32
      %convert_element_type3A_157 = arith.extui %lt3A_156 : i1 to i32
      %cond3A_158 = arith.constant 0 : i32
      %cond3A_159 = arith.cmpi ne, %convert_element_type3A_157, %cond3A_158 : i32
      scf.if %cond3A_159 {
        %add3A_204 = arith.constant 2 : i32
        %add3A_205 = arith.addi %add3A_139, %add3A_204 : i32
        %mul3A_206 = arith.constant 160 : i32
        %mul3A_207 = arith.muli %add3A_205, %mul3A_206 : i32
        %add3A_208 = arith.addi %mul3A_4, %mul3A_207 : i32
        "tpu.region"() ({
          %run_scoped3A = tpu.sem_alloc : memref<!tpu.dma_semaphore, #tpu.memory_space<semaphore_mem>>
          %dma_start3A_249 = tpu.memref_slice %arg3[%add3A_208] : memref<640000xi32, #tpu.memory_space<hbm>> -> memref<160xi32, #tpu.memory_space<hbm>>
          %dma_start3A_250 = tpu.memref_slice %arg3[%add3A_208] : memref<640000xi32, #tpu.memory_space<hbm>> -> memref<160xi32, #tpu.memory_space<hbm>>
          tpu.enqueue_dma source(%dma_start3A_250 : memref<160xi32, #tpu.memory_space<hbm>>) target(%arg9 : memref<160xi32, #tpu.memory_space<vmem>>) target_semaphore(%run_scoped3A : memref<!tpu.dma_semaphore, #tpu.memory_space<semaphore_mem>>)
          %dma_wait3A_251 = tpu.memref_slice %arg3[%add3A_208] : memref<640000xi32, #tpu.memory_space<hbm>> -> memref<160xi32, #tpu.memory_space<hbm>>
          %dma_wait3A_252 = tpu.memref_slice %arg3[%add3A_208] : memref<640000xi32, #tpu.memory_space<hbm>> -> memref<160xi32, #tpu.memory_space<hbm>>
          tpu.wait_dma2 semaphore(%run_scoped3A : memref<!tpu.dma_semaphore, #tpu.memory_space<semaphore_mem>>) src(%dma_wait3A_252 : memref<160xi32, #tpu.memory_space<hbm>>) dst(%arg9 : memref<160xi32, #tpu.memory_space<vmem>>)
          tpu.yield
        }) : () -> ()
        %get3A_209 = arith.constant 80 : index
        %get3A_210 = tpu.vector_load %arg9[%get3A_209] {strides = array<i32>} : memref<160xi32, #tpu.memory_space<vmem>>, vector<16xi32>,
        %get3A_211 = vector.shape_cast %get3A_210 : vector<16xi32> to vector<16xi32>
        %swap3A_212 = arith.constant 0 : index
        %swap3A_213 = tpu.vector_load %arg13[%swap3A_212] {strides = array<i32>} : memref<80xi32, #tpu.memory_space<vmem>>, vector<16xi32>,
        %swap3A_214 = vector.shape_cast %swap3A_213 : vector<16xi32> to vector<16xi32>
        %swap3A_215 = vector.shape_cast %get3A_211 : vector<16xi32> to vector<16xi32>
        tpu.vector_store %arg13[%swap3A_212], %swap3A_215 {strides = array<i32>} : memref<80xi32, #tpu.memory_space<vmem>>, vector<16xi32>,
        %get3A_216 = arith.constant 96 : index
        %get3A_217 = tpu.vector_load %arg9[%get3A_216] {strides = array<i32>} : memref<160xi32, #tpu.memory_space<vmem>>, vector<16xi32>,
        %get3A_218 = vector.shape_cast %get3A_217 : vector<16xi32> to vector<16xi32>
        %swap3A_219 = arith.constant 16 : index
        %swap3A_220 = tpu.vector_load %arg13[%swap3A_219] {strides = array<i32>} : memref<80xi32, #tpu.memory_space<vmem>>, vector<16xi32>,
        %swap3A_221 = vector.shape_cast %swap3A_220 : vector<16xi32> to vector<16xi32>
        %swap3A_222 = vector.shape_cast %get3A_218 : vector<16xi32> to vector<16xi32>
        tpu.vector_store %arg13[%swap3A_219], %swap3A_222 {strides = array<i32>} : memref<80xi32, #tpu.memory_space<vmem>>, vector<16xi32>,
        %get3A_223 = arith.constant 112 : index
        %get3A_224 = tpu.vector_load %arg9[%get3A_223] {strides = array<i32>} : memref<160xi32, #tpu.memory_space<vmem>>, vector<16xi32>,
        %get3A_225 = vector.shape_cast %get3A_224 : vector<16xi32> to vector<16xi32>
        %swap3A_226 = arith.constant 32 : index
        %swap3A_227 = tpu.vector_load %arg13[%swap3A_226] {strides = array<i32>} : memref<80xi32, #tpu.memory_space<vmem>>, vector<16xi32>,
        %swap3A_228 = vector.shape_cast %swap3A_227 : vector<16xi32> to vector<16xi32>
        %swap3A_229 = vector.shape_cast %get3A_225 : vector<16xi32> to vector<16xi32>
        tpu.vector_store %arg13[%swap3A_226], %swap3A_229 {strides = array<i32>} : memref<80xi32, #tpu.memory_space<vmem>>, vector<16xi32>,
        %get3A_230 = arith.constant 128 : index
        %get3A_231 = tpu.vector_load %arg9[%get3A_230] {strides = array<i32>} : memref<160xi32, #tpu.memory_space<vmem>>, vector<16xi32>,
        %get3A_232 = vector.shape_cast %get3A_231 : vector<16xi32> to vector<16xi32>
        %swap3A_233 = arith.constant 48 : index
        %swap3A_234 = tpu.vector_load %arg13[%swap3A_233] {strides = array<i32>} : memref<80xi32, #tpu.memory_space<vmem>>, vector<16xi32>,
        %swap3A_235 = vector.shape_cast %swap3A_234 : vector<16xi32> to vector<16xi32>
        %swap3A_236 = vector.shape_cast %get3A_232 : vector<16xi32> to vector<16xi32>
        tpu.vector_store %arg13[%swap3A_233], %swap3A_236 {strides = array<i32>} : memref<80xi32, #tpu.memory_space<vmem>>, vector<16xi32>,
        %get3A_237 = arith.constant 144 : index
        %get3A_238 = tpu.vector_load %arg9[%get3A_237] {strides = array<i32>} : memref<160xi32, #tpu.memory_space<vmem>>, vector<16xi32>,
        %get3A_239 = vector.shape_cast %get3A_238 : vector<16xi32> to vector<16xi32>
        %swap3A_240 = arith.constant 64 : index
        %swap3A_241 = tpu.vector_load %arg13[%swap3A_240] {strides = array<i32>} : memref<80xi32, #tpu.memory_space<vmem>>, vector<16xi32>,
        %swap3A_242 = vector.shape_cast %swap3A_241 : vector<16xi32> to vector<16xi32>
        %swap3A_243 = vector.shape_cast %get3A_239 : vector<16xi32> to vector<16xi32>
        tpu.vector_store %arg13[%swap3A_240], %swap3A_243 {strides = array<i32>} : memref<80xi32, #tpu.memory_space<vmem>>, vector<16xi32>,
        %dma_start3A_244 = arith.constant 0 : i32
        %dma_start3A_245 = tpu.memref_slice %arg9[%dma_start3A_244] : memref<160xi32, #tpu.memory_space<vmem>> -> memref<80xi32, #tpu.memory_space<vmem>>
        %dma_start3A_246 = arith.constant 0 : i32
        %dma_start3A_247 = arith.constant 0 : i32
        %dma_start3A_248 = tpu.memref_slice %arg2[%dma_start3A_246, %dma_start3A_247] : memref<10000x128xf32, #tpu.memory_space<hbm>> -> memref<10000x128xf32, #tpu.memory_space<hbm>>
        tpu.enqueue_indirect_dma source(%dma_start3A_248 : memref<10000x128xf32, #tpu.memory_space<hbm>>) target(%arg17 : memref<80x128xf32, #tpu.memory_space<vmem>>) offsets(%dma_start3A_245 : memref<80xi32, #tpu.memory_space<vmem>>) semaphore(%arg22 : memref<!tpu.dma_semaphore, #tpu.memory_space<semaphore_mem>>)
      } else {
      }
      %add3A_160 = arith.constant 2 : i32
      %add3A_161 = arith.addi %mul3A_119, %add3A_160 : i32
      %dma_wait3A_162 = arith.constant 0 : i32
      %dma_wait3A_163 = tpu.memref_slice %arg8[%dma_wait3A_162] : memref<160xi32, #tpu.memory_space<vmem>> -> memref<80xi32, #tpu.memory_space<vmem>>
      %dma_wait3A_164 = arith.constant 0 : i32
      %dma_wait3A_165 = arith.constant 0 : i32
      %dma_wait3A_166 = tpu.memref_slice %arg2[%dma_wait3A_164, %dma_wait3A_165] : memref<10000x128xf32, #tpu.memory_space<hbm>> -> memref<10000x128xf32, #tpu.memory_space<hbm>>
      tpu.wait_indirect_dma semaphore(%arg21 : memref<!tpu.dma_semaphore, #tpu.memory_space<semaphore_mem>>) src(%dma_wait3A_166 : memref<10000x128xf32, #tpu.memory_space<hbm>>) dst(%arg16 : memref<80x128xf32, #tpu.memory_space<vmem>>)
      %dma_start3A_167 = arith.constant 0 : i32
      %dma_start3A_168 = arith.constant 0 : i32
      %dma_start3A_169 = tpu.memref_slice %arg18[%dma_start3A_167, %dma_start3A_168] : memref<10112x128xf32, #tpu.memory_space<vmem_shared>> -> memref<10112x128xf32, #tpu.memory_space<vmem_shared>>
      tpu.enqueue_indirect_dma source(%arg16 : memref<80x128xf32, #tpu.memory_space<vmem>>) target(%dma_start3A_169 : memref<10112x128xf32, #tpu.memory_space<vmem_shared>>) offsets(%arg12 : memref<80xi32, #tpu.memory_space<vmem>>) semaphore(%arg25 : memref<!tpu.dma_semaphore, #tpu.memory_space<semaphore_mem>>) {add = true}
      %ge3A_170 = arith.constant 2 : i32
      %ge3A_171 = arith.cmpi sge, %add3A_161, %ge3A_170 : i32
      %convert_element_type3A_172 = arith.extui %ge3A_171 : i1 to i32
      %cond3A_173 = arith.constant 0 : i32
      %cond3A_174 = arith.cmpi ne, %convert_element_type3A_172, %cond3A_173 : i32
      scf.if %cond3A_174 {
        %dma_wait3A_204 = arith.constant 0 : i32
        %dma_wait3A_205 = arith.constant 0 : i32
        %dma_wait3A_206 = tpu.memref_slice %arg18[%dma_wait3A_204, %dma_wait3A_205] : memref<10112x128xf32, #tpu.memory_space<vmem_shared>> -> memref<10112x128xf32, #tpu.memory_space<vmem_shared>>
        tpu.wait_indirect_dma semaphore(%arg23 : memref<!tpu.dma_semaphore, #tpu.memory_space<semaphore_mem>>) src(%arg14 : memref<80x128xf32, #tpu.memory_space<vmem>>) dst(%dma_wait3A_206 : memref<10112x128xf32, #tpu.memory_space<vmem_shared>>)
      } else {
      }
      %add3A_175 = arith.constant 2 : i32
      %add3A_176 = arith.addi %add3A_161, %add3A_175 : i32
      %lt3A_177 = arith.constant 125 : i32
      %lt3A_178 = arith.cmpi slt, %add3A_176, %lt3A_177 : i32
      %convert_element_type3A_179 = arith.extui %lt3A_178 : i1 to i32
      %cond3A_180 = arith.constant 0 : i32
      %cond3A_181 = arith.cmpi ne, %convert_element_type3A_179, %cond3A_180 : i32
      scf.if %cond3A_181 {
        %add3A_204 = arith.constant 2 : i32
        %add3A_205 = arith.addi %add3A_161, %add3A_204 : i32
        %mul3A_206 = arith.constant 160 : i32
        %mul3A_207 = arith.muli %add3A_205, %mul3A_206 : i32
        %add3A_208 = arith.addi %mul3A_4, %mul3A_207 : i32
        "tpu.region"() ({
          %run_scoped3A = tpu.sem_alloc : memref<!tpu.dma_semaphore, #tpu.memory_space<semaphore_mem>>
          %dma_start3A_249 = tpu.memref_slice %arg3[%add3A_208] : memref<640000xi32, #tpu.memory_space<hbm>> -> memref<160xi32, #tpu.memory_space<hbm>>
          %dma_start3A_250 = tpu.memref_slice %arg3[%add3A_208] : memref<640000xi32, #tpu.memory_space<hbm>> -> memref<160xi32, #tpu.memory_space<hbm>>
          tpu.enqueue_dma source(%dma_start3A_250 : memref<160xi32, #tpu.memory_space<hbm>>) target(%arg6 : memref<160xi32, #tpu.memory_space<vmem>>) target_semaphore(%run_scoped3A : memref<!tpu.dma_semaphore, #tpu.memory_space<semaphore_mem>>)
          %dma_wait3A_251 = tpu.memref_slice %arg3[%add3A_208] : memref<640000xi32, #tpu.memory_space<hbm>> -> memref<160xi32, #tpu.memory_space<hbm>>
          %dma_wait3A_252 = tpu.memref_slice %arg3[%add3A_208] : memref<640000xi32, #tpu.memory_space<hbm>> -> memref<160xi32, #tpu.memory_space<hbm>>
          tpu.wait_dma2 semaphore(%run_scoped3A : memref<!tpu.dma_semaphore, #tpu.memory_space<semaphore_mem>>) src(%dma_wait3A_252 : memref<160xi32, #tpu.memory_space<hbm>>) dst(%arg6 : memref<160xi32, #tpu.memory_space<vmem>>)
          tpu.yield
        }) : () -> ()
        %get3A_209 = arith.constant 80 : index
        %get3A_210 = tpu.vector_load %arg6[%get3A_209] {strides = array<i32>} : memref<160xi32, #tpu.memory_space<vmem>>, vector<16xi32>,
        %get3A_211 = vector.shape_cast %get3A_210 : vector<16xi32> to vector<16xi32>
        %swap3A_212 = arith.constant 0 : index
        %swap3A_213 = tpu.vector_load %arg10[%swap3A_212] {strides = array<i32>} : memref<80xi32, #tpu.memory_space<vmem>>, vector<16xi32>,
        %swap3A_214 = vector.shape_cast %swap3A_213 : vector<16xi32> to vector<16xi32>
        %swap3A_215 = vector.shape_cast %get3A_211 : vector<16xi32> to vector<16xi32>
        tpu.vector_store %arg10[%swap3A_212], %swap3A_215 {strides = array<i32>} : memref<80xi32, #tpu.memory_space<vmem>>, vector<16xi32>,
        %get3A_216 = arith.constant 96 : index
        %get3A_217 = tpu.vector_load %arg6[%get3A_216] {strides = array<i32>} : memref<160xi32, #tpu.memory_space<vmem>>, vector<16xi32>,
        %get3A_218 = vector.shape_cast %get3A_217 : vector<16xi32> to vector<16xi32>
        %swap3A_219 = arith.constant 16 : index
        %swap3A_220 = tpu.vector_load %arg10[%swap3A_219] {strides = array<i32>} : memref<80xi32, #tpu.memory_space<vmem>>, vector<16xi32>,
        %swap3A_221 = vector.shape_cast %swap3A_220 : vector<16xi32> to vector<16xi32>
        %swap3A_222 = vector.shape_cast %get3A_218 : vector<16xi32> to vector<16xi32>
        tpu.vector_store %arg10[%swap3A_219], %swap3A_222 {strides = array<i32>} : memref<80xi32, #tpu.memory_space<vmem>>, vector<16xi32>,
        %get3A_223 = arith.constant 112 : index
        %get3A_224 = tpu.vector_load %arg6[%get3A_223] {strides = array<i32>} : memref<160xi32, #tpu.memory_space<vmem>>, vector<16xi32>,
        %get3A_225 = vector.shape_cast %get3A_224 : vector<16xi32> to vector<16xi32>
        %swap3A_226 = arith.constant 32 : index
        %swap3A_227 = tpu.vector_load %arg10[%swap3A_226] {strides = array<i32>} : memref<80xi32, #tpu.memory_space<vmem>>, vector<16xi32>,
        %swap3A_228 = vector.shape_cast %swap3A_227 : vector<16xi32> to vector<16xi32>
        %swap3A_229 = vector.shape_cast %get3A_225 : vector<16xi32> to vector<16xi32>
        tpu.vector_store %arg10[%swap3A_226], %swap3A_229 {strides = array<i32>} : memref<80xi32, #tpu.memory_space<vmem>>, vector<16xi32>,
        %get3A_230 = arith.constant 128 : index
        %get3A_231 = tpu.vector_load %arg6[%get3A_230] {strides = array<i32>} : memref<160xi32, #tpu.memory_space<vmem>>, vector<16xi32>,
        %get3A_232 = vector.shape_cast %get3A_231 : vector<16xi32> to vector<16xi32>
        %swap3A_233 = arith.constant 48 : index
        %swap3A_234 = tpu.vector_load %arg10[%swap3A_233] {strides = array<i32>} : memref<80xi32, #tpu.memory_space<vmem>>, vector<16xi32>,
        %swap3A_235 = vector.shape_cast %swap3A_234 : vector<16xi32> to vector<16xi32>
        %swap3A_236 = vector.shape_cast %get3A_232 : vector<16xi32> to vector<16xi32>
        tpu.vector_store %arg10[%swap3A_233], %swap3A_236 {strides = array<i32>} : memref<80xi32, #tpu.memory_space<vmem>>, vector<16xi32>,
        %get3A_237 = arith.constant 144 : index
        %get3A_238 = tpu.vector_load %arg6[%get3A_237] {strides = array<i32>} : memref<160xi32, #tpu.memory_space<vmem>>, vector<16xi32>,
        %get3A_239 = vector.shape_cast %get3A_238 : vector<16xi32> to vector<16xi32>
        %swap3A_240 = arith.constant 64 : index
        %swap3A_241 = tpu.vector_load %arg10[%swap3A_240] {strides = array<i32>} : memref<80xi32, #tpu.memory_space<vmem>>, vector<16xi32>,
        %swap3A_242 = vector.shape_cast %swap3A_241 : vector<16xi32> to vector<16xi32>
        %swap3A_243 = vector.shape_cast %get3A_239 : vector<16xi32> to vector<16xi32>
        tpu.vector_store %arg10[%swap3A_240], %swap3A_243 {strides = array<i32>} : memref<80xi32, #tpu.memory_space<vmem>>, vector<16xi32>,
        %dma_start3A_244 = arith.constant 0 : i32
        %dma_start3A_245 = tpu.memref_slice %arg6[%dma_start3A_244] : memref<160xi32, #tpu.memory_space<vmem>> -> memref<80xi32, #tpu.memory_space<vmem>>
        %dma_start3A_246 = arith.constant 0 : i32
        %dma_start3A_247 = arith.constant 0 : i32
        %dma_start3A_248 = tpu.memref_slice %arg2[%dma_start3A_246, %dma_start3A_247] : memref<10000x128xf32, #tpu.memory_space<hbm>> -> memref<10000x128xf32, #tpu.memory_space<hbm>>
        tpu.enqueue_indirect_dma source(%dma_start3A_248 : memref<10000x128xf32, #tpu.memory_space<hbm>>) target(%arg14 : memref<80x128xf32, #tpu.memory_space<vmem>>) offsets(%dma_start3A_245 : memref<80xi32, #tpu.memory_space<vmem>>) semaphore(%arg19 : memref<!tpu.dma_semaphore, #tpu.memory_space<semaphore_mem>>)
      } else {
      }
      %add3A_182 = arith.constant 3 : i32
      %add3A_183 = arith.addi %mul3A_119, %add3A_182 : i32
      %dma_wait3A_184 = arith.constant 0 : i32
      %dma_wait3A_185 = tpu.memref_slice %arg9[%dma_wait3A_184] : memref<160xi32, #tpu.memory_space<vmem>> -> memref<80xi32, #tpu.memory_space<vmem>>
      %dma_wait3A_186 = arith.constant 0 : i32
      %dma_wait3A_187 = arith.constant 0 : i32
      %dma_wait3A_188 = tpu.memref_slice %arg2[%dma_wait3A_186, %dma_wait3A_187] : memref<10000x128xf32, #tpu.memory_space<hbm>> -> memref<10000x128xf32, #tpu.memory_space<hbm>>
      tpu.wait_indirect_dma semaphore(%arg22 : memref<!tpu.dma_semaphore, #tpu.memory_space<semaphore_mem>>) src(%dma_wait3A_188 : memref<10000x128xf32, #tpu.memory_space<hbm>>) dst(%arg17 : memref<80x128xf32, #tpu.memory_space<vmem>>)
      %dma_start3A_189 = arith.constant 0 : i32
      %dma_start3A_190 = arith.constant 0 : i32
      %dma_start3A_191 = tpu.memref_slice %arg18[%dma_start3A_189, %dma_start3A_190] : memref<10112x128xf32, #tpu.memory_space<vmem_shared>> -> memref<10112x128xf32, #tpu.memory_space<vmem_shared>>
      tpu.enqueue_indirect_dma source(%arg17 : memref<80x128xf32, #tpu.memory_space<vmem>>) target(%dma_start3A_191 : memref<10112x128xf32, #tpu.memory_space<vmem_shared>>) offsets(%arg13 : memref<80xi32, #tpu.memory_space<vmem>>) semaphore(%arg26 : memref<!tpu.dma_semaphore, #tpu.memory_space<semaphore_mem>>) {add = true}
      %ge3A_192 = arith.constant 2 : i32
      %ge3A_193 = arith.cmpi sge, %add3A_183, %ge3A_192 : i32
      %convert_element_type3A_194 = arith.extui %ge3A_193 : i1 to i32
      %cond3A_195 = arith.constant 0 : i32
      %cond3A_196 = arith.cmpi ne, %convert_element_type3A_194, %cond3A_195 : i32
      scf.if %cond3A_196 {
        %dma_wait3A_204 = arith.constant 0 : i32
        %dma_wait3A_205 = arith.constant 0 : i32
        %dma_wait3A_206 = tpu.memref_slice %arg18[%dma_wait3A_204, %dma_wait3A_205] : memref<10112x128xf32, #tpu.memory_space<vmem_shared>> -> memref<10112x128xf32, #tpu.memory_space<vmem_shared>>
        tpu.wait_indirect_dma semaphore(%arg24 : memref<!tpu.dma_semaphore, #tpu.memory_space<semaphore_mem>>) src(%arg15 : memref<80x128xf32, #tpu.memory_space<vmem>>) dst(%dma_wait3A_206 : memref<10112x128xf32, #tpu.memory_space<vmem_shared>>)
      } else {
      }
      %add3A_197 = arith.constant 2 : i32
      %add3A_198 = arith.addi %add3A_183, %add3A_197 : i32
      %lt3A_199 = arith.constant 125 : i32
      %lt3A_200 = arith.cmpi slt, %add3A_198, %lt3A_199 : i32
      %convert_element_type3A_201 = arith.extui %lt3A_200 : i1 to i32
      %cond3A_202 = arith.constant 0 : i32
      %cond3A_203 = arith.cmpi ne, %convert_element_type3A_201, %cond3A_202 : i32
      scf.if %cond3A_203 {
        %add3A_204 = arith.constant 2 : i32
        %add3A_205 = arith.addi %add3A_183, %add3A_204 : i32
        %mul3A_206 = arith.constant 160 : i32
        %mul3A_207 = arith.muli %add3A_205, %mul3A_206 : i32
        %add3A_208 = arith.addi %mul3A_4, %mul3A_207 : i32
        "tpu.region"() ({
          %run_scoped3A = tpu.sem_alloc : memref<!tpu.dma_semaphore, #tpu.memory_space<semaphore_mem>>
          %dma_start3A_249 = tpu.memref_slice %arg3[%add3A_208] : memref<640000xi32, #tpu.memory_space<hbm>> -> memref<160xi32, #tpu.memory_space<hbm>>
          %dma_start3A_250 = tpu.memref_slice %arg3[%add3A_208] : memref<640000xi32, #tpu.memory_space<hbm>> -> memref<160xi32, #tpu.memory_space<hbm>>
          tpu.enqueue_dma source(%dma_start3A_250 : memref<160xi32, #tpu.memory_space<hbm>>) target(%arg7 : memref<160xi32, #tpu.memory_space<vmem>>) target_semaphore(%run_scoped3A : memref<!tpu.dma_semaphore, #tpu.memory_space<semaphore_mem>>)
          %dma_wait3A_251 = tpu.memref_slice %arg3[%add3A_208] : memref<640000xi32, #tpu.memory_space<hbm>> -> memref<160xi32, #tpu.memory_space<hbm>>
          %dma_wait3A_252 = tpu.memref_slice %arg3[%add3A_208] : memref<640000xi32, #tpu.memory_space<hbm>> -> memref<160xi32, #tpu.memory_space<hbm>>
          tpu.wait_dma2 semaphore(%run_scoped3A : memref<!tpu.dma_semaphore, #tpu.memory_space<semaphore_mem>>) src(%dma_wait3A_252 : memref<160xi32, #tpu.memory_space<hbm>>) dst(%arg7 : memref<160xi32, #tpu.memory_space<vmem>>)
          tpu.yield
        }) : () -> ()
        %get3A_209 = arith.constant 80 : index
        %get3A_210 = tpu.vector_load %arg7[%get3A_209] {strides = array<i32>} : memref<160xi32, #tpu.memory_space<vmem>>, vector<16xi32>,
        %get3A_211 = vector.shape_cast %get3A_210 : vector<16xi32> to vector<16xi32>
        %swap3A_212 = arith.constant 0 : index
        %swap3A_213 = tpu.vector_load %arg11[%swap3A_212] {strides = array<i32>} : memref<80xi32, #tpu.memory_space<vmem>>, vector<16xi32>,
        %swap3A_214 = vector.shape_cast %swap3A_213 : vector<16xi32> to vector<16xi32>
        %swap3A_215 = vector.shape_cast %get3A_211 : vector<16xi32> to vector<16xi32>
        tpu.vector_store %arg11[%swap3A_212], %swap3A_215 {strides = array<i32>} : memref<80xi32, #tpu.memory_space<vmem>>, vector<16xi32>,
        %get3A_216 = arith.constant 96 : index
        %get3A_217 = tpu.vector_load %arg7[%get3A_216] {strides = array<i32>} : memref<160xi32, #tpu.memory_space<vmem>>, vector<16xi32>,
        %get3A_218 = vector.shape_cast %get3A_217 : vector<16xi32> to vector<16xi32>
        %swap3A_219 = arith.constant 16 : index
        %swap3A_220 = tpu.vector_load %arg11[%swap3A_219] {strides = array<i32>} : memref<80xi32, #tpu.memory_space<vmem>>, vector<16xi32>,
        %swap3A_221 = vector.shape_cast %swap3A_220 : vector<16xi32> to vector<16xi32>
        %swap3A_222 = vector.shape_cast %get3A_218 : vector<16xi32> to vector<16xi32>
        tpu.vector_store %arg11[%swap3A_219], %swap3A_222 {strides = array<i32>} : memref<80xi32, #tpu.memory_space<vmem>>, vector<16xi32>,
        %get3A_223 = arith.constant 112 : index
        %get3A_224 = tpu.vector_load %arg7[%get3A_223] {strides = array<i32>} : memref<160xi32, #tpu.memory_space<vmem>>, vector<16xi32>,
        %get3A_225 = vector.shape_cast %get3A_224 : vector<16xi32> to vector<16xi32>
        %swap3A_226 = arith.constant 32 : index
        %swap3A_227 = tpu.vector_load %arg11[%swap3A_226] {strides = array<i32>} : memref<80xi32, #tpu.memory_space<vmem>>, vector<16xi32>,
        %swap3A_228 = vector.shape_cast %swap3A_227 : vector<16xi32> to vector<16xi32>
        %swap3A_229 = vector.shape_cast %get3A_225 : vector<16xi32> to vector<16xi32>
        tpu.vector_store %arg11[%swap3A_226], %swap3A_229 {strides = array<i32>} : memref<80xi32, #tpu.memory_space<vmem>>, vector<16xi32>,
        %get3A_230 = arith.constant 128 : index
        %get3A_231 = tpu.vector_load %arg7[%get3A_230] {strides = array<i32>} : memref<160xi32, #tpu.memory_space<vmem>>, vector<16xi32>,
        %get3A_232 = vector.shape_cast %get3A_231 : vector<16xi32> to vector<16xi32>
        %swap3A_233 = arith.constant 48 : index
        %swap3A_234 = tpu.vector_load %arg11[%swap3A_233] {strides = array<i32>} : memref<80xi32, #tpu.memory_space<vmem>>, vector<16xi32>,
        %swap3A_235 = vector.shape_cast %swap3A_234 : vector<16xi32> to vector<16xi32>
        %swap3A_236 = vector.shape_cast %get3A_232 : vector<16xi32> to vector<16xi32>
        tpu.vector_store %arg11[%swap3A_233], %swap3A_236 {strides = array<i32>} : memref<80xi32, #tpu.memory_space<vmem>>, vector<16xi32>,
        %get3A_237 = arith.constant 144 : index
        %get3A_238 = tpu.vector_load %arg7[%get3A_237] {strides = array<i32>} : memref<160xi32, #tpu.memory_space<vmem>>, vector<16xi32>,
        %get3A_239 = vector.shape_cast %get3A_238 : vector<16xi32> to vector<16xi32>
        %swap3A_240 = arith.constant 64 : index
        %swap3A_241 = tpu.vector_load %arg11[%swap3A_240] {strides = array<i32>} : memref<80xi32, #tpu.memory_space<vmem>>, vector<16xi32>,
        %swap3A_242 = vector.shape_cast %swap3A_241 : vector<16xi32> to vector<16xi32>
        %swap3A_243 = vector.shape_cast %get3A_239 : vector<16xi32> to vector<16xi32>
        tpu.vector_store %arg11[%swap3A_240], %swap3A_243 {strides = array<i32>} : memref<80xi32, #tpu.memory_space<vmem>>, vector<16xi32>,
        %dma_start3A_244 = arith.constant 0 : i32
        %dma_start3A_245 = tpu.memref_slice %arg7[%dma_start3A_244] : memref<160xi32, #tpu.memory_space<vmem>> -> memref<80xi32, #tpu.memory_space<vmem>>
        %dma_start3A_246 = arith.constant 0 : i32
        %dma_start3A_247 = arith.constant 0 : i32
        %dma_start3A_248 = tpu.memref_slice %arg2[%dma_start3A_246, %dma_start3A_247] : memref<10000x128xf32, #tpu.memory_space<hbm>> -> memref<10000x128xf32, #tpu.memory_space<hbm>>
        tpu.enqueue_indirect_dma source(%dma_start3A_248 : memref<10000x128xf32, #tpu.memory_space<hbm>>) target(%arg15 : memref<80x128xf32, #tpu.memory_space<vmem>>) offsets(%dma_start3A_245 : memref<80xi32, #tpu.memory_space<vmem>>) semaphore(%arg20 : memref<!tpu.dma_semaphore, #tpu.memory_space<semaphore_mem>>)
      } else {
      }
    }
    %dma_wait3A = arith.constant 0 : i32
    %dma_wait3A_100 = tpu.memref_slice %arg6[%dma_wait3A] : memref<160xi32, #tpu.memory_space<vmem>> -> memref<80xi32, #tpu.memory_space<vmem>>
    %dma_wait3A_101 = arith.constant 0 : i32
    %dma_wait3A_102 = arith.constant 0 : i32
    %dma_wait3A_103 = tpu.memref_slice %arg2[%dma_wait3A_101, %dma_wait3A_102] : memref<10000x128xf32, #tpu.memory_space<hbm>> -> memref<10000x128xf32, #tpu.memory_space<hbm>>
    tpu.wait_indirect_dma semaphore(%arg19 : memref<!tpu.dma_semaphore, #tpu.memory_space<semaphore_mem>>) src(%dma_wait3A_103 : memref<10000x128xf32, #tpu.memory_space<hbm>>) dst(%arg14 : memref<80x128xf32, #tpu.memory_space<vmem>>)
    %dma_start3A_104 = arith.constant 0 : i32
    %dma_start3A_105 = arith.constant 0 : i32
    %dma_start3A_106 = tpu.memref_slice %arg18[%dma_start3A_104, %dma_start3A_105] : memref<10112x128xf32, #tpu.memory_space<vmem_shared>> -> memref<10112x128xf32, #tpu.memory_space<vmem_shared>>
    tpu.enqueue_indirect_dma source(%arg14 : memref<80x128xf32, #tpu.memory_space<vmem>>) target(%dma_start3A_106 : memref<10112x128xf32, #tpu.memory_space<vmem_shared>>) offsets(%arg10 : memref<80xi32, #tpu.memory_space<vmem>>) semaphore(%arg23 : memref<!tpu.dma_semaphore, #tpu.memory_space<semaphore_mem>>) {add = true}
    %dma_wait3A_107 = arith.constant 0 : i32
    %dma_wait3A_108 = arith.constant 0 : i32
    %dma_wait3A_109 = tpu.memref_slice %arg18[%dma_wait3A_107, %dma_wait3A_108] : memref<10112x128xf32, #tpu.memory_space<vmem_shared>> -> memref<10112x128xf32, #tpu.memory_space<vmem_shared>>
    tpu.wait_indirect_dma semaphore(%arg25 : memref<!tpu.dma_semaphore, #tpu.memory_space<semaphore_mem>>) src(%arg16 : memref<80x128xf32, #tpu.memory_space<vmem>>) dst(%dma_wait3A_109 : memref<10112x128xf32, #tpu.memory_space<vmem_shared>>)
    %dma_wait3A_110 = arith.constant 0 : i32
    %dma_wait3A_111 = arith.constant 0 : i32
    %dma_wait3A_112 = tpu.memref_slice %arg18[%dma_wait3A_110, %dma_wait3A_111] : memref<10112x128xf32, #tpu.memory_space<vmem_shared>> -> memref<10112x128xf32, #tpu.memory_space<vmem_shared>>
    tpu.wait_indirect_dma semaphore(%arg26 : memref<!tpu.dma_semaphore, #tpu.memory_space<semaphore_mem>>) src(%arg17 : memref<80x128xf32, #tpu.memory_space<vmem>>) dst(%dma_wait3A_112 : memref<10112x128xf32, #tpu.memory_space<vmem_shared>>)
    %dma_wait3A_113 = arith.constant 0 : i32
    %dma_wait3A_114 = arith.constant 0 : i32
    %dma_wait3A_115 = tpu.memref_slice %arg18[%dma_wait3A_113, %dma_wait3A_114] : memref<10112x128xf32, #tpu.memory_space<vmem_shared>> -> memref<10112x128xf32, #tpu.memory_space<vmem_shared>>
    tpu.wait_indirect_dma semaphore(%arg23 : memref<!tpu.dma_semaphore, #tpu.memory_space<semaphore_mem>>) src(%arg14 : memref<80x128xf32, #tpu.memory_space<vmem>>) dst(%dma_wait3A_115 : memref<10112x128xf32, #tpu.memory_space<vmem_shared>>)
    %barrier3A_116 = arith.constant 0 : index
    tpu.barrier barrier_id(%barrier3A_116)
    "tpu.region"() ({
      %run_scoped3A = tpu.sem_alloc : memref<!tpu.dma_semaphore, #tpu.memory_space<semaphore_mem>>
      %dma_start3A_117 = arith.constant 0 : i32
      %dma_start3A_118 = tpu.memref_slice %arg5[%arg0, %mul3A_2, %dma_start3A_117] : memref<2x10112x128xf32, #tpu.memory_space<hbm>> -> memref<1x632x128xf32, #tpu.memory_space<hbm>>
      %dma_start3A_119 = tpu.memref_squeeze %dma_start3A_118 : memref<1x632x128xf32, #tpu.memory_space<hbm>> -> memref<632x128xf32, #tpu.memory_space<hbm>>
      %dma_start3A_120 = arith.constant 0 : i32
      %dma_start3A_121 = tpu.memref_slice %arg18[%mul3A_2, %dma_start3A_120] : memref<10112x128xf32, #tpu.memory_space<vmem_shared>> -> memref<632x128xf32, #tpu.memory_space<vmem_shared>>
      tpu.enqueue_dma source(%dma_start3A_121 : memref<632x128xf32, #tpu.memory_space<vmem_shared>>) target(%dma_start3A_119 : memref<632x128xf32, #tpu.memory_space<hbm>>) target_semaphore(%run_scoped3A : memref<!tpu.dma_semaphore, #tpu.memory_space<semaphore_mem>>)
      %dma_wait3A_122 = arith.constant 0 : i32
      %dma_wait3A_123 = tpu.memref_slice %arg5[%arg0, %mul3A_2, %dma_wait3A_122] : memref<2x10112x128xf32, #tpu.memory_space<hbm>> -> memref<1x632x128xf32, #tpu.memory_space<hbm>>
      %dma_wait3A_124 = tpu.memref_squeeze %dma_wait3A_123 : memref<1x632x128xf32, #tpu.memory_space<hbm>> -> memref<632x128xf32, #tpu.memory_space<hbm>>
      %dma_wait3A_125 = arith.constant 0 : i32
      %dma_wait3A_126 = tpu.memref_slice %arg18[%mul3A_2, %dma_wait3A_125] : memref<10112x128xf32, #tpu.memory_space<vmem_shared>> -> memref<632x128xf32, #tpu.memory_space<vmem_shared>>
      tpu.wait_dma2 semaphore(%run_scoped3A : memref<!tpu.dma_semaphore, #tpu.memory_space<semaphore_mem>>) src(%dma_wait3A_126 : memref<632x128xf32, #tpu.memory_space<vmem_shared>>) dst(%dma_wait3A_124 : memref<632x128xf32, #tpu.memory_space<hbm>>)
      tpu.yield
    }) : () -> ()
    return
  }
}

#map = affine_map<(d0, d1) -> (0)>
#map1 = affine_map<(d0, d1) -> (0, 0)>
#map2 = affine_map<(d0, d1) -> (0, 0, 0)>
module attributes {stable_mosaic.version = 14 : i64} {
  func.func @_deg_body(%arg0: i32, %arg1: i32, %arg2: memref<320000xi32, #tpu.memory_space<hbm>>, %arg3: memref<10112x128xf32, #tpu.memory_space<hbm>>, %arg4: memref<80x128xf32, #tpu.memory_space<hbm>>, %arg5: memref<2x10112x128xf32, #tpu.memory_space<hbm>>, %arg6: memref<80xi32, #tpu.memory_space<vmem>>, %arg7: memref<80xi32, #tpu.memory_space<vmem>>, %arg8: memref<80x128xf32, #tpu.memory_space<vmem>>, %arg9: memref<10112x128xf32, #tpu.memory_space<vmem_shared>>, %arg10: memref<!tpu.dma_semaphore, #tpu.memory_space<semaphore_mem>>, %arg11: memref<!tpu.dma_semaphore, #tpu.memory_space<semaphore_mem>>) attributes {dimension_semantics = [#tpu.dimension_semantics<core_parallel>, #tpu.dimension_semantics<subcore_parallel>], iteration_bounds = array<i64: 2, 16>, scalar_prefetch = 0 : i64, scratch_operands = 6 : i64, tpu.core_type = #tpu.core_type<sc_vector_subcore>, window_params = [{transform_indices = #map}, {transform_indices = #map1}, {transform_indices = #map1}, {transform_indices = #map2}]} {
    %mul3A = arith.constant 2 : i32
    %mul3A_0 = arith.muli %arg1, %mul3A : i32
    %add3A = arith.addi %mul3A_0, %arg0 : i32
    %mul3A_1 = arith.constant 632 : i32
    %mul3A_2 = arith.muli %arg1, %mul3A_1 : i32
    "tpu.region"() ({
      %run_scoped3A = tpu.sem_alloc : memref<!tpu.dma_semaphore, #tpu.memory_space<semaphore_mem>>
      %dma_start3A_20 = arith.constant 0 : i32
      %dma_start3A_21 = tpu.memref_slice %arg9[%mul3A_2, %dma_start3A_20] : memref<10112x128xf32, #tpu.memory_space<vmem_shared>> -> memref<632x128xf32, #tpu.memory_space<vmem_shared>>
      %dma_start3A_22 = arith.constant 0 : i32
      %dma_start3A_23 = tpu.memref_slice %arg3[%mul3A_2, %dma_start3A_22] : memref<10112x128xf32, #tpu.memory_space<hbm>> -> memref<632x128xf32, #tpu.memory_space<hbm>>
      tpu.enqueue_dma source(%dma_start3A_23 : memref<632x128xf32, #tpu.memory_space<hbm>>) target(%dma_start3A_21 : memref<632x128xf32, #tpu.memory_space<vmem_shared>>) target_semaphore(%run_scoped3A : memref<!tpu.dma_semaphore, #tpu.memory_space<semaphore_mem>>)
      %dma_wait3A_24 = arith.constant 0 : i32
      %dma_wait3A_25 = tpu.memref_slice %arg9[%mul3A_2, %dma_wait3A_24] : memref<10112x128xf32, #tpu.memory_space<vmem_shared>> -> memref<632x128xf32, #tpu.memory_space<vmem_shared>>
      %dma_wait3A_26 = arith.constant 0 : i32
      %dma_wait3A_27 = tpu.memref_slice %arg3[%mul3A_2, %dma_wait3A_26] : memref<10112x128xf32, #tpu.memory_space<hbm>> -> memref<632x128xf32, #tpu.memory_space<hbm>>
      tpu.wait_dma2 semaphore(%run_scoped3A : memref<!tpu.dma_semaphore, #tpu.memory_space<semaphore_mem>>) src(%dma_wait3A_27 : memref<632x128xf32, #tpu.memory_space<hbm>>) dst(%dma_wait3A_25 : memref<632x128xf32, #tpu.memory_space<vmem_shared>>)
      tpu.yield
    }) : () -> ()
    "tpu.region"() ({
      %run_scoped3A = tpu.sem_alloc : memref<!tpu.dma_semaphore, #tpu.memory_space<semaphore_mem>>
      tpu.enqueue_dma source(%arg4 : memref<80x128xf32, #tpu.memory_space<hbm>>) target(%arg8 : memref<80x128xf32, #tpu.memory_space<vmem>>) target_semaphore(%run_scoped3A : memref<!tpu.dma_semaphore, #tpu.memory_space<semaphore_mem>>)
      tpu.wait_dma2 semaphore(%run_scoped3A : memref<!tpu.dma_semaphore, #tpu.memory_space<semaphore_mem>>) src(%arg4 : memref<80x128xf32, #tpu.memory_space<hbm>>) dst(%arg8 : memref<80x128xf32, #tpu.memory_space<vmem>>)
      tpu.yield
    }) : () -> ()
    %barrier3A = arith.constant 0 : index
    tpu.barrier barrier_id(%barrier3A)
    %mul3A_3 = arith.constant 10000 : i32
    %mul3A_4 = arith.muli %add3A, %mul3A_3 : i32
    "tpu.region"() ({
      %run_scoped3A = tpu.sem_alloc : memref<!tpu.dma_semaphore, #tpu.memory_space<semaphore_mem>>
      %dma_start3A_20 = tpu.memref_slice %arg2[%mul3A_4] : memref<320000xi32, #tpu.memory_space<hbm>> -> memref<80xi32, #tpu.memory_space<hbm>>
      %dma_start3A_21 = tpu.memref_slice %arg2[%mul3A_4] : memref<320000xi32, #tpu.memory_space<hbm>> -> memref<80xi32, #tpu.memory_space<hbm>>
      tpu.enqueue_dma source(%dma_start3A_21 : memref<80xi32, #tpu.memory_space<hbm>>) target(%arg6 : memref<80xi32, #tpu.memory_space<vmem>>) target_semaphore(%run_scoped3A : memref<!tpu.dma_semaphore, #tpu.memory_space<semaphore_mem>>)
      %dma_wait3A_22 = tpu.memref_slice %arg2[%mul3A_4] : memref<320000xi32, #tpu.memory_space<hbm>> -> memref<80xi32, #tpu.memory_space<hbm>>
      %dma_wait3A_23 = tpu.memref_slice %arg2[%mul3A_4] : memref<320000xi32, #tpu.memory_space<hbm>> -> memref<80xi32, #tpu.memory_space<hbm>>
      tpu.wait_dma2 semaphore(%run_scoped3A : memref<!tpu.dma_semaphore, #tpu.memory_space<semaphore_mem>>) src(%dma_wait3A_23 : memref<80xi32, #tpu.memory_space<hbm>>) dst(%arg6 : memref<80xi32, #tpu.memory_space<vmem>>)
      tpu.yield
    }) : () -> ()
    %dma_start3A = arith.constant 0 : i32
    %dma_start3A_5 = arith.constant 0 : i32
    %dma_start3A_6 = tpu.memref_slice %arg9[%dma_start3A, %dma_start3A_5] : memref<10112x128xf32, #tpu.memory_space<vmem_shared>> -> memref<10112x128xf32, #tpu.memory_space<vmem_shared>>
    tpu.enqueue_indirect_dma source(%arg8 : memref<80x128xf32, #tpu.memory_space<vmem>>) target(%dma_start3A_6 : memref<10112x128xf32, #tpu.memory_space<vmem_shared>>) offsets(%arg6 : memref<80xi32, #tpu.memory_space<vmem>>) semaphore(%arg10 : memref<!tpu.dma_semaphore, #tpu.memory_space<semaphore_mem>>) {add = true}
    %while3A = arith.constant 0 : i32
    %while3A_7 = arith.constant 0 : i32
    %while3A_8 = arith.constant 62 : i32
    %while3A_9 = arith.subi %while3A_8, %while3A_7 : i32
    %while3A_10 = arith.addi %while3A_7, %while3A_9 : i32
    %while3A_11 = arith.constant 1 : i32
    %while3A_12 = arith.divsi %while3A_9, %while3A_11 : i32
    %while3A_13 = arith.muli %while3A_12, %while3A_11 : i32
    %while3A_14 = arith.addi %while3A_7, %while3A_13 : i32
    %while3A_15 = arith.constant 1 : i32
    scf.for %while3A_20 = %while3A_7 to %while3A_14 step %while3A_15  : i32 {
      %mul3A_21 = arith.constant 2 : i32
      %mul3A_22 = arith.muli %mul3A_21, %while3A_20 : i32
      %add3A_23 = arith.constant 1 : i32
      %add3A_24 = arith.addi %mul3A_22, %add3A_23 : i32
      %mul3A_25 = arith.constant 80 : i32
      %mul3A_26 = arith.muli %add3A_24, %mul3A_25 : i32
      %add3A_27 = arith.addi %mul3A_4, %mul3A_26 : i32
      "tpu.region"() ({
        %run_scoped3A = tpu.sem_alloc : memref<!tpu.dma_semaphore, #tpu.memory_space<semaphore_mem>>
        %dma_start3A_47 = tpu.memref_slice %arg2[%add3A_27] : memref<320000xi32, #tpu.memory_space<hbm>> -> memref<80xi32, #tpu.memory_space<hbm>>
        %dma_start3A_48 = tpu.memref_slice %arg2[%add3A_27] : memref<320000xi32, #tpu.memory_space<hbm>> -> memref<80xi32, #tpu.memory_space<hbm>>
        tpu.enqueue_dma source(%dma_start3A_48 : memref<80xi32, #tpu.memory_space<hbm>>) target(%arg7 : memref<80xi32, #tpu.memory_space<vmem>>) target_semaphore(%run_scoped3A : memref<!tpu.dma_semaphore, #tpu.memory_space<semaphore_mem>>)
        %dma_wait3A_49 = tpu.memref_slice %arg2[%add3A_27] : memref<320000xi32, #tpu.memory_space<hbm>> -> memref<80xi32, #tpu.memory_space<hbm>>
        %dma_wait3A_50 = tpu.memref_slice %arg2[%add3A_27] : memref<320000xi32, #tpu.memory_space<hbm>> -> memref<80xi32, #tpu.memory_space<hbm>>
        tpu.wait_dma2 semaphore(%run_scoped3A : memref<!tpu.dma_semaphore, #tpu.memory_space<semaphore_mem>>) src(%dma_wait3A_50 : memref<80xi32, #tpu.memory_space<hbm>>) dst(%arg7 : memref<80xi32, #tpu.memory_space<vmem>>)
        tpu.yield
      }) : () -> ()
      %dma_start3A_28 = arith.constant 0 : i32
      %dma_start3A_29 = arith.constant 0 : i32
      %dma_start3A_30 = tpu.memref_slice %arg9[%dma_start3A_28, %dma_start3A_29] : memref<10112x128xf32, #tpu.memory_space<vmem_shared>> -> memref<10112x128xf32, #tpu.memory_space<vmem_shared>>
      tpu.enqueue_indirect_dma source(%arg8 : memref<80x128xf32, #tpu.memory_space<vmem>>) target(%dma_start3A_30 : memref<10112x128xf32, #tpu.memory_space<vmem_shared>>) offsets(%arg7 : memref<80xi32, #tpu.memory_space<vmem>>) semaphore(%arg11 : memref<!tpu.dma_semaphore, #tpu.memory_space<semaphore_mem>>) {add = true}
      %dma_wait3A_31 = arith.constant 0 : i32
      %dma_wait3A_32 = arith.constant 0 : i32
      %dma_wait3A_33 = tpu.memref_slice %arg9[%dma_wait3A_31, %dma_wait3A_32] : memref<10112x128xf32, #tpu.memory_space<vmem_shared>> -> memref<10112x128xf32, #tpu.memory_space<vmem_shared>>
      tpu.wait_indirect_dma semaphore(%arg10 : memref<!tpu.dma_semaphore, #tpu.memory_space<semaphore_mem>>) src(%arg8 : memref<80x128xf32, #tpu.memory_space<vmem>>) dst(%dma_wait3A_33 : memref<10112x128xf32, #tpu.memory_space<vmem_shared>>)
      %mul3A_34 = arith.constant 2 : i32
      %mul3A_35 = arith.muli %mul3A_34, %while3A_20 : i32
      %add3A_36 = arith.constant 2 : i32
      %add3A_37 = arith.addi %mul3A_35, %add3A_36 : i32
      %mul3A_38 = arith.constant 80 : i32
      %mul3A_39 = arith.muli %add3A_37, %mul3A_38 : i32
      %add3A_40 = arith.addi %mul3A_4, %mul3A_39 : i32
      "tpu.region"() ({
        %run_scoped3A = tpu.sem_alloc : memref<!tpu.dma_semaphore, #tpu.memory_space<semaphore_mem>>
        %dma_start3A_47 = tpu.memref_slice %arg2[%add3A_40] : memref<320000xi32, #tpu.memory_space<hbm>> -> memref<80xi32, #tpu.memory_space<hbm>>
        %dma_start3A_48 = tpu.memref_slice %arg2[%add3A_40] : memref<320000xi32, #tpu.memory_space<hbm>> -> memref<80xi32, #tpu.memory_space<hbm>>
        tpu.enqueue_dma source(%dma_start3A_48 : memref<80xi32, #tpu.memory_space<hbm>>) target(%arg6 : memref<80xi32, #tpu.memory_space<vmem>>) target_semaphore(%run_scoped3A : memref<!tpu.dma_semaphore, #tpu.memory_space<semaphore_mem>>)
        %dma_wait3A_49 = tpu.memref_slice %arg2[%add3A_40] : memref<320000xi32, #tpu.memory_space<hbm>> -> memref<80xi32, #tpu.memory_space<hbm>>
        %dma_wait3A_50 = tpu.memref_slice %arg2[%add3A_40] : memref<320000xi32, #tpu.memory_space<hbm>> -> memref<80xi32, #tpu.memory_space<hbm>>
        tpu.wait_dma2 semaphore(%run_scoped3A : memref<!tpu.dma_semaphore, #tpu.memory_space<semaphore_mem>>) src(%dma_wait3A_50 : memref<80xi32, #tpu.memory_space<hbm>>) dst(%arg6 : memref<80xi32, #tpu.memory_space<vmem>>)
        tpu.yield
      }) : () -> ()
      %dma_start3A_41 = arith.constant 0 : i32
      %dma_start3A_42 = arith.constant 0 : i32
      %dma_start3A_43 = tpu.memref_slice %arg9[%dma_start3A_41, %dma_start3A_42] : memref<10112x128xf32, #tpu.memory_space<vmem_shared>> -> memref<10112x128xf32, #tpu.memory_space<vmem_shared>>
      tpu.enqueue_indirect_dma source(%arg8 : memref<80x128xf32, #tpu.memory_space<vmem>>) target(%dma_start3A_43 : memref<10112x128xf32, #tpu.memory_space<vmem_shared>>) offsets(%arg6 : memref<80xi32, #tpu.memory_space<vmem>>) semaphore(%arg10 : memref<!tpu.dma_semaphore, #tpu.memory_space<semaphore_mem>>) {add = true}
      %dma_wait3A_44 = arith.constant 0 : i32
      %dma_wait3A_45 = arith.constant 0 : i32
      %dma_wait3A_46 = tpu.memref_slice %arg9[%dma_wait3A_44, %dma_wait3A_45] : memref<10112x128xf32, #tpu.memory_space<vmem_shared>> -> memref<10112x128xf32, #tpu.memory_space<vmem_shared>>
      tpu.wait_indirect_dma semaphore(%arg11 : memref<!tpu.dma_semaphore, #tpu.memory_space<semaphore_mem>>) src(%arg8 : memref<80x128xf32, #tpu.memory_space<vmem>>) dst(%dma_wait3A_46 : memref<10112x128xf32, #tpu.memory_space<vmem_shared>>)
    }
    %while3A_16 = arith.constant 1 : i32
    scf.for %while3A_20 = %while3A_14 to %while3A_10 step %while3A_16  : i32 {
      %mul3A_21 = arith.constant 2 : i32
      %mul3A_22 = arith.muli %mul3A_21, %while3A_20 : i32
      %add3A_23 = arith.constant 1 : i32
      %add3A_24 = arith.addi %mul3A_22, %add3A_23 : i32
      %mul3A_25 = arith.constant 80 : i32
      %mul3A_26 = arith.muli %add3A_24, %mul3A_25 : i32
      %add3A_27 = arith.addi %mul3A_4, %mul3A_26 : i32
      "tpu.region"() ({
        %run_scoped3A = tpu.sem_alloc : memref<!tpu.dma_semaphore, #tpu.memory_space<semaphore_mem>>
        %dma_start3A_47 = tpu.memref_slice %arg2[%add3A_27] : memref<320000xi32, #tpu.memory_space<hbm>> -> memref<80xi32, #tpu.memory_space<hbm>>
        %dma_start3A_48 = tpu.memref_slice %arg2[%add3A_27] : memref<320000xi32, #tpu.memory_space<hbm>> -> memref<80xi32, #tpu.memory_space<hbm>>
        tpu.enqueue_dma source(%dma_start3A_48 : memref<80xi32, #tpu.memory_space<hbm>>) target(%arg7 : memref<80xi32, #tpu.memory_space<vmem>>) target_semaphore(%run_scoped3A : memref<!tpu.dma_semaphore, #tpu.memory_space<semaphore_mem>>)
        %dma_wait3A_49 = tpu.memref_slice %arg2[%add3A_27] : memref<320000xi32, #tpu.memory_space<hbm>> -> memref<80xi32, #tpu.memory_space<hbm>>
        %dma_wait3A_50 = tpu.memref_slice %arg2[%add3A_27] : memref<320000xi32, #tpu.memory_space<hbm>> -> memref<80xi32, #tpu.memory_space<hbm>>
        tpu.wait_dma2 semaphore(%run_scoped3A : memref<!tpu.dma_semaphore, #tpu.memory_space<semaphore_mem>>) src(%dma_wait3A_50 : memref<80xi32, #tpu.memory_space<hbm>>) dst(%arg7 : memref<80xi32, #tpu.memory_space<vmem>>)
        tpu.yield
      }) : () -> ()
      %dma_start3A_28 = arith.constant 0 : i32
      %dma_start3A_29 = arith.constant 0 : i32
      %dma_start3A_30 = tpu.memref_slice %arg9[%dma_start3A_28, %dma_start3A_29] : memref<10112x128xf32, #tpu.memory_space<vmem_shared>> -> memref<10112x128xf32, #tpu.memory_space<vmem_shared>>
      tpu.enqueue_indirect_dma source(%arg8 : memref<80x128xf32, #tpu.memory_space<vmem>>) target(%dma_start3A_30 : memref<10112x128xf32, #tpu.memory_space<vmem_shared>>) offsets(%arg7 : memref<80xi32, #tpu.memory_space<vmem>>) semaphore(%arg11 : memref<!tpu.dma_semaphore, #tpu.memory_space<semaphore_mem>>) {add = true}
      %dma_wait3A_31 = arith.constant 0 : i32
      %dma_wait3A_32 = arith.constant 0 : i32
      %dma_wait3A_33 = tpu.memref_slice %arg9[%dma_wait3A_31, %dma_wait3A_32] : memref<10112x128xf32, #tpu.memory_space<vmem_shared>> -> memref<10112x128xf32, #tpu.memory_space<vmem_shared>>
      tpu.wait_indirect_dma semaphore(%arg10 : memref<!tpu.dma_semaphore, #tpu.memory_space<semaphore_mem>>) src(%arg8 : memref<80x128xf32, #tpu.memory_space<vmem>>) dst(%dma_wait3A_33 : memref<10112x128xf32, #tpu.memory_space<vmem_shared>>)
      %mul3A_34 = arith.constant 2 : i32
      %mul3A_35 = arith.muli %mul3A_34, %while3A_20 : i32
      %add3A_36 = arith.constant 2 : i32
      %add3A_37 = arith.addi %mul3A_35, %add3A_36 : i32
      %mul3A_38 = arith.constant 80 : i32
      %mul3A_39 = arith.muli %add3A_37, %mul3A_38 : i32
      %add3A_40 = arith.addi %mul3A_4, %mul3A_39 : i32
      "tpu.region"() ({
        %run_scoped3A = tpu.sem_alloc : memref<!tpu.dma_semaphore, #tpu.memory_space<semaphore_mem>>
        %dma_start3A_47 = tpu.memref_slice %arg2[%add3A_40] : memref<320000xi32, #tpu.memory_space<hbm>> -> memref<80xi32, #tpu.memory_space<hbm>>
        %dma_start3A_48 = tpu.memref_slice %arg2[%add3A_40] : memref<320000xi32, #tpu.memory_space<hbm>> -> memref<80xi32, #tpu.memory_space<hbm>>
        tpu.enqueue_dma source(%dma_start3A_48 : memref<80xi32, #tpu.memory_space<hbm>>) target(%arg6 : memref<80xi32, #tpu.memory_space<vmem>>) target_semaphore(%run_scoped3A : memref<!tpu.dma_semaphore, #tpu.memory_space<semaphore_mem>>)
        %dma_wait3A_49 = tpu.memref_slice %arg2[%add3A_40] : memref<320000xi32, #tpu.memory_space<hbm>> -> memref<80xi32, #tpu.memory_space<hbm>>
        %dma_wait3A_50 = tpu.memref_slice %arg2[%add3A_40] : memref<320000xi32, #tpu.memory_space<hbm>> -> memref<80xi32, #tpu.memory_space<hbm>>
        tpu.wait_dma2 semaphore(%run_scoped3A : memref<!tpu.dma_semaphore, #tpu.memory_space<semaphore_mem>>) src(%dma_wait3A_50 : memref<80xi32, #tpu.memory_space<hbm>>) dst(%arg6 : memref<80xi32, #tpu.memory_space<vmem>>)
        tpu.yield
      }) : () -> ()
      %dma_start3A_41 = arith.constant 0 : i32
      %dma_start3A_42 = arith.constant 0 : i32
      %dma_start3A_43 = tpu.memref_slice %arg9[%dma_start3A_41, %dma_start3A_42] : memref<10112x128xf32, #tpu.memory_space<vmem_shared>> -> memref<10112x128xf32, #tpu.memory_space<vmem_shared>>
      tpu.enqueue_indirect_dma source(%arg8 : memref<80x128xf32, #tpu.memory_space<vmem>>) target(%dma_start3A_43 : memref<10112x128xf32, #tpu.memory_space<vmem_shared>>) offsets(%arg6 : memref<80xi32, #tpu.memory_space<vmem>>) semaphore(%arg10 : memref<!tpu.dma_semaphore, #tpu.memory_space<semaphore_mem>>) {add = true}
      %dma_wait3A_44 = arith.constant 0 : i32
      %dma_wait3A_45 = arith.constant 0 : i32
      %dma_wait3A_46 = tpu.memref_slice %arg9[%dma_wait3A_44, %dma_wait3A_45] : memref<10112x128xf32, #tpu.memory_space<vmem_shared>> -> memref<10112x128xf32, #tpu.memory_space<vmem_shared>>
      tpu.wait_indirect_dma semaphore(%arg11 : memref<!tpu.dma_semaphore, #tpu.memory_space<semaphore_mem>>) src(%arg8 : memref<80x128xf32, #tpu.memory_space<vmem>>) dst(%dma_wait3A_46 : memref<10112x128xf32, #tpu.memory_space<vmem_shared>>)
    }
    %dma_wait3A = arith.constant 0 : i32
    %dma_wait3A_17 = arith.constant 0 : i32
    %dma_wait3A_18 = tpu.memref_slice %arg9[%dma_wait3A, %dma_wait3A_17] : memref<10112x128xf32, #tpu.memory_space<vmem_shared>> -> memref<10112x128xf32, #tpu.memory_space<vmem_shared>>
    tpu.wait_indirect_dma semaphore(%arg10 : memref<!tpu.dma_semaphore, #tpu.memory_space<semaphore_mem>>) src(%arg8 : memref<80x128xf32, #tpu.memory_space<vmem>>) dst(%dma_wait3A_18 : memref<10112x128xf32, #tpu.memory_space<vmem_shared>>)
    %barrier3A_19 = arith.constant 0 : index
    tpu.barrier barrier_id(%barrier3A_19)
    "tpu.region"() ({
      %run_scoped3A = tpu.sem_alloc : memref<!tpu.dma_semaphore, #tpu.memory_space<semaphore_mem>>
      %dma_start3A_20 = arith.constant 0 : i32
      %dma_start3A_21 = tpu.memref_slice %arg5[%arg0, %mul3A_2, %dma_start3A_20] : memref<2x10112x128xf32, #tpu.memory_space<hbm>> -> memref<1x632x128xf32, #tpu.memory_space<hbm>>
      %dma_start3A_22 = tpu.memref_squeeze %dma_start3A_21 : memref<1x632x128xf32, #tpu.memory_space<hbm>> -> memref<632x128xf32, #tpu.memory_space<hbm>>
      %dma_start3A_23 = arith.constant 0 : i32
      %dma_start3A_24 = tpu.memref_slice %arg9[%mul3A_2, %dma_start3A_23] : memref<10112x128xf32, #tpu.memory_space<vmem_shared>> -> memref<632x128xf32, #tpu.memory_space<vmem_shared>>
      tpu.enqueue_dma source(%dma_start3A_24 : memref<632x128xf32, #tpu.memory_space<vmem_shared>>) target(%dma_start3A_22 : memref<632x128xf32, #tpu.memory_space<hbm>>) target_semaphore(%run_scoped3A : memref<!tpu.dma_semaphore, #tpu.memory_space<semaphore_mem>>)
      %dma_wait3A_25 = arith.constant 0 : i32
      %dma_wait3A_26 = tpu.memref_slice %arg5[%arg0, %mul3A_2, %dma_wait3A_25] : memref<2x10112x128xf32, #tpu.memory_space<hbm>> -> memref<1x632x128xf32, #tpu.memory_space<hbm>>
      %dma_wait3A_27 = tpu.memref_squeeze %dma_wait3A_26 : memref<1x632x128xf32, #tpu.memory_space<hbm>> -> memref<632x128xf32, #tpu.memory_space<hbm>>
      %dma_wait3A_28 = arith.constant 0 : i32
      %dma_wait3A_29 = tpu.memref_slice %arg9[%mul3A_2, %dma_wait3A_28] : memref<10112x128xf32, #tpu.memory_space<vmem_shared>> -> memref<632x128xf32, #tpu.memory_space<vmem_shared>>
      tpu.wait_dma2 semaphore(%run_scoped3A : memref<!tpu.dma_semaphore, #tpu.memory_space<semaphore_mem>>) src(%dma_wait3A_29 : memref<632x128xf32, #tpu.memory_space<vmem_shared>>) dst(%dma_wait3A_27 : memref<632x128xf32, #tpu.memory_space<hbm>>)
      tpu.yield
    }) : () -> ()
    return
  }
}

#map = affine_map<(d0, d1) -> (0, 0)>
#map1 = affine_map<(d0, d1) -> (0)>
#map2 = affine_map<(d0, d1) -> (0, 0, 0)>
module attributes {stable_mosaic.version = 14 : i64} {
  func.func @_agg_body(%arg0: i32, %arg1: i32, %arg2: memref<10000x128xf32, #tpu.memory_space<hbm>>, %arg3: memref<640000xi32, #tpu.memory_space<hbm>>, %arg4: memref<10112x128xf32, #tpu.memory_space<hbm>>, %arg5: memref<2x10112x128xf32, #tpu.memory_space<hbm>>, %arg6: memref<160xi32, #tpu.memory_space<vmem>>, %arg7: memref<160xi32, #tpu.memory_space<vmem>>, %arg8: memref<160xi32, #tpu.memory_space<vmem>>, %arg9: memref<160xi32, #tpu.memory_space<vmem>>, %arg10: memref<80xi32, #tpu.memory_space<vmem>>, %arg11: memref<80xi32, #tpu.memory_space<vmem>>, %arg12: memref<80xi32, #tpu.memory_space<vmem>>, %arg13: memref<80xi32, #tpu.memory_space<vmem>>, %arg14: memref<80x128xf32, #tpu.memory_space<vmem>>, %arg15: memref<80x128xf32, #tpu.memory_space<vmem>>, %arg16: memref<80x128xf32, #tpu.memory_space<vmem>>, %arg17: memref<80x128xf32, #tpu.memory_space<vmem>>, %arg18: memref<10112x128xf32, #tpu.memory_space<vmem_shared>>, %arg19: memref<!tpu.dma_semaphore, #tpu.memory_space<semaphore_mem>>, %arg20: memref<!tpu.dma_semaphore, #tpu.memory_space<semaphore_mem>>, %arg21: memref<!tpu.dma_semaphore, #tpu.memory_space<semaphore_mem>>, %arg22: memref<!tpu.dma_semaphore, #tpu.memory_space<semaphore_mem>>, %arg23: memref<!tpu.dma_semaphore, #tpu.memory_space<semaphore_mem>>, %arg24: memref<!tpu.dma_semaphore, #tpu.memory_space<semaphore_mem>>, %arg25: memref<!tpu.dma_semaphore, #tpu.memory_space<semaphore_mem>>, %arg26: memref<!tpu.dma_semaphore, #tpu.memory_space<semaphore_mem>>) attributes {dimension_semantics = [#tpu.dimension_semantics<core_parallel>, #tpu.dimension_semantics<subcore_parallel>], iteration_bounds = array<i64: 2, 16>, scalar_prefetch = 0 : i64, scratch_operands = 21 : i64, tpu.core_type = #tpu.core_type<sc_vector_subcore>, window_params = [{transform_indices = #map}, {transform_indices = #map1}, {transform_indices = #map}, {transform_indices = #map2}]} {
    %mul3A = arith.constant 2 : i32
    %mul3A_0 = arith.muli %arg1, %mul3A : i32
    %add3A = arith.addi %mul3A_0, %arg0 : i32
    %mul3A_1 = arith.constant 632 : i32
    %mul3A_2 = arith.muli %arg1, %mul3A_1 : i32
    "tpu.region"() ({
      %run_scoped3A = tpu.sem_alloc : memref<!tpu.dma_semaphore, #tpu.memory_space<semaphore_mem>>
      %dma_start3A_117 = arith.constant 0 : i32
      %dma_start3A_118 = tpu.memref_slice %arg18[%mul3A_2, %dma_start3A_117] : memref<10112x128xf32, #tpu.memory_space<vmem_shared>> -> memref<632x128xf32, #tpu.memory_space<vmem_shared>>
      %dma_start3A_119 = arith.constant 0 : i32
      %dma_start3A_120 = tpu.memref_slice %arg4[%mul3A_2, %dma_start3A_119] : memref<10112x128xf32, #tpu.memory_space<hbm>> -> memref<632x128xf32, #tpu.memory_space<hbm>>
      tpu.enqueue_dma source(%dma_start3A_120 : memref<632x128xf32, #tpu.memory_space<hbm>>) target(%dma_start3A_118 : memref<632x128xf32, #tpu.memory_space<vmem_shared>>) target_semaphore(%run_scoped3A : memref<!tpu.dma_semaphore, #tpu.memory_space<semaphore_mem>>)
      %dma_wait3A_121 = arith.constant 0 : i32
      %dma_wait3A_122 = tpu.memref_slice %arg18[%mul3A_2, %dma_wait3A_121] : memref<10112x128xf32, #tpu.memory_space<vmem_shared>> -> memref<632x128xf32, #tpu.memory_space<vmem_shared>>
      %dma_wait3A_123 = arith.constant 0 : i32
      %dma_wait3A_124 = tpu.memref_slice %arg4[%mul3A_2, %dma_wait3A_123] : memref<10112x128xf32, #tpu.memory_space<hbm>> -> memref<632x128xf32, #tpu.memory_space<hbm>>
      tpu.wait_dma2 semaphore(%run_scoped3A : memref<!tpu.dma_semaphore, #tpu.memory_space<semaphore_mem>>) src(%dma_wait3A_124 : memref<632x128xf32, #tpu.memory_space<hbm>>) dst(%dma_wait3A_122 : memref<632x128xf32, #tpu.memory_space<vmem_shared>>)
      tpu.yield
    }) : () -> ()
    %barrier3A = arith.constant 0 : index
    tpu.barrier barrier_id(%barrier3A)
    %mul3A_3 = arith.constant 20000 : i32
    %mul3A_4 = arith.muli %add3A, %mul3A_3 : i32
    %mul3A_5 = arith.constant 0 : i32
    %mul3A_6 = arith.constant 160 : i32
    %mul3A_7 = arith.muli %mul3A_5, %mul3A_6 : i32
    %add3A_8 = arith.addi %mul3A_4, %mul3A_7 : i32
    "tpu.region"() ({
      %run_scoped3A = tpu.sem_alloc : memref<!tpu.dma_semaphore, #tpu.memory_space<semaphore_mem>>
      %dma_start3A_117 = tpu.memref_slice %arg3[%add3A_8] : memref<640000xi32, #tpu.memory_space<hbm>> -> memref<160xi32, #tpu.memory_space<hbm>>
      %dma_start3A_118 = tpu.memref_slice %arg3[%add3A_8] : memref<640000xi32, #tpu.memory_space<hbm>> -> memref<160xi32, #tpu.memory_space<hbm>>
      tpu.enqueue_dma source(%dma_start3A_118 : memref<160xi32, #tpu.memory_space<hbm>>) target(%arg6 : memref<160xi32, #tpu.memory_space<vmem>>) target_semaphore(%run_scoped3A : memref<!tpu.dma_semaphore, #tpu.memory_space<semaphore_mem>>)
      %dma_wait3A_119 = tpu.memref_slice %arg3[%add3A_8] : memref<640000xi32, #tpu.memory_space<hbm>> -> memref<160xi32, #tpu.memory_space<hbm>>
      %dma_wait3A_120 = tpu.memref_slice %arg3[%add3A_8] : memref<640000xi32, #tpu.memory_space<hbm>> -> memref<160xi32, #tpu.memory_space<hbm>>
      tpu.wait_dma2 semaphore(%run_scoped3A : memref<!tpu.dma_semaphore, #tpu.memory_space<semaphore_mem>>) src(%dma_wait3A_120 : memref<160xi32, #tpu.memory_space<hbm>>) dst(%arg6 : memref<160xi32, #tpu.memory_space<vmem>>)
      tpu.yield
    }) : () -> ()
    %get3A = arith.constant 80 : index
    %get3A_9 = tpu.vector_load %arg6[%get3A] {strides = array<i32>} : memref<160xi32, #tpu.memory_space<vmem>>, vector<16xi32>,
    %get3A_10 = vector.shape_cast %get3A_9 : vector<16xi32> to vector<16xi32>
    %swap3A = arith.constant 0 : index
    %swap3A_11 = tpu.vector_load %arg10[%swap3A] {strides = array<i32>} : memref<80xi32, #tpu.memory_space<vmem>>, vector<16xi32>,
    %swap3A_12 = vector.shape_cast %swap3A_11 : vector<16xi32> to vector<16xi32>
    %swap3A_13 = vector.shape_cast %get3A_10 : vector<16xi32> to vector<16xi32>
    tpu.vector_store %arg10[%swap3A], %swap3A_13 {strides = array<i32>} : memref<80xi32, #tpu.memory_space<vmem>>, vector<16xi32>,
    %get3A_14 = arith.constant 96 : index
    %get3A_15 = tpu.vector_load %arg6[%get3A_14] {strides = array<i32>} : memref<160xi32, #tpu.memory_space<vmem>>, vector<16xi32>,
    %get3A_16 = vector.shape_cast %get3A_15 : vector<16xi32> to vector<16xi32>
    %swap3A_17 = arith.constant 16 : index
    %swap3A_18 = tpu.vector_load %arg10[%swap3A_17] {strides = array<i32>} : memref<80xi32, #tpu.memory_space<vmem>>, vector<16xi32>,
    %swap3A_19 = vector.shape_cast %swap3A_18 : vector<16xi32> to vector<16xi32>
    %swap3A_20 = vector.shape_cast %get3A_16 : vector<16xi32> to vector<16xi32>
    tpu.vector_store %arg10[%swap3A_17], %swap3A_20 {strides = array<i32>} : memref<80xi32, #tpu.memory_space<vmem>>, vector<16xi32>,
    %get3A_21 = arith.constant 112 : index
    %get3A_22 = tpu.vector_load %arg6[%get3A_21] {strides = array<i32>} : memref<160xi32, #tpu.memory_space<vmem>>, vector<16xi32>,
    %get3A_23 = vector.shape_cast %get3A_22 : vector<16xi32> to vector<16xi32>
    %swap3A_24 = arith.constant 32 : index
    %swap3A_25 = tpu.vector_load %arg10[%swap3A_24] {strides = array<i32>} : memref<80xi32, #tpu.memory_space<vmem>>, vector<16xi32>,
    %swap3A_26 = vector.shape_cast %swap3A_25 : vector<16xi32> to vector<16xi32>
    %swap3A_27 = vector.shape_cast %get3A_23 : vector<16xi32> to vector<16xi32>
    tpu.vector_store %arg10[%swap3A_24], %swap3A_27 {strides = array<i32>} : memref<80xi32, #tpu.memory_space<vmem>>, vector<16xi32>,
    %get3A_28 = arith.constant 128 : index
    %get3A_29 = tpu.vector_load %arg6[%get3A_28] {strides = array<i32>} : memref<160xi32, #tpu.memory_space<vmem>>, vector<16xi32>,
    %get3A_30 = vector.shape_cast %get3A_29 : vector<16xi32> to vector<16xi32>
    %swap3A_31 = arith.constant 48 : index
    %swap3A_32 = tpu.vector_load %arg10[%swap3A_31] {strides = array<i32>} : memref<80xi32, #tpu.memory_space<vmem>>, vector<16xi32>,
    %swap3A_33 = vector.shape_cast %swap3A_32 : vector<16xi32> to vector<16xi32>
    %swap3A_34 = vector.shape_cast %get3A_30 : vector<16xi32> to vector<16xi32>
    tpu.vector_store %arg10[%swap3A_31], %swap3A_34 {strides = array<i32>} : memref<80xi32, #tpu.memory_space<vmem>>, vector<16xi32>,
    %get3A_35 = arith.constant 144 : index
    %get3A_36 = tpu.vector_load %arg6[%get3A_35] {strides = array<i32>} : memref<160xi32, #tpu.memory_space<vmem>>, vector<16xi32>,
    %get3A_37 = vector.shape_cast %get3A_36 : vector<16xi32> to vector<16xi32>
    %swap3A_38 = arith.constant 64 : index
    %swap3A_39 = tpu.vector_load %arg10[%swap3A_38] {strides = array<i32>} : memref<80xi32, #tpu.memory_space<vmem>>, vector<16xi32>,
    %swap3A_40 = vector.shape_cast %swap3A_39 : vector<16xi32> to vector<16xi32>
    %swap3A_41 = vector.shape_cast %get3A_37 : vector<16xi32> to vector<16xi32>
    tpu.vector_store %arg10[%swap3A_38], %swap3A_41 {strides = array<i32>} : memref<80xi32, #tpu.memory_space<vmem>>, vector<16xi32>,
    %dma_start3A = arith.constant 0 : i32
    %dma_start3A_42 = tpu.memref_slice %arg6[%dma_start3A] : memref<160xi32, #tpu.memory_space<vmem>> -> memref<80xi32, #tpu.memory_space<vmem>>
    %dma_start3A_43 = arith.constant 0 : i32
    %dma_start3A_44 = arith.constant 0 : i32
    %dma_start3A_45 = tpu.memref_slice %arg2[%dma_start3A_43, %dma_start3A_44] : memref<10000x128xf32, #tpu.memory_space<hbm>> -> memref<10000x128xf32, #tpu.memory_space<hbm>>
    tpu.enqueue_indirect_dma source(%dma_start3A_45 : memref<10000x128xf32, #tpu.memory_space<hbm>>) target(%arg14 : memref<80x128xf32, #tpu.memory_space<vmem>>) offsets(%dma_start3A_42 : memref<80xi32, #tpu.memory_space<vmem>>) semaphore(%arg19 : memref<!tpu.dma_semaphore, #tpu.memory_space<semaphore_mem>>)
    %mul3A_46 = arith.constant 1 : i32
    %mul3A_47 = arith.constant 160 : i32
    %mul3A_48 = arith.muli %mul3A_46, %mul3A_47 : i32
    %add3A_49 = arith.addi %mul3A_4, %mul3A_48 : i32
    "tpu.region"() ({
      %run_scoped3A = tpu.sem_alloc : memref<!tpu.dma_semaphore, #tpu.memory_space<semaphore_mem>>
      %dma_start3A_117 = tpu.memref_slice %arg3[%add3A_49] : memref<640000xi32, #tpu.memory_space<hbm>> -> memref<160xi32, #tpu.memory_space<hbm>>
      %dma_start3A_118 = tpu.memref_slice %arg3[%add3A_49] : memref<640000xi32, #tpu.memory_space<hbm>> -> memref<160xi32, #tpu.memory_space<hbm>>
      tpu.enqueue_dma source(%dma_start3A_118 : memref<160xi32, #tpu.memory_space<hbm>>) target(%arg7 : memref<160xi32, #tpu.memory_space<vmem>>) target_semaphore(%run_scoped3A : memref<!tpu.dma_semaphore, #tpu.memory_space<semaphore_mem>>)
      %dma_wait3A_119 = tpu.memref_slice %arg3[%add3A_49] : memref<640000xi32, #tpu.memory_space<hbm>> -> memref<160xi32, #tpu.memory_space<hbm>>
      %dma_wait3A_120 = tpu.memref_slice %arg3[%add3A_49] : memref<640000xi32, #tpu.memory_space<hbm>> -> memref<160xi32, #tpu.memory_space<hbm>>
      tpu.wait_dma2 semaphore(%run_scoped3A : memref<!tpu.dma_semaphore, #tpu.memory_space<semaphore_mem>>) src(%dma_wait3A_120 : memref<160xi32, #tpu.memory_space<hbm>>) dst(%arg7 : memref<160xi32, #tpu.memory_space<vmem>>)
      tpu.yield
    }) : () -> ()
    %get3A_50 = arith.constant 80 : index
    %get3A_51 = tpu.vector_load %arg7[%get3A_50] {strides = array<i32>} : memref<160xi32, #tpu.memory_space<vmem>>, vector<16xi32>,
    %get3A_52 = vector.shape_cast %get3A_51 : vector<16xi32> to vector<16xi32>
    %swap3A_53 = arith.constant 0 : index
    %swap3A_54 = tpu.vector_load %arg11[%swap3A_53] {strides = array<i32>} : memref<80xi32, #tpu.memory_space<vmem>>, vector<16xi32>,
    %swap3A_55 = vector.shape_cast %swap3A_54 : vector<16xi32> to vector<16xi32>
    %swap3A_56 = vector.shape_cast %get3A_52 : vector<16xi32> to vector<16xi32>
    tpu.vector_store %arg11[%swap3A_53], %swap3A_56 {strides = array<i32>} : memref<80xi32, #tpu.memory_space<vmem>>, vector<16xi32>,
    %get3A_57 = arith.constant 96 : index
    %get3A_58 = tpu.vector_load %arg7[%get3A_57] {strides = array<i32>} : memref<160xi32, #tpu.memory_space<vmem>>, vector<16xi32>,
    %get3A_59 = vector.shape_cast %get3A_58 : vector<16xi32> to vector<16xi32>
    %swap3A_60 = arith.constant 16 : index
    %swap3A_61 = tpu.vector_load %arg11[%swap3A_60] {strides = array<i32>} : memref<80xi32, #tpu.memory_space<vmem>>, vector<16xi32>,
    %swap3A_62 = vector.shape_cast %swap3A_61 : vector<16xi32> to vector<16xi32>
    %swap3A_63 = vector.shape_cast %get3A_59 : vector<16xi32> to vector<16xi32>
    tpu.vector_store %arg11[%swap3A_60], %swap3A_63 {strides = array<i32>} : memref<80xi32, #tpu.memory_space<vmem>>, vector<16xi32>,
    %get3A_64 = arith.constant 112 : index
    %get3A_65 = tpu.vector_load %arg7[%get3A_64] {strides = array<i32>} : memref<160xi32, #tpu.memory_space<vmem>>, vector<16xi32>,
    %get3A_66 = vector.shape_cast %get3A_65 : vector<16xi32> to vector<16xi32>
    %swap3A_67 = arith.constant 32 : index
    %swap3A_68 = tpu.vector_load %arg11[%swap3A_67] {strides = array<i32>} : memref<80xi32, #tpu.memory_space<vmem>>, vector<16xi32>,
    %swap3A_69 = vector.shape_cast %swap3A_68 : vector<16xi32> to vector<16xi32>
    %swap3A_70 = vector.shape_cast %get3A_66 : vector<16xi32> to vector<16xi32>
    tpu.vector_store %arg11[%swap3A_67], %swap3A_70 {strides = array<i32>} : memref<80xi32, #tpu.memory_space<vmem>>, vector<16xi32>,
    %get3A_71 = arith.constant 128 : index
    %get3A_72 = tpu.vector_load %arg7[%get3A_71] {strides = array<i32>} : memref<160xi32, #tpu.memory_space<vmem>>, vector<16xi32>,
    %get3A_73 = vector.shape_cast %get3A_72 : vector<16xi32> to vector<16xi32>
    %swap3A_74 = arith.constant 48 : index
    %swap3A_75 = tpu.vector_load %arg11[%swap3A_74] {strides = array<i32>} : memref<80xi32, #tpu.memory_space<vmem>>, vector<16xi32>,
    %swap3A_76 = vector.shape_cast %swap3A_75 : vector<16xi32> to vector<16xi32>
    %swap3A_77 = vector.shape_cast %get3A_73 : vector<16xi32> to vector<16xi32>
    tpu.vector_store %arg11[%swap3A_74], %swap3A_77 {strides = array<i32>} : memref<80xi32, #tpu.memory_space<vmem>>, vector<16xi32>,
    %get3A_78 = arith.constant 144 : index
    %get3A_79 = tpu.vector_load %arg7[%get3A_78] {strides = array<i32>} : memref<160xi32, #tpu.memory_space<vmem>>, vector<16xi32>,
    %get3A_80 = vector.shape_cast %get3A_79 : vector<16xi32> to vector<16xi32>
    %swap3A_81 = arith.constant 64 : index
    %swap3A_82 = tpu.vector_load %arg11[%swap3A_81] {strides = array<i32>} : memref<80xi32, #tpu.memory_space<vmem>>, vector<16xi32>,
    %swap3A_83 = vector.shape_cast %swap3A_82 : vector<16xi32> to vector<16xi32>
    %swap3A_84 = vector.shape_cast %get3A_80 : vector<16xi32> to vector<16xi32>
    tpu.vector_store %arg11[%swap3A_81], %swap3A_84 {strides = array<i32>} : memref<80xi32, #tpu.memory_space<vmem>>, vector<16xi32>,
    %dma_start3A_85 = arith.constant 0 : i32
    %dma_start3A_86 = tpu.memref_slice %arg7[%dma_start3A_85] : memref<160xi32, #tpu.memory_space<vmem>> -> memref<80xi32, #tpu.memory_space<vmem>>
    %dma_start3A_87 = arith.constant 0 : i32
    %dma_start3A_88 = arith.constant 0 : i32
    %dma_start3A_89 = tpu.memref_slice %arg2[%dma_start3A_87, %dma_start3A_88] : memref<10000x128xf32, #tpu.memory_space<hbm>> -> memref<10000x128xf32, #tpu.memory_space<hbm>>
    tpu.enqueue_indirect_dma source(%dma_start3A_89 : memref<10000x128xf32, #tpu.memory_space<hbm>>) target(%arg15 : memref<80x128xf32, #tpu.memory_space<vmem>>) offsets(%dma_start3A_86 : memref<80xi32, #tpu.memory_space<vmem>>) semaphore(%arg20 : memref<!tpu.dma_semaphore, #tpu.memory_space<semaphore_mem>>)
    %while3A = arith.constant 0 : i32
    %while3A_90 = arith.constant 0 : i32
    %while3A_91 = arith.constant 31 : i32
    %while3A_92 = arith.subi %while3A_91, %while3A_90 : i32
    %while3A_93 = arith.addi %while3A_90, %while3A_92 : i32
    %while3A_94 = arith.constant 1 : i32
    %while3A_95 = arith.divsi %while3A_92, %while3A_94 : i32
    %while3A_96 = arith.muli %while3A_95, %while3A_94 : i32
    %while3A_97 = arith.addi %while3A_90, %while3A_96 : i32
    %while3A_98 = arith.constant 1 : i32
    scf.for %while3A_117 = %while3A_90 to %while3A_97 step %while3A_98  : i32 {
      %mul3A_118 = arith.constant 4 : i32
      %mul3A_119 = arith.muli %mul3A_118, %while3A_117 : i32
      %add3A_120 = arith.constant 0 : i32
      %add3A_121 = arith.addi %mul3A_119, %add3A_120 : i32
      %dma_wait3A_122 = arith.constant 0 : i32
      %dma_wait3A_123 = tpu.memref_slice %arg6[%dma_wait3A_122] : memref<160xi32, #tpu.memory_space<vmem>> -> memref<80xi32, #tpu.memory_space<vmem>>
      %dma_wait3A_124 = arith.constant 0 : i32
      %dma_wait3A_125 = arith.constant 0 : i32
      %dma_wait3A_126 = tpu.memref_slice %arg2[%dma_wait3A_124, %dma_wait3A_125] : memref<10000x128xf32, #tpu.memory_space<hbm>> -> memref<10000x128xf32, #tpu.memory_space<hbm>>
      tpu.wait_indirect_dma semaphore(%arg19 : memref<!tpu.dma_semaphore, #tpu.memory_space<semaphore_mem>>) src(%dma_wait3A_126 : memref<10000x128xf32, #tpu.memory_space<hbm>>) dst(%arg14 : memref<80x128xf32, #tpu.memory_space<vmem>>)
      %dma_start3A_127 = arith.constant 0 : i32
      %dma_start3A_128 = arith.constant 0 : i32
      %dma_start3A_129 = tpu.memref_slice %arg18[%dma_start3A_127, %dma_start3A_128] : memref<10112x128xf32, #tpu.memory_space<vmem_shared>> -> memref<10112x128xf32, #tpu.memory_space<vmem_shared>>
      tpu.enqueue_indirect_dma source(%arg14 : memref<80x128xf32, #tpu.memory_space<vmem>>) target(%dma_start3A_129 : memref<10112x128xf32, #tpu.memory_space<vmem_shared>>) offsets(%arg10 : memref<80xi32, #tpu.memory_space<vmem>>) semaphore(%arg23 : memref<!tpu.dma_semaphore, #tpu.memory_space<semaphore_mem>>) {add = true}
      %ge3A = arith.constant 2 : i32
      %ge3A_130 = arith.cmpi sge, %add3A_121, %ge3A : i32
      %convert_element_type3A = arith.extui %ge3A_130 : i1 to i32
      %cond3A = arith.constant 0 : i32
      %cond3A_131 = arith.cmpi ne, %convert_element_type3A, %cond3A : i32
      scf.if %cond3A_131 {
        %dma_wait3A_204 = arith.constant 0 : i32
        %dma_wait3A_205 = arith.constant 0 : i32
        %dma_wait3A_206 = tpu.memref_slice %arg18[%dma_wait3A_204, %dma_wait3A_205] : memref<10112x128xf32, #tpu.memory_space<vmem_shared>> -> memref<10112x128xf32, #tpu.memory_space<vmem_shared>>
        tpu.wait_indirect_dma semaphore(%arg25 : memref<!tpu.dma_semaphore, #tpu.memory_space<semaphore_mem>>) src(%arg16 : memref<80x128xf32, #tpu.memory_space<vmem>>) dst(%dma_wait3A_206 : memref<10112x128xf32, #tpu.memory_space<vmem_shared>>)
      } else {
      }
      %add3A_132 = arith.constant 2 : i32
      %add3A_133 = arith.addi %add3A_121, %add3A_132 : i32
      %lt3A = arith.constant 125 : i32
      %lt3A_134 = arith.cmpi slt, %add3A_133, %lt3A : i32
      %convert_element_type3A_135 = arith.extui %lt3A_134 : i1 to i32
      %cond3A_136 = arith.constant 0 : i32
      %cond3A_137 = arith.cmpi ne, %convert_element_type3A_135, %cond3A_136 : i32
      scf.if %cond3A_137 {
        %add3A_204 = arith.constant 2 : i32
        %add3A_205 = arith.addi %add3A_121, %add3A_204 : i32
        %mul3A_206 = arith.constant 160 : i32
        %mul3A_207 = arith.muli %add3A_205, %mul3A_206 : i32
        %add3A_208 = arith.addi %mul3A_4, %mul3A_207 : i32
        "tpu.region"() ({
          %run_scoped3A = tpu.sem_alloc : memref<!tpu.dma_semaphore, #tpu.memory_space<semaphore_mem>>
          %dma_start3A_249 = tpu.memref_slice %arg3[%add3A_208] : memref<640000xi32, #tpu.memory_space<hbm>> -> memref<160xi32, #tpu.memory_space<hbm>>
          %dma_start3A_250 = tpu.memref_slice %arg3[%add3A_208] : memref<640000xi32, #tpu.memory_space<hbm>> -> memref<160xi32, #tpu.memory_space<hbm>>
          tpu.enqueue_dma source(%dma_start3A_250 : memref<160xi32, #tpu.memory_space<hbm>>) target(%arg8 : memref<160xi32, #tpu.memory_space<vmem>>) target_semaphore(%run_scoped3A : memref<!tpu.dma_semaphore, #tpu.memory_space<semaphore_mem>>)
          %dma_wait3A_251 = tpu.memref_slice %arg3[%add3A_208] : memref<640000xi32, #tpu.memory_space<hbm>> -> memref<160xi32, #tpu.memory_space<hbm>>
          %dma_wait3A_252 = tpu.memref_slice %arg3[%add3A_208] : memref<640000xi32, #tpu.memory_space<hbm>> -> memref<160xi32, #tpu.memory_space<hbm>>
          tpu.wait_dma2 semaphore(%run_scoped3A : memref<!tpu.dma_semaphore, #tpu.memory_space<semaphore_mem>>) src(%dma_wait3A_252 : memref<160xi32, #tpu.memory_space<hbm>>) dst(%arg8 : memref<160xi32, #tpu.memory_space<vmem>>)
          tpu.yield
        }) : () -> ()
        %get3A_209 = arith.constant 80 : index
        %get3A_210 = tpu.vector_load %arg8[%get3A_209] {strides = array<i32>} : memref<160xi32, #tpu.memory_space<vmem>>, vector<16xi32>,
        %get3A_211 = vector.shape_cast %get3A_210 : vector<16xi32> to vector<16xi32>
        %swap3A_212 = arith.constant 0 : index
        %swap3A_213 = tpu.vector_load %arg12[%swap3A_212] {strides = array<i32>} : memref<80xi32, #tpu.memory_space<vmem>>, vector<16xi32>,
        %swap3A_214 = vector.shape_cast %swap3A_213 : vector<16xi32> to vector<16xi32>
        %swap3A_215 = vector.shape_cast %get3A_211 : vector<16xi32> to vector<16xi32>
        tpu.vector_store %arg12[%swap3A_212], %swap3A_215 {strides = array<i32>} : memref<80xi32, #tpu.memory_space<vmem>>, vector<16xi32>,
        %get3A_216 = arith.constant 96 : index
        %get3A_217 = tpu.vector_load %arg8[%get3A_216] {strides = array<i32>} : memref<160xi32, #tpu.memory_space<vmem>>, vector<16xi32>,
        %get3A_218 = vector.shape_cast %get3A_217 : vector<16xi32> to vector<16xi32>
        %swap3A_219 = arith.constant 16 : index
        %swap3A_220 = tpu.vector_load %arg12[%swap3A_219] {strides = array<i32>} : memref<80xi32, #tpu.memory_space<vmem>>, vector<16xi32>,
        %swap3A_221 = vector.shape_cast %swap3A_220 : vector<16xi32> to vector<16xi32>
        %swap3A_222 = vector.shape_cast %get3A_218 : vector<16xi32> to vector<16xi32>
        tpu.vector_store %arg12[%swap3A_219], %swap3A_222 {strides = array<i32>} : memref<80xi32, #tpu.memory_space<vmem>>, vector<16xi32>,
        %get3A_223 = arith.constant 112 : index
        %get3A_224 = tpu.vector_load %arg8[%get3A_223] {strides = array<i32>} : memref<160xi32, #tpu.memory_space<vmem>>, vector<16xi32>,
        %get3A_225 = vector.shape_cast %get3A_224 : vector<16xi32> to vector<16xi32>
        %swap3A_226 = arith.constant 32 : index
        %swap3A_227 = tpu.vector_load %arg12[%swap3A_226] {strides = array<i32>} : memref<80xi32, #tpu.memory_space<vmem>>, vector<16xi32>,
        %swap3A_228 = vector.shape_cast %swap3A_227 : vector<16xi32> to vector<16xi32>
        %swap3A_229 = vector.shape_cast %get3A_225 : vector<16xi32> to vector<16xi32>
        tpu.vector_store %arg12[%swap3A_226], %swap3A_229 {strides = array<i32>} : memref<80xi32, #tpu.memory_space<vmem>>, vector<16xi32>,
        %get3A_230 = arith.constant 128 : index
        %get3A_231 = tpu.vector_load %arg8[%get3A_230] {strides = array<i32>} : memref<160xi32, #tpu.memory_space<vmem>>, vector<16xi32>,
        %get3A_232 = vector.shape_cast %get3A_231 : vector<16xi32> to vector<16xi32>
        %swap3A_233 = arith.constant 48 : index
        %swap3A_234 = tpu.vector_load %arg12[%swap3A_233] {strides = array<i32>} : memref<80xi32, #tpu.memory_space<vmem>>, vector<16xi32>,
        %swap3A_235 = vector.shape_cast %swap3A_234 : vector<16xi32> to vector<16xi32>
        %swap3A_236 = vector.shape_cast %get3A_232 : vector<16xi32> to vector<16xi32>
        tpu.vector_store %arg12[%swap3A_233], %swap3A_236 {strides = array<i32>} : memref<80xi32, #tpu.memory_space<vmem>>, vector<16xi32>,
        %get3A_237 = arith.constant 144 : index
        %get3A_238 = tpu.vector_load %arg8[%get3A_237] {strides = array<i32>} : memref<160xi32, #tpu.memory_space<vmem>>, vector<16xi32>,
        %get3A_239 = vector.shape_cast %get3A_238 : vector<16xi32> to vector<16xi32>
        %swap3A_240 = arith.constant 64 : index
        %swap3A_241 = tpu.vector_load %arg12[%swap3A_240] {strides = array<i32>} : memref<80xi32, #tpu.memory_space<vmem>>, vector<16xi32>,
        %swap3A_242 = vector.shape_cast %swap3A_241 : vector<16xi32> to vector<16xi32>
        %swap3A_243 = vector.shape_cast %get3A_239 : vector<16xi32> to vector<16xi32>
        tpu.vector_store %arg12[%swap3A_240], %swap3A_243 {strides = array<i32>} : memref<80xi32, #tpu.memory_space<vmem>>, vector<16xi32>,
        %dma_start3A_244 = arith.constant 0 : i32
        %dma_start3A_245 = tpu.memref_slice %arg8[%dma_start3A_244] : memref<160xi32, #tpu.memory_space<vmem>> -> memref<80xi32, #tpu.memory_space<vmem>>
        %dma_start3A_246 = arith.constant 0 : i32
        %dma_start3A_247 = arith.constant 0 : i32
        %dma_start3A_248 = tpu.memref_slice %arg2[%dma_start3A_246, %dma_start3A_247] : memref<10000x128xf32, #tpu.memory_space<hbm>> -> memref<10000x128xf32, #tpu.memory_space<hbm>>
        tpu.enqueue_indirect_dma source(%dma_start3A_248 : memref<10000x128xf32, #tpu.memory_space<hbm>>) target(%arg16 : memref<80x128xf32, #tpu.memory_space<vmem>>) offsets(%dma_start3A_245 : memref<80xi32, #tpu.memory_space<vmem>>) semaphore(%arg21 : memref<!tpu.dma_semaphore, #tpu.memory_space<semaphore_mem>>)
      } else {
      }
      %add3A_138 = arith.constant 1 : i32
      %add3A_139 = arith.addi %mul3A_119, %add3A_138 : i32
      %dma_wait3A_140 = arith.constant 0 : i32
      %dma_wait3A_141 = tpu.memref_slice %arg7[%dma_wait3A_140] : memref<160xi32, #tpu.memory_space<vmem>> -> memref<80xi32, #tpu.memory_space<vmem>>
      %dma_wait3A_142 = arith.constant 0 : i32
      %dma_wait3A_143 = arith.constant 0 : i32
      %dma_wait3A_144 = tpu.memref_slice %arg2[%dma_wait3A_142, %dma_wait3A_143] : memref<10000x128xf32, #tpu.memory_space<hbm>> -> memref<10000x128xf32, #tpu.memory_space<hbm>>
      tpu.wait_indirect_dma semaphore(%arg20 : memref<!tpu.dma_semaphore, #tpu.memory_space<semaphore_mem>>) src(%dma_wait3A_144 : memref<10000x128xf32, #tpu.memory_space<hbm>>) dst(%arg15 : memref<80x128xf32, #tpu.memory_space<vmem>>)
      %dma_start3A_145 = arith.constant 0 : i32
      %dma_start3A_146 = arith.constant 0 : i32
      %dma_start3A_147 = tpu.memref_slice %arg18[%dma_start3A_145, %dma_start3A_146] : memref<10112x128xf32, #tpu.memory_space<vmem_shared>> -> memref<10112x128xf32, #tpu.memory_space<vmem_shared>>
      tpu.enqueue_indirect_dma source(%arg15 : memref<80x128xf32, #tpu.memory_space<vmem>>) target(%dma_start3A_147 : memref<10112x128xf32, #tpu.memory_space<vmem_shared>>) offsets(%arg11 : memref<80xi32, #tpu.memory_space<vmem>>) semaphore(%arg24 : memref<!tpu.dma_semaphore, #tpu.memory_space<semaphore_mem>>) {add = true}
      %ge3A_148 = arith.constant 2 : i32
      %ge3A_149 = arith.cmpi sge, %add3A_139, %ge3A_148 : i32
      %convert_element_type3A_150 = arith.extui %ge3A_149 : i1 to i32
      %cond3A_151 = arith.constant 0 : i32
      %cond3A_152 = arith.cmpi ne, %convert_element_type3A_150, %cond3A_151 : i32
      scf.if %cond3A_152 {
        %dma_wait3A_204 = arith.constant 0 : i32
        %dma_wait3A_205 = arith.constant 0 : i32
        %dma_wait3A_206 = tpu.memref_slice %arg18[%dma_wait3A_204, %dma_wait3A_205] : memref<10112x128xf32, #tpu.memory_space<vmem_shared>> -> memref<10112x128xf32, #tpu.memory_space<vmem_shared>>
        tpu.wait_indirect_dma semaphore(%arg26 : memref<!tpu.dma_semaphore, #tpu.memory_space<semaphore_mem>>) src(%arg17 : memref<80x128xf32, #tpu.memory_space<vmem>>) dst(%dma_wait3A_206 : memref<10112x128xf32, #tpu.memory_space<vmem_shared>>)
      } else {
      }
      %add3A_153 = arith.constant 2 : i32
      %add3A_154 = arith.addi %add3A_139, %add3A_153 : i32
      %lt3A_155 = arith.constant 125 : i32
      %lt3A_156 = arith.cmpi slt, %add3A_154, %lt3A_155 : i32
      %convert_element_type3A_157 = arith.extui %lt3A_156 : i1 to i32
      %cond3A_158 = arith.constant 0 : i32
      %cond3A_159 = arith.cmpi ne, %convert_element_type3A_157, %cond3A_158 : i32
      scf.if %cond3A_159 {
        %add3A_204 = arith.constant 2 : i32
        %add3A_205 = arith.addi %add3A_139, %add3A_204 : i32
        %mul3A_206 = arith.constant 160 : i32
        %mul3A_207 = arith.muli %add3A_205, %mul3A_206 : i32
        %add3A_208 = arith.addi %mul3A_4, %mul3A_207 : i32
        "tpu.region"() ({
          %run_scoped3A = tpu.sem_alloc : memref<!tpu.dma_semaphore, #tpu.memory_space<semaphore_mem>>
          %dma_start3A_249 = tpu.memref_slice %arg3[%add3A_208] : memref<640000xi32, #tpu.memory_space<hbm>> -> memref<160xi32, #tpu.memory_space<hbm>>
          %dma_start3A_250 = tpu.memref_slice %arg3[%add3A_208] : memref<640000xi32, #tpu.memory_space<hbm>> -> memref<160xi32, #tpu.memory_space<hbm>>
          tpu.enqueue_dma source(%dma_start3A_250 : memref<160xi32, #tpu.memory_space<hbm>>) target(%arg9 : memref<160xi32, #tpu.memory_space<vmem>>) target_semaphore(%run_scoped3A : memref<!tpu.dma_semaphore, #tpu.memory_space<semaphore_mem>>)
          %dma_wait3A_251 = tpu.memref_slice %arg3[%add3A_208] : memref<640000xi32, #tpu.memory_space<hbm>> -> memref<160xi32, #tpu.memory_space<hbm>>
          %dma_wait3A_252 = tpu.memref_slice %arg3[%add3A_208] : memref<640000xi32, #tpu.memory_space<hbm>> -> memref<160xi32, #tpu.memory_space<hbm>>
          tpu.wait_dma2 semaphore(%run_scoped3A : memref<!tpu.dma_semaphore, #tpu.memory_space<semaphore_mem>>) src(%dma_wait3A_252 : memref<160xi32, #tpu.memory_space<hbm>>) dst(%arg9 : memref<160xi32, #tpu.memory_space<vmem>>)
          tpu.yield
        }) : () -> ()
        %get3A_209 = arith.constant 80 : index
        %get3A_210 = tpu.vector_load %arg9[%get3A_209] {strides = array<i32>} : memref<160xi32, #tpu.memory_space<vmem>>, vector<16xi32>,
        %get3A_211 = vector.shape_cast %get3A_210 : vector<16xi32> to vector<16xi32>
        %swap3A_212 = arith.constant 0 : index
        %swap3A_213 = tpu.vector_load %arg13[%swap3A_212] {strides = array<i32>} : memref<80xi32, #tpu.memory_space<vmem>>, vector<16xi32>,
        %swap3A_214 = vector.shape_cast %swap3A_213 : vector<16xi32> to vector<16xi32>
        %swap3A_215 = vector.shape_cast %get3A_211 : vector<16xi32> to vector<16xi32>
        tpu.vector_store %arg13[%swap3A_212], %swap3A_215 {strides = array<i32>} : memref<80xi32, #tpu.memory_space<vmem>>, vector<16xi32>,
        %get3A_216 = arith.constant 96 : index
        %get3A_217 = tpu.vector_load %arg9[%get3A_216] {strides = array<i32>} : memref<160xi32, #tpu.memory_space<vmem>>, vector<16xi32>,
        %get3A_218 = vector.shape_cast %get3A_217 : vector<16xi32> to vector<16xi32>
        %swap3A_219 = arith.constant 16 : index
        %swap3A_220 = tpu.vector_load %arg13[%swap3A_219] {strides = array<i32>} : memref<80xi32, #tpu.memory_space<vmem>>, vector<16xi32>,
        %swap3A_221 = vector.shape_cast %swap3A_220 : vector<16xi32> to vector<16xi32>
        %swap3A_222 = vector.shape_cast %get3A_218 : vector<16xi32> to vector<16xi32>
        tpu.vector_store %arg13[%swap3A_219], %swap3A_222 {strides = array<i32>} : memref<80xi32, #tpu.memory_space<vmem>>, vector<16xi32>,
        %get3A_223 = arith.constant 112 : index
        %get3A_224 = tpu.vector_load %arg9[%get3A_223] {strides = array<i32>} : memref<160xi32, #tpu.memory_space<vmem>>, vector<16xi32>,
        %get3A_225 = vector.shape_cast %get3A_224 : vector<16xi32> to vector<16xi32>
        %swap3A_226 = arith.constant 32 : index
        %swap3A_227 = tpu.vector_load %arg13[%swap3A_226] {strides = array<i32>} : memref<80xi32, #tpu.memory_space<vmem>>, vector<16xi32>,
        %swap3A_228 = vector.shape_cast %swap3A_227 : vector<16xi32> to vector<16xi32>
        %swap3A_229 = vector.shape_cast %get3A_225 : vector<16xi32> to vector<16xi32>
        tpu.vector_store %arg13[%swap3A_226], %swap3A_229 {strides = array<i32>} : memref<80xi32, #tpu.memory_space<vmem>>, vector<16xi32>,
        %get3A_230 = arith.constant 128 : index
        %get3A_231 = tpu.vector_load %arg9[%get3A_230] {strides = array<i32>} : memref<160xi32, #tpu.memory_space<vmem>>, vector<16xi32>,
        %get3A_232 = vector.shape_cast %get3A_231 : vector<16xi32> to vector<16xi32>
        %swap3A_233 = arith.constant 48 : index
        %swap3A_234 = tpu.vector_load %arg13[%swap3A_233] {strides = array<i32>} : memref<80xi32, #tpu.memory_space<vmem>>, vector<16xi32>,
        %swap3A_235 = vector.shape_cast %swap3A_234 : vector<16xi32> to vector<16xi32>
        %swap3A_236 = vector.shape_cast %get3A_232 : vector<16xi32> to vector<16xi32>
        tpu.vector_store %arg13[%swap3A_233], %swap3A_236 {strides = array<i32>} : memref<80xi32, #tpu.memory_space<vmem>>, vector<16xi32>,
        %get3A_237 = arith.constant 144 : index
        %get3A_238 = tpu.vector_load %arg9[%get3A_237] {strides = array<i32>} : memref<160xi32, #tpu.memory_space<vmem>>, vector<16xi32>,
        %get3A_239 = vector.shape_cast %get3A_238 : vector<16xi32> to vector<16xi32>
        %swap3A_240 = arith.constant 64 : index
        %swap3A_241 = tpu.vector_load %arg13[%swap3A_240] {strides = array<i32>} : memref<80xi32, #tpu.memory_space<vmem>>, vector<16xi32>,
        %swap3A_242 = vector.shape_cast %swap3A_241 : vector<16xi32> to vector<16xi32>
        %swap3A_243 = vector.shape_cast %get3A_239 : vector<16xi32> to vector<16xi32>
        tpu.vector_store %arg13[%swap3A_240], %swap3A_243 {strides = array<i32>} : memref<80xi32, #tpu.memory_space<vmem>>, vector<16xi32>,
        %dma_start3A_244 = arith.constant 0 : i32
        %dma_start3A_245 = tpu.memref_slice %arg9[%dma_start3A_244] : memref<160xi32, #tpu.memory_space<vmem>> -> memref<80xi32, #tpu.memory_space<vmem>>
        %dma_start3A_246 = arith.constant 0 : i32
        %dma_start3A_247 = arith.constant 0 : i32
        %dma_start3A_248 = tpu.memref_slice %arg2[%dma_start3A_246, %dma_start3A_247] : memref<10000x128xf32, #tpu.memory_space<hbm>> -> memref<10000x128xf32, #tpu.memory_space<hbm>>
        tpu.enqueue_indirect_dma source(%dma_start3A_248 : memref<10000x128xf32, #tpu.memory_space<hbm>>) target(%arg17 : memref<80x128xf32, #tpu.memory_space<vmem>>) offsets(%dma_start3A_245 : memref<80xi32, #tpu.memory_space<vmem>>) semaphore(%arg22 : memref<!tpu.dma_semaphore, #tpu.memory_space<semaphore_mem>>)
      } else {
      }
      %add3A_160 = arith.constant 2 : i32
      %add3A_161 = arith.addi %mul3A_119, %add3A_160 : i32
      %dma_wait3A_162 = arith.constant 0 : i32
      %dma_wait3A_163 = tpu.memref_slice %arg8[%dma_wait3A_162] : memref<160xi32, #tpu.memory_space<vmem>> -> memref<80xi32, #tpu.memory_space<vmem>>
      %dma_wait3A_164 = arith.constant 0 : i32
      %dma_wait3A_165 = arith.constant 0 : i32
      %dma_wait3A_166 = tpu.memref_slice %arg2[%dma_wait3A_164, %dma_wait3A_165] : memref<10000x128xf32, #tpu.memory_space<hbm>> -> memref<10000x128xf32, #tpu.memory_space<hbm>>
      tpu.wait_indirect_dma semaphore(%arg21 : memref<!tpu.dma_semaphore, #tpu.memory_space<semaphore_mem>>) src(%dma_wait3A_166 : memref<10000x128xf32, #tpu.memory_space<hbm>>) dst(%arg16 : memref<80x128xf32, #tpu.memory_space<vmem>>)
      %dma_start3A_167 = arith.constant 0 : i32
      %dma_start3A_168 = arith.constant 0 : i32
      %dma_start3A_169 = tpu.memref_slice %arg18[%dma_start3A_167, %dma_start3A_168] : memref<10112x128xf32, #tpu.memory_space<vmem_shared>> -> memref<10112x128xf32, #tpu.memory_space<vmem_shared>>
      tpu.enqueue_indirect_dma source(%arg16 : memref<80x128xf32, #tpu.memory_space<vmem>>) target(%dma_start3A_169 : memref<10112x128xf32, #tpu.memory_space<vmem_shared>>) offsets(%arg12 : memref<80xi32, #tpu.memory_space<vmem>>) semaphore(%arg25 : memref<!tpu.dma_semaphore, #tpu.memory_space<semaphore_mem>>) {add = true}
      %ge3A_170 = arith.constant 2 : i32
      %ge3A_171 = arith.cmpi sge, %add3A_161, %ge3A_170 : i32
      %convert_element_type3A_172 = arith.extui %ge3A_171 : i1 to i32
      %cond3A_173 = arith.constant 0 : i32
      %cond3A_174 = arith.cmpi ne, %convert_element_type3A_172, %cond3A_173 : i32
      scf.if %cond3A_174 {
        %dma_wait3A_204 = arith.constant 0 : i32
        %dma_wait3A_205 = arith.constant 0 : i32
        %dma_wait3A_206 = tpu.memref_slice %arg18[%dma_wait3A_204, %dma_wait3A_205] : memref<10112x128xf32, #tpu.memory_space<vmem_shared>> -> memref<10112x128xf32, #tpu.memory_space<vmem_shared>>
        tpu.wait_indirect_dma semaphore(%arg23 : memref<!tpu.dma_semaphore, #tpu.memory_space<semaphore_mem>>) src(%arg14 : memref<80x128xf32, #tpu.memory_space<vmem>>) dst(%dma_wait3A_206 : memref<10112x128xf32, #tpu.memory_space<vmem_shared>>)
      } else {
      }
      %add3A_175 = arith.constant 2 : i32
      %add3A_176 = arith.addi %add3A_161, %add3A_175 : i32
      %lt3A_177 = arith.constant 125 : i32
      %lt3A_178 = arith.cmpi slt, %add3A_176, %lt3A_177 : i32
      %convert_element_type3A_179 = arith.extui %lt3A_178 : i1 to i32
      %cond3A_180 = arith.constant 0 : i32
      %cond3A_181 = arith.cmpi ne, %convert_element_type3A_179, %cond3A_180 : i32
      scf.if %cond3A_181 {
        %add3A_204 = arith.constant 2 : i32
        %add3A_205 = arith.addi %add3A_161, %add3A_204 : i32
        %mul3A_206 = arith.constant 160 : i32
        %mul3A_207 = arith.muli %add3A_205, %mul3A_206 : i32
        %add3A_208 = arith.addi %mul3A_4, %mul3A_207 : i32
        "tpu.region"() ({
          %run_scoped3A = tpu.sem_alloc : memref<!tpu.dma_semaphore, #tpu.memory_space<semaphore_mem>>
          %dma_start3A_249 = tpu.memref_slice %arg3[%add3A_208] : memref<640000xi32, #tpu.memory_space<hbm>> -> memref<160xi32, #tpu.memory_space<hbm>>
          %dma_start3A_250 = tpu.memref_slice %arg3[%add3A_208] : memref<640000xi32, #tpu.memory_space<hbm>> -> memref<160xi32, #tpu.memory_space<hbm>>
          tpu.enqueue_dma source(%dma_start3A_250 : memref<160xi32, #tpu.memory_space<hbm>>) target(%arg6 : memref<160xi32, #tpu.memory_space<vmem>>) target_semaphore(%run_scoped3A : memref<!tpu.dma_semaphore, #tpu.memory_space<semaphore_mem>>)
          %dma_wait3A_251 = tpu.memref_slice %arg3[%add3A_208] : memref<640000xi32, #tpu.memory_space<hbm>> -> memref<160xi32, #tpu.memory_space<hbm>>
          %dma_wait3A_252 = tpu.memref_slice %arg3[%add3A_208] : memref<640000xi32, #tpu.memory_space<hbm>> -> memref<160xi32, #tpu.memory_space<hbm>>
          tpu.wait_dma2 semaphore(%run_scoped3A : memref<!tpu.dma_semaphore, #tpu.memory_space<semaphore_mem>>) src(%dma_wait3A_252 : memref<160xi32, #tpu.memory_space<hbm>>) dst(%arg6 : memref<160xi32, #tpu.memory_space<vmem>>)
          tpu.yield
        }) : () -> ()
        %get3A_209 = arith.constant 80 : index
        %get3A_210 = tpu.vector_load %arg6[%get3A_209] {strides = array<i32>} : memref<160xi32, #tpu.memory_space<vmem>>, vector<16xi32>,
        %get3A_211 = vector.shape_cast %get3A_210 : vector<16xi32> to vector<16xi32>
        %swap3A_212 = arith.constant 0 : index
        %swap3A_213 = tpu.vector_load %arg10[%swap3A_212] {strides = array<i32>} : memref<80xi32, #tpu.memory_space<vmem>>, vector<16xi32>,
        %swap3A_214 = vector.shape_cast %swap3A_213 : vector<16xi32> to vector<16xi32>
        %swap3A_215 = vector.shape_cast %get3A_211 : vector<16xi32> to vector<16xi32>
        tpu.vector_store %arg10[%swap3A_212], %swap3A_215 {strides = array<i32>} : memref<80xi32, #tpu.memory_space<vmem>>, vector<16xi32>,
        %get3A_216 = arith.constant 96 : index
        %get3A_217 = tpu.vector_load %arg6[%get3A_216] {strides = array<i32>} : memref<160xi32, #tpu.memory_space<vmem>>, vector<16xi32>,
        %get3A_218 = vector.shape_cast %get3A_217 : vector<16xi32> to vector<16xi32>
        %swap3A_219 = arith.constant 16 : index
        %swap3A_220 = tpu.vector_load %arg10[%swap3A_219] {strides = array<i32>} : memref<80xi32, #tpu.memory_space<vmem>>, vector<16xi32>,
        %swap3A_221 = vector.shape_cast %swap3A_220 : vector<16xi32> to vector<16xi32>
        %swap3A_222 = vector.shape_cast %get3A_218 : vector<16xi32> to vector<16xi32>
        tpu.vector_store %arg10[%swap3A_219], %swap3A_222 {strides = array<i32>} : memref<80xi32, #tpu.memory_space<vmem>>, vector<16xi32>,
        %get3A_223 = arith.constant 112 : index
        %get3A_224 = tpu.vector_load %arg6[%get3A_223] {strides = array<i32>} : memref<160xi32, #tpu.memory_space<vmem>>, vector<16xi32>,
        %get3A_225 = vector.shape_cast %get3A_224 : vector<16xi32> to vector<16xi32>
        %swap3A_226 = arith.constant 32 : index
        %swap3A_227 = tpu.vector_load %arg10[%swap3A_226] {strides = array<i32>} : memref<80xi32, #tpu.memory_space<vmem>>, vector<16xi32>,
        %swap3A_228 = vector.shape_cast %swap3A_227 : vector<16xi32> to vector<16xi32>
        %swap3A_229 = vector.shape_cast %get3A_225 : vector<16xi32> to vector<16xi32>
        tpu.vector_store %arg10[%swap3A_226], %swap3A_229 {strides = array<i32>} : memref<80xi32, #tpu.memory_space<vmem>>, vector<16xi32>,
        %get3A_230 = arith.constant 128 : index
        %get3A_231 = tpu.vector_load %arg6[%get3A_230] {strides = array<i32>} : memref<160xi32, #tpu.memory_space<vmem>>, vector<16xi32>,
        %get3A_232 = vector.shape_cast %get3A_231 : vector<16xi32> to vector<16xi32>
        %swap3A_233 = arith.constant 48 : index
        %swap3A_234 = tpu.vector_load %arg10[%swap3A_233] {strides = array<i32>} : memref<80xi32, #tpu.memory_space<vmem>>, vector<16xi32>,
        %swap3A_235 = vector.shape_cast %swap3A_234 : vector<16xi32> to vector<16xi32>
        %swap3A_236 = vector.shape_cast %get3A_232 : vector<16xi32> to vector<16xi32>
        tpu.vector_store %arg10[%swap3A_233], %swap3A_236 {strides = array<i32>} : memref<80xi32, #tpu.memory_space<vmem>>, vector<16xi32>,
        %get3A_237 = arith.constant 144 : index
        %get3A_238 = tpu.vector_load %arg6[%get3A_237] {strides = array<i32>} : memref<160xi32, #tpu.memory_space<vmem>>, vector<16xi32>,
        %get3A_239 = vector.shape_cast %get3A_238 : vector<16xi32> to vector<16xi32>
        %swap3A_240 = arith.constant 64 : index
        %swap3A_241 = tpu.vector_load %arg10[%swap3A_240] {strides = array<i32>} : memref<80xi32, #tpu.memory_space<vmem>>, vector<16xi32>,
        %swap3A_242 = vector.shape_cast %swap3A_241 : vector<16xi32> to vector<16xi32>
        %swap3A_243 = vector.shape_cast %get3A_239 : vector<16xi32> to vector<16xi32>
        tpu.vector_store %arg10[%swap3A_240], %swap3A_243 {strides = array<i32>} : memref<80xi32, #tpu.memory_space<vmem>>, vector<16xi32>,
        %dma_start3A_244 = arith.constant 0 : i32
        %dma_start3A_245 = tpu.memref_slice %arg6[%dma_start3A_244] : memref<160xi32, #tpu.memory_space<vmem>> -> memref<80xi32, #tpu.memory_space<vmem>>
        %dma_start3A_246 = arith.constant 0 : i32
        %dma_start3A_247 = arith.constant 0 : i32
        %dma_start3A_248 = tpu.memref_slice %arg2[%dma_start3A_246, %dma_start3A_247] : memref<10000x128xf32, #tpu.memory_space<hbm>> -> memref<10000x128xf32, #tpu.memory_space<hbm>>
        tpu.enqueue_indirect_dma source(%dma_start3A_248 : memref<10000x128xf32, #tpu.memory_space<hbm>>) target(%arg14 : memref<80x128xf32, #tpu.memory_space<vmem>>) offsets(%dma_start3A_245 : memref<80xi32, #tpu.memory_space<vmem>>) semaphore(%arg19 : memref<!tpu.dma_semaphore, #tpu.memory_space<semaphore_mem>>)
      } else {
      }
      %add3A_182 = arith.constant 3 : i32
      %add3A_183 = arith.addi %mul3A_119, %add3A_182 : i32
      %dma_wait3A_184 = arith.constant 0 : i32
      %dma_wait3A_185 = tpu.memref_slice %arg9[%dma_wait3A_184] : memref<160xi32, #tpu.memory_space<vmem>> -> memref<80xi32, #tpu.memory_space<vmem>>
      %dma_wait3A_186 = arith.constant 0 : i32
      %dma_wait3A_187 = arith.constant 0 : i32
      %dma_wait3A_188 = tpu.memref_slice %arg2[%dma_wait3A_186, %dma_wait3A_187] : memref<10000x128xf32, #tpu.memory_space<hbm>> -> memref<10000x128xf32, #tpu.memory_space<hbm>>
      tpu.wait_indirect_dma semaphore(%arg22 : memref<!tpu.dma_semaphore, #tpu.memory_space<semaphore_mem>>) src(%dma_wait3A_188 : memref<10000x128xf32, #tpu.memory_space<hbm>>) dst(%arg17 : memref<80x128xf32, #tpu.memory_space<vmem>>)
      %dma_start3A_189 = arith.constant 0 : i32
      %dma_start3A_190 = arith.constant 0 : i32
      %dma_start3A_191 = tpu.memref_slice %arg18[%dma_start3A_189, %dma_start3A_190] : memref<10112x128xf32, #tpu.memory_space<vmem_shared>> -> memref<10112x128xf32, #tpu.memory_space<vmem_shared>>
      tpu.enqueue_indirect_dma source(%arg17 : memref<80x128xf32, #tpu.memory_space<vmem>>) target(%dma_start3A_191 : memref<10112x128xf32, #tpu.memory_space<vmem_shared>>) offsets(%arg13 : memref<80xi32, #tpu.memory_space<vmem>>) semaphore(%arg26 : memref<!tpu.dma_semaphore, #tpu.memory_space<semaphore_mem>>) {add = true}
      %ge3A_192 = arith.constant 2 : i32
      %ge3A_193 = arith.cmpi sge, %add3A_183, %ge3A_192 : i32
      %convert_element_type3A_194 = arith.extui %ge3A_193 : i1 to i32
      %cond3A_195 = arith.constant 0 : i32
      %cond3A_196 = arith.cmpi ne, %convert_element_type3A_194, %cond3A_195 : i32
      scf.if %cond3A_196 {
        %dma_wait3A_204 = arith.constant 0 : i32
        %dma_wait3A_205 = arith.constant 0 : i32
        %dma_wait3A_206 = tpu.memref_slice %arg18[%dma_wait3A_204, %dma_wait3A_205] : memref<10112x128xf32, #tpu.memory_space<vmem_shared>> -> memref<10112x128xf32, #tpu.memory_space<vmem_shared>>
        tpu.wait_indirect_dma semaphore(%arg24 : memref<!tpu.dma_semaphore, #tpu.memory_space<semaphore_mem>>) src(%arg15 : memref<80x128xf32, #tpu.memory_space<vmem>>) dst(%dma_wait3A_206 : memref<10112x128xf32, #tpu.memory_space<vmem_shared>>)
      } else {
      }
      %add3A_197 = arith.constant 2 : i32
      %add3A_198 = arith.addi %add3A_183, %add3A_197 : i32
      %lt3A_199 = arith.constant 125 : i32
      %lt3A_200 = arith.cmpi slt, %add3A_198, %lt3A_199 : i32
      %convert_element_type3A_201 = arith.extui %lt3A_200 : i1 to i32
      %cond3A_202 = arith.constant 0 : i32
      %cond3A_203 = arith.cmpi ne, %convert_element_type3A_201, %cond3A_202 : i32
      scf.if %cond3A_203 {
        %add3A_204 = arith.constant 2 : i32
        %add3A_205 = arith.addi %add3A_183, %add3A_204 : i32
        %mul3A_206 = arith.constant 160 : i32
        %mul3A_207 = arith.muli %add3A_205, %mul3A_206 : i32
        %add3A_208 = arith.addi %mul3A_4, %mul3A_207 : i32
        "tpu.region"() ({
          %run_scoped3A = tpu.sem_alloc : memref<!tpu.dma_semaphore, #tpu.memory_space<semaphore_mem>>
          %dma_start3A_249 = tpu.memref_slice %arg3[%add3A_208] : memref<640000xi32, #tpu.memory_space<hbm>> -> memref<160xi32, #tpu.memory_space<hbm>>
          %dma_start3A_250 = tpu.memref_slice %arg3[%add3A_208] : memref<640000xi32, #tpu.memory_space<hbm>> -> memref<160xi32, #tpu.memory_space<hbm>>
          tpu.enqueue_dma source(%dma_start3A_250 : memref<160xi32, #tpu.memory_space<hbm>>) target(%arg7 : memref<160xi32, #tpu.memory_space<vmem>>) target_semaphore(%run_scoped3A : memref<!tpu.dma_semaphore, #tpu.memory_space<semaphore_mem>>)
          %dma_wait3A_251 = tpu.memref_slice %arg3[%add3A_208] : memref<640000xi32, #tpu.memory_space<hbm>> -> memref<160xi32, #tpu.memory_space<hbm>>
          %dma_wait3A_252 = tpu.memref_slice %arg3[%add3A_208] : memref<640000xi32, #tpu.memory_space<hbm>> -> memref<160xi32, #tpu.memory_space<hbm>>
          tpu.wait_dma2 semaphore(%run_scoped3A : memref<!tpu.dma_semaphore, #tpu.memory_space<semaphore_mem>>) src(%dma_wait3A_252 : memref<160xi32, #tpu.memory_space<hbm>>) dst(%arg7 : memref<160xi32, #tpu.memory_space<vmem>>)
          tpu.yield
        }) : () -> ()
        %get3A_209 = arith.constant 80 : index
        %get3A_210 = tpu.vector_load %arg7[%get3A_209] {strides = array<i32>} : memref<160xi32, #tpu.memory_space<vmem>>, vector<16xi32>,
        %get3A_211 = vector.shape_cast %get3A_210 : vector<16xi32> to vector<16xi32>
        %swap3A_212 = arith.constant 0 : index
        %swap3A_213 = tpu.vector_load %arg11[%swap3A_212] {strides = array<i32>} : memref<80xi32, #tpu.memory_space<vmem>>, vector<16xi32>,
        %swap3A_214 = vector.shape_cast %swap3A_213 : vector<16xi32> to vector<16xi32>
        %swap3A_215 = vector.shape_cast %get3A_211 : vector<16xi32> to vector<16xi32>
        tpu.vector_store %arg11[%swap3A_212], %swap3A_215 {strides = array<i32>} : memref<80xi32, #tpu.memory_space<vmem>>, vector<16xi32>,
        %get3A_216 = arith.constant 96 : index
        %get3A_217 = tpu.vector_load %arg7[%get3A_216] {strides = array<i32>} : memref<160xi32, #tpu.memory_space<vmem>>, vector<16xi32>,
        %get3A_218 = vector.shape_cast %get3A_217 : vector<16xi32> to vector<16xi32>
        %swap3A_219 = arith.constant 16 : index
        %swap3A_220 = tpu.vector_load %arg11[%swap3A_219] {strides = array<i32>} : memref<80xi32, #tpu.memory_space<vmem>>, vector<16xi32>,
        %swap3A_221 = vector.shape_cast %swap3A_220 : vector<16xi32> to vector<16xi32>
        %swap3A_222 = vector.shape_cast %get3A_218 : vector<16xi32> to vector<16xi32>
        tpu.vector_store %arg11[%swap3A_219], %swap3A_222 {strides = array<i32>} : memref<80xi32, #tpu.memory_space<vmem>>, vector<16xi32>,
        %get3A_223 = arith.constant 112 : index
        %get3A_224 = tpu.vector_load %arg7[%get3A_223] {strides = array<i32>} : memref<160xi32, #tpu.memory_space<vmem>>, vector<16xi32>,
        %get3A_225 = vector.shape_cast %get3A_224 : vector<16xi32> to vector<16xi32>
        %swap3A_226 = arith.constant 32 : index
        %swap3A_227 = tpu.vector_load %arg11[%swap3A_226] {strides = array<i32>} : memref<80xi32, #tpu.memory_space<vmem>>, vector<16xi32>,
        %swap3A_228 = vector.shape_cast %swap3A_227 : vector<16xi32> to vector<16xi32>
        %swap3A_229 = vector.shape_cast %get3A_225 : vector<16xi32> to vector<16xi32>
        tpu.vector_store %arg11[%swap3A_226], %swap3A_229 {strides = array<i32>} : memref<80xi32, #tpu.memory_space<vmem>>, vector<16xi32>,
        %get3A_230 = arith.constant 128 : index
        %get3A_231 = tpu.vector_load %arg7[%get3A_230] {strides = array<i32>} : memref<160xi32, #tpu.memory_space<vmem>>, vector<16xi32>,
        %get3A_232 = vector.shape_cast %get3A_231 : vector<16xi32> to vector<16xi32>
        %swap3A_233 = arith.constant 48 : index
        %swap3A_234 = tpu.vector_load %arg11[%swap3A_233] {strides = array<i32>} : memref<80xi32, #tpu.memory_space<vmem>>, vector<16xi32>,
        %swap3A_235 = vector.shape_cast %swap3A_234 : vector<16xi32> to vector<16xi32>
        %swap3A_236 = vector.shape_cast %get3A_232 : vector<16xi32> to vector<16xi32>
        tpu.vector_store %arg11[%swap3A_233], %swap3A_236 {strides = array<i32>} : memref<80xi32, #tpu.memory_space<vmem>>, vector<16xi32>,
        %get3A_237 = arith.constant 144 : index
        %get3A_238 = tpu.vector_load %arg7[%get3A_237] {strides = array<i32>} : memref<160xi32, #tpu.memory_space<vmem>>, vector<16xi32>,
        %get3A_239 = vector.shape_cast %get3A_238 : vector<16xi32> to vector<16xi32>
        %swap3A_240 = arith.constant 64 : index
        %swap3A_241 = tpu.vector_load %arg11[%swap3A_240] {strides = array<i32>} : memref<80xi32, #tpu.memory_space<vmem>>, vector<16xi32>,
        %swap3A_242 = vector.shape_cast %swap3A_241 : vector<16xi32> to vector<16xi32>
        %swap3A_243 = vector.shape_cast %get3A_239 : vector<16xi32> to vector<16xi32>
        tpu.vector_store %arg11[%swap3A_240], %swap3A_243 {strides = array<i32>} : memref<80xi32, #tpu.memory_space<vmem>>, vector<16xi32>,
        %dma_start3A_244 = arith.constant 0 : i32
        %dma_start3A_245 = tpu.memref_slice %arg7[%dma_start3A_244] : memref<160xi32, #tpu.memory_space<vmem>> -> memref<80xi32, #tpu.memory_space<vmem>>
        %dma_start3A_246 = arith.constant 0 : i32
        %dma_start3A_247 = arith.constant 0 : i32
        %dma_start3A_248 = tpu.memref_slice %arg2[%dma_start3A_246, %dma_start3A_247] : memref<10000x128xf32, #tpu.memory_space<hbm>> -> memref<10000x128xf32, #tpu.memory_space<hbm>>
        tpu.enqueue_indirect_dma source(%dma_start3A_248 : memref<10000x128xf32, #tpu.memory_space<hbm>>) target(%arg15 : memref<80x128xf32, #tpu.memory_space<vmem>>) offsets(%dma_start3A_245 : memref<80xi32, #tpu.memory_space<vmem>>) semaphore(%arg20 : memref<!tpu.dma_semaphore, #tpu.memory_space<semaphore_mem>>)
      } else {
      }
    }
    %while3A_99 = arith.constant 1 : i32
    scf.for %while3A_117 = %while3A_97 to %while3A_93 step %while3A_99  : i32 {
      %mul3A_118 = arith.constant 4 : i32
      %mul3A_119 = arith.muli %mul3A_118, %while3A_117 : i32
      %add3A_120 = arith.constant 0 : i32
      %add3A_121 = arith.addi %mul3A_119, %add3A_120 : i32
      %dma_wait3A_122 = arith.constant 0 : i32
      %dma_wait3A_123 = tpu.memref_slice %arg6[%dma_wait3A_122] : memref<160xi32, #tpu.memory_space<vmem>> -> memref<80xi32, #tpu.memory_space<vmem>>
      %dma_wait3A_124 = arith.constant 0 : i32
      %dma_wait3A_125 = arith.constant 0 : i32
      %dma_wait3A_126 = tpu.memref_slice %arg2[%dma_wait3A_124, %dma_wait3A_125] : memref<10000x128xf32, #tpu.memory_space<hbm>> -> memref<10000x128xf32, #tpu.memory_space<hbm>>
      tpu.wait_indirect_dma semaphore(%arg19 : memref<!tpu.dma_semaphore, #tpu.memory_space<semaphore_mem>>) src(%dma_wait3A_126 : memref<10000x128xf32, #tpu.memory_space<hbm>>) dst(%arg14 : memref<80x128xf32, #tpu.memory_space<vmem>>)
      %dma_start3A_127 = arith.constant 0 : i32
      %dma_start3A_128 = arith.constant 0 : i32
      %dma_start3A_129 = tpu.memref_slice %arg18[%dma_start3A_127, %dma_start3A_128] : memref<10112x128xf32, #tpu.memory_space<vmem_shared>> -> memref<10112x128xf32, #tpu.memory_space<vmem_shared>>
      tpu.enqueue_indirect_dma source(%arg14 : memref<80x128xf32, #tpu.memory_space<vmem>>) target(%dma_start3A_129 : memref<10112x128xf32, #tpu.memory_space<vmem_shared>>) offsets(%arg10 : memref<80xi32, #tpu.memory_space<vmem>>) semaphore(%arg23 : memref<!tpu.dma_semaphore, #tpu.memory_space<semaphore_mem>>) {add = true}
      %ge3A = arith.constant 2 : i32
      %ge3A_130 = arith.cmpi sge, %add3A_121, %ge3A : i32
      %convert_element_type3A = arith.extui %ge3A_130 : i1 to i32
      %cond3A = arith.constant 0 : i32
      %cond3A_131 = arith.cmpi ne, %convert_element_type3A, %cond3A : i32
      scf.if %cond3A_131 {
        %dma_wait3A_204 = arith.constant 0 : i32
        %dma_wait3A_205 = arith.constant 0 : i32
        %dma_wait3A_206 = tpu.memref_slice %arg18[%dma_wait3A_204, %dma_wait3A_205] : memref<10112x128xf32, #tpu.memory_space<vmem_shared>> -> memref<10112x128xf32, #tpu.memory_space<vmem_shared>>
        tpu.wait_indirect_dma semaphore(%arg25 : memref<!tpu.dma_semaphore, #tpu.memory_space<semaphore_mem>>) src(%arg16 : memref<80x128xf32, #tpu.memory_space<vmem>>) dst(%dma_wait3A_206 : memref<10112x128xf32, #tpu.memory_space<vmem_shared>>)
      } else {
      }
      %add3A_132 = arith.constant 2 : i32
      %add3A_133 = arith.addi %add3A_121, %add3A_132 : i32
      %lt3A = arith.constant 125 : i32
      %lt3A_134 = arith.cmpi slt, %add3A_133, %lt3A : i32
      %convert_element_type3A_135 = arith.extui %lt3A_134 : i1 to i32
      %cond3A_136 = arith.constant 0 : i32
      %cond3A_137 = arith.cmpi ne, %convert_element_type3A_135, %cond3A_136 : i32
      scf.if %cond3A_137 {
        %add3A_204 = arith.constant 2 : i32
        %add3A_205 = arith.addi %add3A_121, %add3A_204 : i32
        %mul3A_206 = arith.constant 160 : i32
        %mul3A_207 = arith.muli %add3A_205, %mul3A_206 : i32
        %add3A_208 = arith.addi %mul3A_4, %mul3A_207 : i32
        "tpu.region"() ({
          %run_scoped3A = tpu.sem_alloc : memref<!tpu.dma_semaphore, #tpu.memory_space<semaphore_mem>>
          %dma_start3A_249 = tpu.memref_slice %arg3[%add3A_208] : memref<640000xi32, #tpu.memory_space<hbm>> -> memref<160xi32, #tpu.memory_space<hbm>>
          %dma_start3A_250 = tpu.memref_slice %arg3[%add3A_208] : memref<640000xi32, #tpu.memory_space<hbm>> -> memref<160xi32, #tpu.memory_space<hbm>>
          tpu.enqueue_dma source(%dma_start3A_250 : memref<160xi32, #tpu.memory_space<hbm>>) target(%arg8 : memref<160xi32, #tpu.memory_space<vmem>>) target_semaphore(%run_scoped3A : memref<!tpu.dma_semaphore, #tpu.memory_space<semaphore_mem>>)
          %dma_wait3A_251 = tpu.memref_slice %arg3[%add3A_208] : memref<640000xi32, #tpu.memory_space<hbm>> -> memref<160xi32, #tpu.memory_space<hbm>>
          %dma_wait3A_252 = tpu.memref_slice %arg3[%add3A_208] : memref<640000xi32, #tpu.memory_space<hbm>> -> memref<160xi32, #tpu.memory_space<hbm>>
          tpu.wait_dma2 semaphore(%run_scoped3A : memref<!tpu.dma_semaphore, #tpu.memory_space<semaphore_mem>>) src(%dma_wait3A_252 : memref<160xi32, #tpu.memory_space<hbm>>) dst(%arg8 : memref<160xi32, #tpu.memory_space<vmem>>)
          tpu.yield
        }) : () -> ()
        %get3A_209 = arith.constant 80 : index
        %get3A_210 = tpu.vector_load %arg8[%get3A_209] {strides = array<i32>} : memref<160xi32, #tpu.memory_space<vmem>>, vector<16xi32>,
        %get3A_211 = vector.shape_cast %get3A_210 : vector<16xi32> to vector<16xi32>
        %swap3A_212 = arith.constant 0 : index
        %swap3A_213 = tpu.vector_load %arg12[%swap3A_212] {strides = array<i32>} : memref<80xi32, #tpu.memory_space<vmem>>, vector<16xi32>,
        %swap3A_214 = vector.shape_cast %swap3A_213 : vector<16xi32> to vector<16xi32>
        %swap3A_215 = vector.shape_cast %get3A_211 : vector<16xi32> to vector<16xi32>
        tpu.vector_store %arg12[%swap3A_212], %swap3A_215 {strides = array<i32>} : memref<80xi32, #tpu.memory_space<vmem>>, vector<16xi32>,
        %get3A_216 = arith.constant 96 : index
        %get3A_217 = tpu.vector_load %arg8[%get3A_216] {strides = array<i32>} : memref<160xi32, #tpu.memory_space<vmem>>, vector<16xi32>,
        %get3A_218 = vector.shape_cast %get3A_217 : vector<16xi32> to vector<16xi32>
        %swap3A_219 = arith.constant 16 : index
        %swap3A_220 = tpu.vector_load %arg12[%swap3A_219] {strides = array<i32>} : memref<80xi32, #tpu.memory_space<vmem>>, vector<16xi32>,
        %swap3A_221 = vector.shape_cast %swap3A_220 : vector<16xi32> to vector<16xi32>
        %swap3A_222 = vector.shape_cast %get3A_218 : vector<16xi32> to vector<16xi32>
        tpu.vector_store %arg12[%swap3A_219], %swap3A_222 {strides = array<i32>} : memref<80xi32, #tpu.memory_space<vmem>>, vector<16xi32>,
        %get3A_223 = arith.constant 112 : index
        %get3A_224 = tpu.vector_load %arg8[%get3A_223] {strides = array<i32>} : memref<160xi32, #tpu.memory_space<vmem>>, vector<16xi32>,
        %get3A_225 = vector.shape_cast %get3A_224 : vector<16xi32> to vector<16xi32>
        %swap3A_226 = arith.constant 32 : index
        %swap3A_227 = tpu.vector_load %arg12[%swap3A_226] {strides = array<i32>} : memref<80xi32, #tpu.memory_space<vmem>>, vector<16xi32>,
        %swap3A_228 = vector.shape_cast %swap3A_227 : vector<16xi32> to vector<16xi32>
        %swap3A_229 = vector.shape_cast %get3A_225 : vector<16xi32> to vector<16xi32>
        tpu.vector_store %arg12[%swap3A_226], %swap3A_229 {strides = array<i32>} : memref<80xi32, #tpu.memory_space<vmem>>, vector<16xi32>,
        %get3A_230 = arith.constant 128 : index
        %get3A_231 = tpu.vector_load %arg8[%get3A_230] {strides = array<i32>} : memref<160xi32, #tpu.memory_space<vmem>>, vector<16xi32>,
        %get3A_232 = vector.shape_cast %get3A_231 : vector<16xi32> to vector<16xi32>
        %swap3A_233 = arith.constant 48 : index
        %swap3A_234 = tpu.vector_load %arg12[%swap3A_233] {strides = array<i32>} : memref<80xi32, #tpu.memory_space<vmem>>, vector<16xi32>,
        %swap3A_235 = vector.shape_cast %swap3A_234 : vector<16xi32> to vector<16xi32>
        %swap3A_236 = vector.shape_cast %get3A_232 : vector<16xi32> to vector<16xi32>
        tpu.vector_store %arg12[%swap3A_233], %swap3A_236 {strides = array<i32>} : memref<80xi32, #tpu.memory_space<vmem>>, vector<16xi32>,
        %get3A_237 = arith.constant 144 : index
        %get3A_238 = tpu.vector_load %arg8[%get3A_237] {strides = array<i32>} : memref<160xi32, #tpu.memory_space<vmem>>, vector<16xi32>,
        %get3A_239 = vector.shape_cast %get3A_238 : vector<16xi32> to vector<16xi32>
        %swap3A_240 = arith.constant 64 : index
        %swap3A_241 = tpu.vector_load %arg12[%swap3A_240] {strides = array<i32>} : memref<80xi32, #tpu.memory_space<vmem>>, vector<16xi32>,
        %swap3A_242 = vector.shape_cast %swap3A_241 : vector<16xi32> to vector<16xi32>
        %swap3A_243 = vector.shape_cast %get3A_239 : vector<16xi32> to vector<16xi32>
        tpu.vector_store %arg12[%swap3A_240], %swap3A_243 {strides = array<i32>} : memref<80xi32, #tpu.memory_space<vmem>>, vector<16xi32>,
        %dma_start3A_244 = arith.constant 0 : i32
        %dma_start3A_245 = tpu.memref_slice %arg8[%dma_start3A_244] : memref<160xi32, #tpu.memory_space<vmem>> -> memref<80xi32, #tpu.memory_space<vmem>>
        %dma_start3A_246 = arith.constant 0 : i32
        %dma_start3A_247 = arith.constant 0 : i32
        %dma_start3A_248 = tpu.memref_slice %arg2[%dma_start3A_246, %dma_start3A_247] : memref<10000x128xf32, #tpu.memory_space<hbm>> -> memref<10000x128xf32, #tpu.memory_space<hbm>>
        tpu.enqueue_indirect_dma source(%dma_start3A_248 : memref<10000x128xf32, #tpu.memory_space<hbm>>) target(%arg16 : memref<80x128xf32, #tpu.memory_space<vmem>>) offsets(%dma_start3A_245 : memref<80xi32, #tpu.memory_space<vmem>>) semaphore(%arg21 : memref<!tpu.dma_semaphore, #tpu.memory_space<semaphore_mem>>)
      } else {
      }
      %add3A_138 = arith.constant 1 : i32
      %add3A_139 = arith.addi %mul3A_119, %add3A_138 : i32
      %dma_wait3A_140 = arith.constant 0 : i32
      %dma_wait3A_141 = tpu.memref_slice %arg7[%dma_wait3A_140] : memref<160xi32, #tpu.memory_space<vmem>> -> memref<80xi32, #tpu.memory_space<vmem>>
      %dma_wait3A_142 = arith.constant 0 : i32
      %dma_wait3A_143 = arith.constant 0 : i32
      %dma_wait3A_144 = tpu.memref_slice %arg2[%dma_wait3A_142, %dma_wait3A_143] : memref<10000x128xf32, #tpu.memory_space<hbm>> -> memref<10000x128xf32, #tpu.memory_space<hbm>>
      tpu.wait_indirect_dma semaphore(%arg20 : memref<!tpu.dma_semaphore, #tpu.memory_space<semaphore_mem>>) src(%dma_wait3A_144 : memref<10000x128xf32, #tpu.memory_space<hbm>>) dst(%arg15 : memref<80x128xf32, #tpu.memory_space<vmem>>)
      %dma_start3A_145 = arith.constant 0 : i32
      %dma_start3A_146 = arith.constant 0 : i32
      %dma_start3A_147 = tpu.memref_slice %arg18[%dma_start3A_145, %dma_start3A_146] : memref<10112x128xf32, #tpu.memory_space<vmem_shared>> -> memref<10112x128xf32, #tpu.memory_space<vmem_shared>>
      tpu.enqueue_indirect_dma source(%arg15 : memref<80x128xf32, #tpu.memory_space<vmem>>) target(%dma_start3A_147 : memref<10112x128xf32, #tpu.memory_space<vmem_shared>>) offsets(%arg11 : memref<80xi32, #tpu.memory_space<vmem>>) semaphore(%arg24 : memref<!tpu.dma_semaphore, #tpu.memory_space<semaphore_mem>>) {add = true}
      %ge3A_148 = arith.constant 2 : i32
      %ge3A_149 = arith.cmpi sge, %add3A_139, %ge3A_148 : i32
      %convert_element_type3A_150 = arith.extui %ge3A_149 : i1 to i32
      %cond3A_151 = arith.constant 0 : i32
      %cond3A_152 = arith.cmpi ne, %convert_element_type3A_150, %cond3A_151 : i32
      scf.if %cond3A_152 {
        %dma_wait3A_204 = arith.constant 0 : i32
        %dma_wait3A_205 = arith.constant 0 : i32
        %dma_wait3A_206 = tpu.memref_slice %arg18[%dma_wait3A_204, %dma_wait3A_205] : memref<10112x128xf32, #tpu.memory_space<vmem_shared>> -> memref<10112x128xf32, #tpu.memory_space<vmem_shared>>
        tpu.wait_indirect_dma semaphore(%arg26 : memref<!tpu.dma_semaphore, #tpu.memory_space<semaphore_mem>>) src(%arg17 : memref<80x128xf32, #tpu.memory_space<vmem>>) dst(%dma_wait3A_206 : memref<10112x128xf32, #tpu.memory_space<vmem_shared>>)
      } else {
      }
      %add3A_153 = arith.constant 2 : i32
      %add3A_154 = arith.addi %add3A_139, %add3A_153 : i32
      %lt3A_155 = arith.constant 125 : i32
      %lt3A_156 = arith.cmpi slt, %add3A_154, %lt3A_155 : i32
      %convert_element_type3A_157 = arith.extui %lt3A_156 : i1 to i32
      %cond3A_158 = arith.constant 0 : i32
      %cond3A_159 = arith.cmpi ne, %convert_element_type3A_157, %cond3A_158 : i32
      scf.if %cond3A_159 {
        %add3A_204 = arith.constant 2 : i32
        %add3A_205 = arith.addi %add3A_139, %add3A_204 : i32
        %mul3A_206 = arith.constant 160 : i32
        %mul3A_207 = arith.muli %add3A_205, %mul3A_206 : i32
        %add3A_208 = arith.addi %mul3A_4, %mul3A_207 : i32
        "tpu.region"() ({
          %run_scoped3A = tpu.sem_alloc : memref<!tpu.dma_semaphore, #tpu.memory_space<semaphore_mem>>
          %dma_start3A_249 = tpu.memref_slice %arg3[%add3A_208] : memref<640000xi32, #tpu.memory_space<hbm>> -> memref<160xi32, #tpu.memory_space<hbm>>
          %dma_start3A_250 = tpu.memref_slice %arg3[%add3A_208] : memref<640000xi32, #tpu.memory_space<hbm>> -> memref<160xi32, #tpu.memory_space<hbm>>
          tpu.enqueue_dma source(%dma_start3A_250 : memref<160xi32, #tpu.memory_space<hbm>>) target(%arg9 : memref<160xi32, #tpu.memory_space<vmem>>) target_semaphore(%run_scoped3A : memref<!tpu.dma_semaphore, #tpu.memory_space<semaphore_mem>>)
          %dma_wait3A_251 = tpu.memref_slice %arg3[%add3A_208] : memref<640000xi32, #tpu.memory_space<hbm>> -> memref<160xi32, #tpu.memory_space<hbm>>
          %dma_wait3A_252 = tpu.memref_slice %arg3[%add3A_208] : memref<640000xi32, #tpu.memory_space<hbm>> -> memref<160xi32, #tpu.memory_space<hbm>>
          tpu.wait_dma2 semaphore(%run_scoped3A : memref<!tpu.dma_semaphore, #tpu.memory_space<semaphore_mem>>) src(%dma_wait3A_252 : memref<160xi32, #tpu.memory_space<hbm>>) dst(%arg9 : memref<160xi32, #tpu.memory_space<vmem>>)
          tpu.yield
        }) : () -> ()
        %get3A_209 = arith.constant 80 : index
        %get3A_210 = tpu.vector_load %arg9[%get3A_209] {strides = array<i32>} : memref<160xi32, #tpu.memory_space<vmem>>, vector<16xi32>,
        %get3A_211 = vector.shape_cast %get3A_210 : vector<16xi32> to vector<16xi32>
        %swap3A_212 = arith.constant 0 : index
        %swap3A_213 = tpu.vector_load %arg13[%swap3A_212] {strides = array<i32>} : memref<80xi32, #tpu.memory_space<vmem>>, vector<16xi32>,
        %swap3A_214 = vector.shape_cast %swap3A_213 : vector<16xi32> to vector<16xi32>
        %swap3A_215 = vector.shape_cast %get3A_211 : vector<16xi32> to vector<16xi32>
        tpu.vector_store %arg13[%swap3A_212], %swap3A_215 {strides = array<i32>} : memref<80xi32, #tpu.memory_space<vmem>>, vector<16xi32>,
        %get3A_216 = arith.constant 96 : index
        %get3A_217 = tpu.vector_load %arg9[%get3A_216] {strides = array<i32>} : memref<160xi32, #tpu.memory_space<vmem>>, vector<16xi32>,
        %get3A_218 = vector.shape_cast %get3A_217 : vector<16xi32> to vector<16xi32>
        %swap3A_219 = arith.constant 16 : index
        %swap3A_220 = tpu.vector_load %arg13[%swap3A_219] {strides = array<i32>} : memref<80xi32, #tpu.memory_space<vmem>>, vector<16xi32>,
        %swap3A_221 = vector.shape_cast %swap3A_220 : vector<16xi32> to vector<16xi32>
        %swap3A_222 = vector.shape_cast %get3A_218 : vector<16xi32> to vector<16xi32>
        tpu.vector_store %arg13[%swap3A_219], %swap3A_222 {strides = array<i32>} : memref<80xi32, #tpu.memory_space<vmem>>, vector<16xi32>,
        %get3A_223 = arith.constant 112 : index
        %get3A_224 = tpu.vector_load %arg9[%get3A_223] {strides = array<i32>} : memref<160xi32, #tpu.memory_space<vmem>>, vector<16xi32>,
        %get3A_225 = vector.shape_cast %get3A_224 : vector<16xi32> to vector<16xi32>
        %swap3A_226 = arith.constant 32 : index
        %swap3A_227 = tpu.vector_load %arg13[%swap3A_226] {strides = array<i32>} : memref<80xi32, #tpu.memory_space<vmem>>, vector<16xi32>,
        %swap3A_228 = vector.shape_cast %swap3A_227 : vector<16xi32> to vector<16xi32>
        %swap3A_229 = vector.shape_cast %get3A_225 : vector<16xi32> to vector<16xi32>
        tpu.vector_store %arg13[%swap3A_226], %swap3A_229 {strides = array<i32>} : memref<80xi32, #tpu.memory_space<vmem>>, vector<16xi32>,
        %get3A_230 = arith.constant 128 : index
        %get3A_231 = tpu.vector_load %arg9[%get3A_230] {strides = array<i32>} : memref<160xi32, #tpu.memory_space<vmem>>, vector<16xi32>,
        %get3A_232 = vector.shape_cast %get3A_231 : vector<16xi32> to vector<16xi32>
        %swap3A_233 = arith.constant 48 : index
        %swap3A_234 = tpu.vector_load %arg13[%swap3A_233] {strides = array<i32>} : memref<80xi32, #tpu.memory_space<vmem>>, vector<16xi32>,
        %swap3A_235 = vector.shape_cast %swap3A_234 : vector<16xi32> to vector<16xi32>
        %swap3A_236 = vector.shape_cast %get3A_232 : vector<16xi32> to vector<16xi32>
        tpu.vector_store %arg13[%swap3A_233], %swap3A_236 {strides = array<i32>} : memref<80xi32, #tpu.memory_space<vmem>>, vector<16xi32>,
        %get3A_237 = arith.constant 144 : index
        %get3A_238 = tpu.vector_load %arg9[%get3A_237] {strides = array<i32>} : memref<160xi32, #tpu.memory_space<vmem>>, vector<16xi32>,
        %get3A_239 = vector.shape_cast %get3A_238 : vector<16xi32> to vector<16xi32>
        %swap3A_240 = arith.constant 64 : index
        %swap3A_241 = tpu.vector_load %arg13[%swap3A_240] {strides = array<i32>} : memref<80xi32, #tpu.memory_space<vmem>>, vector<16xi32>,
        %swap3A_242 = vector.shape_cast %swap3A_241 : vector<16xi32> to vector<16xi32>
        %swap3A_243 = vector.shape_cast %get3A_239 : vector<16xi32> to vector<16xi32>
        tpu.vector_store %arg13[%swap3A_240], %swap3A_243 {strides = array<i32>} : memref<80xi32, #tpu.memory_space<vmem>>, vector<16xi32>,
        %dma_start3A_244 = arith.constant 0 : i32
        %dma_start3A_245 = tpu.memref_slice %arg9[%dma_start3A_244] : memref<160xi32, #tpu.memory_space<vmem>> -> memref<80xi32, #tpu.memory_space<vmem>>
        %dma_start3A_246 = arith.constant 0 : i32
        %dma_start3A_247 = arith.constant 0 : i32
        %dma_start3A_248 = tpu.memref_slice %arg2[%dma_start3A_246, %dma_start3A_247] : memref<10000x128xf32, #tpu.memory_space<hbm>> -> memref<10000x128xf32, #tpu.memory_space<hbm>>
        tpu.enqueue_indirect_dma source(%dma_start3A_248 : memref<10000x128xf32, #tpu.memory_space<hbm>>) target(%arg17 : memref<80x128xf32, #tpu.memory_space<vmem>>) offsets(%dma_start3A_245 : memref<80xi32, #tpu.memory_space<vmem>>) semaphore(%arg22 : memref<!tpu.dma_semaphore, #tpu.memory_space<semaphore_mem>>)
      } else {
      }
      %add3A_160 = arith.constant 2 : i32
      %add3A_161 = arith.addi %mul3A_119, %add3A_160 : i32
      %dma_wait3A_162 = arith.constant 0 : i32
      %dma_wait3A_163 = tpu.memref_slice %arg8[%dma_wait3A_162] : memref<160xi32, #tpu.memory_space<vmem>> -> memref<80xi32, #tpu.memory_space<vmem>>
      %dma_wait3A_164 = arith.constant 0 : i32
      %dma_wait3A_165 = arith.constant 0 : i32
      %dma_wait3A_166 = tpu.memref_slice %arg2[%dma_wait3A_164, %dma_wait3A_165] : memref<10000x128xf32, #tpu.memory_space<hbm>> -> memref<10000x128xf32, #tpu.memory_space<hbm>>
      tpu.wait_indirect_dma semaphore(%arg21 : memref<!tpu.dma_semaphore, #tpu.memory_space<semaphore_mem>>) src(%dma_wait3A_166 : memref<10000x128xf32, #tpu.memory_space<hbm>>) dst(%arg16 : memref<80x128xf32, #tpu.memory_space<vmem>>)
      %dma_start3A_167 = arith.constant 0 : i32
      %dma_start3A_168 = arith.constant 0 : i32
      %dma_start3A_169 = tpu.memref_slice %arg18[%dma_start3A_167, %dma_start3A_168] : memref<10112x128xf32, #tpu.memory_space<vmem_shared>> -> memref<10112x128xf32, #tpu.memory_space<vmem_shared>>
      tpu.enqueue_indirect_dma source(%arg16 : memref<80x128xf32, #tpu.memory_space<vmem>>) target(%dma_start3A_169 : memref<10112x128xf32, #tpu.memory_space<vmem_shared>>) offsets(%arg12 : memref<80xi32, #tpu.memory_space<vmem>>) semaphore(%arg25 : memref<!tpu.dma_semaphore, #tpu.memory_space<semaphore_mem>>) {add = true}
      %ge3A_170 = arith.constant 2 : i32
      %ge3A_171 = arith.cmpi sge, %add3A_161, %ge3A_170 : i32
      %convert_element_type3A_172 = arith.extui %ge3A_171 : i1 to i32
      %cond3A_173 = arith.constant 0 : i32
      %cond3A_174 = arith.cmpi ne, %convert_element_type3A_172, %cond3A_173 : i32
      scf.if %cond3A_174 {
        %dma_wait3A_204 = arith.constant 0 : i32
        %dma_wait3A_205 = arith.constant 0 : i32
        %dma_wait3A_206 = tpu.memref_slice %arg18[%dma_wait3A_204, %dma_wait3A_205] : memref<10112x128xf32, #tpu.memory_space<vmem_shared>> -> memref<10112x128xf32, #tpu.memory_space<vmem_shared>>
        tpu.wait_indirect_dma semaphore(%arg23 : memref<!tpu.dma_semaphore, #tpu.memory_space<semaphore_mem>>) src(%arg14 : memref<80x128xf32, #tpu.memory_space<vmem>>) dst(%dma_wait3A_206 : memref<10112x128xf32, #tpu.memory_space<vmem_shared>>)
      } else {
      }
      %add3A_175 = arith.constant 2 : i32
      %add3A_176 = arith.addi %add3A_161, %add3A_175 : i32
      %lt3A_177 = arith.constant 125 : i32
      %lt3A_178 = arith.cmpi slt, %add3A_176, %lt3A_177 : i32
      %convert_element_type3A_179 = arith.extui %lt3A_178 : i1 to i32
      %cond3A_180 = arith.constant 0 : i32
      %cond3A_181 = arith.cmpi ne, %convert_element_type3A_179, %cond3A_180 : i32
      scf.if %cond3A_181 {
        %add3A_204 = arith.constant 2 : i32
        %add3A_205 = arith.addi %add3A_161, %add3A_204 : i32
        %mul3A_206 = arith.constant 160 : i32
        %mul3A_207 = arith.muli %add3A_205, %mul3A_206 : i32
        %add3A_208 = arith.addi %mul3A_4, %mul3A_207 : i32
        "tpu.region"() ({
          %run_scoped3A = tpu.sem_alloc : memref<!tpu.dma_semaphore, #tpu.memory_space<semaphore_mem>>
          %dma_start3A_249 = tpu.memref_slice %arg3[%add3A_208] : memref<640000xi32, #tpu.memory_space<hbm>> -> memref<160xi32, #tpu.memory_space<hbm>>
          %dma_start3A_250 = tpu.memref_slice %arg3[%add3A_208] : memref<640000xi32, #tpu.memory_space<hbm>> -> memref<160xi32, #tpu.memory_space<hbm>>
          tpu.enqueue_dma source(%dma_start3A_250 : memref<160xi32, #tpu.memory_space<hbm>>) target(%arg6 : memref<160xi32, #tpu.memory_space<vmem>>) target_semaphore(%run_scoped3A : memref<!tpu.dma_semaphore, #tpu.memory_space<semaphore_mem>>)
          %dma_wait3A_251 = tpu.memref_slice %arg3[%add3A_208] : memref<640000xi32, #tpu.memory_space<hbm>> -> memref<160xi32, #tpu.memory_space<hbm>>
          %dma_wait3A_252 = tpu.memref_slice %arg3[%add3A_208] : memref<640000xi32, #tpu.memory_space<hbm>> -> memref<160xi32, #tpu.memory_space<hbm>>
          tpu.wait_dma2 semaphore(%run_scoped3A : memref<!tpu.dma_semaphore, #tpu.memory_space<semaphore_mem>>) src(%dma_wait3A_252 : memref<160xi32, #tpu.memory_space<hbm>>) dst(%arg6 : memref<160xi32, #tpu.memory_space<vmem>>)
          tpu.yield
        }) : () -> ()
        %get3A_209 = arith.constant 80 : index
        %get3A_210 = tpu.vector_load %arg6[%get3A_209] {strides = array<i32>} : memref<160xi32, #tpu.memory_space<vmem>>, vector<16xi32>,
        %get3A_211 = vector.shape_cast %get3A_210 : vector<16xi32> to vector<16xi32>
        %swap3A_212 = arith.constant 0 : index
        %swap3A_213 = tpu.vector_load %arg10[%swap3A_212] {strides = array<i32>} : memref<80xi32, #tpu.memory_space<vmem>>, vector<16xi32>,
        %swap3A_214 = vector.shape_cast %swap3A_213 : vector<16xi32> to vector<16xi32>
        %swap3A_215 = vector.shape_cast %get3A_211 : vector<16xi32> to vector<16xi32>
        tpu.vector_store %arg10[%swap3A_212], %swap3A_215 {strides = array<i32>} : memref<80xi32, #tpu.memory_space<vmem>>, vector<16xi32>,
        %get3A_216 = arith.constant 96 : index
        %get3A_217 = tpu.vector_load %arg6[%get3A_216] {strides = array<i32>} : memref<160xi32, #tpu.memory_space<vmem>>, vector<16xi32>,
        %get3A_218 = vector.shape_cast %get3A_217 : vector<16xi32> to vector<16xi32>
        %swap3A_219 = arith.constant 16 : index
        %swap3A_220 = tpu.vector_load %arg10[%swap3A_219] {strides = array<i32>} : memref<80xi32, #tpu.memory_space<vmem>>, vector<16xi32>,
        %swap3A_221 = vector.shape_cast %swap3A_220 : vector<16xi32> to vector<16xi32>
        %swap3A_222 = vector.shape_cast %get3A_218 : vector<16xi32> to vector<16xi32>
        tpu.vector_store %arg10[%swap3A_219], %swap3A_222 {strides = array<i32>} : memref<80xi32, #tpu.memory_space<vmem>>, vector<16xi32>,
        %get3A_223 = arith.constant 112 : index
        %get3A_224 = tpu.vector_load %arg6[%get3A_223] {strides = array<i32>} : memref<160xi32, #tpu.memory_space<vmem>>, vector<16xi32>,
        %get3A_225 = vector.shape_cast %get3A_224 : vector<16xi32> to vector<16xi32>
        %swap3A_226 = arith.constant 32 : index
        %swap3A_227 = tpu.vector_load %arg10[%swap3A_226] {strides = array<i32>} : memref<80xi32, #tpu.memory_space<vmem>>, vector<16xi32>,
        %swap3A_228 = vector.shape_cast %swap3A_227 : vector<16xi32> to vector<16xi32>
        %swap3A_229 = vector.shape_cast %get3A_225 : vector<16xi32> to vector<16xi32>
        tpu.vector_store %arg10[%swap3A_226], %swap3A_229 {strides = array<i32>} : memref<80xi32, #tpu.memory_space<vmem>>, vector<16xi32>,
        %get3A_230 = arith.constant 128 : index
        %get3A_231 = tpu.vector_load %arg6[%get3A_230] {strides = array<i32>} : memref<160xi32, #tpu.memory_space<vmem>>, vector<16xi32>,
        %get3A_232 = vector.shape_cast %get3A_231 : vector<16xi32> to vector<16xi32>
        %swap3A_233 = arith.constant 48 : index
        %swap3A_234 = tpu.vector_load %arg10[%swap3A_233] {strides = array<i32>} : memref<80xi32, #tpu.memory_space<vmem>>, vector<16xi32>,
        %swap3A_235 = vector.shape_cast %swap3A_234 : vector<16xi32> to vector<16xi32>
        %swap3A_236 = vector.shape_cast %get3A_232 : vector<16xi32> to vector<16xi32>
        tpu.vector_store %arg10[%swap3A_233], %swap3A_236 {strides = array<i32>} : memref<80xi32, #tpu.memory_space<vmem>>, vector<16xi32>,
        %get3A_237 = arith.constant 144 : index
        %get3A_238 = tpu.vector_load %arg6[%get3A_237] {strides = array<i32>} : memref<160xi32, #tpu.memory_space<vmem>>, vector<16xi32>,
        %get3A_239 = vector.shape_cast %get3A_238 : vector<16xi32> to vector<16xi32>
        %swap3A_240 = arith.constant 64 : index
        %swap3A_241 = tpu.vector_load %arg10[%swap3A_240] {strides = array<i32>} : memref<80xi32, #tpu.memory_space<vmem>>, vector<16xi32>,
        %swap3A_242 = vector.shape_cast %swap3A_241 : vector<16xi32> to vector<16xi32>
        %swap3A_243 = vector.shape_cast %get3A_239 : vector<16xi32> to vector<16xi32>
        tpu.vector_store %arg10[%swap3A_240], %swap3A_243 {strides = array<i32>} : memref<80xi32, #tpu.memory_space<vmem>>, vector<16xi32>,
        %dma_start3A_244 = arith.constant 0 : i32
        %dma_start3A_245 = tpu.memref_slice %arg6[%dma_start3A_244] : memref<160xi32, #tpu.memory_space<vmem>> -> memref<80xi32, #tpu.memory_space<vmem>>
        %dma_start3A_246 = arith.constant 0 : i32
        %dma_start3A_247 = arith.constant 0 : i32
        %dma_start3A_248 = tpu.memref_slice %arg2[%dma_start3A_246, %dma_start3A_247] : memref<10000x128xf32, #tpu.memory_space<hbm>> -> memref<10000x128xf32, #tpu.memory_space<hbm>>
        tpu.enqueue_indirect_dma source(%dma_start3A_248 : memref<10000x128xf32, #tpu.memory_space<hbm>>) target(%arg14 : memref<80x128xf32, #tpu.memory_space<vmem>>) offsets(%dma_start3A_245 : memref<80xi32, #tpu.memory_space<vmem>>) semaphore(%arg19 : memref<!tpu.dma_semaphore, #tpu.memory_space<semaphore_mem>>)
      } else {
      }
      %add3A_182 = arith.constant 3 : i32
      %add3A_183 = arith.addi %mul3A_119, %add3A_182 : i32
      %dma_wait3A_184 = arith.constant 0 : i32
      %dma_wait3A_185 = tpu.memref_slice %arg9[%dma_wait3A_184] : memref<160xi32, #tpu.memory_space<vmem>> -> memref<80xi32, #tpu.memory_space<vmem>>
      %dma_wait3A_186 = arith.constant 0 : i32
      %dma_wait3A_187 = arith.constant 0 : i32
      %dma_wait3A_188 = tpu.memref_slice %arg2[%dma_wait3A_186, %dma_wait3A_187] : memref<10000x128xf32, #tpu.memory_space<hbm>> -> memref<10000x128xf32, #tpu.memory_space<hbm>>
      tpu.wait_indirect_dma semaphore(%arg22 : memref<!tpu.dma_semaphore, #tpu.memory_space<semaphore_mem>>) src(%dma_wait3A_188 : memref<10000x128xf32, #tpu.memory_space<hbm>>) dst(%arg17 : memref<80x128xf32, #tpu.memory_space<vmem>>)
      %dma_start3A_189 = arith.constant 0 : i32
      %dma_start3A_190 = arith.constant 0 : i32
      %dma_start3A_191 = tpu.memref_slice %arg18[%dma_start3A_189, %dma_start3A_190] : memref<10112x128xf32, #tpu.memory_space<vmem_shared>> -> memref<10112x128xf32, #tpu.memory_space<vmem_shared>>
      tpu.enqueue_indirect_dma source(%arg17 : memref<80x128xf32, #tpu.memory_space<vmem>>) target(%dma_start3A_191 : memref<10112x128xf32, #tpu.memory_space<vmem_shared>>) offsets(%arg13 : memref<80xi32, #tpu.memory_space<vmem>>) semaphore(%arg26 : memref<!tpu.dma_semaphore, #tpu.memory_space<semaphore_mem>>) {add = true}
      %ge3A_192 = arith.constant 2 : i32
      %ge3A_193 = arith.cmpi sge, %add3A_183, %ge3A_192 : i32
      %convert_element_type3A_194 = arith.extui %ge3A_193 : i1 to i32
      %cond3A_195 = arith.constant 0 : i32
      %cond3A_196 = arith.cmpi ne, %convert_element_type3A_194, %cond3A_195 : i32
      scf.if %cond3A_196 {
        %dma_wait3A_204 = arith.constant 0 : i32
        %dma_wait3A_205 = arith.constant 0 : i32
        %dma_wait3A_206 = tpu.memref_slice %arg18[%dma_wait3A_204, %dma_wait3A_205] : memref<10112x128xf32, #tpu.memory_space<vmem_shared>> -> memref<10112x128xf32, #tpu.memory_space<vmem_shared>>
        tpu.wait_indirect_dma semaphore(%arg24 : memref<!tpu.dma_semaphore, #tpu.memory_space<semaphore_mem>>) src(%arg15 : memref<80x128xf32, #tpu.memory_space<vmem>>) dst(%dma_wait3A_206 : memref<10112x128xf32, #tpu.memory_space<vmem_shared>>)
      } else {
      }
      %add3A_197 = arith.constant 2 : i32
      %add3A_198 = arith.addi %add3A_183, %add3A_197 : i32
      %lt3A_199 = arith.constant 125 : i32
      %lt3A_200 = arith.cmpi slt, %add3A_198, %lt3A_199 : i32
      %convert_element_type3A_201 = arith.extui %lt3A_200 : i1 to i32
      %cond3A_202 = arith.constant 0 : i32
      %cond3A_203 = arith.cmpi ne, %convert_element_type3A_201, %cond3A_202 : i32
      scf.if %cond3A_203 {
        %add3A_204 = arith.constant 2 : i32
        %add3A_205 = arith.addi %add3A_183, %add3A_204 : i32
        %mul3A_206 = arith.constant 160 : i32
        %mul3A_207 = arith.muli %add3A_205, %mul3A_206 : i32
        %add3A_208 = arith.addi %mul3A_4, %mul3A_207 : i32
        "tpu.region"() ({
          %run_scoped3A = tpu.sem_alloc : memref<!tpu.dma_semaphore, #tpu.memory_space<semaphore_mem>>
          %dma_start3A_249 = tpu.memref_slice %arg3[%add3A_208] : memref<640000xi32, #tpu.memory_space<hbm>> -> memref<160xi32, #tpu.memory_space<hbm>>
          %dma_start3A_250 = tpu.memref_slice %arg3[%add3A_208] : memref<640000xi32, #tpu.memory_space<hbm>> -> memref<160xi32, #tpu.memory_space<hbm>>
          tpu.enqueue_dma source(%dma_start3A_250 : memref<160xi32, #tpu.memory_space<hbm>>) target(%arg7 : memref<160xi32, #tpu.memory_space<vmem>>) target_semaphore(%run_scoped3A : memref<!tpu.dma_semaphore, #tpu.memory_space<semaphore_mem>>)
          %dma_wait3A_251 = tpu.memref_slice %arg3[%add3A_208] : memref<640000xi32, #tpu.memory_space<hbm>> -> memref<160xi32, #tpu.memory_space<hbm>>
          %dma_wait3A_252 = tpu.memref_slice %arg3[%add3A_208] : memref<640000xi32, #tpu.memory_space<hbm>> -> memref<160xi32, #tpu.memory_space<hbm>>
          tpu.wait_dma2 semaphore(%run_scoped3A : memref<!tpu.dma_semaphore, #tpu.memory_space<semaphore_mem>>) src(%dma_wait3A_252 : memref<160xi32, #tpu.memory_space<hbm>>) dst(%arg7 : memref<160xi32, #tpu.memory_space<vmem>>)
          tpu.yield
        }) : () -> ()
        %get3A_209 = arith.constant 80 : index
        %get3A_210 = tpu.vector_load %arg7[%get3A_209] {strides = array<i32>} : memref<160xi32, #tpu.memory_space<vmem>>, vector<16xi32>,
        %get3A_211 = vector.shape_cast %get3A_210 : vector<16xi32> to vector<16xi32>
        %swap3A_212 = arith.constant 0 : index
        %swap3A_213 = tpu.vector_load %arg11[%swap3A_212] {strides = array<i32>} : memref<80xi32, #tpu.memory_space<vmem>>, vector<16xi32>,
        %swap3A_214 = vector.shape_cast %swap3A_213 : vector<16xi32> to vector<16xi32>
        %swap3A_215 = vector.shape_cast %get3A_211 : vector<16xi32> to vector<16xi32>
        tpu.vector_store %arg11[%swap3A_212], %swap3A_215 {strides = array<i32>} : memref<80xi32, #tpu.memory_space<vmem>>, vector<16xi32>,
        %get3A_216 = arith.constant 96 : index
        %get3A_217 = tpu.vector_load %arg7[%get3A_216] {strides = array<i32>} : memref<160xi32, #tpu.memory_space<vmem>>, vector<16xi32>,
        %get3A_218 = vector.shape_cast %get3A_217 : vector<16xi32> to vector<16xi32>
        %swap3A_219 = arith.constant 16 : index
        %swap3A_220 = tpu.vector_load %arg11[%swap3A_219] {strides = array<i32>} : memref<80xi32, #tpu.memory_space<vmem>>, vector<16xi32>,
        %swap3A_221 = vector.shape_cast %swap3A_220 : vector<16xi32> to vector<16xi32>
        %swap3A_222 = vector.shape_cast %get3A_218 : vector<16xi32> to vector<16xi32>
        tpu.vector_store %arg11[%swap3A_219], %swap3A_222 {strides = array<i32>} : memref<80xi32, #tpu.memory_space<vmem>>, vector<16xi32>,
        %get3A_223 = arith.constant 112 : index
        %get3A_224 = tpu.vector_load %arg7[%get3A_223] {strides = array<i32>} : memref<160xi32, #tpu.memory_space<vmem>>, vector<16xi32>,
        %get3A_225 = vector.shape_cast %get3A_224 : vector<16xi32> to vector<16xi32>
        %swap3A_226 = arith.constant 32 : index
        %swap3A_227 = tpu.vector_load %arg11[%swap3A_226] {strides = array<i32>} : memref<80xi32, #tpu.memory_space<vmem>>, vector<16xi32>,
        %swap3A_228 = vector.shape_cast %swap3A_227 : vector<16xi32> to vector<16xi32>
        %swap3A_229 = vector.shape_cast %get3A_225 : vector<16xi32> to vector<16xi32>
        tpu.vector_store %arg11[%swap3A_226], %swap3A_229 {strides = array<i32>} : memref<80xi32, #tpu.memory_space<vmem>>, vector<16xi32>,
        %get3A_230 = arith.constant 128 : index
        %get3A_231 = tpu.vector_load %arg7[%get3A_230] {strides = array<i32>} : memref<160xi32, #tpu.memory_space<vmem>>, vector<16xi32>,
        %get3A_232 = vector.shape_cast %get3A_231 : vector<16xi32> to vector<16xi32>
        %swap3A_233 = arith.constant 48 : index
        %swap3A_234 = tpu.vector_load %arg11[%swap3A_233] {strides = array<i32>} : memref<80xi32, #tpu.memory_space<vmem>>, vector<16xi32>,
        %swap3A_235 = vector.shape_cast %swap3A_234 : vector<16xi32> to vector<16xi32>
        %swap3A_236 = vector.shape_cast %get3A_232 : vector<16xi32> to vector<16xi32>
        tpu.vector_store %arg11[%swap3A_233], %swap3A_236 {strides = array<i32>} : memref<80xi32, #tpu.memory_space<vmem>>, vector<16xi32>,
        %get3A_237 = arith.constant 144 : index
        %get3A_238 = tpu.vector_load %arg7[%get3A_237] {strides = array<i32>} : memref<160xi32, #tpu.memory_space<vmem>>, vector<16xi32>,
        %get3A_239 = vector.shape_cast %get3A_238 : vector<16xi32> to vector<16xi32>
        %swap3A_240 = arith.constant 64 : index
        %swap3A_241 = tpu.vector_load %arg11[%swap3A_240] {strides = array<i32>} : memref<80xi32, #tpu.memory_space<vmem>>, vector<16xi32>,
        %swap3A_242 = vector.shape_cast %swap3A_241 : vector<16xi32> to vector<16xi32>
        %swap3A_243 = vector.shape_cast %get3A_239 : vector<16xi32> to vector<16xi32>
        tpu.vector_store %arg11[%swap3A_240], %swap3A_243 {strides = array<i32>} : memref<80xi32, #tpu.memory_space<vmem>>, vector<16xi32>,
        %dma_start3A_244 = arith.constant 0 : i32
        %dma_start3A_245 = tpu.memref_slice %arg7[%dma_start3A_244] : memref<160xi32, #tpu.memory_space<vmem>> -> memref<80xi32, #tpu.memory_space<vmem>>
        %dma_start3A_246 = arith.constant 0 : i32
        %dma_start3A_247 = arith.constant 0 : i32
        %dma_start3A_248 = tpu.memref_slice %arg2[%dma_start3A_246, %dma_start3A_247] : memref<10000x128xf32, #tpu.memory_space<hbm>> -> memref<10000x128xf32, #tpu.memory_space<hbm>>
        tpu.enqueue_indirect_dma source(%dma_start3A_248 : memref<10000x128xf32, #tpu.memory_space<hbm>>) target(%arg15 : memref<80x128xf32, #tpu.memory_space<vmem>>) offsets(%dma_start3A_245 : memref<80xi32, #tpu.memory_space<vmem>>) semaphore(%arg20 : memref<!tpu.dma_semaphore, #tpu.memory_space<semaphore_mem>>)
      } else {
      }
    }
    %dma_wait3A = arith.constant 0 : i32
    %dma_wait3A_100 = tpu.memref_slice %arg6[%dma_wait3A] : memref<160xi32, #tpu.memory_space<vmem>> -> memref<80xi32, #tpu.memory_space<vmem>>
    %dma_wait3A_101 = arith.constant 0 : i32
    %dma_wait3A_102 = arith.constant 0 : i32
    %dma_wait3A_103 = tpu.memref_slice %arg2[%dma_wait3A_101, %dma_wait3A_102] : memref<10000x128xf32, #tpu.memory_space<hbm>> -> memref<10000x128xf32, #tpu.memory_space<hbm>>
    tpu.wait_indirect_dma semaphore(%arg19 : memref<!tpu.dma_semaphore, #tpu.memory_space<semaphore_mem>>) src(%dma_wait3A_103 : memref<10000x128xf32, #tpu.memory_space<hbm>>) dst(%arg14 : memref<80x128xf32, #tpu.memory_space<vmem>>)
    %dma_start3A_104 = arith.constant 0 : i32
    %dma_start3A_105 = arith.constant 0 : i32
    %dma_start3A_106 = tpu.memref_slice %arg18[%dma_start3A_104, %dma_start3A_105] : memref<10112x128xf32, #tpu.memory_space<vmem_shared>> -> memref<10112x128xf32, #tpu.memory_space<vmem_shared>>
    tpu.enqueue_indirect_dma source(%arg14 : memref<80x128xf32, #tpu.memory_space<vmem>>) target(%dma_start3A_106 : memref<10112x128xf32, #tpu.memory_space<vmem_shared>>) offsets(%arg10 : memref<80xi32, #tpu.memory_space<vmem>>) semaphore(%arg23 : memref<!tpu.dma_semaphore, #tpu.memory_space<semaphore_mem>>) {add = true}
    %dma_wait3A_107 = arith.constant 0 : i32
    %dma_wait3A_108 = arith.constant 0 : i32
    %dma_wait3A_109 = tpu.memref_slice %arg18[%dma_wait3A_107, %dma_wait3A_108] : memref<10112x128xf32, #tpu.memory_space<vmem_shared>> -> memref<10112x128xf32, #tpu.memory_space<vmem_shared>>
    tpu.wait_indirect_dma semaphore(%arg25 : memref<!tpu.dma_semaphore, #tpu.memory_space<semaphore_mem>>) src(%arg16 : memref<80x128xf32, #tpu.memory_space<vmem>>) dst(%dma_wait3A_109 : memref<10112x128xf32, #tpu.memory_space<vmem_shared>>)
    %dma_wait3A_110 = arith.constant 0 : i32
    %dma_wait3A_111 = arith.constant 0 : i32
    %dma_wait3A_112 = tpu.memref_slice %arg18[%dma_wait3A_110, %dma_wait3A_111] : memref<10112x128xf32, #tpu.memory_space<vmem_shared>> -> memref<10112x128xf32, #tpu.memory_space<vmem_shared>>
    tpu.wait_indirect_dma semaphore(%arg26 : memref<!tpu.dma_semaphore, #tpu.memory_space<semaphore_mem>>) src(%arg17 : memref<80x128xf32, #tpu.memory_space<vmem>>) dst(%dma_wait3A_112 : memref<10112x128xf32, #tpu.memory_space<vmem_shared>>)
    %dma_wait3A_113 = arith.constant 0 : i32
    %dma_wait3A_114 = arith.constant 0 : i32
    %dma_wait3A_115 = tpu.memref_slice %arg18[%dma_wait3A_113, %dma_wait3A_114] : memref<10112x128xf32, #tpu.memory_space<vmem_shared>> -> memref<10112x128xf32, #tpu.memory_space<vmem_shared>>
    tpu.wait_indirect_dma semaphore(%arg23 : memref<!tpu.dma_semaphore, #tpu.memory_space<semaphore_mem>>) src(%arg14 : memref<80x128xf32, #tpu.memory_space<vmem>>) dst(%dma_wait3A_115 : memref<10112x128xf32, #tpu.memory_space<vmem_shared>>)
    %barrier3A_116 = arith.constant 0 : index
    tpu.barrier barrier_id(%barrier3A_116)
    "tpu.region"() ({
      %run_scoped3A = tpu.sem_alloc : memref<!tpu.dma_semaphore, #tpu.memory_space<semaphore_mem>>
      %dma_start3A_117 = arith.constant 0 : i32
      %dma_start3A_118 = tpu.memref_slice %arg5[%arg0, %mul3A_2, %dma_start3A_117] : memref<2x10112x128xf32, #tpu.memory_space<hbm>> -> memref<1x632x128xf32, #tpu.memory_space<hbm>>
      %dma_start3A_119 = tpu.memref_squeeze %dma_start3A_118 : memref<1x632x128xf32, #tpu.memory_space<hbm>> -> memref<632x128xf32, #tpu.memory_space<hbm>>
      %dma_start3A_120 = arith.constant 0 : i32
      %dma_start3A_121 = tpu.memref_slice %arg18[%mul3A_2, %dma_start3A_120] : memref<10112x128xf32, #tpu.memory_space<vmem_shared>> -> memref<632x128xf32, #tpu.memory_space<vmem_shared>>
      tpu.enqueue_dma source(%dma_start3A_121 : memref<632x128xf32, #tpu.memory_space<vmem_shared>>) target(%dma_start3A_119 : memref<632x128xf32, #tpu.memory_space<hbm>>) target_semaphore(%run_scoped3A : memref<!tpu.dma_semaphore, #tpu.memory_space<semaphore_mem>>)
      %dma_wait3A_122 = arith.constant 0 : i32
      %dma_wait3A_123 = tpu.memref_slice %arg5[%arg0, %mul3A_2, %dma_wait3A_122] : memref<2x10112x128xf32, #tpu.memory_space<hbm>> -> memref<1x632x128xf32, #tpu.memory_space<hbm>>
      %dma_wait3A_124 = tpu.memref_squeeze %dma_wait3A_123 : memref<1x632x128xf32, #tpu.memory_space<hbm>> -> memref<632x128xf32, #tpu.memory_space<hbm>>
      %dma_wait3A_125 = arith.constant 0 : i32
      %dma_wait3A_126 = tpu.memref_slice %arg18[%mul3A_2, %dma_wait3A_125] : memref<10112x128xf32, #tpu.memory_space<vmem_shared>> -> memref<632x128xf32, #tpu.memory_space<vmem_shared>>
      tpu.wait_dma2 semaphore(%run_scoped3A : memref<!tpu.dma_semaphore, #tpu.memory_space<semaphore_mem>>) src(%dma_wait3A_126 : memref<632x128xf32, #tpu.memory_space<vmem_shared>>) dst(%dma_wait3A_124 : memref<632x128xf32, #tpu.memory_space<hbm>>)
      tpu.yield
    }) : () -> ()
    return
  }
}

#map = affine_map<(d0, d1) -> (0, 0)>
#map1 = affine_map<(d0, d1) -> (0)>
module attributes {stable_mosaic.version = 14 : i64} {
  func.func @_gather_body(%arg0: i32, %arg1: i32, %arg2: memref<10000x128xf32, #tpu.memory_space<hbm>>, %arg3: memref<640000xi32, #tpu.memory_space<hbm>>, %arg4: memref<320000x128xf32, #tpu.memory_space<hbm>>, %arg5: memref<320000x128xf32, #tpu.memory_space<hbm>>, %arg6: memref<160xi32, #tpu.memory_space<vmem>>, %arg7: memref<160xi32, #tpu.memory_space<vmem>>, %arg8: memref<160xi32, #tpu.memory_space<vmem>>, %arg9: memref<160xi32, #tpu.memory_space<vmem>>, %arg10: memref<80x128xf32, #tpu.memory_space<vmem>>, %arg11: memref<80x128xf32, #tpu.memory_space<vmem>>, %arg12: memref<80x128xf32, #tpu.memory_space<vmem>>, %arg13: memref<80x128xf32, #tpu.memory_space<vmem>>, %arg14: memref<80x128xf32, #tpu.memory_space<vmem>>, %arg15: memref<80x128xf32, #tpu.memory_space<vmem>>, %arg16: memref<80x128xf32, #tpu.memory_space<vmem>>, %arg17: memref<80x128xf32, #tpu.memory_space<vmem>>, %arg18: memref<!tpu.dma_semaphore, #tpu.memory_space<semaphore_mem>>, %arg19: memref<!tpu.dma_semaphore, #tpu.memory_space<semaphore_mem>>, %arg20: memref<!tpu.dma_semaphore, #tpu.memory_space<semaphore_mem>>, %arg21: memref<!tpu.dma_semaphore, #tpu.memory_space<semaphore_mem>>, %arg22: memref<!tpu.dma_semaphore, #tpu.memory_space<semaphore_mem>>, %arg23: memref<!tpu.dma_semaphore, #tpu.memory_space<semaphore_mem>>, %arg24: memref<!tpu.dma_semaphore, #tpu.memory_space<semaphore_mem>>, %arg25: memref<!tpu.dma_semaphore, #tpu.memory_space<semaphore_mem>>, %arg26: memref<!tpu.dma_semaphore, #tpu.memory_space<semaphore_mem>>, %arg27: memref<!tpu.dma_semaphore, #tpu.memory_space<semaphore_mem>>, %arg28: memref<!tpu.dma_semaphore, #tpu.memory_space<semaphore_mem>>, %arg29: memref<!tpu.dma_semaphore, #tpu.memory_space<semaphore_mem>>, %arg30: memref<!tpu.dma_semaphore, #tpu.memory_space<semaphore_mem>>, %arg31: memref<!tpu.dma_semaphore, #tpu.memory_space<semaphore_mem>>, %arg32: memref<!tpu.dma_semaphore, #tpu.memory_space<semaphore_mem>>, %arg33: memref<!tpu.dma_semaphore, #tpu.memory_space<semaphore_mem>>) attributes {dimension_semantics = [#tpu.dimension_semantics<core_parallel>, #tpu.dimension_semantics<subcore_parallel>], iteration_bounds = array<i64: 2, 16>, scalar_prefetch = 0 : i64, scratch_operands = 28 : i64, tpu.core_type = #tpu.core_type<sc_vector_subcore>, window_params = [{transform_indices = #map}, {transform_indices = #map1}, {transform_indices = #map}, {transform_indices = #map}]} {
    %mul3A = arith.constant 2 : i32
    %mul3A_0 = arith.muli %arg1, %mul3A : i32
    %add3A = arith.addi %mul3A_0, %arg0 : i32
    %mul3A_1 = arith.constant 10000 : i32
    %mul3A_2 = arith.muli %add3A, %mul3A_1 : i32
    %mul3A_3 = arith.constant 20000 : i32
    %mul3A_4 = arith.muli %add3A, %mul3A_3 : i32
    %mul3A_5 = arith.constant 0 : i32
    %mul3A_6 = arith.constant 160 : i32
    %mul3A_7 = arith.muli %mul3A_5, %mul3A_6 : i32
    %add3A_8 = arith.addi %mul3A_4, %mul3A_7 : i32
    "tpu.region"() ({
      %run_scoped3A = tpu.sem_alloc : memref<!tpu.dma_semaphore, #tpu.memory_space<semaphore_mem>>
      %dma_start3A_99 = tpu.memref_slice %arg3[%add3A_8] : memref<640000xi32, #tpu.memory_space<hbm>> -> memref<160xi32, #tpu.memory_space<hbm>>
      %dma_start3A_100 = tpu.memref_slice %arg3[%add3A_8] : memref<640000xi32, #tpu.memory_space<hbm>> -> memref<160xi32, #tpu.memory_space<hbm>>
      tpu.enqueue_dma source(%dma_start3A_100 : memref<160xi32, #tpu.memory_space<hbm>>) target(%arg6 : memref<160xi32, #tpu.memory_space<vmem>>) target_semaphore(%run_scoped3A : memref<!tpu.dma_semaphore, #tpu.memory_space<semaphore_mem>>)
      %dma_wait3A_101 = tpu.memref_slice %arg3[%add3A_8] : memref<640000xi32, #tpu.memory_space<hbm>> -> memref<160xi32, #tpu.memory_space<hbm>>
      %dma_wait3A_102 = tpu.memref_slice %arg3[%add3A_8] : memref<640000xi32, #tpu.memory_space<hbm>> -> memref<160xi32, #tpu.memory_space<hbm>>
      tpu.wait_dma2 semaphore(%run_scoped3A : memref<!tpu.dma_semaphore, #tpu.memory_space<semaphore_mem>>) src(%dma_wait3A_102 : memref<160xi32, #tpu.memory_space<hbm>>) dst(%arg6 : memref<160xi32, #tpu.memory_space<vmem>>)
      tpu.yield
    }) : () -> ()
    %dma_start3A = arith.constant 0 : i32
    %dma_start3A_9 = tpu.memref_slice %arg6[%dma_start3A] : memref<160xi32, #tpu.memory_space<vmem>> -> memref<80xi32, #tpu.memory_space<vmem>>
    %dma_start3A_10 = arith.constant 0 : i32
    %dma_start3A_11 = arith.constant 0 : i32
    %dma_start3A_12 = tpu.memref_slice %arg2[%dma_start3A_10, %dma_start3A_11] : memref<10000x128xf32, #tpu.memory_space<hbm>> -> memref<10000x128xf32, #tpu.memory_space<hbm>>
    tpu.enqueue_indirect_dma source(%dma_start3A_12 : memref<10000x128xf32, #tpu.memory_space<hbm>>) target(%arg10 : memref<80x128xf32, #tpu.memory_space<vmem>>) offsets(%dma_start3A_9 : memref<80xi32, #tpu.memory_space<vmem>>) semaphore(%arg18 : memref<!tpu.dma_semaphore, #tpu.memory_space<semaphore_mem>>)
    %dma_start3A_13 = arith.constant 80 : i32
    %dma_start3A_14 = tpu.memref_slice %arg6[%dma_start3A_13] : memref<160xi32, #tpu.memory_space<vmem>> -> memref<80xi32, #tpu.memory_space<vmem>>
    %dma_start3A_15 = arith.constant 0 : i32
    %dma_start3A_16 = arith.constant 0 : i32
    %dma_start3A_17 = tpu.memref_slice %arg2[%dma_start3A_15, %dma_start3A_16] : memref<10000x128xf32, #tpu.memory_space<hbm>> -> memref<10000x128xf32, #tpu.memory_space<hbm>>
    tpu.enqueue_indirect_dma source(%dma_start3A_17 : memref<10000x128xf32, #tpu.memory_space<hbm>>) target(%arg14 : memref<80x128xf32, #tpu.memory_space<vmem>>) offsets(%dma_start3A_14 : memref<80xi32, #tpu.memory_space<vmem>>) semaphore(%arg22 : memref<!tpu.dma_semaphore, #tpu.memory_space<semaphore_mem>>)
    %mul3A_18 = arith.constant 1 : i32
    %mul3A_19 = arith.constant 160 : i32
    %mul3A_20 = arith.muli %mul3A_18, %mul3A_19 : i32
    %add3A_21 = arith.addi %mul3A_4, %mul3A_20 : i32
    "tpu.region"() ({
      %run_scoped3A = tpu.sem_alloc : memref<!tpu.dma_semaphore, #tpu.memory_space<semaphore_mem>>
      %dma_start3A_99 = tpu.memref_slice %arg3[%add3A_21] : memref<640000xi32, #tpu.memory_space<hbm>> -> memref<160xi32, #tpu.memory_space<hbm>>
      %dma_start3A_100 = tpu.memref_slice %arg3[%add3A_21] : memref<640000xi32, #tpu.memory_space<hbm>> -> memref<160xi32, #tpu.memory_space<hbm>>
      tpu.enqueue_dma source(%dma_start3A_100 : memref<160xi32, #tpu.memory_space<hbm>>) target(%arg7 : memref<160xi32, #tpu.memory_space<vmem>>) target_semaphore(%run_scoped3A : memref<!tpu.dma_semaphore, #tpu.memory_space<semaphore_mem>>)
      %dma_wait3A_101 = tpu.memref_slice %arg3[%add3A_21] : memref<640000xi32, #tpu.memory_space<hbm>> -> memref<160xi32, #tpu.memory_space<hbm>>
      %dma_wait3A_102 = tpu.memref_slice %arg3[%add3A_21] : memref<640000xi32, #tpu.memory_space<hbm>> -> memref<160xi32, #tpu.memory_space<hbm>>
      tpu.wait_dma2 semaphore(%run_scoped3A : memref<!tpu.dma_semaphore, #tpu.memory_space<semaphore_mem>>) src(%dma_wait3A_102 : memref<160xi32, #tpu.memory_space<hbm>>) dst(%arg7 : memref<160xi32, #tpu.memory_space<vmem>>)
      tpu.yield
    }) : () -> ()
    %dma_start3A_22 = arith.constant 0 : i32
    %dma_start3A_23 = tpu.memref_slice %arg7[%dma_start3A_22] : memref<160xi32, #tpu.memory_space<vmem>> -> memref<80xi32, #tpu.memory_space<vmem>>
    %dma_start3A_24 = arith.constant 0 : i32
    %dma_start3A_25 = arith.constant 0 : i32
    %dma_start3A_26 = tpu.memref_slice %arg2[%dma_start3A_24, %dma_start3A_25] : memref<10000x128xf32, #tpu.memory_space<hbm>> -> memref<10000x128xf32, #tpu.memory_space<hbm>>
    tpu.enqueue_indirect_dma source(%dma_start3A_26 : memref<10000x128xf32, #tpu.memory_space<hbm>>) target(%arg11 : memref<80x128xf32, #tpu.memory_space<vmem>>) offsets(%dma_start3A_23 : memref<80xi32, #tpu.memory_space<vmem>>) semaphore(%arg19 : memref<!tpu.dma_semaphore, #tpu.memory_space<semaphore_mem>>)
    %dma_start3A_27 = arith.constant 80 : i32
    %dma_start3A_28 = tpu.memref_slice %arg7[%dma_start3A_27] : memref<160xi32, #tpu.memory_space<vmem>> -> memref<80xi32, #tpu.memory_space<vmem>>
    %dma_start3A_29 = arith.constant 0 : i32
    %dma_start3A_30 = arith.constant 0 : i32
    %dma_start3A_31 = tpu.memref_slice %arg2[%dma_start3A_29, %dma_start3A_30] : memref<10000x128xf32, #tpu.memory_space<hbm>> -> memref<10000x128xf32, #tpu.memory_space<hbm>>
    tpu.enqueue_indirect_dma source(%dma_start3A_31 : memref<10000x128xf32, #tpu.memory_space<hbm>>) target(%arg15 : memref<80x128xf32, #tpu.memory_space<vmem>>) offsets(%dma_start3A_28 : memref<80xi32, #tpu.memory_space<vmem>>) semaphore(%arg23 : memref<!tpu.dma_semaphore, #tpu.memory_space<semaphore_mem>>)
    %while3A = arith.constant 0 : i32
    %while3A_32 = arith.constant 0 : i32
    %while3A_33 = arith.constant 31 : i32
    %while3A_34 = arith.subi %while3A_33, %while3A_32 : i32
    %while3A_35 = arith.addi %while3A_32, %while3A_34 : i32
    %while3A_36 = arith.constant 1 : i32
    %while3A_37 = arith.divsi %while3A_34, %while3A_36 : i32
    %while3A_38 = arith.muli %while3A_37, %while3A_36 : i32
    %while3A_39 = arith.addi %while3A_32, %while3A_38 : i32
    %while3A_40 = arith.constant 1 : i32
    scf.for %while3A_99 = %while3A_32 to %while3A_39 step %while3A_40  : i32 {
      %mul3A_100 = arith.constant 4 : i32
      %mul3A_101 = arith.muli %mul3A_100, %while3A_99 : i32
      %add3A_102 = arith.constant 0 : i32
      %add3A_103 = arith.addi %mul3A_101, %add3A_102 : i32
      %mul3A_104 = arith.constant 80 : i32
      %mul3A_105 = arith.muli %add3A_103, %mul3A_104 : i32
      %add3A_106 = arith.addi %mul3A_2, %mul3A_105 : i32
      %dma_wait3A_107 = arith.constant 0 : i32
      %dma_wait3A_108 = tpu.memref_slice %arg6[%dma_wait3A_107] : memref<160xi32, #tpu.memory_space<vmem>> -> memref<80xi32, #tpu.memory_space<vmem>>
      %dma_wait3A_109 = arith.constant 0 : i32
      %dma_wait3A_110 = arith.constant 0 : i32
      %dma_wait3A_111 = tpu.memref_slice %arg2[%dma_wait3A_109, %dma_wait3A_110] : memref<10000x128xf32, #tpu.memory_space<hbm>> -> memref<10000x128xf32, #tpu.memory_space<hbm>>
      tpu.wait_indirect_dma semaphore(%arg18 : memref<!tpu.dma_semaphore, #tpu.memory_space<semaphore_mem>>) src(%dma_wait3A_111 : memref<10000x128xf32, #tpu.memory_space<hbm>>) dst(%arg10 : memref<80x128xf32, #tpu.memory_space<vmem>>)
      %dma_start3A_112 = arith.constant 0 : i32
      %dma_start3A_113 = tpu.memref_slice %arg4[%add3A_106, %dma_start3A_112] : memref<320000x128xf32, #tpu.memory_space<hbm>> -> memref<80x128xf32, #tpu.memory_space<hbm>>
      %dma_start3A_114 = arith.constant 0 : i32
      %dma_start3A_115 = tpu.memref_slice %arg4[%add3A_106, %dma_start3A_114] : memref<320000x128xf32, #tpu.memory_space<hbm>> -> memref<80x128xf32, #tpu.memory_space<hbm>>
      tpu.enqueue_dma source(%arg10 : memref<80x128xf32, #tpu.memory_space<vmem>>) target(%dma_start3A_115 : memref<80x128xf32, #tpu.memory_space<hbm>>) target_semaphore(%arg26 : memref<!tpu.dma_semaphore, #tpu.memory_space<semaphore_mem>>)
      %dma_wait3A_116 = arith.constant 80 : i32
      %dma_wait3A_117 = tpu.memref_slice %arg6[%dma_wait3A_116] : memref<160xi32, #tpu.memory_space<vmem>> -> memref<80xi32, #tpu.memory_space<vmem>>
      %dma_wait3A_118 = arith.constant 0 : i32
      %dma_wait3A_119 = arith.constant 0 : i32
      %dma_wait3A_120 = tpu.memref_slice %arg2[%dma_wait3A_118, %dma_wait3A_119] : memref<10000x128xf32, #tpu.memory_space<hbm>> -> memref<10000x128xf32, #tpu.memory_space<hbm>>
      tpu.wait_indirect_dma semaphore(%arg22 : memref<!tpu.dma_semaphore, #tpu.memory_space<semaphore_mem>>) src(%dma_wait3A_120 : memref<10000x128xf32, #tpu.memory_space<hbm>>) dst(%arg14 : memref<80x128xf32, #tpu.memory_space<vmem>>)
      %dma_start3A_121 = arith.constant 0 : i32
      %dma_start3A_122 = tpu.memref_slice %arg5[%add3A_106, %dma_start3A_121] : memref<320000x128xf32, #tpu.memory_space<hbm>> -> memref<80x128xf32, #tpu.memory_space<hbm>>
      %dma_start3A_123 = arith.constant 0 : i32
      %dma_start3A_124 = tpu.memref_slice %arg5[%add3A_106, %dma_start3A_123] : memref<320000x128xf32, #tpu.memory_space<hbm>> -> memref<80x128xf32, #tpu.memory_space<hbm>>
      tpu.enqueue_dma source(%arg14 : memref<80x128xf32, #tpu.memory_space<vmem>>) target(%dma_start3A_124 : memref<80x128xf32, #tpu.memory_space<hbm>>) target_semaphore(%arg30 : memref<!tpu.dma_semaphore, #tpu.memory_space<semaphore_mem>>)
      %ge3A = arith.constant 2 : i32
      %ge3A_125 = arith.cmpi sge, %add3A_103, %ge3A : i32
      %convert_element_type3A = arith.extui %ge3A_125 : i1 to i32
      %cond3A = arith.constant 0 : i32
      %cond3A_126 = arith.cmpi ne, %convert_element_type3A, %cond3A : i32
      scf.if %cond3A_126 {
        %sub3A = arith.constant 2 : i32
        %sub3A_238 = arith.subi %add3A_103, %sub3A : i32
        %mul3A_239 = arith.constant 80 : i32
        %mul3A_240 = arith.muli %sub3A_238, %mul3A_239 : i32
        %add3A_241 = arith.addi %mul3A_2, %mul3A_240 : i32
        %dma_wait3A_242 = arith.constant 0 : i32
        %dma_wait3A_243 = tpu.memref_slice %arg4[%add3A_241, %dma_wait3A_242] : memref<320000x128xf32, #tpu.memory_space<hbm>> -> memref<80x128xf32, #tpu.memory_space<hbm>>
        %dma_wait3A_244 = arith.constant 0 : i32
        %dma_wait3A_245 = tpu.memref_slice %arg4[%add3A_241, %dma_wait3A_244] : memref<320000x128xf32, #tpu.memory_space<hbm>> -> memref<80x128xf32, #tpu.memory_space<hbm>>
        tpu.wait_dma2 semaphore(%arg28 : memref<!tpu.dma_semaphore, #tpu.memory_space<semaphore_mem>>) src(%arg12 : memref<80x128xf32, #tpu.memory_space<vmem>>) dst(%dma_wait3A_245 : memref<80x128xf32, #tpu.memory_space<hbm>>)
        %dma_wait3A_246 = arith.constant 0 : i32
        %dma_wait3A_247 = tpu.memref_slice %arg5[%add3A_241, %dma_wait3A_246] : memref<320000x128xf32, #tpu.memory_space<hbm>> -> memref<80x128xf32, #tpu.memory_space<hbm>>
        %dma_wait3A_248 = arith.constant 0 : i32
        %dma_wait3A_249 = tpu.memref_slice %arg5[%add3A_241, %dma_wait3A_248] : memref<320000x128xf32, #tpu.memory_space<hbm>> -> memref<80x128xf32, #tpu.memory_space<hbm>>
        tpu.wait_dma2 semaphore(%arg32 : memref<!tpu.dma_semaphore, #tpu.memory_space<semaphore_mem>>) src(%arg16 : memref<80x128xf32, #tpu.memory_space<vmem>>) dst(%dma_wait3A_249 : memref<80x128xf32, #tpu.memory_space<hbm>>)
      } else {
      }
      %add3A_127 = arith.constant 2 : i32
      %add3A_128 = arith.addi %add3A_103, %add3A_127 : i32
      %lt3A = arith.constant 125 : i32
      %lt3A_129 = arith.cmpi slt, %add3A_128, %lt3A : i32
      %convert_element_type3A_130 = arith.extui %lt3A_129 : i1 to i32
      %cond3A_131 = arith.constant 0 : i32
      %cond3A_132 = arith.cmpi ne, %convert_element_type3A_130, %cond3A_131 : i32
      scf.if %cond3A_132 {
        %add3A_238 = arith.constant 2 : i32
        %add3A_239 = arith.addi %add3A_103, %add3A_238 : i32
        %mul3A_240 = arith.constant 160 : i32
        %mul3A_241 = arith.muli %add3A_239, %mul3A_240 : i32
        %add3A_242 = arith.addi %mul3A_4, %mul3A_241 : i32
        "tpu.region"() ({
          %run_scoped3A = tpu.sem_alloc : memref<!tpu.dma_semaphore, #tpu.memory_space<semaphore_mem>>
          %dma_start3A_253 = tpu.memref_slice %arg3[%add3A_242] : memref<640000xi32, #tpu.memory_space<hbm>> -> memref<160xi32, #tpu.memory_space<hbm>>
          %dma_start3A_254 = tpu.memref_slice %arg3[%add3A_242] : memref<640000xi32, #tpu.memory_space<hbm>> -> memref<160xi32, #tpu.memory_space<hbm>>
          tpu.enqueue_dma source(%dma_start3A_254 : memref<160xi32, #tpu.memory_space<hbm>>) target(%arg8 : memref<160xi32, #tpu.memory_space<vmem>>) target_semaphore(%run_scoped3A : memref<!tpu.dma_semaphore, #tpu.memory_space<semaphore_mem>>)
          %dma_wait3A_255 = tpu.memref_slice %arg3[%add3A_242] : memref<640000xi32, #tpu.memory_space<hbm>> -> memref<160xi32, #tpu.memory_space<hbm>>
          %dma_wait3A_256 = tpu.memref_slice %arg3[%add3A_242] : memref<640000xi32, #tpu.memory_space<hbm>> -> memref<160xi32, #tpu.memory_space<hbm>>
          tpu.wait_dma2 semaphore(%run_scoped3A : memref<!tpu.dma_semaphore, #tpu.memory_space<semaphore_mem>>) src(%dma_wait3A_256 : memref<160xi32, #tpu.memory_space<hbm>>) dst(%arg8 : memref<160xi32, #tpu.memory_space<vmem>>)
          tpu.yield
        }) : () -> ()
        %dma_start3A_243 = arith.constant 0 : i32
        %dma_start3A_244 = tpu.memref_slice %arg8[%dma_start3A_243] : memref<160xi32, #tpu.memory_space<vmem>> -> memref<80xi32, #tpu.memory_space<vmem>>
        %dma_start3A_245 = arith.constant 0 : i32
        %dma_start3A_246 = arith.constant 0 : i32
        %dma_start3A_247 = tpu.memref_slice %arg2[%dma_start3A_245, %dma_start3A_246] : memref<10000x128xf32, #tpu.memory_space<hbm>> -> memref<10000x128xf32, #tpu.memory_space<hbm>>
        tpu.enqueue_indirect_dma source(%dma_start3A_247 : memref<10000x128xf32, #tpu.memory_space<hbm>>) target(%arg12 : memref<80x128xf32, #tpu.memory_space<vmem>>) offsets(%dma_start3A_244 : memref<80xi32, #tpu.memory_space<vmem>>) semaphore(%arg20 : memref<!tpu.dma_semaphore, #tpu.memory_space<semaphore_mem>>)
        %dma_start3A_248 = arith.constant 80 : i32
        %dma_start3A_249 = tpu.memref_slice %arg8[%dma_start3A_248] : memref<160xi32, #tpu.memory_space<vmem>> -> memref<80xi32, #tpu.memory_space<vmem>>
        %dma_start3A_250 = arith.constant 0 : i32
        %dma_start3A_251 = arith.constant 0 : i32
        %dma_start3A_252 = tpu.memref_slice %arg2[%dma_start3A_250, %dma_start3A_251] : memref<10000x128xf32, #tpu.memory_space<hbm>> -> memref<10000x128xf32, #tpu.memory_space<hbm>>
        tpu.enqueue_indirect_dma source(%dma_start3A_252 : memref<10000x128xf32, #tpu.memory_space<hbm>>) target(%arg16 : memref<80x128xf32, #tpu.memory_space<vmem>>) offsets(%dma_start3A_249 : memref<80xi32, #tpu.memory_space<vmem>>) semaphore(%arg24 : memref<!tpu.dma_semaphore, #tpu.memory_space<semaphore_mem>>)
      } else {
      }
      %add3A_133 = arith.constant 1 : i32
      %add3A_134 = arith.addi %mul3A_101, %add3A_133 : i32
      %mul3A_135 = arith.constant 80 : i32
      %mul3A_136 = arith.muli %add3A_134, %mul3A_135 : i32
      %add3A_137 = arith.addi %mul3A_2, %mul3A_136 : i32
      %dma_wait3A_138 = arith.constant 0 : i32
      %dma_wait3A_139 = tpu.memref_slice %arg7[%dma_wait3A_138] : memref<160xi32, #tpu.memory_space<vmem>> -> memref<80xi32, #tpu.memory_space<vmem>>
      %dma_wait3A_140 = arith.constant 0 : i32
      %dma_wait3A_141 = arith.constant 0 : i32
      %dma_wait3A_142 = tpu.memref_slice %arg2[%dma_wait3A_140, %dma_wait3A_141] : memref<10000x128xf32, #tpu.memory_space<hbm>> -> memref<10000x128xf32, #tpu.memory_space<hbm>>
      tpu.wait_indirect_dma semaphore(%arg19 : memref<!tpu.dma_semaphore, #tpu.memory_space<semaphore_mem>>) src(%dma_wait3A_142 : memref<10000x128xf32, #tpu.memory_space<hbm>>) dst(%arg11 : memref<80x128xf32, #tpu.memory_space<vmem>>)
      %dma_start3A_143 = arith.constant 0 : i32
      %dma_start3A_144 = tpu.memref_slice %arg4[%add3A_137, %dma_start3A_143] : memref<320000x128xf32, #tpu.memory_space<hbm>> -> memref<80x128xf32, #tpu.memory_space<hbm>>
      %dma_start3A_145 = arith.constant 0 : i32
      %dma_start3A_146 = tpu.memref_slice %arg4[%add3A_137, %dma_start3A_145] : memref<320000x128xf32, #tpu.memory_space<hbm>> -> memref<80x128xf32, #tpu.memory_space<hbm>>
      tpu.enqueue_dma source(%arg11 : memref<80x128xf32, #tpu.memory_space<vmem>>) target(%dma_start3A_146 : memref<80x128xf32, #tpu.memory_space<hbm>>) target_semaphore(%arg27 : memref<!tpu.dma_semaphore, #tpu.memory_space<semaphore_mem>>)
      %dma_wait3A_147 = arith.constant 80 : i32
      %dma_wait3A_148 = tpu.memref_slice %arg7[%dma_wait3A_147] : memref<160xi32, #tpu.memory_space<vmem>> -> memref<80xi32, #tpu.memory_space<vmem>>
      %dma_wait3A_149 = arith.constant 0 : i32
      %dma_wait3A_150 = arith.constant 0 : i32
      %dma_wait3A_151 = tpu.memref_slice %arg2[%dma_wait3A_149, %dma_wait3A_150] : memref<10000x128xf32, #tpu.memory_space<hbm>> -> memref<10000x128xf32, #tpu.memory_space<hbm>>
      tpu.wait_indirect_dma semaphore(%arg23 : memref<!tpu.dma_semaphore, #tpu.memory_space<semaphore_mem>>) src(%dma_wait3A_151 : memref<10000x128xf32, #tpu.memory_space<hbm>>) dst(%arg15 : memref<80x128xf32, #tpu.memory_space<vmem>>)
      %dma_start3A_152 = arith.constant 0 : i32
      %dma_start3A_153 = tpu.memref_slice %arg5[%add3A_137, %dma_start3A_152] : memref<320000x128xf32, #tpu.memory_space<hbm>> -> memref<80x128xf32, #tpu.memory_space<hbm>>
      %dma_start3A_154 = arith.constant 0 : i32
      %dma_start3A_155 = tpu.memref_slice %arg5[%add3A_137, %dma_start3A_154] : memref<320000x128xf32, #tpu.memory_space<hbm>> -> memref<80x128xf32, #tpu.memory_space<hbm>>
      tpu.enqueue_dma source(%arg15 : memref<80x128xf32, #tpu.memory_space<vmem>>) target(%dma_start3A_155 : memref<80x128xf32, #tpu.memory_space<hbm>>) target_semaphore(%arg31 : memref<!tpu.dma_semaphore, #tpu.memory_space<semaphore_mem>>)
      %ge3A_156 = arith.constant 2 : i32
      %ge3A_157 = arith.cmpi sge, %add3A_134, %ge3A_156 : i32
      %convert_element_type3A_158 = arith.extui %ge3A_157 : i1 to i32
      %cond3A_159 = arith.constant 0 : i32
      %cond3A_160 = arith.cmpi ne, %convert_element_type3A_158, %cond3A_159 : i32
      scf.if %cond3A_160 {
        %sub3A = arith.constant 2 : i32
        %sub3A_238 = arith.subi %add3A_134, %sub3A : i32
        %mul3A_239 = arith.constant 80 : i32
        %mul3A_240 = arith.muli %sub3A_238, %mul3A_239 : i32
        %add3A_241 = arith.addi %mul3A_2, %mul3A_240 : i32
        %dma_wait3A_242 = arith.constant 0 : i32
        %dma_wait3A_243 = tpu.memref_slice %arg4[%add3A_241, %dma_wait3A_242] : memref<320000x128xf32, #tpu.memory_space<hbm>> -> memref<80x128xf32, #tpu.memory_space<hbm>>
        %dma_wait3A_244 = arith.constant 0 : i32
        %dma_wait3A_245 = tpu.memref_slice %arg4[%add3A_241, %dma_wait3A_244] : memref<320000x128xf32, #tpu.memory_space<hbm>> -> memref<80x128xf32, #tpu.memory_space<hbm>>
        tpu.wait_dma2 semaphore(%arg29 : memref<!tpu.dma_semaphore, #tpu.memory_space<semaphore_mem>>) src(%arg13 : memref<80x128xf32, #tpu.memory_space<vmem>>) dst(%dma_wait3A_245 : memref<80x128xf32, #tpu.memory_space<hbm>>)
        %dma_wait3A_246 = arith.constant 0 : i32
        %dma_wait3A_247 = tpu.memref_slice %arg5[%add3A_241, %dma_wait3A_246] : memref<320000x128xf32, #tpu.memory_space<hbm>> -> memref<80x128xf32, #tpu.memory_space<hbm>>
        %dma_wait3A_248 = arith.constant 0 : i32
        %dma_wait3A_249 = tpu.memref_slice %arg5[%add3A_241, %dma_wait3A_248] : memref<320000x128xf32, #tpu.memory_space<hbm>> -> memref<80x128xf32, #tpu.memory_space<hbm>>
        tpu.wait_dma2 semaphore(%arg33 : memref<!tpu.dma_semaphore, #tpu.memory_space<semaphore_mem>>) src(%arg17 : memref<80x128xf32, #tpu.memory_space<vmem>>) dst(%dma_wait3A_249 : memref<80x128xf32, #tpu.memory_space<hbm>>)
      } else {
      }
      %add3A_161 = arith.constant 2 : i32
      %add3A_162 = arith.addi %add3A_134, %add3A_161 : i32
      %lt3A_163 = arith.constant 125 : i32
      %lt3A_164 = arith.cmpi slt, %add3A_162, %lt3A_163 : i32
      %convert_element_type3A_165 = arith.extui %lt3A_164 : i1 to i32
      %cond3A_166 = arith.constant 0 : i32
      %cond3A_167 = arith.cmpi ne, %convert_element_type3A_165, %cond3A_166 : i32
      scf.if %cond3A_167 {
        %add3A_238 = arith.constant 2 : i32
        %add3A_239 = arith.addi %add3A_134, %add3A_238 : i32
        %mul3A_240 = arith.constant 160 : i32
        %mul3A_241 = arith.muli %add3A_239, %mul3A_240 : i32
        %add3A_242 = arith.addi %mul3A_4, %mul3A_241 : i32
        "tpu.region"() ({
          %run_scoped3A = tpu.sem_alloc : memref<!tpu.dma_semaphore, #tpu.memory_space<semaphore_mem>>
          %dma_start3A_253 = tpu.memref_slice %arg3[%add3A_242] : memref<640000xi32, #tpu.memory_space<hbm>> -> memref<160xi32, #tpu.memory_space<hbm>>
          %dma_start3A_254 = tpu.memref_slice %arg3[%add3A_242] : memref<640000xi32, #tpu.memory_space<hbm>> -> memref<160xi32, #tpu.memory_space<hbm>>
          tpu.enqueue_dma source(%dma_start3A_254 : memref<160xi32, #tpu.memory_space<hbm>>) target(%arg9 : memref<160xi32, #tpu.memory_space<vmem>>) target_semaphore(%run_scoped3A : memref<!tpu.dma_semaphore, #tpu.memory_space<semaphore_mem>>)
          %dma_wait3A_255 = tpu.memref_slice %arg3[%add3A_242] : memref<640000xi32, #tpu.memory_space<hbm>> -> memref<160xi32, #tpu.memory_space<hbm>>
          %dma_wait3A_256 = tpu.memref_slice %arg3[%add3A_242] : memref<640000xi32, #tpu.memory_space<hbm>> -> memref<160xi32, #tpu.memory_space<hbm>>
          tpu.wait_dma2 semaphore(%run_scoped3A : memref<!tpu.dma_semaphore, #tpu.memory_space<semaphore_mem>>) src(%dma_wait3A_256 : memref<160xi32, #tpu.memory_space<hbm>>) dst(%arg9 : memref<160xi32, #tpu.memory_space<vmem>>)
          tpu.yield
        }) : () -> ()
        %dma_start3A_243 = arith.constant 0 : i32
        %dma_start3A_244 = tpu.memref_slice %arg9[%dma_start3A_243] : memref<160xi32, #tpu.memory_space<vmem>> -> memref<80xi32, #tpu.memory_space<vmem>>
        %dma_start3A_245 = arith.constant 0 : i32
        %dma_start3A_246 = arith.constant 0 : i32
        %dma_start3A_247 = tpu.memref_slice %arg2[%dma_start3A_245, %dma_start3A_246] : memref<10000x128xf32, #tpu.memory_space<hbm>> -> memref<10000x128xf32, #tpu.memory_space<hbm>>
        tpu.enqueue_indirect_dma source(%dma_start3A_247 : memref<10000x128xf32, #tpu.memory_space<hbm>>) target(%arg13 : memref<80x128xf32, #tpu.memory_space<vmem>>) offsets(%dma_start3A_244 : memref<80xi32, #tpu.memory_space<vmem>>) semaphore(%arg21 : memref<!tpu.dma_semaphore, #tpu.memory_space<semaphore_mem>>)
        %dma_start3A_248 = arith.constant 80 : i32
        %dma_start3A_249 = tpu.memref_slice %arg9[%dma_start3A_248] : memref<160xi32, #tpu.memory_space<vmem>> -> memref<80xi32, #tpu.memory_space<vmem>>
        %dma_start3A_250 = arith.constant 0 : i32
        %dma_start3A_251 = arith.constant 0 : i32
        %dma_start3A_252 = tpu.memref_slice %arg2[%dma_start3A_250, %dma_start3A_251] : memref<10000x128xf32, #tpu.memory_space<hbm>> -> memref<10000x128xf32, #tpu.memory_space<hbm>>
        tpu.enqueue_indirect_dma source(%dma_start3A_252 : memref<10000x128xf32, #tpu.memory_space<hbm>>) target(%arg17 : memref<80x128xf32, #tpu.memory_space<vmem>>) offsets(%dma_start3A_249 : memref<80xi32, #tpu.memory_space<vmem>>) semaphore(%arg25 : memref<!tpu.dma_semaphore, #tpu.memory_space<semaphore_mem>>)
      } else {
      }
      %add3A_168 = arith.constant 2 : i32
      %add3A_169 = arith.addi %mul3A_101, %add3A_168 : i32
      %mul3A_170 = arith.constant 80 : i32
      %mul3A_171 = arith.muli %add3A_169, %mul3A_170 : i32
      %add3A_172 = arith.addi %mul3A_2, %mul3A_171 : i32
      %dma_wait3A_173 = arith.constant 0 : i32
      %dma_wait3A_174 = tpu.memref_slice %arg8[%dma_wait3A_173] : memref<160xi32, #tpu.memory_space<vmem>> -> memref<80xi32, #tpu.memory_space<vmem>>
      %dma_wait3A_175 = arith.constant 0 : i32
      %dma_wait3A_176 = arith.constant 0 : i32
      %dma_wait3A_177 = tpu.memref_slice %arg2[%dma_wait3A_175, %dma_wait3A_176] : memref<10000x128xf32, #tpu.memory_space<hbm>> -> memref<10000x128xf32, #tpu.memory_space<hbm>>
      tpu.wait_indirect_dma semaphore(%arg20 : memref<!tpu.dma_semaphore, #tpu.memory_space<semaphore_mem>>) src(%dma_wait3A_177 : memref<10000x128xf32, #tpu.memory_space<hbm>>) dst(%arg12 : memref<80x128xf32, #tpu.memory_space<vmem>>)
      %dma_start3A_178 = arith.constant 0 : i32
      %dma_start3A_179 = tpu.memref_slice %arg4[%add3A_172, %dma_start3A_178] : memref<320000x128xf32, #tpu.memory_space<hbm>> -> memref<80x128xf32, #tpu.memory_space<hbm>>
      %dma_start3A_180 = arith.constant 0 : i32
      %dma_start3A_181 = tpu.memref_slice %arg4[%add3A_172, %dma_start3A_180] : memref<320000x128xf32, #tpu.memory_space<hbm>> -> memref<80x128xf32, #tpu.memory_space<hbm>>
      tpu.enqueue_dma source(%arg12 : memref<80x128xf32, #tpu.memory_space<vmem>>) target(%dma_start3A_181 : memref<80x128xf32, #tpu.memory_space<hbm>>) target_semaphore(%arg28 : memref<!tpu.dma_semaphore, #tpu.memory_space<semaphore_mem>>)
      %dma_wait3A_182 = arith.constant 80 : i32
      %dma_wait3A_183 = tpu.memref_slice %arg8[%dma_wait3A_182] : memref<160xi32, #tpu.memory_space<vmem>> -> memref<80xi32, #tpu.memory_space<vmem>>
      %dma_wait3A_184 = arith.constant 0 : i32
      %dma_wait3A_185 = arith.constant 0 : i32
      %dma_wait3A_186 = tpu.memref_slice %arg2[%dma_wait3A_184, %dma_wait3A_185] : memref<10000x128xf32, #tpu.memory_space<hbm>> -> memref<10000x128xf32, #tpu.memory_space<hbm>>
      tpu.wait_indirect_dma semaphore(%arg24 : memref<!tpu.dma_semaphore, #tpu.memory_space<semaphore_mem>>) src(%dma_wait3A_186 : memref<10000x128xf32, #tpu.memory_space<hbm>>) dst(%arg16 : memref<80x128xf32, #tpu.memory_space<vmem>>)
      %dma_start3A_187 = arith.constant 0 : i32
      %dma_start3A_188 = tpu.memref_slice %arg5[%add3A_172, %dma_start3A_187] : memref<320000x128xf32, #tpu.memory_space<hbm>> -> memref<80x128xf32, #tpu.memory_space<hbm>>
      %dma_start3A_189 = arith.constant 0 : i32
      %dma_start3A_190 = tpu.memref_slice %arg5[%add3A_172, %dma_start3A_189] : memref<320000x128xf32, #tpu.memory_space<hbm>> -> memref<80x128xf32, #tpu.memory_space<hbm>>
      tpu.enqueue_dma source(%arg16 : memref<80x128xf32, #tpu.memory_space<vmem>>) target(%dma_start3A_190 : memref<80x128xf32, #tpu.memory_space<hbm>>) target_semaphore(%arg32 : memref<!tpu.dma_semaphore, #tpu.memory_space<semaphore_mem>>)
      %ge3A_191 = arith.constant 2 : i32
      %ge3A_192 = arith.cmpi sge, %add3A_169, %ge3A_191 : i32
      %convert_element_type3A_193 = arith.extui %ge3A_192 : i1 to i32
      %cond3A_194 = arith.constant 0 : i32
      %cond3A_195 = arith.cmpi ne, %convert_element_type3A_193, %cond3A_194 : i32
      scf.if %cond3A_195 {
        %sub3A = arith.constant 2 : i32
        %sub3A_238 = arith.subi %add3A_169, %sub3A : i32
        %mul3A_239 = arith.constant 80 : i32
        %mul3A_240 = arith.muli %sub3A_238, %mul3A_239 : i32
        %add3A_241 = arith.addi %mul3A_2, %mul3A_240 : i32
        %dma_wait3A_242 = arith.constant 0 : i32
        %dma_wait3A_243 = tpu.memref_slice %arg4[%add3A_241, %dma_wait3A_242] : memref<320000x128xf32, #tpu.memory_space<hbm>> -> memref<80x128xf32, #tpu.memory_space<hbm>>
        %dma_wait3A_244 = arith.constant 0 : i32
        %dma_wait3A_245 = tpu.memref_slice %arg4[%add3A_241, %dma_wait3A_244] : memref<320000x128xf32, #tpu.memory_space<hbm>> -> memref<80x128xf32, #tpu.memory_space<hbm>>
        tpu.wait_dma2 semaphore(%arg26 : memref<!tpu.dma_semaphore, #tpu.memory_space<semaphore_mem>>) src(%arg10 : memref<80x128xf32, #tpu.memory_space<vmem>>) dst(%dma_wait3A_245 : memref<80x128xf32, #tpu.memory_space<hbm>>)
        %dma_wait3A_246 = arith.constant 0 : i32
        %dma_wait3A_247 = tpu.memref_slice %arg5[%add3A_241, %dma_wait3A_246] : memref<320000x128xf32, #tpu.memory_space<hbm>> -> memref<80x128xf32, #tpu.memory_space<hbm>>
        %dma_wait3A_248 = arith.constant 0 : i32
        %dma_wait3A_249 = tpu.memref_slice %arg5[%add3A_241, %dma_wait3A_248] : memref<320000x128xf32, #tpu.memory_space<hbm>> -> memref<80x128xf32, #tpu.memory_space<hbm>>
        tpu.wait_dma2 semaphore(%arg30 : memref<!tpu.dma_semaphore, #tpu.memory_space<semaphore_mem>>) src(%arg14 : memref<80x128xf32, #tpu.memory_space<vmem>>) dst(%dma_wait3A_249 : memref<80x128xf32, #tpu.memory_space<hbm>>)
      } else {
      }
      %add3A_196 = arith.constant 2 : i32
      %add3A_197 = arith.addi %add3A_169, %add3A_196 : i32
      %lt3A_198 = arith.constant 125 : i32
      %lt3A_199 = arith.cmpi slt, %add3A_197, %lt3A_198 : i32
      %convert_element_type3A_200 = arith.extui %lt3A_199 : i1 to i32
      %cond3A_201 = arith.constant 0 : i32
      %cond3A_202 = arith.cmpi ne, %convert_element_type3A_200, %cond3A_201 : i32
      scf.if %cond3A_202 {
        %add3A_238 = arith.constant 2 : i32
        %add3A_239 = arith.addi %add3A_169, %add3A_238 : i32
        %mul3A_240 = arith.constant 160 : i32
        %mul3A_241 = arith.muli %add3A_239, %mul3A_240 : i32
        %add3A_242 = arith.addi %mul3A_4, %mul3A_241 : i32
        "tpu.region"() ({
          %run_scoped3A = tpu.sem_alloc : memref<!tpu.dma_semaphore, #tpu.memory_space<semaphore_mem>>
          %dma_start3A_253 = tpu.memref_slice %arg3[%add3A_242] : memref<640000xi32, #tpu.memory_space<hbm>> -> memref<160xi32, #tpu.memory_space<hbm>>
          %dma_start3A_254 = tpu.memref_slice %arg3[%add3A_242] : memref<640000xi32, #tpu.memory_space<hbm>> -> memref<160xi32, #tpu.memory_space<hbm>>
          tpu.enqueue_dma source(%dma_start3A_254 : memref<160xi32, #tpu.memory_space<hbm>>) target(%arg6 : memref<160xi32, #tpu.memory_space<vmem>>) target_semaphore(%run_scoped3A : memref<!tpu.dma_semaphore, #tpu.memory_space<semaphore_mem>>)
          %dma_wait3A_255 = tpu.memref_slice %arg3[%add3A_242] : memref<640000xi32, #tpu.memory_space<hbm>> -> memref<160xi32, #tpu.memory_space<hbm>>
          %dma_wait3A_256 = tpu.memref_slice %arg3[%add3A_242] : memref<640000xi32, #tpu.memory_space<hbm>> -> memref<160xi32, #tpu.memory_space<hbm>>
          tpu.wait_dma2 semaphore(%run_scoped3A : memref<!tpu.dma_semaphore, #tpu.memory_space<semaphore_mem>>) src(%dma_wait3A_256 : memref<160xi32, #tpu.memory_space<hbm>>) dst(%arg6 : memref<160xi32, #tpu.memory_space<vmem>>)
          tpu.yield
        }) : () -> ()
        %dma_start3A_243 = arith.constant 0 : i32
        %dma_start3A_244 = tpu.memref_slice %arg6[%dma_start3A_243] : memref<160xi32, #tpu.memory_space<vmem>> -> memref<80xi32, #tpu.memory_space<vmem>>
        %dma_start3A_245 = arith.constant 0 : i32
        %dma_start3A_246 = arith.constant 0 : i32
        %dma_start3A_247 = tpu.memref_slice %arg2[%dma_start3A_245, %dma_start3A_246] : memref<10000x128xf32, #tpu.memory_space<hbm>> -> memref<10000x128xf32, #tpu.memory_space<hbm>>
        tpu.enqueue_indirect_dma source(%dma_start3A_247 : memref<10000x128xf32, #tpu.memory_space<hbm>>) target(%arg10 : memref<80x128xf32, #tpu.memory_space<vmem>>) offsets(%dma_start3A_244 : memref<80xi32, #tpu.memory_space<vmem>>) semaphore(%arg18 : memref<!tpu.dma_semaphore, #tpu.memory_space<semaphore_mem>>)
        %dma_start3A_248 = arith.constant 80 : i32
        %dma_start3A_249 = tpu.memref_slice %arg6[%dma_start3A_248] : memref<160xi32, #tpu.memory_space<vmem>> -> memref<80xi32, #tpu.memory_space<vmem>>
        %dma_start3A_250 = arith.constant 0 : i32
        %dma_start3A_251 = arith.constant 0 : i32
        %dma_start3A_252 = tpu.memref_slice %arg2[%dma_start3A_250, %dma_start3A_251] : memref<10000x128xf32, #tpu.memory_space<hbm>> -> memref<10000x128xf32, #tpu.memory_space<hbm>>
        tpu.enqueue_indirect_dma source(%dma_start3A_252 : memref<10000x128xf32, #tpu.memory_space<hbm>>) target(%arg14 : memref<80x128xf32, #tpu.memory_space<vmem>>) offsets(%dma_start3A_249 : memref<80xi32, #tpu.memory_space<vmem>>) semaphore(%arg22 : memref<!tpu.dma_semaphore, #tpu.memory_space<semaphore_mem>>)
      } else {
      }
      %add3A_203 = arith.constant 3 : i32
      %add3A_204 = arith.addi %mul3A_101, %add3A_203 : i32
      %mul3A_205 = arith.constant 80 : i32
      %mul3A_206 = arith.muli %add3A_204, %mul3A_205 : i32
      %add3A_207 = arith.addi %mul3A_2, %mul3A_206 : i32
      %dma_wait3A_208 = arith.constant 0 : i32
      %dma_wait3A_209 = tpu.memref_slice %arg9[%dma_wait3A_208] : memref<160xi32, #tpu.memory_space<vmem>> -> memref<80xi32, #tpu.memory_space<vmem>>
      %dma_wait3A_210 = arith.constant 0 : i32
      %dma_wait3A_211 = arith.constant 0 : i32
      %dma_wait3A_212 = tpu.memref_slice %arg2[%dma_wait3A_210, %dma_wait3A_211] : memref<10000x128xf32, #tpu.memory_space<hbm>> -> memref<10000x128xf32, #tpu.memory_space<hbm>>
      tpu.wait_indirect_dma semaphore(%arg21 : memref<!tpu.dma_semaphore, #tpu.memory_space<semaphore_mem>>) src(%dma_wait3A_212 : memref<10000x128xf32, #tpu.memory_space<hbm>>) dst(%arg13 : memref<80x128xf32, #tpu.memory_space<vmem>>)
      %dma_start3A_213 = arith.constant 0 : i32
      %dma_start3A_214 = tpu.memref_slice %arg4[%add3A_207, %dma_start3A_213] : memref<320000x128xf32, #tpu.memory_space<hbm>> -> memref<80x128xf32, #tpu.memory_space<hbm>>
      %dma_start3A_215 = arith.constant 0 : i32
      %dma_start3A_216 = tpu.memref_slice %arg4[%add3A_207, %dma_start3A_215] : memref<320000x128xf32, #tpu.memory_space<hbm>> -> memref<80x128xf32, #tpu.memory_space<hbm>>
      tpu.enqueue_dma source(%arg13 : memref<80x128xf32, #tpu.memory_space<vmem>>) target(%dma_start3A_216 : memref<80x128xf32, #tpu.memory_space<hbm>>) target_semaphore(%arg29 : memref<!tpu.dma_semaphore, #tpu.memory_space<semaphore_mem>>)
      %dma_wait3A_217 = arith.constant 80 : i32
      %dma_wait3A_218 = tpu.memref_slice %arg9[%dma_wait3A_217] : memref<160xi32, #tpu.memory_space<vmem>> -> memref<80xi32, #tpu.memory_space<vmem>>
      %dma_wait3A_219 = arith.constant 0 : i32
      %dma_wait3A_220 = arith.constant 0 : i32
      %dma_wait3A_221 = tpu.memref_slice %arg2[%dma_wait3A_219, %dma_wait3A_220] : memref<10000x128xf32, #tpu.memory_space<hbm>> -> memref<10000x128xf32, #tpu.memory_space<hbm>>
      tpu.wait_indirect_dma semaphore(%arg25 : memref<!tpu.dma_semaphore, #tpu.memory_space<semaphore_mem>>) src(%dma_wait3A_221 : memref<10000x128xf32, #tpu.memory_space<hbm>>) dst(%arg17 : memref<80x128xf32, #tpu.memory_space<vmem>>)
      %dma_start3A_222 = arith.constant 0 : i32
      %dma_start3A_223 = tpu.memref_slice %arg5[%add3A_207, %dma_start3A_222] : memref<320000x128xf32, #tpu.memory_space<hbm>> -> memref<80x128xf32, #tpu.memory_space<hbm>>
      %dma_start3A_224 = arith.constant 0 : i32
      %dma_start3A_225 = tpu.memref_slice %arg5[%add3A_207, %dma_start3A_224] : memref<320000x128xf32, #tpu.memory_space<hbm>> -> memref<80x128xf32, #tpu.memory_space<hbm>>
      tpu.enqueue_dma source(%arg17 : memref<80x128xf32, #tpu.memory_space<vmem>>) target(%dma_start3A_225 : memref<80x128xf32, #tpu.memory_space<hbm>>) target_semaphore(%arg33 : memref<!tpu.dma_semaphore, #tpu.memory_space<semaphore_mem>>)
      %ge3A_226 = arith.constant 2 : i32
      %ge3A_227 = arith.cmpi sge, %add3A_204, %ge3A_226 : i32
      %convert_element_type3A_228 = arith.extui %ge3A_227 : i1 to i32
      %cond3A_229 = arith.constant 0 : i32
      %cond3A_230 = arith.cmpi ne, %convert_element_type3A_228, %cond3A_229 : i32
      scf.if %cond3A_230 {
        %sub3A = arith.constant 2 : i32
        %sub3A_238 = arith.subi %add3A_204, %sub3A : i32
        %mul3A_239 = arith.constant 80 : i32
        %mul3A_240 = arith.muli %sub3A_238, %mul3A_239 : i32
        %add3A_241 = arith.addi %mul3A_2, %mul3A_240 : i32
        %dma_wait3A_242 = arith.constant 0 : i32
        %dma_wait3A_243 = tpu.memref_slice %arg4[%add3A_241, %dma_wait3A_242] : memref<320000x128xf32, #tpu.memory_space<hbm>> -> memref<80x128xf32, #tpu.memory_space<hbm>>
        %dma_wait3A_244 = arith.constant 0 : i32
        %dma_wait3A_245 = tpu.memref_slice %arg4[%add3A_241, %dma_wait3A_244] : memref<320000x128xf32, #tpu.memory_space<hbm>> -> memref<80x128xf32, #tpu.memory_space<hbm>>
        tpu.wait_dma2 semaphore(%arg27 : memref<!tpu.dma_semaphore, #tpu.memory_space<semaphore_mem>>) src(%arg11 : memref<80x128xf32, #tpu.memory_space<vmem>>) dst(%dma_wait3A_245 : memref<80x128xf32, #tpu.memory_space<hbm>>)
        %dma_wait3A_246 = arith.constant 0 : i32
        %dma_wait3A_247 = tpu.memref_slice %arg5[%add3A_241, %dma_wait3A_246] : memref<320000x128xf32, #tpu.memory_space<hbm>> -> memref<80x128xf32, #tpu.memory_space<hbm>>
        %dma_wait3A_248 = arith.constant 0 : i32
        %dma_wait3A_249 = tpu.memref_slice %arg5[%add3A_241, %dma_wait3A_248] : memref<320000x128xf32, #tpu.memory_space<hbm>> -> memref<80x128xf32, #tpu.memory_space<hbm>>
        tpu.wait_dma2 semaphore(%arg31 : memref<!tpu.dma_semaphore, #tpu.memory_space<semaphore_mem>>) src(%arg15 : memref<80x128xf32, #tpu.memory_space<vmem>>) dst(%dma_wait3A_249 : memref<80x128xf32, #tpu.memory_space<hbm>>)
      } else {
      }
      %add3A_231 = arith.constant 2 : i32
      %add3A_232 = arith.addi %add3A_204, %add3A_231 : i32
      %lt3A_233 = arith.constant 125 : i32
      %lt3A_234 = arith.cmpi slt, %add3A_232, %lt3A_233 : i32
      %convert_element_type3A_235 = arith.extui %lt3A_234 : i1 to i32
      %cond3A_236 = arith.constant 0 : i32
      %cond3A_237 = arith.cmpi ne, %convert_element_type3A_235, %cond3A_236 : i32
      scf.if %cond3A_237 {
        %add3A_238 = arith.constant 2 : i32
        %add3A_239 = arith.addi %add3A_204, %add3A_238 : i32
        %mul3A_240 = arith.constant 160 : i32
        %mul3A_241 = arith.muli %add3A_239, %mul3A_240 : i32
        %add3A_242 = arith.addi %mul3A_4, %mul3A_241 : i32
        "tpu.region"() ({
          %run_scoped3A = tpu.sem_alloc : memref<!tpu.dma_semaphore, #tpu.memory_space<semaphore_mem>>
          %dma_start3A_253 = tpu.memref_slice %arg3[%add3A_242] : memref<640000xi32, #tpu.memory_space<hbm>> -> memref<160xi32, #tpu.memory_space<hbm>>
          %dma_start3A_254 = tpu.memref_slice %arg3[%add3A_242] : memref<640000xi32, #tpu.memory_space<hbm>> -> memref<160xi32, #tpu.memory_space<hbm>>
          tpu.enqueue_dma source(%dma_start3A_254 : memref<160xi32, #tpu.memory_space<hbm>>) target(%arg7 : memref<160xi32, #tpu.memory_space<vmem>>) target_semaphore(%run_scoped3A : memref<!tpu.dma_semaphore, #tpu.memory_space<semaphore_mem>>)
          %dma_wait3A_255 = tpu.memref_slice %arg3[%add3A_242] : memref<640000xi32, #tpu.memory_space<hbm>> -> memref<160xi32, #tpu.memory_space<hbm>>
          %dma_wait3A_256 = tpu.memref_slice %arg3[%add3A_242] : memref<640000xi32, #tpu.memory_space<hbm>> -> memref<160xi32, #tpu.memory_space<hbm>>
          tpu.wait_dma2 semaphore(%run_scoped3A : memref<!tpu.dma_semaphore, #tpu.memory_space<semaphore_mem>>) src(%dma_wait3A_256 : memref<160xi32, #tpu.memory_space<hbm>>) dst(%arg7 : memref<160xi32, #tpu.memory_space<vmem>>)
          tpu.yield
        }) : () -> ()
        %dma_start3A_243 = arith.constant 0 : i32
        %dma_start3A_244 = tpu.memref_slice %arg7[%dma_start3A_243] : memref<160xi32, #tpu.memory_space<vmem>> -> memref<80xi32, #tpu.memory_space<vmem>>
        %dma_start3A_245 = arith.constant 0 : i32
        %dma_start3A_246 = arith.constant 0 : i32
        %dma_start3A_247 = tpu.memref_slice %arg2[%dma_start3A_245, %dma_start3A_246] : memref<10000x128xf32, #tpu.memory_space<hbm>> -> memref<10000x128xf32, #tpu.memory_space<hbm>>
        tpu.enqueue_indirect_dma source(%dma_start3A_247 : memref<10000x128xf32, #tpu.memory_space<hbm>>) target(%arg11 : memref<80x128xf32, #tpu.memory_space<vmem>>) offsets(%dma_start3A_244 : memref<80xi32, #tpu.memory_space<vmem>>) semaphore(%arg19 : memref<!tpu.dma_semaphore, #tpu.memory_space<semaphore_mem>>)
        %dma_start3A_248 = arith.constant 80 : i32
        %dma_start3A_249 = tpu.memref_slice %arg7[%dma_start3A_248] : memref<160xi32, #tpu.memory_space<vmem>> -> memref<80xi32, #tpu.memory_space<vmem>>
        %dma_start3A_250 = arith.constant 0 : i32
        %dma_start3A_251 = arith.constant 0 : i32
        %dma_start3A_252 = tpu.memref_slice %arg2[%dma_start3A_250, %dma_start3A_251] : memref<10000x128xf32, #tpu.memory_space<hbm>> -> memref<10000x128xf32, #tpu.memory_space<hbm>>
        tpu.enqueue_indirect_dma source(%dma_start3A_252 : memref<10000x128xf32, #tpu.memory_space<hbm>>) target(%arg15 : memref<80x128xf32, #tpu.memory_space<vmem>>) offsets(%dma_start3A_249 : memref<80xi32, #tpu.memory_space<vmem>>) semaphore(%arg23 : memref<!tpu.dma_semaphore, #tpu.memory_space<semaphore_mem>>)
      } else {
      }
    }
    %while3A_41 = arith.constant 1 : i32
    scf.for %while3A_99 = %while3A_39 to %while3A_35 step %while3A_41  : i32 {
      %mul3A_100 = arith.constant 4 : i32
      %mul3A_101 = arith.muli %mul3A_100, %while3A_99 : i32
      %add3A_102 = arith.constant 0 : i32
      %add3A_103 = arith.addi %mul3A_101, %add3A_102 : i32
      %mul3A_104 = arith.constant 80 : i32
      %mul3A_105 = arith.muli %add3A_103, %mul3A_104 : i32
      %add3A_106 = arith.addi %mul3A_2, %mul3A_105 : i32
      %dma_wait3A_107 = arith.constant 0 : i32
      %dma_wait3A_108 = tpu.memref_slice %arg6[%dma_wait3A_107] : memref<160xi32, #tpu.memory_space<vmem>> -> memref<80xi32, #tpu.memory_space<vmem>>
      %dma_wait3A_109 = arith.constant 0 : i32
      %dma_wait3A_110 = arith.constant 0 : i32
      %dma_wait3A_111 = tpu.memref_slice %arg2[%dma_wait3A_109, %dma_wait3A_110] : memref<10000x128xf32, #tpu.memory_space<hbm>> -> memref<10000x128xf32, #tpu.memory_space<hbm>>
      tpu.wait_indirect_dma semaphore(%arg18 : memref<!tpu.dma_semaphore, #tpu.memory_space<semaphore_mem>>) src(%dma_wait3A_111 : memref<10000x128xf32, #tpu.memory_space<hbm>>) dst(%arg10 : memref<80x128xf32, #tpu.memory_space<vmem>>)
      %dma_start3A_112 = arith.constant 0 : i32
      %dma_start3A_113 = tpu.memref_slice %arg4[%add3A_106, %dma_start3A_112] : memref<320000x128xf32, #tpu.memory_space<hbm>> -> memref<80x128xf32, #tpu.memory_space<hbm>>
      %dma_start3A_114 = arith.constant 0 : i32
      %dma_start3A_115 = tpu.memref_slice %arg4[%add3A_106, %dma_start3A_114] : memref<320000x128xf32, #tpu.memory_space<hbm>> -> memref<80x128xf32, #tpu.memory_space<hbm>>
      tpu.enqueue_dma source(%arg10 : memref<80x128xf32, #tpu.memory_space<vmem>>) target(%dma_start3A_115 : memref<80x128xf32, #tpu.memory_space<hbm>>) target_semaphore(%arg26 : memref<!tpu.dma_semaphore, #tpu.memory_space<semaphore_mem>>)
      %dma_wait3A_116 = arith.constant 80 : i32
      %dma_wait3A_117 = tpu.memref_slice %arg6[%dma_wait3A_116] : memref<160xi32, #tpu.memory_space<vmem>> -> memref<80xi32, #tpu.memory_space<vmem>>
      %dma_wait3A_118 = arith.constant 0 : i32
      %dma_wait3A_119 = arith.constant 0 : i32
      %dma_wait3A_120 = tpu.memref_slice %arg2[%dma_wait3A_118, %dma_wait3A_119] : memref<10000x128xf32, #tpu.memory_space<hbm>> -> memref<10000x128xf32, #tpu.memory_space<hbm>>
      tpu.wait_indirect_dma semaphore(%arg22 : memref<!tpu.dma_semaphore, #tpu.memory_space<semaphore_mem>>) src(%dma_wait3A_120 : memref<10000x128xf32, #tpu.memory_space<hbm>>) dst(%arg14 : memref<80x128xf32, #tpu.memory_space<vmem>>)
      %dma_start3A_121 = arith.constant 0 : i32
      %dma_start3A_122 = tpu.memref_slice %arg5[%add3A_106, %dma_start3A_121] : memref<320000x128xf32, #tpu.memory_space<hbm>> -> memref<80x128xf32, #tpu.memory_space<hbm>>
      %dma_start3A_123 = arith.constant 0 : i32
      %dma_start3A_124 = tpu.memref_slice %arg5[%add3A_106, %dma_start3A_123] : memref<320000x128xf32, #tpu.memory_space<hbm>> -> memref<80x128xf32, #tpu.memory_space<hbm>>
      tpu.enqueue_dma source(%arg14 : memref<80x128xf32, #tpu.memory_space<vmem>>) target(%dma_start3A_124 : memref<80x128xf32, #tpu.memory_space<hbm>>) target_semaphore(%arg30 : memref<!tpu.dma_semaphore, #tpu.memory_space<semaphore_mem>>)
      %ge3A = arith.constant 2 : i32
      %ge3A_125 = arith.cmpi sge, %add3A_103, %ge3A : i32
      %convert_element_type3A = arith.extui %ge3A_125 : i1 to i32
      %cond3A = arith.constant 0 : i32
      %cond3A_126 = arith.cmpi ne, %convert_element_type3A, %cond3A : i32
      scf.if %cond3A_126 {
        %sub3A = arith.constant 2 : i32
        %sub3A_238 = arith.subi %add3A_103, %sub3A : i32
        %mul3A_239 = arith.constant 80 : i32
        %mul3A_240 = arith.muli %sub3A_238, %mul3A_239 : i32
        %add3A_241 = arith.addi %mul3A_2, %mul3A_240 : i32
        %dma_wait3A_242 = arith.constant 0 : i32
        %dma_wait3A_243 = tpu.memref_slice %arg4[%add3A_241, %dma_wait3A_242] : memref<320000x128xf32, #tpu.memory_space<hbm>> -> memref<80x128xf32, #tpu.memory_space<hbm>>
        %dma_wait3A_244 = arith.constant 0 : i32
        %dma_wait3A_245 = tpu.memref_slice %arg4[%add3A_241, %dma_wait3A_244] : memref<320000x128xf32, #tpu.memory_space<hbm>> -> memref<80x128xf32, #tpu.memory_space<hbm>>
        tpu.wait_dma2 semaphore(%arg28 : memref<!tpu.dma_semaphore, #tpu.memory_space<semaphore_mem>>) src(%arg12 : memref<80x128xf32, #tpu.memory_space<vmem>>) dst(%dma_wait3A_245 : memref<80x128xf32, #tpu.memory_space<hbm>>)
        %dma_wait3A_246 = arith.constant 0 : i32
        %dma_wait3A_247 = tpu.memref_slice %arg5[%add3A_241, %dma_wait3A_246] : memref<320000x128xf32, #tpu.memory_space<hbm>> -> memref<80x128xf32, #tpu.memory_space<hbm>>
        %dma_wait3A_248 = arith.constant 0 : i32
        %dma_wait3A_249 = tpu.memref_slice %arg5[%add3A_241, %dma_wait3A_248] : memref<320000x128xf32, #tpu.memory_space<hbm>> -> memref<80x128xf32, #tpu.memory_space<hbm>>
        tpu.wait_dma2 semaphore(%arg32 : memref<!tpu.dma_semaphore, #tpu.memory_space<semaphore_mem>>) src(%arg16 : memref<80x128xf32, #tpu.memory_space<vmem>>) dst(%dma_wait3A_249 : memref<80x128xf32, #tpu.memory_space<hbm>>)
      } else {
      }
      %add3A_127 = arith.constant 2 : i32
      %add3A_128 = arith.addi %add3A_103, %add3A_127 : i32
      %lt3A = arith.constant 125 : i32
      %lt3A_129 = arith.cmpi slt, %add3A_128, %lt3A : i32
      %convert_element_type3A_130 = arith.extui %lt3A_129 : i1 to i32
      %cond3A_131 = arith.constant 0 : i32
      %cond3A_132 = arith.cmpi ne, %convert_element_type3A_130, %cond3A_131 : i32
      scf.if %cond3A_132 {
        %add3A_238 = arith.constant 2 : i32
        %add3A_239 = arith.addi %add3A_103, %add3A_238 : i32
        %mul3A_240 = arith.constant 160 : i32
        %mul3A_241 = arith.muli %add3A_239, %mul3A_240 : i32
        %add3A_242 = arith.addi %mul3A_4, %mul3A_241 : i32
        "tpu.region"() ({
          %run_scoped3A = tpu.sem_alloc : memref<!tpu.dma_semaphore, #tpu.memory_space<semaphore_mem>>
          %dma_start3A_253 = tpu.memref_slice %arg3[%add3A_242] : memref<640000xi32, #tpu.memory_space<hbm>> -> memref<160xi32, #tpu.memory_space<hbm>>
          %dma_start3A_254 = tpu.memref_slice %arg3[%add3A_242] : memref<640000xi32, #tpu.memory_space<hbm>> -> memref<160xi32, #tpu.memory_space<hbm>>
          tpu.enqueue_dma source(%dma_start3A_254 : memref<160xi32, #tpu.memory_space<hbm>>) target(%arg8 : memref<160xi32, #tpu.memory_space<vmem>>) target_semaphore(%run_scoped3A : memref<!tpu.dma_semaphore, #tpu.memory_space<semaphore_mem>>)
          %dma_wait3A_255 = tpu.memref_slice %arg3[%add3A_242] : memref<640000xi32, #tpu.memory_space<hbm>> -> memref<160xi32, #tpu.memory_space<hbm>>
          %dma_wait3A_256 = tpu.memref_slice %arg3[%add3A_242] : memref<640000xi32, #tpu.memory_space<hbm>> -> memref<160xi32, #tpu.memory_space<hbm>>
          tpu.wait_dma2 semaphore(%run_scoped3A : memref<!tpu.dma_semaphore, #tpu.memory_space<semaphore_mem>>) src(%dma_wait3A_256 : memref<160xi32, #tpu.memory_space<hbm>>) dst(%arg8 : memref<160xi32, #tpu.memory_space<vmem>>)
          tpu.yield
        }) : () -> ()
        %dma_start3A_243 = arith.constant 0 : i32
        %dma_start3A_244 = tpu.memref_slice %arg8[%dma_start3A_243] : memref<160xi32, #tpu.memory_space<vmem>> -> memref<80xi32, #tpu.memory_space<vmem>>
        %dma_start3A_245 = arith.constant 0 : i32
        %dma_start3A_246 = arith.constant 0 : i32
        %dma_start3A_247 = tpu.memref_slice %arg2[%dma_start3A_245, %dma_start3A_246] : memref<10000x128xf32, #tpu.memory_space<hbm>> -> memref<10000x128xf32, #tpu.memory_space<hbm>>
        tpu.enqueue_indirect_dma source(%dma_start3A_247 : memref<10000x128xf32, #tpu.memory_space<hbm>>) target(%arg12 : memref<80x128xf32, #tpu.memory_space<vmem>>) offsets(%dma_start3A_244 : memref<80xi32, #tpu.memory_space<vmem>>) semaphore(%arg20 : memref<!tpu.dma_semaphore, #tpu.memory_space<semaphore_mem>>)
        %dma_start3A_248 = arith.constant 80 : i32
        %dma_start3A_249 = tpu.memref_slice %arg8[%dma_start3A_248] : memref<160xi32, #tpu.memory_space<vmem>> -> memref<80xi32, #tpu.memory_space<vmem>>
        %dma_start3A_250 = arith.constant 0 : i32
        %dma_start3A_251 = arith.constant 0 : i32
        %dma_start3A_252 = tpu.memref_slice %arg2[%dma_start3A_250, %dma_start3A_251] : memref<10000x128xf32, #tpu.memory_space<hbm>> -> memref<10000x128xf32, #tpu.memory_space<hbm>>
        tpu.enqueue_indirect_dma source(%dma_start3A_252 : memref<10000x128xf32, #tpu.memory_space<hbm>>) target(%arg16 : memref<80x128xf32, #tpu.memory_space<vmem>>) offsets(%dma_start3A_249 : memref<80xi32, #tpu.memory_space<vmem>>) semaphore(%arg24 : memref<!tpu.dma_semaphore, #tpu.memory_space<semaphore_mem>>)
      } else {
      }
      %add3A_133 = arith.constant 1 : i32
      %add3A_134 = arith.addi %mul3A_101, %add3A_133 : i32
      %mul3A_135 = arith.constant 80 : i32
      %mul3A_136 = arith.muli %add3A_134, %mul3A_135 : i32
      %add3A_137 = arith.addi %mul3A_2, %mul3A_136 : i32
      %dma_wait3A_138 = arith.constant 0 : i32
      %dma_wait3A_139 = tpu.memref_slice %arg7[%dma_wait3A_138] : memref<160xi32, #tpu.memory_space<vmem>> -> memref<80xi32, #tpu.memory_space<vmem>>
      %dma_wait3A_140 = arith.constant 0 : i32
      %dma_wait3A_141 = arith.constant 0 : i32
      %dma_wait3A_142 = tpu.memref_slice %arg2[%dma_wait3A_140, %dma_wait3A_141] : memref<10000x128xf32, #tpu.memory_space<hbm>> -> memref<10000x128xf32, #tpu.memory_space<hbm>>
      tpu.wait_indirect_dma semaphore(%arg19 : memref<!tpu.dma_semaphore, #tpu.memory_space<semaphore_mem>>) src(%dma_wait3A_142 : memref<10000x128xf32, #tpu.memory_space<hbm>>) dst(%arg11 : memref<80x128xf32, #tpu.memory_space<vmem>>)
      %dma_start3A_143 = arith.constant 0 : i32
      %dma_start3A_144 = tpu.memref_slice %arg4[%add3A_137, %dma_start3A_143] : memref<320000x128xf32, #tpu.memory_space<hbm>> -> memref<80x128xf32, #tpu.memory_space<hbm>>
      %dma_start3A_145 = arith.constant 0 : i32
      %dma_start3A_146 = tpu.memref_slice %arg4[%add3A_137, %dma_start3A_145] : memref<320000x128xf32, #tpu.memory_space<hbm>> -> memref<80x128xf32, #tpu.memory_space<hbm>>
      tpu.enqueue_dma source(%arg11 : memref<80x128xf32, #tpu.memory_space<vmem>>) target(%dma_start3A_146 : memref<80x128xf32, #tpu.memory_space<hbm>>) target_semaphore(%arg27 : memref<!tpu.dma_semaphore, #tpu.memory_space<semaphore_mem>>)
      %dma_wait3A_147 = arith.constant 80 : i32
      %dma_wait3A_148 = tpu.memref_slice %arg7[%dma_wait3A_147] : memref<160xi32, #tpu.memory_space<vmem>> -> memref<80xi32, #tpu.memory_space<vmem>>
      %dma_wait3A_149 = arith.constant 0 : i32
      %dma_wait3A_150 = arith.constant 0 : i32
      %dma_wait3A_151 = tpu.memref_slice %arg2[%dma_wait3A_149, %dma_wait3A_150] : memref<10000x128xf32, #tpu.memory_space<hbm>> -> memref<10000x128xf32, #tpu.memory_space<hbm>>
      tpu.wait_indirect_dma semaphore(%arg23 : memref<!tpu.dma_semaphore, #tpu.memory_space<semaphore_mem>>) src(%dma_wait3A_151 : memref<10000x128xf32, #tpu.memory_space<hbm>>) dst(%arg15 : memref<80x128xf32, #tpu.memory_space<vmem>>)
      %dma_start3A_152 = arith.constant 0 : i32
      %dma_start3A_153 = tpu.memref_slice %arg5[%add3A_137, %dma_start3A_152] : memref<320000x128xf32, #tpu.memory_space<hbm>> -> memref<80x128xf32, #tpu.memory_space<hbm>>
      %dma_start3A_154 = arith.constant 0 : i32
      %dma_start3A_155 = tpu.memref_slice %arg5[%add3A_137, %dma_start3A_154] : memref<320000x128xf32, #tpu.memory_space<hbm>> -> memref<80x128xf32, #tpu.memory_space<hbm>>
      tpu.enqueue_dma source(%arg15 : memref<80x128xf32, #tpu.memory_space<vmem>>) target(%dma_start3A_155 : memref<80x128xf32, #tpu.memory_space<hbm>>) target_semaphore(%arg31 : memref<!tpu.dma_semaphore, #tpu.memory_space<semaphore_mem>>)
      %ge3A_156 = arith.constant 2 : i32
      %ge3A_157 = arith.cmpi sge, %add3A_134, %ge3A_156 : i32
      %convert_element_type3A_158 = arith.extui %ge3A_157 : i1 to i32
      %cond3A_159 = arith.constant 0 : i32
      %cond3A_160 = arith.cmpi ne, %convert_element_type3A_158, %cond3A_159 : i32
      scf.if %cond3A_160 {
        %sub3A = arith.constant 2 : i32
        %sub3A_238 = arith.subi %add3A_134, %sub3A : i32
        %mul3A_239 = arith.constant 80 : i32
        %mul3A_240 = arith.muli %sub3A_238, %mul3A_239 : i32
        %add3A_241 = arith.addi %mul3A_2, %mul3A_240 : i32
        %dma_wait3A_242 = arith.constant 0 : i32
        %dma_wait3A_243 = tpu.memref_slice %arg4[%add3A_241, %dma_wait3A_242] : memref<320000x128xf32, #tpu.memory_space<hbm>> -> memref<80x128xf32, #tpu.memory_space<hbm>>
        %dma_wait3A_244 = arith.constant 0 : i32
        %dma_wait3A_245 = tpu.memref_slice %arg4[%add3A_241, %dma_wait3A_244] : memref<320000x128xf32, #tpu.memory_space<hbm>> -> memref<80x128xf32, #tpu.memory_space<hbm>>
        tpu.wait_dma2 semaphore(%arg29 : memref<!tpu.dma_semaphore, #tpu.memory_space<semaphore_mem>>) src(%arg13 : memref<80x128xf32, #tpu.memory_space<vmem>>) dst(%dma_wait3A_245 : memref<80x128xf32, #tpu.memory_space<hbm>>)
        %dma_wait3A_246 = arith.constant 0 : i32
        %dma_wait3A_247 = tpu.memref_slice %arg5[%add3A_241, %dma_wait3A_246] : memref<320000x128xf32, #tpu.memory_space<hbm>> -> memref<80x128xf32, #tpu.memory_space<hbm>>
        %dma_wait3A_248 = arith.constant 0 : i32
        %dma_wait3A_249 = tpu.memref_slice %arg5[%add3A_241, %dma_wait3A_248] : memref<320000x128xf32, #tpu.memory_space<hbm>> -> memref<80x128xf32, #tpu.memory_space<hbm>>
        tpu.wait_dma2 semaphore(%arg33 : memref<!tpu.dma_semaphore, #tpu.memory_space<semaphore_mem>>) src(%arg17 : memref<80x128xf32, #tpu.memory_space<vmem>>) dst(%dma_wait3A_249 : memref<80x128xf32, #tpu.memory_space<hbm>>)
      } else {
      }
      %add3A_161 = arith.constant 2 : i32
      %add3A_162 = arith.addi %add3A_134, %add3A_161 : i32
      %lt3A_163 = arith.constant 125 : i32
      %lt3A_164 = arith.cmpi slt, %add3A_162, %lt3A_163 : i32
      %convert_element_type3A_165 = arith.extui %lt3A_164 : i1 to i32
      %cond3A_166 = arith.constant 0 : i32
      %cond3A_167 = arith.cmpi ne, %convert_element_type3A_165, %cond3A_166 : i32
      scf.if %cond3A_167 {
        %add3A_238 = arith.constant 2 : i32
        %add3A_239 = arith.addi %add3A_134, %add3A_238 : i32
        %mul3A_240 = arith.constant 160 : i32
        %mul3A_241 = arith.muli %add3A_239, %mul3A_240 : i32
        %add3A_242 = arith.addi %mul3A_4, %mul3A_241 : i32
        "tpu.region"() ({
          %run_scoped3A = tpu.sem_alloc : memref<!tpu.dma_semaphore, #tpu.memory_space<semaphore_mem>>
          %dma_start3A_253 = tpu.memref_slice %arg3[%add3A_242] : memref<640000xi32, #tpu.memory_space<hbm>> -> memref<160xi32, #tpu.memory_space<hbm>>
          %dma_start3A_254 = tpu.memref_slice %arg3[%add3A_242] : memref<640000xi32, #tpu.memory_space<hbm>> -> memref<160xi32, #tpu.memory_space<hbm>>
          tpu.enqueue_dma source(%dma_start3A_254 : memref<160xi32, #tpu.memory_space<hbm>>) target(%arg9 : memref<160xi32, #tpu.memory_space<vmem>>) target_semaphore(%run_scoped3A : memref<!tpu.dma_semaphore, #tpu.memory_space<semaphore_mem>>)
          %dma_wait3A_255 = tpu.memref_slice %arg3[%add3A_242] : memref<640000xi32, #tpu.memory_space<hbm>> -> memref<160xi32, #tpu.memory_space<hbm>>
          %dma_wait3A_256 = tpu.memref_slice %arg3[%add3A_242] : memref<640000xi32, #tpu.memory_space<hbm>> -> memref<160xi32, #tpu.memory_space<hbm>>
          tpu.wait_dma2 semaphore(%run_scoped3A : memref<!tpu.dma_semaphore, #tpu.memory_space<semaphore_mem>>) src(%dma_wait3A_256 : memref<160xi32, #tpu.memory_space<hbm>>) dst(%arg9 : memref<160xi32, #tpu.memory_space<vmem>>)
          tpu.yield
        }) : () -> ()
        %dma_start3A_243 = arith.constant 0 : i32
        %dma_start3A_244 = tpu.memref_slice %arg9[%dma_start3A_243] : memref<160xi32, #tpu.memory_space<vmem>> -> memref<80xi32, #tpu.memory_space<vmem>>
        %dma_start3A_245 = arith.constant 0 : i32
        %dma_start3A_246 = arith.constant 0 : i32
        %dma_start3A_247 = tpu.memref_slice %arg2[%dma_start3A_245, %dma_start3A_246] : memref<10000x128xf32, #tpu.memory_space<hbm>> -> memref<10000x128xf32, #tpu.memory_space<hbm>>
        tpu.enqueue_indirect_dma source(%dma_start3A_247 : memref<10000x128xf32, #tpu.memory_space<hbm>>) target(%arg13 : memref<80x128xf32, #tpu.memory_space<vmem>>) offsets(%dma_start3A_244 : memref<80xi32, #tpu.memory_space<vmem>>) semaphore(%arg21 : memref<!tpu.dma_semaphore, #tpu.memory_space<semaphore_mem>>)
        %dma_start3A_248 = arith.constant 80 : i32
        %dma_start3A_249 = tpu.memref_slice %arg9[%dma_start3A_248] : memref<160xi32, #tpu.memory_space<vmem>> -> memref<80xi32, #tpu.memory_space<vmem>>
        %dma_start3A_250 = arith.constant 0 : i32
        %dma_start3A_251 = arith.constant 0 : i32
        %dma_start3A_252 = tpu.memref_slice %arg2[%dma_start3A_250, %dma_start3A_251] : memref<10000x128xf32, #tpu.memory_space<hbm>> -> memref<10000x128xf32, #tpu.memory_space<hbm>>
        tpu.enqueue_indirect_dma source(%dma_start3A_252 : memref<10000x128xf32, #tpu.memory_space<hbm>>) target(%arg17 : memref<80x128xf32, #tpu.memory_space<vmem>>) offsets(%dma_start3A_249 : memref<80xi32, #tpu.memory_space<vmem>>) semaphore(%arg25 : memref<!tpu.dma_semaphore, #tpu.memory_space<semaphore_mem>>)
      } else {
      }
      %add3A_168 = arith.constant 2 : i32
      %add3A_169 = arith.addi %mul3A_101, %add3A_168 : i32
      %mul3A_170 = arith.constant 80 : i32
      %mul3A_171 = arith.muli %add3A_169, %mul3A_170 : i32
      %add3A_172 = arith.addi %mul3A_2, %mul3A_171 : i32
      %dma_wait3A_173 = arith.constant 0 : i32
      %dma_wait3A_174 = tpu.memref_slice %arg8[%dma_wait3A_173] : memref<160xi32, #tpu.memory_space<vmem>> -> memref<80xi32, #tpu.memory_space<vmem>>
      %dma_wait3A_175 = arith.constant 0 : i32
      %dma_wait3A_176 = arith.constant 0 : i32
      %dma_wait3A_177 = tpu.memref_slice %arg2[%dma_wait3A_175, %dma_wait3A_176] : memref<10000x128xf32, #tpu.memory_space<hbm>> -> memref<10000x128xf32, #tpu.memory_space<hbm>>
      tpu.wait_indirect_dma semaphore(%arg20 : memref<!tpu.dma_semaphore, #tpu.memory_space<semaphore_mem>>) src(%dma_wait3A_177 : memref<10000x128xf32, #tpu.memory_space<hbm>>) dst(%arg12 : memref<80x128xf32, #tpu.memory_space<vmem>>)
      %dma_start3A_178 = arith.constant 0 : i32
      %dma_start3A_179 = tpu.memref_slice %arg4[%add3A_172, %dma_start3A_178] : memref<320000x128xf32, #tpu.memory_space<hbm>> -> memref<80x128xf32, #tpu.memory_space<hbm>>
      %dma_start3A_180 = arith.constant 0 : i32
      %dma_start3A_181 = tpu.memref_slice %arg4[%add3A_172, %dma_start3A_180] : memref<320000x128xf32, #tpu.memory_space<hbm>> -> memref<80x128xf32, #tpu.memory_space<hbm>>
      tpu.enqueue_dma source(%arg12 : memref<80x128xf32, #tpu.memory_space<vmem>>) target(%dma_start3A_181 : memref<80x128xf32, #tpu.memory_space<hbm>>) target_semaphore(%arg28 : memref<!tpu.dma_semaphore, #tpu.memory_space<semaphore_mem>>)
      %dma_wait3A_182 = arith.constant 80 : i32
      %dma_wait3A_183 = tpu.memref_slice %arg8[%dma_wait3A_182] : memref<160xi32, #tpu.memory_space<vmem>> -> memref<80xi32, #tpu.memory_space<vmem>>
      %dma_wait3A_184 = arith.constant 0 : i32
      %dma_wait3A_185 = arith.constant 0 : i32
      %dma_wait3A_186 = tpu.memref_slice %arg2[%dma_wait3A_184, %dma_wait3A_185] : memref<10000x128xf32, #tpu.memory_space<hbm>> -> memref<10000x128xf32, #tpu.memory_space<hbm>>
      tpu.wait_indirect_dma semaphore(%arg24 : memref<!tpu.dma_semaphore, #tpu.memory_space<semaphore_mem>>) src(%dma_wait3A_186 : memref<10000x128xf32, #tpu.memory_space<hbm>>) dst(%arg16 : memref<80x128xf32, #tpu.memory_space<vmem>>)
      %dma_start3A_187 = arith.constant 0 : i32
      %dma_start3A_188 = tpu.memref_slice %arg5[%add3A_172, %dma_start3A_187] : memref<320000x128xf32, #tpu.memory_space<hbm>> -> memref<80x128xf32, #tpu.memory_space<hbm>>
      %dma_start3A_189 = arith.constant 0 : i32
      %dma_start3A_190 = tpu.memref_slice %arg5[%add3A_172, %dma_start3A_189] : memref<320000x128xf32, #tpu.memory_space<hbm>> -> memref<80x128xf32, #tpu.memory_space<hbm>>
      tpu.enqueue_dma source(%arg16 : memref<80x128xf32, #tpu.memory_space<vmem>>) target(%dma_start3A_190 : memref<80x128xf32, #tpu.memory_space<hbm>>) target_semaphore(%arg32 : memref<!tpu.dma_semaphore, #tpu.memory_space<semaphore_mem>>)
      %ge3A_191 = arith.constant 2 : i32
      %ge3A_192 = arith.cmpi sge, %add3A_169, %ge3A_191 : i32
      %convert_element_type3A_193 = arith.extui %ge3A_192 : i1 to i32
      %cond3A_194 = arith.constant 0 : i32
      %cond3A_195 = arith.cmpi ne, %convert_element_type3A_193, %cond3A_194 : i32
      scf.if %cond3A_195 {
        %sub3A = arith.constant 2 : i32
        %sub3A_238 = arith.subi %add3A_169, %sub3A : i32
        %mul3A_239 = arith.constant 80 : i32
        %mul3A_240 = arith.muli %sub3A_238, %mul3A_239 : i32
        %add3A_241 = arith.addi %mul3A_2, %mul3A_240 : i32
        %dma_wait3A_242 = arith.constant 0 : i32
        %dma_wait3A_243 = tpu.memref_slice %arg4[%add3A_241, %dma_wait3A_242] : memref<320000x128xf32, #tpu.memory_space<hbm>> -> memref<80x128xf32, #tpu.memory_space<hbm>>
        %dma_wait3A_244 = arith.constant 0 : i32
        %dma_wait3A_245 = tpu.memref_slice %arg4[%add3A_241, %dma_wait3A_244] : memref<320000x128xf32, #tpu.memory_space<hbm>> -> memref<80x128xf32, #tpu.memory_space<hbm>>
        tpu.wait_dma2 semaphore(%arg26 : memref<!tpu.dma_semaphore, #tpu.memory_space<semaphore_mem>>) src(%arg10 : memref<80x128xf32, #tpu.memory_space<vmem>>) dst(%dma_wait3A_245 : memref<80x128xf32, #tpu.memory_space<hbm>>)
        %dma_wait3A_246 = arith.constant 0 : i32
        %dma_wait3A_247 = tpu.memref_slice %arg5[%add3A_241, %dma_wait3A_246] : memref<320000x128xf32, #tpu.memory_space<hbm>> -> memref<80x128xf32, #tpu.memory_space<hbm>>
        %dma_wait3A_248 = arith.constant 0 : i32
        %dma_wait3A_249 = tpu.memref_slice %arg5[%add3A_241, %dma_wait3A_248] : memref<320000x128xf32, #tpu.memory_space<hbm>> -> memref<80x128xf32, #tpu.memory_space<hbm>>
        tpu.wait_dma2 semaphore(%arg30 : memref<!tpu.dma_semaphore, #tpu.memory_space<semaphore_mem>>) src(%arg14 : memref<80x128xf32, #tpu.memory_space<vmem>>) dst(%dma_wait3A_249 : memref<80x128xf32, #tpu.memory_space<hbm>>)
      } else {
      }
      %add3A_196 = arith.constant 2 : i32
      %add3A_197 = arith.addi %add3A_169, %add3A_196 : i32
      %lt3A_198 = arith.constant 125 : i32
      %lt3A_199 = arith.cmpi slt, %add3A_197, %lt3A_198 : i32
      %convert_element_type3A_200 = arith.extui %lt3A_199 : i1 to i32
      %cond3A_201 = arith.constant 0 : i32
      %cond3A_202 = arith.cmpi ne, %convert_element_type3A_200, %cond3A_201 : i32
      scf.if %cond3A_202 {
        %add3A_238 = arith.constant 2 : i32
        %add3A_239 = arith.addi %add3A_169, %add3A_238 : i32
        %mul3A_240 = arith.constant 160 : i32
        %mul3A_241 = arith.muli %add3A_239, %mul3A_240 : i32
        %add3A_242 = arith.addi %mul3A_4, %mul3A_241 : i32
        "tpu.region"() ({
          %run_scoped3A = tpu.sem_alloc : memref<!tpu.dma_semaphore, #tpu.memory_space<semaphore_mem>>
          %dma_start3A_253 = tpu.memref_slice %arg3[%add3A_242] : memref<640000xi32, #tpu.memory_space<hbm>> -> memref<160xi32, #tpu.memory_space<hbm>>
          %dma_start3A_254 = tpu.memref_slice %arg3[%add3A_242] : memref<640000xi32, #tpu.memory_space<hbm>> -> memref<160xi32, #tpu.memory_space<hbm>>
          tpu.enqueue_dma source(%dma_start3A_254 : memref<160xi32, #tpu.memory_space<hbm>>) target(%arg6 : memref<160xi32, #tpu.memory_space<vmem>>) target_semaphore(%run_scoped3A : memref<!tpu.dma_semaphore, #tpu.memory_space<semaphore_mem>>)
          %dma_wait3A_255 = tpu.memref_slice %arg3[%add3A_242] : memref<640000xi32, #tpu.memory_space<hbm>> -> memref<160xi32, #tpu.memory_space<hbm>>
          %dma_wait3A_256 = tpu.memref_slice %arg3[%add3A_242] : memref<640000xi32, #tpu.memory_space<hbm>> -> memref<160xi32, #tpu.memory_space<hbm>>
          tpu.wait_dma2 semaphore(%run_scoped3A : memref<!tpu.dma_semaphore, #tpu.memory_space<semaphore_mem>>) src(%dma_wait3A_256 : memref<160xi32, #tpu.memory_space<hbm>>) dst(%arg6 : memref<160xi32, #tpu.memory_space<vmem>>)
          tpu.yield
        }) : () -> ()
        %dma_start3A_243 = arith.constant 0 : i32
        %dma_start3A_244 = tpu.memref_slice %arg6[%dma_start3A_243] : memref<160xi32, #tpu.memory_space<vmem>> -> memref<80xi32, #tpu.memory_space<vmem>>
        %dma_start3A_245 = arith.constant 0 : i32
        %dma_start3A_246 = arith.constant 0 : i32
        %dma_start3A_247 = tpu.memref_slice %arg2[%dma_start3A_245, %dma_start3A_246] : memref<10000x128xf32, #tpu.memory_space<hbm>> -> memref<10000x128xf32, #tpu.memory_space<hbm>>
        tpu.enqueue_indirect_dma source(%dma_start3A_247 : memref<10000x128xf32, #tpu.memory_space<hbm>>) target(%arg10 : memref<80x128xf32, #tpu.memory_space<vmem>>) offsets(%dma_start3A_244 : memref<80xi32, #tpu.memory_space<vmem>>) semaphore(%arg18 : memref<!tpu.dma_semaphore, #tpu.memory_space<semaphore_mem>>)
        %dma_start3A_248 = arith.constant 80 : i32
        %dma_start3A_249 = tpu.memref_slice %arg6[%dma_start3A_248] : memref<160xi32, #tpu.memory_space<vmem>> -> memref<80xi32, #tpu.memory_space<vmem>>
        %dma_start3A_250 = arith.constant 0 : i32
        %dma_start3A_251 = arith.constant 0 : i32
        %dma_start3A_252 = tpu.memref_slice %arg2[%dma_start3A_250, %dma_start3A_251] : memref<10000x128xf32, #tpu.memory_space<hbm>> -> memref<10000x128xf32, #tpu.memory_space<hbm>>
        tpu.enqueue_indirect_dma source(%dma_start3A_252 : memref<10000x128xf32, #tpu.memory_space<hbm>>) target(%arg14 : memref<80x128xf32, #tpu.memory_space<vmem>>) offsets(%dma_start3A_249 : memref<80xi32, #tpu.memory_space<vmem>>) semaphore(%arg22 : memref<!tpu.dma_semaphore, #tpu.memory_space<semaphore_mem>>)
      } else {
      }
      %add3A_203 = arith.constant 3 : i32
      %add3A_204 = arith.addi %mul3A_101, %add3A_203 : i32
      %mul3A_205 = arith.constant 80 : i32
      %mul3A_206 = arith.muli %add3A_204, %mul3A_205 : i32
      %add3A_207 = arith.addi %mul3A_2, %mul3A_206 : i32
      %dma_wait3A_208 = arith.constant 0 : i32
      %dma_wait3A_209 = tpu.memref_slice %arg9[%dma_wait3A_208] : memref<160xi32, #tpu.memory_space<vmem>> -> memref<80xi32, #tpu.memory_space<vmem>>
      %dma_wait3A_210 = arith.constant 0 : i32
      %dma_wait3A_211 = arith.constant 0 : i32
      %dma_wait3A_212 = tpu.memref_slice %arg2[%dma_wait3A_210, %dma_wait3A_211] : memref<10000x128xf32, #tpu.memory_space<hbm>> -> memref<10000x128xf32, #tpu.memory_space<hbm>>
      tpu.wait_indirect_dma semaphore(%arg21 : memref<!tpu.dma_semaphore, #tpu.memory_space<semaphore_mem>>) src(%dma_wait3A_212 : memref<10000x128xf32, #tpu.memory_space<hbm>>) dst(%arg13 : memref<80x128xf32, #tpu.memory_space<vmem>>)
      %dma_start3A_213 = arith.constant 0 : i32
      %dma_start3A_214 = tpu.memref_slice %arg4[%add3A_207, %dma_start3A_213] : memref<320000x128xf32, #tpu.memory_space<hbm>> -> memref<80x128xf32, #tpu.memory_space<hbm>>
      %dma_start3A_215 = arith.constant 0 : i32
      %dma_start3A_216 = tpu.memref_slice %arg4[%add3A_207, %dma_start3A_215] : memref<320000x128xf32, #tpu.memory_space<hbm>> -> memref<80x128xf32, #tpu.memory_space<hbm>>
      tpu.enqueue_dma source(%arg13 : memref<80x128xf32, #tpu.memory_space<vmem>>) target(%dma_start3A_216 : memref<80x128xf32, #tpu.memory_space<hbm>>) target_semaphore(%arg29 : memref<!tpu.dma_semaphore, #tpu.memory_space<semaphore_mem>>)
      %dma_wait3A_217 = arith.constant 80 : i32
      %dma_wait3A_218 = tpu.memref_slice %arg9[%dma_wait3A_217] : memref<160xi32, #tpu.memory_space<vmem>> -> memref<80xi32, #tpu.memory_space<vmem>>
      %dma_wait3A_219 = arith.constant 0 : i32
      %dma_wait3A_220 = arith.constant 0 : i32
      %dma_wait3A_221 = tpu.memref_slice %arg2[%dma_wait3A_219, %dma_wait3A_220] : memref<10000x128xf32, #tpu.memory_space<hbm>> -> memref<10000x128xf32, #tpu.memory_space<hbm>>
      tpu.wait_indirect_dma semaphore(%arg25 : memref<!tpu.dma_semaphore, #tpu.memory_space<semaphore_mem>>) src(%dma_wait3A_221 : memref<10000x128xf32, #tpu.memory_space<hbm>>) dst(%arg17 : memref<80x128xf32, #tpu.memory_space<vmem>>)
      %dma_start3A_222 = arith.constant 0 : i32
      %dma_start3A_223 = tpu.memref_slice %arg5[%add3A_207, %dma_start3A_222] : memref<320000x128xf32, #tpu.memory_space<hbm>> -> memref<80x128xf32, #tpu.memory_space<hbm>>
      %dma_start3A_224 = arith.constant 0 : i32
      %dma_start3A_225 = tpu.memref_slice %arg5[%add3A_207, %dma_start3A_224] : memref<320000x128xf32, #tpu.memory_space<hbm>> -> memref<80x128xf32, #tpu.memory_space<hbm>>
      tpu.enqueue_dma source(%arg17 : memref<80x128xf32, #tpu.memory_space<vmem>>) target(%dma_start3A_225 : memref<80x128xf32, #tpu.memory_space<hbm>>) target_semaphore(%arg33 : memref<!tpu.dma_semaphore, #tpu.memory_space<semaphore_mem>>)
      %ge3A_226 = arith.constant 2 : i32
      %ge3A_227 = arith.cmpi sge, %add3A_204, %ge3A_226 : i32
      %convert_element_type3A_228 = arith.extui %ge3A_227 : i1 to i32
      %cond3A_229 = arith.constant 0 : i32
      %cond3A_230 = arith.cmpi ne, %convert_element_type3A_228, %cond3A_229 : i32
      scf.if %cond3A_230 {
        %sub3A = arith.constant 2 : i32
        %sub3A_238 = arith.subi %add3A_204, %sub3A : i32
        %mul3A_239 = arith.constant 80 : i32
        %mul3A_240 = arith.muli %sub3A_238, %mul3A_239 : i32
        %add3A_241 = arith.addi %mul3A_2, %mul3A_240 : i32
        %dma_wait3A_242 = arith.constant 0 : i32
        %dma_wait3A_243 = tpu.memref_slice %arg4[%add3A_241, %dma_wait3A_242] : memref<320000x128xf32, #tpu.memory_space<hbm>> -> memref<80x128xf32, #tpu.memory_space<hbm>>
        %dma_wait3A_244 = arith.constant 0 : i32
        %dma_wait3A_245 = tpu.memref_slice %arg4[%add3A_241, %dma_wait3A_244] : memref<320000x128xf32, #tpu.memory_space<hbm>> -> memref<80x128xf32, #tpu.memory_space<hbm>>
        tpu.wait_dma2 semaphore(%arg27 : memref<!tpu.dma_semaphore, #tpu.memory_space<semaphore_mem>>) src(%arg11 : memref<80x128xf32, #tpu.memory_space<vmem>>) dst(%dma_wait3A_245 : memref<80x128xf32, #tpu.memory_space<hbm>>)
        %dma_wait3A_246 = arith.constant 0 : i32
        %dma_wait3A_247 = tpu.memref_slice %arg5[%add3A_241, %dma_wait3A_246] : memref<320000x128xf32, #tpu.memory_space<hbm>> -> memref<80x128xf32, #tpu.memory_space<hbm>>
        %dma_wait3A_248 = arith.constant 0 : i32
        %dma_wait3A_249 = tpu.memref_slice %arg5[%add3A_241, %dma_wait3A_248] : memref<320000x128xf32, #tpu.memory_space<hbm>> -> memref<80x128xf32, #tpu.memory_space<hbm>>
        tpu.wait_dma2 semaphore(%arg31 : memref<!tpu.dma_semaphore, #tpu.memory_space<semaphore_mem>>) src(%arg15 : memref<80x128xf32, #tpu.memory_space<vmem>>) dst(%dma_wait3A_249 : memref<80x128xf32, #tpu.memory_space<hbm>>)
      } else {
      }
      %add3A_231 = arith.constant 2 : i32
      %add3A_232 = arith.addi %add3A_204, %add3A_231 : i32
      %lt3A_233 = arith.constant 125 : i32
      %lt3A_234 = arith.cmpi slt, %add3A_232, %lt3A_233 : i32
      %convert_element_type3A_235 = arith.extui %lt3A_234 : i1 to i32
      %cond3A_236 = arith.constant 0 : i32
      %cond3A_237 = arith.cmpi ne, %convert_element_type3A_235, %cond3A_236 : i32
      scf.if %cond3A_237 {
        %add3A_238 = arith.constant 2 : i32
        %add3A_239 = arith.addi %add3A_204, %add3A_238 : i32
        %mul3A_240 = arith.constant 160 : i32
        %mul3A_241 = arith.muli %add3A_239, %mul3A_240 : i32
        %add3A_242 = arith.addi %mul3A_4, %mul3A_241 : i32
        "tpu.region"() ({
          %run_scoped3A = tpu.sem_alloc : memref<!tpu.dma_semaphore, #tpu.memory_space<semaphore_mem>>
          %dma_start3A_253 = tpu.memref_slice %arg3[%add3A_242] : memref<640000xi32, #tpu.memory_space<hbm>> -> memref<160xi32, #tpu.memory_space<hbm>>
          %dma_start3A_254 = tpu.memref_slice %arg3[%add3A_242] : memref<640000xi32, #tpu.memory_space<hbm>> -> memref<160xi32, #tpu.memory_space<hbm>>
          tpu.enqueue_dma source(%dma_start3A_254 : memref<160xi32, #tpu.memory_space<hbm>>) target(%arg7 : memref<160xi32, #tpu.memory_space<vmem>>) target_semaphore(%run_scoped3A : memref<!tpu.dma_semaphore, #tpu.memory_space<semaphore_mem>>)
          %dma_wait3A_255 = tpu.memref_slice %arg3[%add3A_242] : memref<640000xi32, #tpu.memory_space<hbm>> -> memref<160xi32, #tpu.memory_space<hbm>>
          %dma_wait3A_256 = tpu.memref_slice %arg3[%add3A_242] : memref<640000xi32, #tpu.memory_space<hbm>> -> memref<160xi32, #tpu.memory_space<hbm>>
          tpu.wait_dma2 semaphore(%run_scoped3A : memref<!tpu.dma_semaphore, #tpu.memory_space<semaphore_mem>>) src(%dma_wait3A_256 : memref<160xi32, #tpu.memory_space<hbm>>) dst(%arg7 : memref<160xi32, #tpu.memory_space<vmem>>)
          tpu.yield
        }) : () -> ()
        %dma_start3A_243 = arith.constant 0 : i32
        %dma_start3A_244 = tpu.memref_slice %arg7[%dma_start3A_243] : memref<160xi32, #tpu.memory_space<vmem>> -> memref<80xi32, #tpu.memory_space<vmem>>
        %dma_start3A_245 = arith.constant 0 : i32
        %dma_start3A_246 = arith.constant 0 : i32
        %dma_start3A_247 = tpu.memref_slice %arg2[%dma_start3A_245, %dma_start3A_246] : memref<10000x128xf32, #tpu.memory_space<hbm>> -> memref<10000x128xf32, #tpu.memory_space<hbm>>
        tpu.enqueue_indirect_dma source(%dma_start3A_247 : memref<10000x128xf32, #tpu.memory_space<hbm>>) target(%arg11 : memref<80x128xf32, #tpu.memory_space<vmem>>) offsets(%dma_start3A_244 : memref<80xi32, #tpu.memory_space<vmem>>) semaphore(%arg19 : memref<!tpu.dma_semaphore, #tpu.memory_space<semaphore_mem>>)
        %dma_start3A_248 = arith.constant 80 : i32
        %dma_start3A_249 = tpu.memref_slice %arg7[%dma_start3A_248] : memref<160xi32, #tpu.memory_space<vmem>> -> memref<80xi32, #tpu.memory_space<vmem>>
        %dma_start3A_250 = arith.constant 0 : i32
        %dma_start3A_251 = arith.constant 0 : i32
        %dma_start3A_252 = tpu.memref_slice %arg2[%dma_start3A_250, %dma_start3A_251] : memref<10000x128xf32, #tpu.memory_space<hbm>> -> memref<10000x128xf32, #tpu.memory_space<hbm>>
        tpu.enqueue_indirect_dma source(%dma_start3A_252 : memref<10000x128xf32, #tpu.memory_space<hbm>>) target(%arg15 : memref<80x128xf32, #tpu.memory_space<vmem>>) offsets(%dma_start3A_249 : memref<80xi32, #tpu.memory_space<vmem>>) semaphore(%arg23 : memref<!tpu.dma_semaphore, #tpu.memory_space<semaphore_mem>>)
      } else {
      }
    }
    %mul3A_42 = arith.constant 124 : i32
    %mul3A_43 = arith.constant 80 : i32
    %mul3A_44 = arith.muli %mul3A_42, %mul3A_43 : i32
    %add3A_45 = arith.addi %mul3A_2, %mul3A_44 : i32
    %dma_wait3A = arith.constant 0 : i32
    %dma_wait3A_46 = tpu.memref_slice %arg6[%dma_wait3A] : memref<160xi32, #tpu.memory_space<vmem>> -> memref<80xi32, #tpu.memory_space<vmem>>
    %dma_wait3A_47 = arith.constant 0 : i32
    %dma_wait3A_48 = arith.constant 0 : i32
    %dma_wait3A_49 = tpu.memref_slice %arg2[%dma_wait3A_47, %dma_wait3A_48] : memref<10000x128xf32, #tpu.memory_space<hbm>> -> memref<10000x128xf32, #tpu.memory_space<hbm>>
    tpu.wait_indirect_dma semaphore(%arg18 : memref<!tpu.dma_semaphore, #tpu.memory_space<semaphore_mem>>) src(%dma_wait3A_49 : memref<10000x128xf32, #tpu.memory_space<hbm>>) dst(%arg10 : memref<80x128xf32, #tpu.memory_space<vmem>>)
    %dma_start3A_50 = arith.constant 0 : i32
    %dma_start3A_51 = tpu.memref_slice %arg4[%add3A_45, %dma_start3A_50] : memref<320000x128xf32, #tpu.memory_space<hbm>> -> memref<80x128xf32, #tpu.memory_space<hbm>>
    %dma_start3A_52 = arith.constant 0 : i32
    %dma_start3A_53 = tpu.memref_slice %arg4[%add3A_45, %dma_start3A_52] : memref<320000x128xf32, #tpu.memory_space<hbm>> -> memref<80x128xf32, #tpu.memory_space<hbm>>
    tpu.enqueue_dma source(%arg10 : memref<80x128xf32, #tpu.memory_space<vmem>>) target(%dma_start3A_53 : memref<80x128xf32, #tpu.memory_space<hbm>>) target_semaphore(%arg26 : memref<!tpu.dma_semaphore, #tpu.memory_space<semaphore_mem>>)
    %dma_wait3A_54 = arith.constant 80 : i32
    %dma_wait3A_55 = tpu.memref_slice %arg6[%dma_wait3A_54] : memref<160xi32, #tpu.memory_space<vmem>> -> memref<80xi32, #tpu.memory_space<vmem>>
    %dma_wait3A_56 = arith.constant 0 : i32
    %dma_wait3A_57 = arith.constant 0 : i32
    %dma_wait3A_58 = tpu.memref_slice %arg2[%dma_wait3A_56, %dma_wait3A_57] : memref<10000x128xf32, #tpu.memory_space<hbm>> -> memref<10000x128xf32, #tpu.memory_space<hbm>>
    tpu.wait_indirect_dma semaphore(%arg22 : memref<!tpu.dma_semaphore, #tpu.memory_space<semaphore_mem>>) src(%dma_wait3A_58 : memref<10000x128xf32, #tpu.memory_space<hbm>>) dst(%arg14 : memref<80x128xf32, #tpu.memory_space<vmem>>)
    %dma_start3A_59 = arith.constant 0 : i32
    %dma_start3A_60 = tpu.memref_slice %arg5[%add3A_45, %dma_start3A_59] : memref<320000x128xf32, #tpu.memory_space<hbm>> -> memref<80x128xf32, #tpu.memory_space<hbm>>
    %dma_start3A_61 = arith.constant 0 : i32
    %dma_start3A_62 = tpu.memref_slice %arg5[%add3A_45, %dma_start3A_61] : memref<320000x128xf32, #tpu.memory_space<hbm>> -> memref<80x128xf32, #tpu.memory_space<hbm>>
    tpu.enqueue_dma source(%arg14 : memref<80x128xf32, #tpu.memory_space<vmem>>) target(%dma_start3A_62 : memref<80x128xf32, #tpu.memory_space<hbm>>) target_semaphore(%arg30 : memref<!tpu.dma_semaphore, #tpu.memory_space<semaphore_mem>>)
    %mul3A_63 = arith.constant 122 : i32
    %mul3A_64 = arith.constant 80 : i32
    %mul3A_65 = arith.muli %mul3A_63, %mul3A_64 : i32
    %add3A_66 = arith.addi %mul3A_2, %mul3A_65 : i32
    %dma_wait3A_67 = arith.constant 0 : i32
    %dma_wait3A_68 = tpu.memref_slice %arg4[%add3A_66, %dma_wait3A_67] : memref<320000x128xf32, #tpu.memory_space<hbm>> -> memref<80x128xf32, #tpu.memory_space<hbm>>
    %dma_wait3A_69 = arith.constant 0 : i32
    %dma_wait3A_70 = tpu.memref_slice %arg4[%add3A_66, %dma_wait3A_69] : memref<320000x128xf32, #tpu.memory_space<hbm>> -> memref<80x128xf32, #tpu.memory_space<hbm>>
    tpu.wait_dma2 semaphore(%arg28 : memref<!tpu.dma_semaphore, #tpu.memory_space<semaphore_mem>>) src(%arg12 : memref<80x128xf32, #tpu.memory_space<vmem>>) dst(%dma_wait3A_70 : memref<80x128xf32, #tpu.memory_space<hbm>>)
    %dma_wait3A_71 = arith.constant 0 : i32
    %dma_wait3A_72 = tpu.memref_slice %arg5[%add3A_66, %dma_wait3A_71] : memref<320000x128xf32, #tpu.memory_space<hbm>> -> memref<80x128xf32, #tpu.memory_space<hbm>>
    %dma_wait3A_73 = arith.constant 0 : i32
    %dma_wait3A_74 = tpu.memref_slice %arg5[%add3A_66, %dma_wait3A_73] : memref<320000x128xf32, #tpu.memory_space<hbm>> -> memref<80x128xf32, #tpu.memory_space<hbm>>
    tpu.wait_dma2 semaphore(%arg32 : memref<!tpu.dma_semaphore, #tpu.memory_space<semaphore_mem>>) src(%arg16 : memref<80x128xf32, #tpu.memory_space<vmem>>) dst(%dma_wait3A_74 : memref<80x128xf32, #tpu.memory_space<hbm>>)
    %mul3A_75 = arith.constant 123 : i32
    %mul3A_76 = arith.constant 80 : i32
    %mul3A_77 = arith.muli %mul3A_75, %mul3A_76 : i32
    %add3A_78 = arith.addi %mul3A_2, %mul3A_77 : i32
    %dma_wait3A_79 = arith.constant 0 : i32
    %dma_wait3A_80 = tpu.memref_slice %arg4[%add3A_78, %dma_wait3A_79] : memref<320000x128xf32, #tpu.memory_space<hbm>> -> memref<80x128xf32, #tpu.memory_space<hbm>>
    %dma_wait3A_81 = arith.constant 0 : i32
    %dma_wait3A_82 = tpu.memref_slice %arg4[%add3A_78, %dma_wait3A_81] : memref<320000x128xf32, #tpu.memory_space<hbm>> -> memref<80x128xf32, #tpu.memory_space<hbm>>
    tpu.wait_dma2 semaphore(%arg29 : memref<!tpu.dma_semaphore, #tpu.memory_space<semaphore_mem>>) src(%arg13 : memref<80x128xf32, #tpu.memory_space<vmem>>) dst(%dma_wait3A_82 : memref<80x128xf32, #tpu.memory_space<hbm>>)
    %dma_wait3A_83 = arith.constant 0 : i32
    %dma_wait3A_84 = tpu.memref_slice %arg5[%add3A_78, %dma_wait3A_83] : memref<320000x128xf32, #tpu.memory_space<hbm>> -> memref<80x128xf32, #tpu.memory_space<hbm>>
    %dma_wait3A_85 = arith.constant 0 : i32
    %dma_wait3A_86 = tpu.memref_slice %arg5[%add3A_78, %dma_wait3A_85] : memref<320000x128xf32, #tpu.memory_space<hbm>> -> memref<80x128xf32, #tpu.memory_space<hbm>>
    tpu.wait_dma2 semaphore(%arg33 : memref<!tpu.dma_semaphore, #tpu.memory_space<semaphore_mem>>) src(%arg17 : memref<80x128xf32, #tpu.memory_space<vmem>>) dst(%dma_wait3A_86 : memref<80x128xf32, #tpu.memory_space<hbm>>)
    %mul3A_87 = arith.constant 124 : i32
    %mul3A_88 = arith.constant 80 : i32
    %mul3A_89 = arith.muli %mul3A_87, %mul3A_88 : i32
    %add3A_90 = arith.addi %mul3A_2, %mul3A_89 : i32
    %dma_wait3A_91 = arith.constant 0 : i32
    %dma_wait3A_92 = tpu.memref_slice %arg4[%add3A_90, %dma_wait3A_91] : memref<320000x128xf32, #tpu.memory_space<hbm>> -> memref<80x128xf32, #tpu.memory_space<hbm>>
    %dma_wait3A_93 = arith.constant 0 : i32
    %dma_wait3A_94 = tpu.memref_slice %arg4[%add3A_90, %dma_wait3A_93] : memref<320000x128xf32, #tpu.memory_space<hbm>> -> memref<80x128xf32, #tpu.memory_space<hbm>>
    tpu.wait_dma2 semaphore(%arg26 : memref<!tpu.dma_semaphore, #tpu.memory_space<semaphore_mem>>) src(%arg10 : memref<80x128xf32, #tpu.memory_space<vmem>>) dst(%dma_wait3A_94 : memref<80x128xf32, #tpu.memory_space<hbm>>)
    %dma_wait3A_95 = arith.constant 0 : i32
    %dma_wait3A_96 = tpu.memref_slice %arg5[%add3A_90, %dma_wait3A_95] : memref<320000x128xf32, #tpu.memory_space<hbm>> -> memref<80x128xf32, #tpu.memory_space<hbm>>
    %dma_wait3A_97 = arith.constant 0 : i32
    %dma_wait3A_98 = tpu.memref_slice %arg5[%add3A_90, %dma_wait3A_97] : memref<320000x128xf32, #tpu.memory_space<hbm>> -> memref<80x128xf32, #tpu.memory_space<hbm>>
    tpu.wait_dma2 semaphore(%arg30 : memref<!tpu.dma_semaphore, #tpu.memory_space<semaphore_mem>>) src(%arg14 : memref<80x128xf32, #tpu.memory_space<vmem>>) dst(%dma_wait3A_98 : memref<80x128xf32, #tpu.memory_space<hbm>>)
    return
  }
}

module attributes {stable_mosaic.version = 14 : i64} {
  func.func @_dense_body(%arg0: i32, %arg1: memref<1000x128xf32, #tpu.memory_space<vmem>>, %arg2: memref<1000x128xf32, #tpu.memory_space<vmem>>, %arg3: memref<1000x128xf32, #tpu.memory_space<vmem>>, %arg4: memref<1000x128xf32, #tpu.memory_space<vmem>>, %arg5: memref<1000x128xf32, #tpu.memory_space<vmem>>, %arg6: memref<128x128xf32, #tpu.memory_space<vmem>>, %arg7: memref<1x128xf32, #tpu.memory_space<vmem>>, %arg8: memref<128x128xf32, #tpu.memory_space<vmem>>, %arg9: memref<1x128xf32, #tpu.memory_space<vmem>>, %arg10: memref<1000x128xf32, #tpu.memory_space<vmem>>) attributes {dimension_semantics = [#tpu.dimension_semantics<arbitrary>], iteration_bounds = array<i64: 10>, scalar_prefetch = 0 : i64, scratch_operands = 0 : i64, tpu.core_type = #tpu.core_type<tc>, window_params = [{transform_indices = @transform_0, window_bounds = array<i64: 1000, 128>}, {transform_indices = @transform_1, window_bounds = array<i64: 1000, 128>}, {transform_indices = @transform_2, window_bounds = array<i64: 1000, 128>}, {transform_indices = @transform_3, window_bounds = array<i64: 1000, 128>}, {transform_indices = @transform_4, window_bounds = array<i64: 1000, 128>}, {pipeline_mode = #tpu.pipeline_mode<synchronous>, transform_indices = @transform_5, window_bounds = array<i64: 128, 128>}, {pipeline_mode = #tpu.pipeline_mode<synchronous>, transform_indices = @transform_6, window_bounds = array<i64: 1, 128>}, {pipeline_mode = #tpu.pipeline_mode<synchronous>, transform_indices = @transform_7, window_bounds = array<i64: 128, 128>}, {pipeline_mode = #tpu.pipeline_mode<synchronous>, transform_indices = @transform_8, window_bounds = array<i64: 1, 128>}, {transform_indices = @transform_9, window_bounds = array<i64: 1000, 128>}]} {
    %get3A = arith.constant 0 : index
    %get3A_0 = arith.constant 0 : index
    %get3A_1 = vector.load %arg4[%get3A, %get3A_0] : memref<1000x128xf32, #tpu.memory_space<vmem>>, vector<1000x1xf32>
    %get3A_2 = arith.constant 0 : index
    %get3A_3 = arith.constant 0 : index
    %get3A_4 = vector.load %arg5[%get3A_2, %get3A_3] : memref<1000x128xf32, #tpu.memory_space<vmem>>, vector<1000x1xf32>
    %add3A = arith.addf %get3A_1, %get3A_4 : vector<1000x1xf32>
    %max3A = arith.constant 1.000000e+00 : f32
    %max3A_5 = vector.broadcast %max3A : f32 to vector<1000x1xf32>
    %max3A_6 = arith.maximumf %add3A, %max3A_5 : vector<1000x1xf32>
    %get3A_7 = arith.constant 0 : index
    %get3A_8 = arith.constant 0 : index
    %get3A_9 = vector.load %arg2[%get3A_7, %get3A_8] : memref<1000x128xf32, #tpu.memory_space<vmem>>, vector<1000x128xf32>
    %get3A_10 = arith.constant 0 : index
    %get3A_11 = arith.constant 0 : index
    %get3A_12 = vector.load %arg3[%get3A_10, %get3A_11] : memref<1000x128xf32, #tpu.memory_space<vmem>>, vector<1000x128xf32>
    %add3A_13 = arith.addf %get3A_9, %get3A_12 : vector<1000x128xf32>
    %div3A = vector.broadcast %max3A_6 : vector<1000x1xf32> to vector<1000x128xf32>
    %div3A_14 = arith.divf %add3A_13, %div3A : vector<1000x128xf32>
    %get3A_15 = arith.constant 0 : index
    %get3A_16 = arith.constant 0 : index
    %get3A_17 = vector.load %arg1[%get3A_15, %get3A_16] : memref<1000x128xf32, #tpu.memory_space<vmem>>, vector<1000x128xf32>
    %get3A_18 = arith.constant 0 : index
    %get3A_19 = arith.constant 0 : index
    %get3A_20 = vector.load %arg6[%get3A_18, %get3A_19] : memref<128x128xf32, #tpu.memory_space<vmem>>, vector<128x128xf32>
    %dot_general3A = arith.constant dense<0.000000e+00> : vector<1000x128xf32>
    %dot_general3A_21 = tpu.matmul %get3A_17, %get3A_20, %dot_general3A {dimension_numbers = #tpu.dot_dimension_numbers<[1], [0], [0], [1], [0, 0, 1, 1], [], []>, transpose_lhs_hint = false} : vector<1000x128xf32>, vector<128x128xf32>, vector<1000x128xf32> -> vector<1000x128xf32>
    %get3A_22 = arith.constant 0 : index
    %get3A_23 = arith.constant 0 : index
    %get3A_24 = vector.load %arg8[%get3A_22, %get3A_23] : memref<128x128xf32, #tpu.memory_space<vmem>>, vector<128x128xf32>
    %dot_general3A_25 = arith.constant dense<0.000000e+00> : vector<1000x128xf32>
    %dot_general3A_26 = tpu.matmul %div3A_14, %get3A_24, %dot_general3A_25 {dimension_numbers = #tpu.dot_dimension_numbers<[1], [0], [0], [1], [0, 0, 1, 1], [], []>, transpose_lhs_hint = false} : vector<1000x128xf32>, vector<128x128xf32>, vector<1000x128xf32> -> vector<1000x128xf32>
    %add3A_27 = arith.addf %dot_general3A_21, %dot_general3A_26 : vector<1000x128xf32>
    %get3A_28 = arith.constant 0 : index
    %get3A_29 = arith.constant 0 : index
    %get3A_30 = vector.load %arg7[%get3A_28, %get3A_29] : memref<1x128xf32, #tpu.memory_space<vmem>>, vector<1x128xf32>
    %add3A_31 = vector.broadcast %get3A_30 : vector<1x128xf32> to vector<1000x128xf32>
    %add3A_32 = arith.addf %add3A_27, %add3A_31 : vector<1000x128xf32>
    %get3A_33 = arith.constant 0 : index
    %get3A_34 = arith.constant 0 : index
    %get3A_35 = vector.load %arg9[%get3A_33, %get3A_34] : memref<1x128xf32, #tpu.memory_space<vmem>>, vector<1x128xf32>
    %add3A_36 = vector.broadcast %get3A_35 : vector<1x128xf32> to vector<1000x128xf32>
    %add3A_37 = arith.addf %add3A_32, %add3A_36 : vector<1000x128xf32>
    %max3A_38 = arith.constant 0.000000e+00 : f32
    %max3A_39 = vector.broadcast %max3A_38 : f32 to vector<1000x128xf32>
    %max3A_40 = arith.maximumf %add3A_37, %max3A_39 : vector<1000x128xf32>
    %swap3A = arith.constant 0 : index
    %swap3A_41 = arith.constant 0 : index
    %swap3A_42 = vector.load %arg10[%swap3A, %swap3A_41] : memref<1000x128xf32, #tpu.memory_space<vmem>>, vector<1000x128xf32>
    tpu.vector_store %arg10[%swap3A, %swap3A_41], %max3A_40 {strides = array<i32>} : memref<1000x128xf32, #tpu.memory_space<vmem>>, vector<1000x128xf32>,
    return
  }
  func.func @transform_0(%arg0: i32) -> (i32, i32) {
    %c0_i32 = arith.constant 0 : i32
    %c0_i32_0 = arith.constant 0 : i32
    return %arg0, %c0_i32 : i32, i32
  }
  func.func @transform_1(%arg0: i32) -> (i32, i32) {
    %c0_i32 = arith.constant 0 : i32
    %c0_i32_0 = arith.constant 0 : i32
    return %arg0, %c0_i32 : i32, i32
  }
  func.func @transform_2(%arg0: i32) -> (i32, i32) {
    %c0_i32 = arith.constant 0 : i32
    %c0_i32_0 = arith.constant 0 : i32
    return %arg0, %c0_i32 : i32, i32
  }
  func.func @transform_3(%arg0: i32) -> (i32, i32) {
    %c0_i32 = arith.constant 0 : i32
    %c0_i32_0 = arith.constant 0 : i32
    return %arg0, %c0_i32 : i32, i32
  }
  func.func @transform_4(%arg0: i32) -> (i32, i32) {
    %c0_i32 = arith.constant 0 : i32
    %c0_i32_0 = arith.constant 0 : i32
    return %arg0, %c0_i32 : i32, i32
  }
  func.func @transform_5(%arg0: i32) -> (i32, i32) {
    %c0_i32 = arith.constant 0 : i32
    %c0_i32_0 = arith.constant 0 : i32
    %c0_i32_1 = arith.constant 0 : i32
    return %c0_i32, %c0_i32_0 : i32, i32
  }
  func.func @transform_6(%arg0: i32) -> (i32, i32) {
    %c0_i32 = arith.constant 0 : i32
    %c0_i32_0 = arith.constant 0 : i32
    %c0_i32_1 = arith.constant 0 : i32
    return %c0_i32, %c0_i32_0 : i32, i32
  }
  func.func @transform_7(%arg0: i32) -> (i32, i32) {
    %c0_i32 = arith.constant 0 : i32
    %c0_i32_0 = arith.constant 0 : i32
    %c0_i32_1 = arith.constant 0 : i32
    return %c0_i32, %c0_i32_0 : i32, i32
  }
  func.func @transform_8(%arg0: i32) -> (i32, i32) {
    %c0_i32 = arith.constant 0 : i32
    %c0_i32_0 = arith.constant 0 : i32
    %c0_i32_1 = arith.constant 0 : i32
    return %c0_i32, %c0_i32_0 : i32, i32
  }
  func.func @transform_9(%arg0: i32) -> (i32, i32) {
    %c0_i32 = arith.constant 0 : i32
    %c0_i32_0 = arith.constant 0 : i32
    return %arg0, %c0_i32 : i32, i32
  }
}

module attributes {stable_mosaic.version = 14 : i64} {
  func.func @_dense_body(%arg0: i32, %arg1: memref<1000x128xf32, #tpu.memory_space<vmem>>, %arg2: memref<1000x128xf32, #tpu.memory_space<vmem>>, %arg3: memref<1000x128xf32, #tpu.memory_space<vmem>>, %arg4: memref<1000x128xf32, #tpu.memory_space<vmem>>, %arg5: memref<1000x128xf32, #tpu.memory_space<vmem>>, %arg6: memref<128x128xf32, #tpu.memory_space<vmem>>, %arg7: memref<1x128xf32, #tpu.memory_space<vmem>>, %arg8: memref<128x128xf32, #tpu.memory_space<vmem>>, %arg9: memref<1x128xf32, #tpu.memory_space<vmem>>, %arg10: memref<1000x128xf32, #tpu.memory_space<vmem>>) attributes {dimension_semantics = [#tpu.dimension_semantics<arbitrary>], iteration_bounds = array<i64: 10>, scalar_prefetch = 0 : i64, scratch_operands = 0 : i64, tpu.core_type = #tpu.core_type<tc>, window_params = [{transform_indices = @transform_0, window_bounds = array<i64: 1000, 128>}, {transform_indices = @transform_1, window_bounds = array<i64: 1000, 128>}, {transform_indices = @transform_2, window_bounds = array<i64: 1000, 128>}, {transform_indices = @transform_3, window_bounds = array<i64: 1000, 128>}, {transform_indices = @transform_4, window_bounds = array<i64: 1000, 128>}, {pipeline_mode = #tpu.pipeline_mode<synchronous>, transform_indices = @transform_5, window_bounds = array<i64: 128, 128>}, {pipeline_mode = #tpu.pipeline_mode<synchronous>, transform_indices = @transform_6, window_bounds = array<i64: 1, 128>}, {pipeline_mode = #tpu.pipeline_mode<synchronous>, transform_indices = @transform_7, window_bounds = array<i64: 128, 128>}, {pipeline_mode = #tpu.pipeline_mode<synchronous>, transform_indices = @transform_8, window_bounds = array<i64: 1, 128>}, {transform_indices = @transform_9, window_bounds = array<i64: 1000, 128>}]} {
    %get3A = arith.constant 0 : index
    %get3A_0 = arith.constant 0 : index
    %get3A_1 = vector.load %arg4[%get3A, %get3A_0] : memref<1000x128xf32, #tpu.memory_space<vmem>>, vector<1000x1xf32>
    %get3A_2 = arith.constant 0 : index
    %get3A_3 = arith.constant 0 : index
    %get3A_4 = vector.load %arg5[%get3A_2, %get3A_3] : memref<1000x128xf32, #tpu.memory_space<vmem>>, vector<1000x1xf32>
    %add3A = arith.addf %get3A_1, %get3A_4 : vector<1000x1xf32>
    %max3A = arith.constant 1.000000e+00 : f32
    %max3A_5 = vector.broadcast %max3A : f32 to vector<1000x1xf32>
    %max3A_6 = arith.maximumf %add3A, %max3A_5 : vector<1000x1xf32>
    %get3A_7 = arith.constant 0 : index
    %get3A_8 = arith.constant 0 : index
    %get3A_9 = vector.load %arg2[%get3A_7, %get3A_8] : memref<1000x128xf32, #tpu.memory_space<vmem>>, vector<1000x128xf32>
    %get3A_10 = arith.constant 0 : index
    %get3A_11 = arith.constant 0 : index
    %get3A_12 = vector.load %arg3[%get3A_10, %get3A_11] : memref<1000x128xf32, #tpu.memory_space<vmem>>, vector<1000x128xf32>
    %add3A_13 = arith.addf %get3A_9, %get3A_12 : vector<1000x128xf32>
    %div3A = vector.broadcast %max3A_6 : vector<1000x1xf32> to vector<1000x128xf32>
    %div3A_14 = arith.divf %add3A_13, %div3A : vector<1000x128xf32>
    %get3A_15 = arith.constant 0 : index
    %get3A_16 = arith.constant 0 : index
    %get3A_17 = vector.load %arg1[%get3A_15, %get3A_16] : memref<1000x128xf32, #tpu.memory_space<vmem>>, vector<1000x128xf32>
    %get3A_18 = arith.constant 0 : index
    %get3A_19 = arith.constant 0 : index
    %get3A_20 = vector.load %arg6[%get3A_18, %get3A_19] : memref<128x128xf32, #tpu.memory_space<vmem>>, vector<128x128xf32>
    %dot_general3A = arith.constant dense<0.000000e+00> : vector<1000x128xf32>
    %dot_general3A_21 = tpu.matmul %get3A_17, %get3A_20, %dot_general3A {dimension_numbers = #tpu.dot_dimension_numbers<[1], [0], [0], [1], [0, 0, 1, 1], [], []>, transpose_lhs_hint = false} : vector<1000x128xf32>, vector<128x128xf32>, vector<1000x128xf32> -> vector<1000x128xf32>
    %get3A_22 = arith.constant 0 : index
    %get3A_23 = arith.constant 0 : index
    %get3A_24 = vector.load %arg8[%get3A_22, %get3A_23] : memref<128x128xf32, #tpu.memory_space<vmem>>, vector<128x128xf32>
    %dot_general3A_25 = arith.constant dense<0.000000e+00> : vector<1000x128xf32>
    %dot_general3A_26 = tpu.matmul %div3A_14, %get3A_24, %dot_general3A_25 {dimension_numbers = #tpu.dot_dimension_numbers<[1], [0], [0], [1], [0, 0, 1, 1], [], []>, transpose_lhs_hint = false} : vector<1000x128xf32>, vector<128x128xf32>, vector<1000x128xf32> -> vector<1000x128xf32>
    %add3A_27 = arith.addf %dot_general3A_21, %dot_general3A_26 : vector<1000x128xf32>
    %get3A_28 = arith.constant 0 : index
    %get3A_29 = arith.constant 0 : index
    %get3A_30 = vector.load %arg7[%get3A_28, %get3A_29] : memref<1x128xf32, #tpu.memory_space<vmem>>, vector<1x128xf32>
    %add3A_31 = vector.broadcast %get3A_30 : vector<1x128xf32> to vector<1000x128xf32>
    %add3A_32 = arith.addf %add3A_27, %add3A_31 : vector<1000x128xf32>
    %get3A_33 = arith.constant 0 : index
    %get3A_34 = arith.constant 0 : index
    %get3A_35 = vector.load %arg9[%get3A_33, %get3A_34] : memref<1x128xf32, #tpu.memory_space<vmem>>, vector<1x128xf32>
    %add3A_36 = vector.broadcast %get3A_35 : vector<1x128xf32> to vector<1000x128xf32>
    %add3A_37 = arith.addf %add3A_32, %add3A_36 : vector<1000x128xf32>
    %swap3A = arith.constant 0 : index
    %swap3A_38 = arith.constant 0 : index
    %swap3A_39 = vector.load %arg10[%swap3A, %swap3A_38] : memref<1000x128xf32, #tpu.memory_space<vmem>>, vector<1000x128xf32>
    tpu.vector_store %arg10[%swap3A, %swap3A_38], %add3A_37 {strides = array<i32>} : memref<1000x128xf32, #tpu.memory_space<vmem>>, vector<1000x128xf32>,
    return
  }
  func.func @transform_0(%arg0: i32) -> (i32, i32) {
    %c0_i32 = arith.constant 0 : i32
    %c0_i32_0 = arith.constant 0 : i32
    return %arg0, %c0_i32 : i32, i32
  }
  func.func @transform_1(%arg0: i32) -> (i32, i32) {
    %c0_i32 = arith.constant 0 : i32
    %c0_i32_0 = arith.constant 0 : i32
    return %arg0, %c0_i32 : i32, i32
  }
  func.func @transform_2(%arg0: i32) -> (i32, i32) {
    %c0_i32 = arith.constant 0 : i32
    %c0_i32_0 = arith.constant 0 : i32
    return %arg0, %c0_i32 : i32, i32
  }
  func.func @transform_3(%arg0: i32) -> (i32, i32) {
    %c0_i32 = arith.constant 0 : i32
    %c0_i32_0 = arith.constant 0 : i32
    return %arg0, %c0_i32 : i32, i32
  }
  func.func @transform_4(%arg0: i32) -> (i32, i32) {
    %c0_i32 = arith.constant 0 : i32
    %c0_i32_0 = arith.constant 0 : i32
    return %arg0, %c0_i32 : i32, i32
  }
  func.func @transform_5(%arg0: i32) -> (i32, i32) {
    %c0_i32 = arith.constant 0 : i32
    %c0_i32_0 = arith.constant 0 : i32
    %c0_i32_1 = arith.constant 0 : i32
    return %c0_i32, %c0_i32_0 : i32, i32
  }
  func.func @transform_6(%arg0: i32) -> (i32, i32) {
    %c0_i32 = arith.constant 0 : i32
    %c0_i32_0 = arith.constant 0 : i32
    %c0_i32_1 = arith.constant 0 : i32
    return %c0_i32, %c0_i32_0 : i32, i32
  }
  func.func @transform_7(%arg0: i32) -> (i32, i32) {
    %c0_i32 = arith.constant 0 : i32
    %c0_i32_0 = arith.constant 0 : i32
    %c0_i32_1 = arith.constant 0 : i32
    return %c0_i32, %c0_i32_0 : i32, i32
  }
  func.func @transform_8(%arg0: i32) -> (i32, i32) {
    %c0_i32 = arith.constant 0 : i32
    %c0_i32_0 = arith.constant 0 : i32
    %c0_i32_1 = arith.constant 0 : i32
    return %c0_i32, %c0_i32_0 : i32, i32
  }
  func.func @transform_9(%arg0: i32) -> (i32, i32) {
    %c0_i32 = arith.constant 0 : i32
    %c0_i32_0 = arith.constant 0 : i32
    return %arg0, %c0_i32 : i32, i32
  }
}

</mosaic_0001>

<sc_bundles>
// kernel: kernel.11.cloned.1.call-start
scs
__scs_entry_jumppad:
0x0: {  	(pc) =	sbr.rel $0x88, $3  }
0x1: {  	(tag) =	ssettag $0x0;
	lr =	simm.s32 $0x1  }
0x2: {  	[smem:$0x3F97] =	sst lr;
	_ =	strace $0xD0000000  }
0x3: {  	_ = 	snop  }
0x4: {  	_ = 	snop  }
0x5: {  	_ = 	snop  }
0x6: {  	_ = 	snop  }
0x7: {  	_ = 	snop  }
__scs_overlays_trampoline_lowered:
0x8: {  	[smem:$0x3FA6] =	sst s0  }
0x9: {  	[smem:$0x3FA7] =	sst s1  }
0xa: {  	[smem:$0x3FA8] =	sst s2  }
0xb: {  	[smem:$0x3FA9] =	sst s3  }
0xc: {  	[smem:$0x3FAA] =	sst s4  }
0xd: {  	[smem:$0x3FAB] =	sst s5  }
0xe: {  	[smem:$0x3FAC] =	sst s6  }
0xf: {  	[smem:$0x3FAD] =	sst s7  }
0x10: {  	[smem:$0x3FAE] =	sst s8  }
0x11: {  	[smem:$0x3FAF] =	sst s9;
	s0 =	simm.s32 @!p0 $0x0  }
0x12: {  	s1 =	sld [smem:$0x3F95];
	s0 =	simm.s32 @p0 $0x1  }
0x13: {  	[smem:$0x3FB0] =	sst s0;
	s0 =	simm.s32 @!p1 $0x0  }
0x14: {  	s2 =	sld [smem:$0x3F94];
	s0 =	simm.s32 @p1 $0x1  }
0x15: {  	[smem:$0x3FB1] =	sst s0;
	s0 =	simm.s32 @!p2 $0x0  }
0x16: {  	s3 =	sld [smem:$0x3FDB];
	s0 =	simm.s32 @p2 $0x1  }
0x17: {  	s4 =	simm.s32 $0x1BF5;
	[smem:$0x3FB3] =	sst s0  }
0x18: {  	s0 =	sld [smem:$0x3F96];
	_ =	swait.ge [sflag:s4], $0x0  }
0x19: {  	s7 =	sld [smem:$0x3F97]  }
0x1a: {  	s8 =	sadd.s32 $0xFFFFE003, lr  }
0x1b: {  	s9 =	sadd.s32 $0xFFFFFEF7, lr;
	s5 =	simm.s32 $0xFFFFFFFF;
	p2 =	slt.u32 s8, $0xFFFFF086  }
0x1c: {  	p1 =	slt.u32 s9, $0xF7A;
	s5 =	simm.s32 @!p2 $0x0  }
0x1d: {  	s5 =	simm.s32 @p1 $0x1;
	p0 =	seq.s32 s7, s2  }
0x1e: {  	s7 =	smul.u32 @!p0 $0xF7A, s2;
	p2 =	seq.s32 @!p0 s5, $0x0  }
0x1f: {  	s9 =	smul.u32 $0xF7A, s1;
	s8 =	simm.s32 @!p0 $0x1BF5;
	p2 =	por !p2, p0  }
0x20: {  	[sflag:s8] =	ssyncset.s32 @!p0 $0xFFFFF086;
	s6 =	sadd.s32 @!p0 s3, s7;
	s7 =	simm.s32 @!p0 $0x108  }
0x21: {  	s3 =	sadd.s32 s3, s9;
	s6 =	sadd.s32 @!p0 $0x88, s6;
	s7 =	simm.s32 @p2 $0x1082  }
0x22: {  	[simem:s7], [sflag:s8] =	dma.local @!p0 [hbm:s6], $0xF7A  }
0x23: {  	s9 =	sor.u32 $0xD0000000, s2;
	s6 =	simm.s32 $0x108;
	_ =	swait.ge @!p0 [sflag:s8], $0x0  }
0x24: {  	s3 =	sadd.s32 $0x88, s3;
	s6 =	simm.s32 @!p1 $0x1082;
	[sflag:s4] =	ssyncset.s32 $0xFFFFF086  }
0x25: {  	[simem:s6], [sflag:s4] =	dma.local [hbm:s3], $0xF7A  }
0x26: {  	[smem:$0x3F97] =	sst s1;
	(tag) =	ssettag s2;
	_ =	strace s9  }
0x27: {  	s1 =	sld [smem:$0x3FA7]  }
0x28: {  	s2 =	sld [smem:$0x3FA8]  }
0x29: {  	s4 =	sld [smem:$0x3FAA]  }
0x2a: {  	p0 =	seq.s32 s5, $0x0;
	s5 =	sld [smem:$0x3FAB]  }
0x2b: {  	s6 =	sld [smem:$0x3FAC]  }
0x2c: {  	s7 =	sld [smem:$0x3FAD]  }
0x2d: {  	s3 =	simm.s32 $0x108;
	s8 =	sld [smem:$0x3FAE]  }
0x2e: {  	s3 =	simm.s32 @!p0 $0x1082;
	s9 =	sld [smem:$0x3FAF]  }
0x2f: {  	lr =	sadd.s32 s0, s3;
	s0 =	sld [smem:$0x3FA6]  }
0x30: {  	s3 =	sld [smem:$0x3FA9]  }
0x31: {  	[smem:$0x3FB2] =	sst s10  }
0x32: {  	s10 =	sld [smem:$0x3FB0];
	_ =	sdelay $0x3  }
0x33: {  	p0 =	seq.s32 s10, $0x1;
	s10 =	sld [smem:$0x3FB2];
	_ =	sdelay $0x3  }
0x34: {  	[smem:$0x3FB2] =	sst s10  }
0x35: {  	s10 =	sld [smem:$0x3FB1];
	_ =	sdelay $0x3  }
0x36: {  	p1 =	seq.s32 s10, $0x1;
	s10 =	sld [smem:$0x3FB2];
	_ =	sdelay $0x3  }
0x37: {  	[smem:$0x3FB2] =	sst s10  }
0x38: {  	s10 =	sld [smem:$0x3FB3]  }
0x39: {  	_ = 	snop;
	(pc) =	sbr.ind lr, $3  }
0x3a: {  	_ = 	snop  }
0x3b: {  	_ = 	snop  }
0x3c: {  	p2 =	seq.s32 s10, $0x1;
	s10 =	sld [smem:$0x3FB2]  }
0x3d: {  	_ =	shalt  }
0x3e: {  	_ =	shalt  }
0x3f: {  	_ =	shalt  }
0x40: {  	_ =	shalt  }
0x41: {  	_ =	shalt  }
0x42: {  	_ =	shalt  }
0x43: {  	_ =	shalt  }
0x44: {  	_ =	shalt  }
0x45: {  	_ =	shalt  }
0x46: {  	_ =	shalt  }
0x47: {  	_ =	shalt  }
0x48: {  	_ =	shalt  }
0x49: {  	_ =	shalt  }
0x4a: {  	_ =	shalt  }
0x4b: {  	_ =	shalt  }
0x4c: {  	_ =	shalt  }
0x4d: {  	_ =	shalt  }
0x4e: {  	_ =	shalt  }
0x4f: {  	_ =	shalt  }
0x50: {  	_ =	shalt  }
0x51: {  	_ =	shalt  }
0x52: {  	_ =	shalt  }
0x53: {  	_ =	shalt  }
0x54: {  	_ =	shalt  }
0x55: {  	_ =	shalt  }
0x56: {  	_ =	shalt  }
0x57: {  	_ =	shalt  }
0x58: {  	_ =	shalt  }
0x59: {  	_ =	shalt  }
0x5a: {  	_ =	shalt  }
0x5b: {  	_ =	shalt  }
0x5c: {  	_ =	shalt  }
0x5d: {  	_ =	shalt  }
0x5e: {  	_ =	shalt  }
0x5f: {  	_ =	shalt  }
0x60: {  	_ =	shalt  }
0x61: {  	_ =	shalt  }
0x62: {  	_ =	shalt  }
0x63: {  	_ =	shalt  }
0x64: {  	_ =	shalt  }
0x65: {  	_ =	shalt  }
0x66: {  	_ =	shalt  }
0x67: {  	_ =	shalt  }
0x68: {  	_ =	shalt  }
0x69: {  	_ =	shalt  }
0x6a: {  	_ =	shalt  }
0x6b: {  	_ =	shalt  }
0x6c: {  	_ =	shalt  }
0x6d: {  	_ =	shalt  }
0x6e: {  	_ =	shalt  }
0x6f: {  	_ =	shalt  }
0x70: {  	_ =	shalt  }
0x71: {  	_ =	shalt  }
0x72: {  	_ =	shalt  }
0x73: {  	_ =	shalt  }
0x74: {  	_ =	shalt  }
0x75: {  	_ =	shalt  }
0x76: {  	_ =	shalt  }
0x77: {  	_ =	shalt  }
0x78: {  	_ =	shalt  }
0x79: {  	_ =	shalt  }
0x7a: {  	_ =	shalt  }
0x7b: {  	_ =	shalt  }
0x7c: {  	_ =	shalt  }
0x7d: {  	_ =	shalt  }
0x7e: {  	_ =	shalt  }
0x7f: {  	_ =	shalt  }
0x80: {  	_ =	shalt  }
0x81: {  	_ =	shalt  }
0x82: {  	_ =	shalt  }
0x83: {  	_ =	shalt  }
0x84: {  	_ =	shalt  }
0x85: {  	_ =	shalt  }
0x86: {  	_ =	shalt  }
0x87: {  	_ =	shalt  }
.Lfunc_end0:
.L_simem_size_0:
called_computation.1_lowered:
.L_overlay_start_0:
0x88: {  	s2 =	sld [smem:$0x3FD9]  }
0x89: {  	s3 =	sld [smem:$0x3FFE];
	_ =	sdelay $0x1  }
0x8a: {  	s1 =	srdreg.scid  }
0x8b: {  	s0 =	sand.u32 $0x1, s1  }
0x8c: {  	s14 =	sshll.u32 s0, $0xA;
	s2 =	sadd.s32 s3, s2  }
0x8d: {  	s2 =	sadd.s32 s2, s14  }
0x8e: {  	[smem:$0x3FBE] =	sst s2  }
0x8f: {  	_ = 	snop  }
0x90: {  	s2 =	sld [smem:$0x3FD0];
	_ =	sdelay $0x2  }
0x91: {  	s15 =	simm.s32 $0xB;
	s4 =	simm.s32 $0x10  }
0x92: {  	[smem:s4], [sflag:s15] =	dma.local [hbm:s2], $0x1  }
0x93: {  	_ =	swait.eq [sflag:s15], $0x1  }
0x94: {  	[sflag:s15] =	ssyncset.done $0x0  }
0x95: {  	[sflag:s15] =	ssyncadd.s32 $0xFFFFFFFF  }
0x96: {  	s16 =	sld [smem:$0x10];
	(tm) =	ssettm $0x1  }
0x97: {  	s17 =	sld [smem:$0x3FFB];
	_ =	sdelay $0x3  }
0x98: {  	_ =	strace s17  }
0x99: {  	s3 =	sld [smem:$0x3FFC];
	_ =	sdelay $0x3  }
0x9a: {  	_ =	strace s3  }
0x9b: {  	s3 =	sld [smem:$0x3FFD];
	_ =	sdelay $0x3  }
0x9c: {  	_ =	strace s3  }
0x9d: {  	_ =	strace $0x8FFFFFFF  }
0x9e: {  	s18 =	sld [smem:$0x3FDB];
	_ =	sdelay $0x1  }
0x9f: {  	s19 =	simm.s32 $_scs_section_size  }
0xa0: {  	s5 =	simm.s32 $_size__tile_overlayer_lowered;
	s6 =	simm.s32 $_tile_overlayer_lowered  }
0xa1: {  	s22 =	simm.s32 $0x1BFF;
	s21 =	sshll.u32 s6, $0x1;
	s3 =	sadd.s32 s19, s18  }
0xa2: {  	s7 =	simm.s32 $0x0;
	s20 =	sshll.u32 s5, $0x1;
	s5 =	sadd.s32 s21, s3  }
0xa3: {  	[timem:s7], [sflag:s22] =	dma.local [hbm:s5], s20  }
0xa4: {  	_ =	swait.ge [sflag:s22], s20  }
0xa5: {  	s4 =	ssub.s32 $0x0, s20;
	[sflag:s22] =	ssyncset.done $0x0  }
0xa6: {  	[sflag:s22] =	ssyncadd.s32 s4;
	_ =	sdelay $0x1  }
0xa7: {  	s23 =	simm.s32 $0x1B8B  }
0xa8: {  	_ =	swait.ge [sflag:s23], $0x1  }
0xa9: {  	[sflag:s23] =	ssyncset.done $0x0  }
0xaa: {  	s25 =	simm.s32 $0x1B8E;
	s24 =	sld [smem:$0x3FFE];
	[sflag:s23] =	ssyncadd.s32 $0xFFFFFFFF  }
0xab: {  	s26 =	simm.s32 $execute0_lowered;
	[smem:$0x3FD2] =	sst s25  }
0xac: {  	s5 =	sshll.u32 s26, $0x1;
	_ =	strace $0x80000046;
	[dreg:$0x1] =	wrdreg $0xFFFFFFFF  }
0xad: {  	s28 =	simm.s32 $_size_execute0_lowered;
	s3 =	sadd.s32 s3, s5;
	[dreg:$0x0] =	wrdreg $0x0  }
0xae: {  	s5 =	sshll.u32 s28, $0x1;
	[dreg:$0x2] =	wrdreg s3  }
0xaf: {  	[dreg:$0x3] =	wrdreg s5  }
0xb0: {  	[dreg:$0x4] =	wrdreg $0xC0  }
0xb1: {  	_ =	task [dreg:s7], $0x5FFFF  }
0xb2: {  	[dreg:$0x1] =	wrdreg $0xFFFFFFFF  }
0xb3: {  	[dreg:$0x0] =	wrdreg $0x60  }
0xb4: {  	[dreg:$0x2] =	wrdreg s24  }
0xb5: {  	[dreg:$0x3] =	wrdreg s16  }
0xb6: {  	[dreg:$0x4] =	wrdreg $0x29000  }
0xb7: {  	[dreg:$0x5] =	wrdreg $0xA  }
0xb8: {  	_ =	task.clear_ibuf [dreg:s7], $0x6FFFF;
	_ =	strace $0x90000046  }
0xb9: {  	s29 =	simm.s32 $0xA;
	_ =	strace $0x80000048  }
0xba: {  	_ =	swait.ge [sflag:s29], $0x1  }
0xbb: {  	[sflag:s29] =	ssyncadd.s32 $0xFFFFFFFF  }
0xbc: {  	_ =	strace $0x90000048  }
0xbd: {  	_ =	sfence  }
0xbe: {  	s30 =	sld [smem:$0x0];
	_ =	sdelay $0x2  }
0xbf: {  	s31 =	sshll.u32 s1, $0xD;
	s1 =	sshrl.u32 s1, $0x2  }
0xc0: {  	s3 =	sand.u32 $0x4000, s31;
	s1 =	sadd.s32 s1, s30  }
0xc1: {  	s0 =	sor.u32 s3, s0;
	s1 =	sshll.u32 s1, $0x11  }
0xc2: {  	s0 =	sor.u32 s1, s0  }
0xc3: {  	s0 =	sadd.s32 $0x8F2B, s0  }
0xc4: {  	[sflag:s0] =	ssyncadd.remote.s32 $0x1  }
0xc5: {  	_ =	sfence.sel $0xFFFF  }
0xc6: {  	[dreg:$0x0] =	wrdreg $0xFFFFFFFF;
	(pc) =	sbr.abs _section_cstart, $3  }
0xc7: {  	[dreg:$0x1] =	wrdreg $0xFFFFFFFF  }
0xc8: {  	_ =	task.clear_ibuf [dreg:s7], $0x2FFFF;
	_ =	strace $0x9FFFFFFF  }
0xc9: {  	(tm) =	ssettm $0x7FFFFFFF  }
tec
execute0_lowered:
.L_overlay_start_1:
0x0: {  	(tag) =	ssettag $0x1  }
0x1: {  	s5 =	rddreg [dreg:$0x0]  }
0x2: {  	s9 =	rddreg [dreg:$0x1]  }
0x3: {  	s2 =	rddreg [dreg:$0x2]  }
0x4: {  	s0 =	rddreg [dreg:$0x3]  }
0x5: {  	s3 =	simm.s32 $0x0;
	s1 =	stileid.u32;
	s6 =	srdreg.scid  }
0x6: {  	s17 =	simm.s32 $0x80;
	s18 =	simm.s32 $0x1;
	s19 =	simm.s32 $0x2  }
0x7: {  	s20 =	simm.s32 $0x0;
	[smem:$0x7FF] =	sst s3;
	s8 =	smul.u32 $0x13C00, s1  }
0x8: {  	s4 =	sadd.s32 $0x3400, s5;
	s6 =	sand.u32 $0x1, s6;
	s11 =	smul.u32 $0x4F000, s1  }
0x9: {  	s7 =	sshll.u32 s1, $0x1;
	s25 =	smul.u32 $0x4E20, s1;
	s26 =	sshll.u32 s1, $0x6  }
0xa: {  	_ =	strace $0x80000047;
	s7 =	sor.u32 s6, s7;
	s14 =	smul.u32 $0x13C000, s6  }
0xb: {  	s12 =	ssub.s32 $0x2, s6;
	s16 =	smul.u32 $0x2710, s6;
	s10 =	sshrl.u32 s8, $0x3  }
0xc: {  	s13 =	smul.u32 $0x2710, s7;
	s23 =	sshrl.u32 s12, $0x1;
	s24 =	sshrl.u32 s11, $0x2  }
0xd: {  	s7 =	sor.u32 $0x1C03, s26;
	s10 =	sadd.s32 s10, s5;
	s5 =	sadd.s32 $0xD200, s5  }
0xe: {  	s12 =	ssub.s32 s12, s23;
	s15 =	sadd.s32 s24, s2;
	s8 =	sadd.s32 s8, s14  }
0xf: {  	s11 =	sadd.s32 s16, s25;
	s14 =	simm.s32 $0x3;
	s16 =	simm.s32 $0x50  }
0x10: {  	s6 =	sadd.s32 $0xD800, s10;
	s28 =	sshrl.u32 s13, $0x3;
	s29 =	sshrl.u32 s8, $0x3  }
0x11: {  	s30 =	sadd.s32 $0x50, s11;
	s10 =	smax.u32 s12, $0x1;
	s11 =	sadd.s32 $0xA0, s11  }
0x12: {  	s13 =	sshrl.u32 s15, $0x3;
	s15 =	simm.s32 $0x100;
	s31 =	sshrl.u32 s30, $0x3  }
0x13: {  	s8 =	sadd.s32 s4, s28;
	s9 =	sadd.s32 s9, s29;
	s12 =	sadd.s32 s31, s4  }
.LBB2_1:
0x14: {  	[spmem:s13], [sflag:s7] =	dma.local [hbm:s6], $0x2780  }
0x15: {  	_ =	swait.ge [sflag:s14], $0x2780  }
0x16: {  	[sflag:s14] =	ssyncset.done $0x0  }
0x17: {  	[sflag:s14] =	ssyncadd.s32 $0xFFFFD880  }
0x18: {  	[tilespmem:s15], [sflag:$0x3] =	stream.linear.gather [hbm4b:s5+s3], $0x2800, $0x38;
	[tilespmem:$0x16500] =	vst v63  }
0x19: {  	_ =	swait.ge [sflag:s14], $0x2800  }
0x1a: {  	[sflag:s14] =	ssyncset.done $0x0  }
0x1b: {  	[sflag:s14] =	ssyncadd.s32 $0xFFFFD800  }
0x1c: {  	[bflag:$0x0] =	sbarrier.arrive $0xFFFF  }
0x1d: {  	[tilespmem:s3], [sflag:$0x3] =	stream.linear.gather [hbm4b:s8+s3], $0x50, $0x38;
	[tilespmem:$0x16500] =	vst v63  }
0x1e: {  	_ =	swait.ge [sflag:s14], $0x50  }
0x1f: {  	[sflag:s14] =	ssyncset.done $0x0  }
0x20: {  	[sflag:s14] =	ssyncadd.s32 $0xFFFFFFB0  }
0x21: {  	[spmem:s2] =	stream.indirect.scatter.add.f32 [tilespmem:s15], [sflag:$0x1], $0x80, s3, s16, $0xb8;
	[tilespmem:$0x16500] =	vst v63  }
0x22: {  	s21 =	sadd.s32 $0x0, s12  }
0x23: {  	[tilespmem:s17], [sflag:$0x3] =	stream.linear.gather [hbm4b:s21+s3], $0x50, $0x38;
	[tilespmem:$0x16500] =	vst v63  }
0x24: {  	_ =	swait.ge [sflag:s14], $0x50  }
0x25: {  	[sflag:s14] =	ssyncset.done $0x0  }
0x26: {  	[sflag:s14] =	ssyncadd.s32 $0xFFFFFFB0  }
0x27: {  	[spmem:s2] =	stream.indirect.scatter.add.f32 [tilespmem:s15], [sflag:$0x2], $0x80, s17, s16, $0xb8;
	[tilespmem:$0x16500] =	vst v63  }
0x28: {  	_ =	swait.ge [sflag:s18], $0x2800  }
0x29: {  	s31 =	sshrl.u32 s11, $0x3;
	[sflag:s18] =	ssyncset.done $0x0  }
0x2a: {  	s21 =	sadd.s32 s4, s31;
	[sflag:s18] =	ssyncadd.s32 $0xFFFFD800  }
0x2b: {  	[tilespmem:s3], [sflag:$0x3] =	stream.linear.gather [hbm4b:s21+s3], $0x50, $0x38;
	[tilespmem:$0x16500] =	vst v63  }
0x2c: {  	_ =	swait.ge [sflag:s14], $0x50  }
0x2d: {  	[sflag:s14] =	ssyncset.done $0x0  }
0x2e: {  	[sflag:s14] =	ssyncadd.s32 $0xFFFFFFB0  }
0x2f: {  	[spmem:s2] =	stream.indirect.scatter.add.f32 [tilespmem:s15], [sflag:$0x1], $0x80, s3, s16, $0xb8;
	[tilespmem:$0x16500] =	vst v63  }
0x30: {  	s22 =	simm.s32 $0x14;
	_ =	swait.ge [sflag:s19], $0x2800  }
0x31: {  	s23 =	simm.s32 $0x28;
	s21 =	sadd.s32 $0xA0, s11;
	[sflag:s19] =	ssyncset.done $0x0  }
.LBB2_2:
0x32: {  	s24 =	sadd.s32 s22, s12  }
0x33: {  	[sflag:s19] =	ssyncadd.s32 $0xFFFFD800;
	s22 =	smov.u32 s23;
	s25 =	sadd.s32 $0x14, s23  }
0x34: {  	[tilespmem:s17], [sflag:$0x3] =	stream.linear.gather [hbm4b:s24+s3], $0x50, $0x38;
	[tilespmem:$0x16500] =	vst v63  }
0x35: {  	p0 =	sne.s32 s23, $0x4C4;
	_ =	swait.ge [sflag:s14], $0x50  }
0x36: {  	[sflag:s14] =	ssyncset.done $0x0  }
0x37: {  	[sflag:s14] =	ssyncadd.s32 $0xFFFFFFB0  }
0x38: {  	[spmem:s2] =	stream.indirect.scatter.add.f32 [tilespmem:s15], [sflag:$0x2], $0x80, s17, s16, $0xb8;
	[tilespmem:$0x16500] =	vst v63  }
0x39: {  	_ =	swait.ge [sflag:s18], $0x2800  }
0x3a: {  	s23 =	sshrl.u32 s21, $0x3;
	[sflag:s18] =	ssyncset.done $0x0  }
0x3b: {  	s23 =	sadd.s32 s4, s23;
	[sflag:s18] =	ssyncadd.s32 $0xFFFFD800  }
0x3c: {  	[tilespmem:s3], [sflag:$0x3] =	stream.linear.gather [hbm4b:s23+s3], $0x50, $0x38;
	[tilespmem:$0x16500] =	vst v63  }
0x3d: {  	_ =	swait.ge [sflag:s14], $0x50  }
.Ltmp0:
0x3e: {  	[sflag:s14] =	ssyncset.done $0x0;
	(pc) =	sbr.rel @p0 .LBB2_2-.Ltmp0, $4  }
0x3f: {  	[sflag:s14] =	ssyncadd.s32 $0xFFFFFFB0  }
0x40: {  	[spmem:s2] =	stream.indirect.scatter.add.f32 [tilespmem:s15], [sflag:$0x1], $0x80, s3, s16, $0xb8;
	[tilespmem:$0x16500] =	vst v63  }
0x41: {  	_ =	swait.ge [sflag:s19], $0x2800  }
0x42: {  	s21 =	sadd.s32 $0xA0, s21;
	s23 =	smov.u32 s25;
	[sflag:s19] =	ssyncset.done $0x0  }
0x43: {  	s22 =	sadd.s32 s22, s12;
	[sflag:s19] =	ssyncadd.s32 $0xFFFFD800  }
0x44: {  	[tilespmem:s17], [sflag:$0x3] =	stream.linear.gather [hbm4b:s22+s3], $0x50, $0x38;
	[tilespmem:$0x16500] =	vst v63  }
0x45: {  	_ =	swait.ge [sflag:s14], $0x50  }
0x46: {  	[sflag:s14] =	ssyncset.done $0x0  }
0x47: {  	[sflag:s14] =	ssyncadd.s32 $0xFFFFFFB0  }
0x48: {  	[spmem:s2] =	stream.indirect.scatter.add.f32 [tilespmem:s15], [sflag:$0x2], $0x80, s17, s16, $0xb8;
	[tilespmem:$0x16500] =	vst v63  }
0x49: {  	_ =	swait.ge [sflag:s18], $0x2800  }
0x4a: {  	s21 =	sshrl.u32 s21, $0x3;
	[sflag:s18] =	ssyncset.done $0x0  }
0x4b: {  	s21 =	sadd.s32 s4, s21;
	[sflag:s18] =	ssyncadd.s32 $0xFFFFD800  }
0x4c: {  	[tilespmem:s3], [sflag:$0x3] =	stream.linear.gather [hbm4b:s21+s3], $0x50, $0x38;
	[tilespmem:$0x16500] =	vst v63  }
0x4d: {  	_ =	swait.ge [sflag:s14], $0x50  }
0x4e: {  	[sflag:s14] =	ssyncset.done $0x0  }
0x4f: {  	[sflag:s14] =	ssyncadd.s32 $0xFFFFFFB0  }
0x50: {  	[spmem:s2] =	stream.indirect.scatter.add.f32 [tilespmem:s15], [sflag:$0x1], $0x80, s3, s16, $0xb8;
	[tilespmem:$0x16500] =	vst v63  }
0x51: {  	_ =	swait.ge [sflag:s19], $0x2800  }
0x52: {  	[sflag:s19] =	ssyncset.done $0x0  }
0x53: {  	[sflag:s19] =	ssyncadd.s32 $0xFFFFD800  }
0x54: {  	_ =	swait.ge [sflag:s18], $0x2800  }
0x55: {  	s20 =	sadd.s32 $0x1, s20;
	[sflag:s18] =	ssyncset.done $0x0  }
0x56: {  	p0 =	sne.s32 s20, s10;
	[sflag:s18] =	ssyncadd.s32 $0xFFFFD800  }
.Ltmp1:
0x57: {  	[bflag:$0x0] =	sbarrier.arrive $0xFFFF;
	(pc) =	sbr.rel @p0 .LBB2_1-.Ltmp1, $4  }
0x58: {  	[hbm:s9], [sflag:s7] =	dma.local [spmem:s13], $0x2780  }
0x59: {  	_ =	swait.ge [sflag:s14], $0x2780  }
0x5a: {  	[sflag:s14] =	ssyncset.done $0x0  }
0x5b: {  	[sflag:s14] =	ssyncadd.s32 $0xFFFFD880  }
0x5c: {  	_ =	sfence.sel $0x180000  }
0x5d: {  	[bflag:$0x0] =	sbarrier.arrive $0xFFFF  }
0x5e: {  	p0 =	sne.s32 s1, $0x0;
	_ =	strace $0x90000047  }
0x5f: {  	s0 =	sadd.s32 @!p0 $0x100000, s0;
	[bflag:$0x2] =	sbarrier.arrive $0xFFFF  }
0x60: {  	[sflag:s0] =	ssyncadd.tile.s32 @!p0 $0x1;
	_ =	shalt  }
.Lfunc_end2:
_tile_overlayer_lowered:
.L_overlay_start_2:
0x61: {  	(tag) =	ssettag $0x2  }
0x62: {  	s0 =	rddreg [dreg:$0x0];
	s2 =	stileid.u32  }
0x63: {  	s1 =	rddreg [dreg:$0x1];
	p0 =	sne.s32 s2, $0x0  }
0x64: {  	s3 =	rddreg [dreg:$0x2];
	[bflag:$0x3] =	sbarrier.arrive $0xFFFF;
	s2 =	simm.s32 @!p0 $0x1C03  }
0x65: {  	[timem:s3], [sflag:s2] =	dma.local @!p0 [hbm:s0], s1  }
0x66: {  	s0 =	simm.s32 @!p0 $0x3  }
0x67: {  	_ =	swait.ge @!p0 [sflag:s0], s1  }
0x68: {  	s1 =	ssub.s32 @!p0 $0x0, s1;
	[sflag:s0] =	ssyncset.done @!p0 $0x0  }
0x69: {  	[sflag:s0] =	ssyncadd.s32 @!p0 s1  }
0x6a: {  	[bflag:$0x3] =	sbarrier.arrive $0xFFFF  }
0x6b: {  	_ =	shalt  }

// kernel: kernel.14.cloned.1.call-start
scs
__scs_entry_jumppad:
0x0: {  	(pc) =	sbr.rel $0x88, $3  }
0x1: {  	(tag) =	ssettag $0x0;
	lr =	simm.s32 $0x1  }
0x2: {  	[smem:$0x3F97] =	sst lr;
	_ =	strace $0xD0000000  }
0x3: {  	_ = 	snop  }
0x4: {  	_ = 	snop  }
0x5: {  	_ = 	snop  }
0x6: {  	_ = 	snop  }
0x7: {  	_ = 	snop  }
__scs_overlays_trampoline_lowered:
0x8: {  	[smem:$0x3FA6] =	sst s0  }
0x9: {  	[smem:$0x3FA7] =	sst s1  }
0xa: {  	[smem:$0x3FA8] =	sst s2  }
0xb: {  	[smem:$0x3FA9] =	sst s3  }
0xc: {  	[smem:$0x3FAA] =	sst s4  }
0xd: {  	[smem:$0x3FAB] =	sst s5  }
0xe: {  	[smem:$0x3FAC] =	sst s6  }
0xf: {  	[smem:$0x3FAD] =	sst s7  }
0x10: {  	[smem:$0x3FAE] =	sst s8  }
0x11: {  	[smem:$0x3FAF] =	sst s9;
	s0 =	simm.s32 @!p0 $0x0  }
0x12: {  	s1 =	sld [smem:$0x3F95];
	s0 =	simm.s32 @p0 $0x1  }
0x13: {  	[smem:$0x3FB0] =	sst s0;
	s0 =	simm.s32 @!p1 $0x0  }
0x14: {  	s2 =	sld [smem:$0x3F94];
	s0 =	simm.s32 @p1 $0x1  }
0x15: {  	[smem:$0x3FB1] =	sst s0;
	s0 =	simm.s32 @!p2 $0x0  }
0x16: {  	s3 =	sld [smem:$0x3FDB];
	s0 =	simm.s32 @p2 $0x1  }
0x17: {  	s4 =	simm.s32 $0x1BF5;
	[smem:$0x3FB3] =	sst s0  }
0x18: {  	s0 =	sld [smem:$0x3F96];
	_ =	swait.ge [sflag:s4], $0x0  }
0x19: {  	s7 =	sld [smem:$0x3F97]  }
0x1a: {  	s8 =	sadd.s32 $0xFFFFE003, lr  }
0x1b: {  	s9 =	sadd.s32 $0xFFFFFEF7, lr;
	s5 =	simm.s32 $0xFFFFFFFF;
	p2 =	slt.u32 s8, $0xFFFFF086  }
0x1c: {  	p1 =	slt.u32 s9, $0xF7A;
	s5 =	simm.s32 @!p2 $0x0  }
0x1d: {  	s5 =	simm.s32 @p1 $0x1;
	p0 =	seq.s32 s7, s2  }
0x1e: {  	s7 =	smul.u32 @!p0 $0xF7A, s2;
	p2 =	seq.s32 @!p0 s5, $0x0  }
0x1f: {  	s9 =	smul.u32 $0xF7A, s1;
	s8 =	simm.s32 @!p0 $0x1BF5;
	p2 =	por !p2, p0  }
0x20: {  	[sflag:s8] =	ssyncset.s32 @!p0 $0xFFFFF086;
	s6 =	sadd.s32 @!p0 s3, s7;
	s7 =	simm.s32 @!p0 $0x108  }
0x21: {  	s3 =	sadd.s32 s3, s9;
	s6 =	sadd.s32 @!p0 $0x88, s6;
	s7 =	simm.s32 @p2 $0x1082  }
0x22: {  	[simem:s7], [sflag:s8] =	dma.local @!p0 [hbm:s6], $0xF7A  }
0x23: {  	s9 =	sor.u32 $0xD0000000, s2;
	s6 =	simm.s32 $0x108;
	_ =	swait.ge @!p0 [sflag:s8], $0x0  }
0x24: {  	s3 =	sadd.s32 $0x88, s3;
	s6 =	simm.s32 @!p1 $0x1082;
	[sflag:s4] =	ssyncset.s32 $0xFFFFF086  }
0x25: {  	[simem:s6], [sflag:s4] =	dma.local [hbm:s3], $0xF7A  }
0x26: {  	[smem:$0x3F97] =	sst s1;
	(tag) =	ssettag s2;
	_ =	strace s9  }
0x27: {  	s1 =	sld [smem:$0x3FA7]  }
0x28: {  	s2 =	sld [smem:$0x3FA8]  }
0x29: {  	s4 =	sld [smem:$0x3FAA]  }
0x2a: {  	p0 =	seq.s32 s5, $0x0;
	s5 =	sld [smem:$0x3FAB]  }
0x2b: {  	s6 =	sld [smem:$0x3FAC]  }
0x2c: {  	s7 =	sld [smem:$0x3FAD]  }
0x2d: {  	s3 =	simm.s32 $0x108;
	s8 =	sld [smem:$0x3FAE]  }
0x2e: {  	s3 =	simm.s32 @!p0 $0x1082;
	s9 =	sld [smem:$0x3FAF]  }
0x2f: {  	lr =	sadd.s32 s0, s3;
	s0 =	sld [smem:$0x3FA6]  }
0x30: {  	s3 =	sld [smem:$0x3FA9]  }
0x31: {  	[smem:$0x3FB2] =	sst s10  }
0x32: {  	s10 =	sld [smem:$0x3FB0];
	_ =	sdelay $0x3  }
0x33: {  	p0 =	seq.s32 s10, $0x1;
	s10 =	sld [smem:$0x3FB2];
	_ =	sdelay $0x3  }
0x34: {  	[smem:$0x3FB2] =	sst s10  }
0x35: {  	s10 =	sld [smem:$0x3FB1];
	_ =	sdelay $0x3  }
0x36: {  	p1 =	seq.s32 s10, $0x1;
	s10 =	sld [smem:$0x3FB2];
	_ =	sdelay $0x3  }
0x37: {  	[smem:$0x3FB2] =	sst s10  }
0x38: {  	s10 =	sld [smem:$0x3FB3]  }
0x39: {  	_ = 	snop;
	(pc) =	sbr.ind lr, $3  }
0x3a: {  	_ = 	snop  }
0x3b: {  	_ = 	snop  }
0x3c: {  	p2 =	seq.s32 s10, $0x1;
	s10 =	sld [smem:$0x3FB2]  }
0x3d: {  	_ =	shalt  }
0x3e: {  	_ =	shalt  }
0x3f: {  	_ =	shalt  }
0x40: {  	_ =	shalt  }
0x41: {  	_ =	shalt  }
0x42: {  	_ =	shalt  }
0x43: {  	_ =	shalt  }
0x44: {  	_ =	shalt  }
0x45: {  	_ =	shalt  }
0x46: {  	_ =	shalt  }
0x47: {  	_ =	shalt  }
0x48: {  	_ =	shalt  }
0x49: {  	_ =	shalt  }
0x4a: {  	_ =	shalt  }
0x4b: {  	_ =	shalt  }
0x4c: {  	_ =	shalt  }
0x4d: {  	_ =	shalt  }
0x4e: {  	_ =	shalt  }
0x4f: {  	_ =	shalt  }
0x50: {  	_ =	shalt  }
0x51: {  	_ =	shalt  }
0x52: {  	_ =	shalt  }
0x53: {  	_ =	shalt  }
0x54: {  	_ =	shalt  }
0x55: {  	_ =	shalt  }
0x56: {  	_ =	shalt  }
0x57: {  	_ =	shalt  }
0x58: {  	_ =	shalt  }
0x59: {  	_ =	shalt  }
0x5a: {  	_ =	shalt  }
0x5b: {  	_ =	shalt  }
0x5c: {  	_ =	shalt  }
0x5d: {  	_ =	shalt  }
0x5e: {  	_ =	shalt  }
0x5f: {  	_ =	shalt  }
0x60: {  	_ =	shalt  }
0x61: {  	_ =	shalt  }
0x62: {  	_ =	shalt  }
0x63: {  	_ =	shalt  }
0x64: {  	_ =	shalt  }
0x65: {  	_ =	shalt  }
0x66: {  	_ =	shalt  }
0x67: {  	_ =	shalt  }
0x68: {  	_ =	shalt  }
0x69: {  	_ =	shalt  }
0x6a: {  	_ =	shalt  }
0x6b: {  	_ =	shalt  }
0x6c: {  	_ =	shalt  }
0x6d: {  	_ =	shalt  }
0x6e: {  	_ =	shalt  }
0x6f: {  	_ =	shalt  }
0x70: {  	_ =	shalt  }
0x71: {  	_ =	shalt  }
0x72: {  	_ =	shalt  }
0x73: {  	_ =	shalt  }
0x74: {  	_ =	shalt  }
0x75: {  	_ =	shalt  }
0x76: {  	_ =	shalt  }
0x77: {  	_ =	shalt  }
0x78: {  	_ =	shalt  }
0x79: {  	_ =	shalt  }
0x7a: {  	_ =	shalt  }
0x7b: {  	_ =	shalt  }
0x7c: {  	_ =	shalt  }
0x7d: {  	_ =	shalt  }
0x7e: {  	_ =	shalt  }
0x7f: {  	_ =	shalt  }
0x80: {  	_ =	shalt  }
0x81: {  	_ =	shalt  }
0x82: {  	_ =	shalt  }
0x83: {  	_ =	shalt  }
0x84: {  	_ =	shalt  }
0x85: {  	_ =	shalt  }
0x86: {  	_ =	shalt  }
0x87: {  	_ =	shalt  }
.Lfunc_end0:
.L_simem_size_0:
called_computation.2_lowered:
.L_overlay_start_0:
0x88: {  	s2 =	sld [smem:$0x3FD9]  }
0x89: {  	s3 =	sld [smem:$0x3FFE];
	_ =	sdelay $0x1  }
0x8a: {  	s1 =	srdreg.scid  }
0x8b: {  	s0 =	sand.u32 $0x1, s1  }
0x8c: {  	s14 =	sshll.u32 s0, $0xA;
	s2 =	sadd.s32 s3, s2  }
0x8d: {  	s2 =	sadd.s32 s2, s14  }
0x8e: {  	[smem:$0x3FBE] =	sst s2  }
0x8f: {  	_ = 	snop  }
0x90: {  	s2 =	sld [smem:$0x3FD0];
	_ =	sdelay $0x2  }
0x91: {  	s15 =	simm.s32 $0xB;
	s4 =	simm.s32 $0x10  }
0x92: {  	[smem:s4], [sflag:s15] =	dma.local [hbm:s2], $0x1  }
0x93: {  	_ =	swait.eq [sflag:s15], $0x1  }
0x94: {  	[sflag:s15] =	ssyncset.done $0x0  }
0x95: {  	s16 =	sld [smem:$0x10];
	[sflag:s15] =	ssyncadd.s32 $0xFFFFFFFF  }
0x96: {  	s17 =	sld [smem:$0x11];
	(tm) =	ssettm $0x1  }
0x97: {  	s18 =	sld [smem:$0x3FFB];
	_ =	sdelay $0x3  }
0x98: {  	_ =	strace s18  }
0x99: {  	s4 =	sld [smem:$0x3FFC];
	_ =	sdelay $0x3  }
0x9a: {  	_ =	strace s4  }
0x9b: {  	s4 =	sld [smem:$0x3FFD];
	_ =	sdelay $0x3  }
0x9c: {  	_ =	strace s4  }
0x9d: {  	_ =	strace $0x8FFFFFFF  }
0x9e: {  	s19 =	sld [smem:$0x3FDB];
	_ =	sdelay $0x1  }
0x9f: {  	s5 =	simm.s32 $_scs_section_size  }
0xa0: {  	s6 =	simm.s32 $_size__tile_overlayer_lowered;
	s7 =	simm.s32 $_tile_overlayer_lowered  }
0xa1: {  	s22 =	simm.s32 $0x1BFF;
	s21 =	sshll.u32 s7, $0x1;
	s4 =	sadd.s32 s5, s19  }
0xa2: {  	s8 =	simm.s32 $0x0;
	s20 =	sshll.u32 s6, $0x1;
	s6 =	sadd.s32 s21, s4  }
0xa3: {  	[timem:s8], [sflag:s22] =	dma.local [hbm:s6], s20  }
0xa4: {  	_ =	swait.ge [sflag:s22], s20  }
0xa5: {  	s5 =	ssub.s32 $0x0, s20;
	[sflag:s22] =	ssyncset.done $0x0  }
0xa6: {  	[sflag:s22] =	ssyncadd.s32 s5;
	_ =	sdelay $0x1  }
0xa7: {  	s23 =	simm.s32 $0x1B8B  }
0xa8: {  	_ =	swait.ge [sflag:s23], $0x1  }
0xa9: {  	[sflag:s23] =	ssyncset.done $0x0  }
0xaa: {  	s25 =	simm.s32 $0x1B8E;
	s24 =	sld [smem:$0x3FFE];
	[sflag:s23] =	ssyncadd.s32 $0xFFFFFFFF  }
0xab: {  	s26 =	simm.s32 $execute0_lowered;
	[smem:$0x3FD2] =	sst s25  }
0xac: {  	s6 =	sshll.u32 s26, $0x1;
	_ =	strace $0x8000004C;
	[dreg:$0x1] =	wrdreg $0xFFFFFFFF  }
0xad: {  	s28 =	simm.s32 $_size_execute0_lowered;
	s4 =	sadd.s32 s4, s6;
	[dreg:$0x0] =	wrdreg $0x0  }
0xae: {  	s6 =	sshll.u32 s28, $0x1;
	[dreg:$0x2] =	wrdreg s4  }
0xaf: {  	[dreg:$0x3] =	wrdreg s6  }
0xb0: {  	[dreg:$0x4] =	wrdreg $0xC0  }
0xb1: {  	_ =	task [dreg:s8], $0x5FFFF  }
0xb2: {  	[dreg:$0x1] =	wrdreg $0xFFFFFFFF  }
0xb3: {  	[dreg:$0x0] =	wrdreg $0x60  }
0xb4: {  	[dreg:$0x2] =	wrdreg s16  }
0xb5: {  	[dreg:$0x3] =	wrdreg s24  }
0xb6: {  	[dreg:$0x4] =	wrdreg s17  }
0xb7: {  	[dreg:$0x5] =	wrdreg $0xA6000  }
0xb8: {  	[dreg:$0x6] =	wrdreg $0x9  }
0xb9: {  	_ =	task.clear_ibuf [dreg:s8], $0x7FFFF;
	_ =	strace $0x9000004C  }
0xba: {  	s29 =	simm.s32 $0x9;
	_ =	strace $0x8000004E  }
0xbb: {  	_ =	swait.ge [sflag:s29], $0x1  }
0xbc: {  	[sflag:s29] =	ssyncadd.s32 $0xFFFFFFFF  }
0xbd: {  	_ =	strace $0x9000004E  }
0xbe: {  	_ =	sfence  }
0xbf: {  	s30 =	sld [smem:$0x0];
	_ =	sdelay $0x2  }
0xc0: {  	s31 =	sshll.u32 s1, $0xD;
	s1 =	sshrl.u32 s1, $0x2  }
0xc1: {  	s3 =	sand.u32 $0x4000, s31;
	s1 =	sadd.s32 s1, s30  }
0xc2: {  	s0 =	sor.u32 s3, s0;
	s1 =	sshll.u32 s1, $0x11  }
0xc3: {  	s0 =	sor.u32 s1, s0  }
0xc4: {  	s0 =	sadd.s32 $0x8F2B, s0  }
0xc5: {  	[sflag:s0] =	ssyncadd.remote.s32 $0x1  }
0xc6: {  	_ =	sfence.sel $0xFFFF  }
0xc7: {  	[dreg:$0x0] =	wrdreg $0xFFFFFFFF;
	(pc) =	sbr.abs _section_cstart, $3  }
0xc8: {  	[dreg:$0x1] =	wrdreg $0xFFFFFFFF  }
0xc9: {  	_ =	task.clear_ibuf [dreg:s8], $0x2FFFF;
	_ =	strace $0x9FFFFFFF  }
0xca: {  	(tm) =	ssettm $0x7FFFFFFF  }
0xcb: {  	_ =	shalt  }
tec
execute0_lowered:
.L_overlay_start_1:
0x0: {  	(tag) =	ssettag $0x1  }
0x1: {  	s1 =	rddreg [dreg:$0x0]  }
0x2: {  	s0 =	rddreg [dreg:$0x1]  }
0x3: {  	s2 =	rddreg [dreg:$0x2]  }
0x4: {  	s3 =	rddreg [dreg:$0x3]  }
0x5: {  	s4 =	simm.s32 $0x0;
	s12 =	stileid.u32;
	s6 =	srdreg.scid  }
0x6: {  	s16 =	simm.s32 $0x9;
	s17 =	simm.s32 $0x50;
	s28 =	simm.s32 $0x300  }
0x7: {  	s29 =	simm.s32 $0x7E00;
	s30 =	simm.s32 $0x3;
	s31 =	simm.s32 $0x500  }
0x8: {  	s14 =	simm.s32 $0x0;
	[smem:$0x7FF] =	sst s4;
	s7 =	smul.u32 $0x13C00, s12  }
0x9: {  	s5 =	sadd.s32 $0x35000, s0;
	s9 =	sand.u32 $0x1, s6;
	s18 =	sshll.u32 s12, $0x1  }
0xa: {  	s11 =	smul.u32 $0x4F000, s12;
	s22 =	sshll.u32 s12, $0x6;
	_ =	strace $0x8000004D  }
0xb: {  	s10 =	ssub.s32 $0x2, s9;
	s6 =	sor.u32 s9, s18;
	s9 =	smul.u32 $0x13C000, s9  }
0xc: {  	s18 =	simm.s32 $0x600;
	s8 =	sshrl.u32 s7, $0x3;
	s19 =	sshrl.u32 s10, $0x1  }
0xd: {  	s6 =	smul.u32 $0x4E20, s6;
	s20 =	sshrl.u32 s11, $0x2;
	s0 =	sadd.s32 s8, s0  }
0xe: {  	s8 =	ssub.s32 s10, s19;
	s10 =	sadd.s32 s20, s3;
	s24 =	sadd.s32 s7, s9  }
0xf: {  	s9 =	sor.u32 $0x1C09, s22;
	s19 =	simm.s32 $0x100;
	s20 =	simm.s32 $0x2E00  }
0x10: {  	s22 =	simm.s32 $0x400;
	s7 =	simm.s32 $0x580;
	s0 =	sadd.s32 $0xD800, s0  }
0x11: {  	s21 =	sshrl.u32 s6, $0x3;
	s11 =	sadd.s32 $0x280, s6;
	s12 =	sadd.s32 $0x320, s6  }
0x12: {  	s26 =	smax.u32 s8, $0x1;
	s13 =	sshrl.u32 s10, $0x3;
	s10 =	simm.s32 $0x6  }
0x13: {  	[dreg:$0x5] =	wrdreg s0;
	s23 =	sadd.s32 s5, s21;
	s0 =	sshrl.u32 s24, $0x3  }
.Ltmp0:
0x14: {  	[dreg:$0x9] =	wrdreg s26;
	s21 =	simm.s32 $0x1;
	(pc) =	sbr.rel .LBB2_1-.Ltmp0, $4  }
0x15: {  	s24 =	simm.s32 $0x5600;
	s26 =	simm.s32 $0x480;
	[dreg:$0xa] =	wrdreg s13  }
0x16: {  	[dreg:$0x6] =	wrdreg s23;
	s25 =	sadd.s32 $0x14, s23;
	s0 =	sadd.s32 s2, s0  }
0x17: {  	s23 =	simm.s32 $0x200;
	s2 =	simm.s32 $0x4;
	[dreg:$0x7] =	wrdreg s25  }
0x18: {  	[dreg:$0x8] =	wrdreg s0;
	s25 =	simm.s32 $0x2;
	s0 =	simm.s32 $0x5  }
.LBB2_4:
0x19: {  	_ =	swait.ge [sflag:s21], $0x2800  }
0x1a: {  	[sflag:s21] =	ssyncset.done $0x0  }
0x1b: {  	s8 =	simm.s32 $0x7;
	[sflag:s21] =	ssyncadd.s32 $0xFFFFD800  }
0x1c: {  	[spmem:s3] =	stream.indirect.scatter.add.f32 [tilespmem:s18], [sflag:$0x5], $0x80, s22, s17, $0xb8;
	[tilespmem:$0x1E200] =	vst v63  }
0x1d: {  	_ =	swait.ge [sflag:s8], $0x2800  }
0x1e: {  	[sflag:s8] =	ssyncset.done $0x0  }
0x1f: {  	s13 =	simm.s32 $0x8;
	[sflag:s8] =	ssyncadd.s32 $0xFFFFD800  }
0x20: {  	_ =	swait.ge [sflag:s13], $0x2800  }
0x21: {  	[sflag:s13] =	ssyncset.done $0x0  }
0x22: {  	[sflag:s13] =	ssyncadd.s32 $0xFFFFD800  }
0x23: {  	_ =	swait.ge [sflag:s0], $0x2800  }
0x24: {  	[sflag:s0] =	ssyncset.done $0x0  }
0x25: {  	[sflag:s0] =	ssyncadd.s32 $0xFFFFD800  }
0x26: {  	[bflag:$0x0] =	sbarrier.arrive $0xFFFF  }
0x27: {  	s8 =	rddreg [dreg:$0x8]  }
0x28: {  	s13 =	rddreg [dreg:$0xa]  }
0x29: {  	[hbm:s8], [sflag:s15] =	dma.local [spmem:s13], $0x2780  }
0x2a: {  	_ =	swait.ge [sflag:s16], $0x2780  }
0x2b: {  	s9 =	smov.u32 s15;
	s14 =	sadd.s32 $0x1, s14;
	s15 =	rddreg [dreg:$0x9]  }
0x2c: {  	p0 =	sne.s32 s14, s15  }
.Ltmp1:
0x2d: {  	_ = 	snop;
	(pc) =	sbr.rel @!p0 .LBB2_5-.Ltmp1, $3  }
0x2e: {  	_ =	sdelay $0x1  }
0x2f: {  	[sflag:s16] =	ssyncset.done $0x0  }
0x30: {  	[sflag:s16] =	ssyncadd.s32 $0xFFFFD880  }
.LBB2_1:
0x31: {  	s8 =	rddreg [dreg:$0x5]  }
0x32: {  	[spmem:s13], [sflag:s9] =	dma.local [hbm:s8], $0x2780  }
0x33: {  	_ =	swait.ge [sflag:s16], $0x2780  }
0x34: {  	[sflag:s16] =	ssyncset.done $0x0  }
0x35: {  	[sflag:s16] =	ssyncadd.s32 $0xFFFFD880  }
0x36: {  	[bflag:$0x0] =	sbarrier.arrive $0xFFFF  }
0x37: {  	s15 =	smov.u32 s9;
	s9 =	rddreg [dreg:$0x6]  }
0x38: {  	[tilespmem:s4], [sflag:$0x9] =	stream.linear.gather [hbm4b:s9+s4], $0xA0, $0x38;
	[tilespmem:$0x1E200] =	vst v63  }
0x39: {  	_ =	swait.ge [sflag:s16], $0xA0  }
0x3a: {  	[sflag:s16] =	ssyncset.done $0x0  }
0x3b: {  	[sflag:s16] =	ssyncadd.s32 $0xFFFFFF60  }
0x3c: {  	v0 =	vld [tilespmem:$0x50]  }
0x3d: {  	v1 =	vld [tilespmem:$0x60]  }
0x3e: {  	v2 =	vld [tilespmem:$0x70]  }
0x3f: {  	v3 =	vld [tilespmem:$0x80]  }
0x40: {  	v4 =	vld [tilespmem:$0x90]  }
0x41: {  	[tilespmem:$0x400] =	vst v0  }
0x42: {  	[tilespmem:$0x410] =	vst v1  }
0x43: {  	[tilespmem:$0x420] =	vst v2  }
0x44: {  	[tilespmem:$0x430] =	vst v3  }
0x45: {  	[tilespmem:$0x440] =	vst v4  }
0x46: {  	[tilespmem:s18], [sflag:$0x1] =	stream.indirect.gather [hbm4b:s1+s17], $0x80, s4, s17, $0xb8;
	[tilespmem:$0x1E200] =	vst v63  }
0x47: {  	s13 =	rddreg [dreg:$0x7]  }
0x48: {  	[tilespmem:s19], [sflag:$0x9] =	stream.linear.gather [hbm4b:s13+s4], $0xA0, $0x38;
	[tilespmem:$0x1E200] =	vst v63  }
0x49: {  	_ =	swait.ge [sflag:s16], $0xA0  }
0x4a: {  	[sflag:s16] =	ssyncset.done $0x0  }
0x4b: {  	[sflag:s16] =	ssyncadd.s32 $0xFFFFFF60  }
0x4c: {  	v59 =	vld [tilespmem:$0x150]  }
0x4d: {  	v60 =	vld [tilespmem:$0x160]  }
0x4e: {  	v61 =	vld [tilespmem:$0x170]  }
0x4f: {  	v62 =	vld [tilespmem:$0x180]  }
0x50: {  	v63 =	vld [tilespmem:$0x190]  }
0x51: {  	[tilespmem:$0x480] =	vst v59  }
0x52: {  	[tilespmem:$0x490] =	vst v60  }
0x53: {  	[tilespmem:$0x4A0] =	vst v61  }
0x54: {  	[tilespmem:$0x4B0] =	vst v62  }
0x55: {  	s13 =	simm.s32 $0x0;
	[tilespmem:$0x4C0] =	vst v63  }
0x56: {  	[tilespmem:s20], [sflag:$0x2] =	stream.indirect.gather [hbm4b:s1+s17], $0x80, s19, s17, $0xb8;
	[tilespmem:$0x1E200] =	vst v63  }
.LBB2_2:
0x57: {  	_ =	swait.ge [sflag:s21], $0x2800;
	p0 =	seq.s32 s13, $0x0  }
0x58: {  	[sflag:s21] =	ssyncset.done $0x0;
	s8 =	sadd.s32 @!p0 $0x140, s13  }
0x59: {  	s9 =	simm.s32 @!p0 $0x7;
	[sflag:s21] =	ssyncadd.s32 $0xFFFFD800;
	s8 =	simm.s32 @p0 $0x140  }
0x5a: {  	[spmem:s3] =	stream.indirect.scatter.add.f32 [tilespmem:s18], [sflag:$0x5], $0x80, s22, s17, $0xb8;
	[tilespmem:$0x1E200] =	vst v63  }
0x5b: {  	s8 =	sadd.s32 s6, s8;
	_ =	swait.ge @!p0 [sflag:s9], $0x2800  }
0x5c: {  	s8 =	sshrl.u32 s8, $0x3;
	[sflag:s9] =	ssyncset.done @!p0 $0x0  }
0x5d: {  	s8 =	sadd.s32 s5, s8;
	[sflag:s9] =	ssyncadd.s32 @!p0 $0xFFFFD800  }
0x5e: {  	[tilespmem:s23], [sflag:$0x9] =	stream.linear.gather [hbm4b:s8+s4], $0xA0, $0x38;
	[tilespmem:$0x1E200] =	vst v63  }
0x5f: {  	_ =	swait.ge [sflag:s16], $0xA0  }
0x60: {  	[sflag:s16] =	ssyncset.done $0x0  }
0x61: {  	[sflag:s16] =	ssyncadd.s32 $0xFFFFFF60  }
0x62: {  	v0 =	vld [tilespmem:$0x250]  }
0x63: {  	v1 =	vld [tilespmem:$0x260]  }
0x64: {  	v2 =	vld [tilespmem:$0x270]  }
0x65: {  	v3 =	vld [tilespmem:$0x280]  }
0x66: {  	v4 =	vld [tilespmem:$0x290]  }
0x67: {  	[tilespmem:$0x500] =	vst v0  }
0x68: {  	[tilespmem:$0x510] =	vst v1  }
0x69: {  	[tilespmem:$0x520] =	vst v2  }
0x6a: {  	[tilespmem:$0x530] =	vst v3  }
0x6b: {  	[tilespmem:$0x540] =	vst v4  }
0x6c: {  	[tilespmem:s24], [sflag:$0x3] =	stream.indirect.gather [hbm4b:s1+s17], $0x80, s23, s17, $0xb8;
	[tilespmem:$0x1E200] =	vst v63  }
0x6d: {  	_ =	swait.ge [sflag:s25], $0x2800  }
0x6e: {  	s8 =	sadd.s32 @!p0 $0x1E0, s13;
	[sflag:s25] =	ssyncset.done $0x0  }
0x6f: {  	s9 =	simm.s32 @!p0 $0x8;
	s8 =	simm.s32 @p0 $0x1E0;
	[sflag:s25] =	ssyncadd.s32 $0xFFFFD800  }
0x70: {  	[spmem:s3] =	stream.indirect.scatter.add.f32 [tilespmem:s20], [sflag:$0x6], $0x80, s26, s17, $0xb8;
	[tilespmem:$0x1E200] =	vst v63  }
0x71: {  	s8 =	sadd.s32 s6, s8;
	_ =	swait.ge @!p0 [sflag:s9], $0x2800  }
0x72: {  	s8 =	sshrl.u32 s8, $0x3;
	[sflag:s9] =	ssyncset.done @!p0 $0x0  }
0x73: {  	s8 =	sadd.s32 s5, s8;
	[sflag:s9] =	ssyncadd.s32 @!p0 $0xFFFFD800  }
0x74: {  	[tilespmem:s28], [sflag:$0x9] =	stream.linear.gather [hbm4b:s8+s4], $0xA0, $0x38;
	[tilespmem:$0x1E200] =	vst v63  }
0x75: {  	_ =	swait.ge [sflag:s16], $0xA0  }
0x76: {  	[sflag:s16] =	ssyncset.done $0x0  }
0x77: {  	[sflag:s16] =	ssyncadd.s32 $0xFFFFFF60  }
0x78: {  	v54 =	vld [tilespmem:$0x350]  }
0x79: {  	v55 =	vld [tilespmem:$0x360]  }
0x7a: {  	v56 =	vld [tilespmem:$0x370]  }
0x7b: {  	v57 =	vld [tilespmem:$0x380]  }
0x7c: {  	v58 =	vld [tilespmem:$0x390]  }
0x7d: {  	[tilespmem:$0x580] =	vst v54  }
0x7e: {  	[tilespmem:$0x590] =	vst v55  }
0x7f: {  	[tilespmem:$0x5A0] =	vst v56  }
0x80: {  	[tilespmem:$0x5B0] =	vst v57  }
0x81: {  	[tilespmem:$0x5C0] =	vst v58  }
0x82: {  	[tilespmem:s29], [sflag:$0x4] =	stream.indirect.gather [hbm4b:s1+s17], $0x80, s28, s17, $0xb8;
	[tilespmem:$0x1E200] =	vst v63  }
0x83: {  	_ =	swait.ge [sflag:s30], $0x2800  }
0x84: {  	s8 =	smov.u32 s13;
	[sflag:s30] =	ssyncset.done $0x0  }
0x85: {  	s8 =	simm.s32 @p0 $0x0;
	[sflag:s30] =	ssyncadd.s32 $0xFFFFD800  }
0x86: {  	[spmem:s3] =	stream.indirect.scatter.add.f32 [tilespmem:s24], [sflag:$0x7], $0x80, s31, s17, $0xb8;
	[tilespmem:$0x1E200] =	vst v63  }
0x87: {  	s9 =	sadd.s32 s8, s11;
	_ =	swait.ge [sflag:s0], $0x2800  }
0x88: {  	s9 =	sshrl.u32 s9, $0x3;
	[sflag:s0] =	ssyncset.done $0x0  }
0x89: {  	s9 =	sadd.s32 s5, s9;
	[sflag:s0] =	ssyncadd.s32 $0xFFFFD800  }
0x8a: {  	[tilespmem:s4], [sflag:$0x9] =	stream.linear.gather [hbm4b:s9+s4], $0xA0, $0x38;
	[tilespmem:$0x1E200] =	vst v63  }
0x8b: {  	_ =	swait.ge [sflag:s16], $0xA0  }
0x8c: {  	[sflag:s16] =	ssyncset.done $0x0  }
0x8d: {  	[sflag:s16] =	ssyncadd.s32 $0xFFFFFF60  }
0x8e: {  	v59 =	vld [tilespmem:$0x50]  }
0x8f: {  	v60 =	vld [tilespmem:$0x60]  }
0x90: {  	v61 =	vld [tilespmem:$0x70]  }
0x91: {  	v62 =	vld [tilespmem:$0x80]  }
0x92: {  	v63 =	vld [tilespmem:$0x90]  }
0x93: {  	[tilespmem:$0x400] =	vst v59  }
0x94: {  	[tilespmem:$0x410] =	vst v60  }
0x95: {  	[tilespmem:$0x420] =	vst v61  }
0x96: {  	[tilespmem:$0x430] =	vst v62  }
0x97: {  	[tilespmem:$0x440] =	vst v63  }
0x98: {  	[tilespmem:s18], [sflag:$0x1] =	stream.indirect.gather [hbm4b:s1+s17], $0x80, s4, s17, $0xb8;
	[tilespmem:$0x1E200] =	vst v63  }
0x99: {  	_ =	swait.ge [sflag:s2], $0x2800  }
0x9a: {  	p0 =	seq.s32 s13, $0x4B00;
	[sflag:s2] =	ssyncset.done $0x0  }
.Ltmp2:
0x9b: {  	[sflag:s2] =	ssyncadd.s32 $0xFFFFD800;
	(pc) =	sbr.rel @p0 .LBB2_4-.Ltmp2, $4  }
0x9c: {  	[spmem:s3] =	stream.indirect.scatter.add.f32 [tilespmem:s29], [sflag:$0x8], $0x80, s7, s17, $0xb8;
	[tilespmem:$0x1E200] =	vst v63  }
0x9d: {  	_ =	swait.ge [sflag:s10], $0x2800  }
0x9e: {  	[sflag:s10] =	ssyncset.done $0x0  }
0x9f: {  	[sflag:s10] =	ssyncadd.s32 $0xFFFFD800  }
0xa0: {  	s8 =	sadd.s32 s8, s12  }
0xa1: {  	s8 =	sshrl.u32 s8, $0x3  }
0xa2: {  	s8 =	sadd.s32 s5, s8  }
0xa3: {  	[tilespmem:s19], [sflag:$0x9] =	stream.linear.gather [hbm4b:s8+s4], $0xA0, $0x38;
	[tilespmem:$0x1E200] =	vst v63  }
0xa4: {  	_ =	swait.ge [sflag:s16], $0xA0  }
0xa5: {  	[sflag:s16] =	ssyncset.done $0x0  }
0xa6: {  	[sflag:s16] =	ssyncadd.s32 $0xFFFFFF60  }
0xa7: {  	v0 =	vld [tilespmem:$0x150]  }
0xa8: {  	v1 =	vld [tilespmem:$0x160]  }
0xa9: {  	v2 =	vld [tilespmem:$0x170]  }
0xaa: {  	v3 =	vld [tilespmem:$0x180]  }
0xab: {  	v4 =	vld [tilespmem:$0x190]  }
0xac: {  	[tilespmem:$0x480] =	vst v0  }
.Ltmp3:
0xad: {  	[tilespmem:$0x490] =	vst v1;
	(pc) =	sbr.rel .LBB2_2-.Ltmp3, $4  }
0xae: {  	[tilespmem:$0x4A0] =	vst v2  }
0xaf: {  	[tilespmem:$0x4B0] =	vst v3  }
0xb0: {  	s13 =	sadd.s32 $0x280, s13;
	[tilespmem:$0x4C0] =	vst v4  }
0xb1: {  	[tilespmem:s20], [sflag:$0x2] =	stream.indirect.gather [hbm4b:s1+s17], $0x80, s19, s17, $0xb8;
	[tilespmem:$0x1E200] =	vst v63  }
.LBB2_5:
0xb2: {  	_ =	sfence.sel $0x180000  }
0xb3: {  	[bflag:$0x0] =	sbarrier.arrive $0xFFFF  }
0xb4: {  	_ =	strace $0x9000004D  }
0xb5: {  	s0 =	stileid.u32;
	[bflag:$0x2] =	sbarrier.arrive $0xFFFF  }
0xb6: {  	p0 =	sne.s32 s0, $0x0;
	s0 =	rddreg [dreg:$0x4]  }
0xb7: {  	s0 =	sadd.s32 @!p0 $0x100000, s0  }
0xb8: {  	[sflag:s0] =	ssyncadd.tile.s32 @!p0 $0x1;
	_ =	shalt  }
.Lfunc_end2:
_tile_overlayer_lowered:
.L_overlay_start_2:
0xb9: {  	(tag) =	ssettag $0x2  }
0xba: {  	s0 =	rddreg [dreg:$0x0];
	s2 =	stileid.u32  }
0xbb: {  	s1 =	rddreg [dreg:$0x1];
	p0 =	sne.s32 s2, $0x0  }
0xbc: {  	s3 =	rddreg [dreg:$0x2];
	[bflag:$0x3] =	sbarrier.arrive $0xFFFF;
	s2 =	simm.s32 @!p0 $0x1C09  }
0xbd: {  	[timem:s3], [sflag:s2] =	dma.local @!p0 [hbm:s0], s1  }
0xbe: {  	s0 =	simm.s32 @!p0 $0x9  }
0xbf: {  	_ =	swait.ge @!p0 [sflag:s0], s1  }
0xc0: {  	s1 =	ssub.s32 @!p0 $0x0, s1;
	[sflag:s0] =	ssyncset.done @!p0 $0x0  }
0xc1: {  	[sflag:s0] =	ssyncadd.s32 @!p0 s1  }
0xc2: {  	[bflag:$0x3] =	sbarrier.arrive $0xFFFF  }
0xc3: {  	_ =	shalt  }

// kernel: kernel.17.cloned.1.call-start
scs
__scs_entry_jumppad:
0x0: {  	(pc) =	sbr.rel $0x88, $3  }
0x1: {  	(tag) =	ssettag $0x0;
	lr =	simm.s32 $0x1  }
0x2: {  	[smem:$0x3F97] =	sst lr;
	_ =	strace $0xD0000000  }
0x3: {  	_ = 	snop  }
0x4: {  	_ = 	snop  }
0x5: {  	_ = 	snop  }
0x6: {  	_ = 	snop  }
0x7: {  	_ = 	snop  }
__scs_overlays_trampoline_lowered:
0x8: {  	[smem:$0x3FA6] =	sst s0  }
0x9: {  	[smem:$0x3FA7] =	sst s1  }
0xa: {  	[smem:$0x3FA8] =	sst s2  }
0xb: {  	[smem:$0x3FA9] =	sst s3  }
0xc: {  	[smem:$0x3FAA] =	sst s4  }
0xd: {  	[smem:$0x3FAB] =	sst s5  }
0xe: {  	[smem:$0x3FAC] =	sst s6  }
0xf: {  	[smem:$0x3FAD] =	sst s7  }
0x10: {  	[smem:$0x3FAE] =	sst s8  }
0x11: {  	[smem:$0x3FAF] =	sst s9;
	s0 =	simm.s32 @!p0 $0x0  }
0x12: {  	s1 =	sld [smem:$0x3F95];
	s0 =	simm.s32 @p0 $0x1  }
0x13: {  	[smem:$0x3FB0] =	sst s0;
	s0 =	simm.s32 @!p1 $0x0  }
0x14: {  	s2 =	sld [smem:$0x3F94];
	s0 =	simm.s32 @p1 $0x1  }
0x15: {  	[smem:$0x3FB1] =	sst s0;
	s0 =	simm.s32 @!p2 $0x0  }
0x16: {  	s3 =	sld [smem:$0x3FDB];
	s0 =	simm.s32 @p2 $0x1  }
0x17: {  	s4 =	simm.s32 $0x1BF5;
	[smem:$0x3FB3] =	sst s0  }
0x18: {  	s0 =	sld [smem:$0x3F96];
	_ =	swait.ge [sflag:s4], $0x0  }
0x19: {  	s7 =	sld [smem:$0x3F97]  }
0x1a: {  	s8 =	sadd.s32 $0xFFFFE003, lr  }
0x1b: {  	s9 =	sadd.s32 $0xFFFFFEF7, lr;
	s5 =	simm.s32 $0xFFFFFFFF;
	p2 =	slt.u32 s8, $0xFFFFF086  }
0x1c: {  	p1 =	slt.u32 s9, $0xF7A;
	s5 =	simm.s32 @!p2 $0x0  }
0x1d: {  	s5 =	simm.s32 @p1 $0x1;
	p0 =	seq.s32 s7, s2  }
0x1e: {  	s7 =	smul.u32 @!p0 $0xF7A, s2;
	p2 =	seq.s32 @!p0 s5, $0x0  }
0x1f: {  	s9 =	smul.u32 $0xF7A, s1;
	s8 =	simm.s32 @!p0 $0x1BF5;
	p2 =	por !p2, p0  }
0x20: {  	[sflag:s8] =	ssyncset.s32 @!p0 $0xFFFFF086;
	s6 =	sadd.s32 @!p0 s3, s7;
	s7 =	simm.s32 @!p0 $0x108  }
0x21: {  	s3 =	sadd.s32 s3, s9;
	s6 =	sadd.s32 @!p0 $0x88, s6;
	s7 =	simm.s32 @p2 $0x1082  }
0x22: {  	[simem:s7], [sflag:s8] =	dma.local @!p0 [hbm:s6], $0xF7A  }
0x23: {  	s9 =	sor.u32 $0xD0000000, s2;
	s6 =	simm.s32 $0x108;
	_ =	swait.ge @!p0 [sflag:s8], $0x0  }
0x24: {  	s3 =	sadd.s32 $0x88, s3;
	s6 =	simm.s32 @!p1 $0x1082;
	[sflag:s4] =	ssyncset.s32 $0xFFFFF086  }
0x25: {  	[simem:s6], [sflag:s4] =	dma.local [hbm:s3], $0xF7A  }
0x26: {  	[smem:$0x3F97] =	sst s1;
	(tag) =	ssettag s2;
	_ =	strace s9  }
0x27: {  	s1 =	sld [smem:$0x3FA7]  }
0x28: {  	s2 =	sld [smem:$0x3FA8]  }
0x29: {  	s4 =	sld [smem:$0x3FAA]  }
0x2a: {  	p0 =	seq.s32 s5, $0x0;
	s5 =	sld [smem:$0x3FAB]  }
0x2b: {  	s6 =	sld [smem:$0x3FAC]  }
0x2c: {  	s7 =	sld [smem:$0x3FAD]  }
0x2d: {  	s3 =	simm.s32 $0x108;
	s8 =	sld [smem:$0x3FAE]  }
0x2e: {  	s3 =	simm.s32 @!p0 $0x1082;
	s9 =	sld [smem:$0x3FAF]  }
0x2f: {  	lr =	sadd.s32 s0, s3;
	s0 =	sld [smem:$0x3FA6]  }
0x30: {  	s3 =	sld [smem:$0x3FA9]  }
0x31: {  	[smem:$0x3FB2] =	sst s10  }
0x32: {  	s10 =	sld [smem:$0x3FB0];
	_ =	sdelay $0x3  }
0x33: {  	p0 =	seq.s32 s10, $0x1;
	s10 =	sld [smem:$0x3FB2];
	_ =	sdelay $0x3  }
0x34: {  	[smem:$0x3FB2] =	sst s10  }
0x35: {  	s10 =	sld [smem:$0x3FB1];
	_ =	sdelay $0x3  }
0x36: {  	p1 =	seq.s32 s10, $0x1;
	s10 =	sld [smem:$0x3FB2];
	_ =	sdelay $0x3  }
0x37: {  	[smem:$0x3FB2] =	sst s10  }
0x38: {  	s10 =	sld [smem:$0x3FB3]  }
0x39: {  	_ = 	snop;
	(pc) =	sbr.ind lr, $3  }
0x3a: {  	_ = 	snop  }
0x3b: {  	_ = 	snop  }
0x3c: {  	p2 =	seq.s32 s10, $0x1;
	s10 =	sld [smem:$0x3FB2]  }
0x3d: {  	_ =	shalt  }
0x3e: {  	_ =	shalt  }
0x3f: {  	_ =	shalt  }
0x40: {  	_ =	shalt  }
0x41: {  	_ =	shalt  }
0x42: {  	_ =	shalt  }
0x43: {  	_ =	shalt  }
0x44: {  	_ =	shalt  }
0x45: {  	_ =	shalt  }
0x46: {  	_ =	shalt  }
0x47: {  	_ =	shalt  }
0x48: {  	_ =	shalt  }
0x49: {  	_ =	shalt  }
0x4a: {  	_ =	shalt  }
0x4b: {  	_ =	shalt  }
0x4c: {  	_ =	shalt  }
0x4d: {  	_ =	shalt  }
0x4e: {  	_ =	shalt  }
0x4f: {  	_ =	shalt  }
0x50: {  	_ =	shalt  }
0x51: {  	_ =	shalt  }
0x52: {  	_ =	shalt  }
0x53: {  	_ =	shalt  }
0x54: {  	_ =	shalt  }
0x55: {  	_ =	shalt  }
0x56: {  	_ =	shalt  }
0x57: {  	_ =	shalt  }
0x58: {  	_ =	shalt  }
0x59: {  	_ =	shalt  }
0x5a: {  	_ =	shalt  }
0x5b: {  	_ =	shalt  }
0x5c: {  	_ =	shalt  }
0x5d: {  	_ =	shalt  }
0x5e: {  	_ =	shalt  }
0x5f: {  	_ =	shalt  }
0x60: {  	_ =	shalt  }
0x61: {  	_ =	shalt  }
0x62: {  	_ =	shalt  }
0x63: {  	_ =	shalt  }
0x64: {  	_ =	shalt  }
0x65: {  	_ =	shalt  }
0x66: {  	_ =	shalt  }
0x67: {  	_ =	shalt  }
0x68: {  	_ =	shalt  }
0x69: {  	_ =	shalt  }
0x6a: {  	_ =	shalt  }
0x6b: {  	_ =	shalt  }
0x6c: {  	_ =	shalt  }
0x6d: {  	_ =	shalt  }
0x6e: {  	_ =	shalt  }
0x6f: {  	_ =	shalt  }
0x70: {  	_ =	shalt  }
0x71: {  	_ =	shalt  }
0x72: {  	_ =	shalt  }
0x73: {  	_ =	shalt  }
0x74: {  	_ =	shalt  }
0x75: {  	_ =	shalt  }
0x76: {  	_ =	shalt  }
0x77: {  	_ =	shalt  }
0x78: {  	_ =	shalt  }
0x79: {  	_ =	shalt  }
0x7a: {  	_ =	shalt  }
0x7b: {  	_ =	shalt  }
0x7c: {  	_ =	shalt  }
0x7d: {  	_ =	shalt  }
0x7e: {  	_ =	shalt  }
0x7f: {  	_ =	shalt  }
0x80: {  	_ =	shalt  }
0x81: {  	_ =	shalt  }
0x82: {  	_ =	shalt  }
0x83: {  	_ =	shalt  }
0x84: {  	_ =	shalt  }
0x85: {  	_ =	shalt  }
0x86: {  	_ =	shalt  }
0x87: {  	_ =	shalt  }
.Lfunc_end0:
.L_simem_size_0:
called_computation.3_lowered:
.L_overlay_start_0:
0x88: {  	s2 =	sld [smem:$0x3FD9]  }
0x89: {  	s3 =	sld [smem:$0x3FFE];
	_ =	sdelay $0x1  }
0x8a: {  	s1 =	srdreg.scid  }
0x8b: {  	s0 =	sand.u32 $0x1, s1  }
0x8c: {  	s14 =	sshll.u32 s0, $0xA;
	s2 =	sadd.s32 s3, s2  }
0x8d: {  	s2 =	sadd.s32 s2, s14  }
0x8e: {  	[smem:$0x3FBE] =	sst s2  }
0x8f: {  	_ = 	snop  }
0x90: {  	s2 =	sld [smem:$0x3FD0];
	_ =	sdelay $0x2  }
0x91: {  	s15 =	simm.s32 $0xB;
	s4 =	simm.s32 $0x10  }
0x92: {  	[smem:s4], [sflag:s15] =	dma.local [hbm:s2], $0x1  }
0x93: {  	_ =	swait.eq [sflag:s15], $0x1  }
0x94: {  	[sflag:s15] =	ssyncset.done $0x0  }
0x95: {  	s16 =	sld [smem:$0x10];
	[sflag:s15] =	ssyncadd.s32 $0xFFFFFFFF  }
0x96: {  	s17 =	sld [smem:$0x11];
	(tm) =	ssettm $0x1  }
0x97: {  	s18 =	sld [smem:$0x3FFB];
	_ =	sdelay $0x3  }
0x98: {  	_ =	strace s18  }
0x99: {  	s4 =	sld [smem:$0x3FFC];
	_ =	sdelay $0x3  }
0x9a: {  	_ =	strace s4  }
0x9b: {  	s4 =	sld [smem:$0x3FFD];
	_ =	sdelay $0x3  }
0x9c: {  	_ =	strace s4  }
0x9d: {  	_ =	strace $0x8FFFFFFF  }
0x9e: {  	s19 =	sld [smem:$0x3FDB];
	_ =	sdelay $0x1  }
0x9f: {  	s5 =	simm.s32 $_scs_section_size  }
0xa0: {  	s6 =	simm.s32 $_size__tile_overlayer_lowered;
	s7 =	simm.s32 $_tile_overlayer_lowered  }
0xa1: {  	s22 =	simm.s32 $0x1BFF;
	s21 =	sshll.u32 s7, $0x1;
	s4 =	sadd.s32 s5, s19  }
0xa2: {  	s8 =	simm.s32 $0x0;
	s20 =	sshll.u32 s6, $0x1;
	s6 =	sadd.s32 s21, s4  }
0xa3: {  	[timem:s8], [sflag:s22] =	dma.local [hbm:s6], s20  }
0xa4: {  	_ =	swait.ge [sflag:s22], s20  }
0xa5: {  	s5 =	ssub.s32 $0x0, s20;
	[sflag:s22] =	ssyncset.done $0x0  }
0xa6: {  	[sflag:s22] =	ssyncadd.s32 s5;
	_ =	sdelay $0x1  }
0xa7: {  	s23 =	simm.s32 $0x1B8B  }
0xa8: {  	_ =	swait.ge [sflag:s23], $0x1  }
0xa9: {  	[sflag:s23] =	ssyncset.done $0x0  }
0xaa: {  	s25 =	simm.s32 $0x1B8E;
	s24 =	sld [smem:$0x3FFE];
	[sflag:s23] =	ssyncadd.s32 $0xFFFFFFFF  }
0xab: {  	s26 =	simm.s32 $execute0_lowered;
	[smem:$0x3FD2] =	sst s25  }
0xac: {  	s6 =	sshll.u32 s26, $0x1;
	_ =	strace $0x8000004F;
	[dreg:$0x1] =	wrdreg $0xFFFFFFFF  }
0xad: {  	s28 =	simm.s32 $_size_execute0_lowered;
	s4 =	sadd.s32 s4, s6;
	[dreg:$0x0] =	wrdreg $0x0  }
0xae: {  	s6 =	sshll.u32 s28, $0x1;
	[dreg:$0x2] =	wrdreg s4  }
0xaf: {  	[dreg:$0x3] =	wrdreg s6  }
0xb0: {  	[dreg:$0x4] =	wrdreg $0xC0  }
0xb1: {  	_ =	task [dreg:s8], $0x5FFFF  }
0xb2: {  	[dreg:$0x1] =	wrdreg $0xFFFFFFFF  }
0xb3: {  	[dreg:$0x0] =	wrdreg $0x60  }
0xb4: {  	[dreg:$0x2] =	wrdreg s24  }
0xb5: {  	[dreg:$0x3] =	wrdreg s16  }
0xb6: {  	[dreg:$0x4] =	wrdreg s17  }
0xb7: {  	[dreg:$0x5] =	wrdreg $0x9  }
0xb8: {  	_ =	task.clear_ibuf [dreg:s8], $0x6FFFF;
	_ =	strace $0x9000004F  }
0xb9: {  	s29 =	simm.s32 $0x9;
	_ =	strace $0x80000051  }
0xba: {  	_ =	swait.ge [sflag:s29], $0x1  }
0xbb: {  	[sflag:s29] =	ssyncadd.s32 $0xFFFFFFFF  }
0xbc: {  	_ =	strace $0x90000051  }
0xbd: {  	_ =	sfence  }
0xbe: {  	s30 =	sld [smem:$0x0];
	_ =	sdelay $0x2  }
0xbf: {  	s31 =	sshll.u32 s1, $0xD;
	s1 =	sshrl.u32 s1, $0x2  }
0xc0: {  	s3 =	sand.u32 $0x4000, s31;
	s1 =	sadd.s32 s1, s30  }
0xc1: {  	s0 =	sor.u32 s3, s0;
	s1 =	sshll.u32 s1, $0x11  }
0xc2: {  	s0 =	sor.u32 s1, s0  }
0xc3: {  	s0 =	sadd.s32 $0x8F2B, s0  }
0xc4: {  	[sflag:s0] =	ssyncadd.remote.s32 $0x1  }
0xc5: {  	_ =	sfence.sel $0xFFFF  }
0xc6: {  	[dreg:$0x0] =	wrdreg $0xFFFFFFFF;
	(pc) =	sbr.abs _section_cstart, $3  }
0xc7: {  	[dreg:$0x1] =	wrdreg $0xFFFFFFFF  }
0xc8: {  	_ =	task.clear_ibuf [dreg:s8], $0x2FFFF;
	_ =	strace $0x9FFFFFFF  }
0xc9: {  	(tm) =	ssettm $0x7FFFFFFF  }
tec
execute0_lowered:
.L_overlay_start_1:
0x0: {  	(tag) =	ssettag $0x1  }
0x1: {  	s0 =	rddreg [dreg:$0x0]  }
0x2: {  	s11 =	rddreg [dreg:$0x1]  }
0x3: {  	s12 =	rddreg [dreg:$0x2];
	s1 =	srdreg.scid  }
0x4: {  	s10 =	stileid.u32;
	s4 =	simm.s32 $0x0;
	s31 =	simm.s32 $0x400  }
0x5: {  	s15 =	simm.s32 $0xCC00;
	s28 =	simm.s32 $0x5;
	s14 =	simm.s32 $0xE  }
0x6: {  	s16 =	simm.s32 $0x0;
	s1 =	sand.u32 $0x1, s1;
	s20 =	smul.u32 $0x9C40, s10  }
0x7: {  	s2 =	sshll.u32 s10, $0x1;
	[smem:$0x7FF] =	sst s4;
	s10 =	smul.u32 $0x4E200, s10  }
0x8: {  	s6 =	sadd.s32 $0x3400, s0;
	s7 =	sadd.s32 $0x35000, s0;
	s22 =	smul.u32 $0x4E20, s1  }
0x9: {  	s2 =	sor.u32 s1, s2;
	s3 =	ssub.s32 $0x2, s1;
	s1 =	smul.u32 $0x27100, s1  }
0xa: {  	_ =	strace $0x80000050;
	s5 =	smul.u32 $0x4E20, s2;
	s8 =	sshrl.u32 s3, $0x1  }
0xb: {  	s9 =	smul.u32 $0x138800, s2;
	s25 =	sadd.s32 s10, s11;
	s26 =	sadd.s32 s10, s12  }
0xc: {  	s10 =	simm.s32 $0x6;
	s17 =	ssub.s32 s3, s8;
	s8 =	smul.u32 $0x2710, s2  }
0xd: {  	s24 =	sadd.s32 s22, s20;
	s18 =	sshrl.u32 s5, $0x3;
	s19 =	sshrl.u32 s9, $0x3  }
0xe: {  	s0 =	smax.u32 s17, $0x1;
	s3 =	sadd.s32 $0x320, s24;
	s30 =	sadd.s32 $0x280, s24  }
0xf: {  	s9 =	simm.s32 $0x2C00;
	s17 =	simm.s32 $0x7;
	[dreg:$0x8] =	wrdreg s0  }
0x10: {  	s24 =	simm.s32 $0x9;
	s13 =	sadd.s32 s7, s18;
	[dreg:$0xc] =	wrdreg s30  }
0x11: {  	s21 =	sadd.s32 $0x26C00, s19;
	s0 =	sadd.s32 s1, s25;
	[dreg:$0x4] =	wrdreg s13  }
0x12: {  	s3 =	sshrl.u32 s3, $0x3;
	s13 =	sadd.s32 $0x14, s13;
	[dreg:$0x9] =	wrdreg s0  }
0x13: {  	s18 =	simm.s32 $0x11;
	s23 =	sadd.s32 s11, s21;
	[dreg:$0x5] =	wrdreg s13  }
.Ltmp0:
0x14: {  	s2 =	sadd.s32 s12, s21;
	[dreg:$0x6] =	wrdreg s23;
	(pc) =	sbr.rel .LBB2_1-.Ltmp0, $4  }
0x15: {  	s19 =	simm.s32 $0x50;
	s0 =	sadd.s32 s1, s26;
	[dreg:$0x7] =	wrdreg s2  }
0x16: {  	s29 =	sadd.s32 s3, s7;
	s12 =	simm.s32 $0xA400;
	[dreg:$0xa] =	wrdreg s0  }
0x17: {  	s11 =	simm.s32 $0x3;
	s3 =	simm.s32 $0xA;
	[dreg:$0xb] =	wrdreg s29  }
0x18: {  	s0 =	simm.s32 $0xD;
	s13 =	simm.s32 $0x4;
	s2 =	simm.s32 $0x8  }
.LBB2_4:
0x19: {  	s1 =	simm.s32 $0x1  }
0x1a: {  	_ =	swait.ge [sflag:s1], $0x2800  }
0x1b: {  	[sflag:s1] =	ssyncset.done $0x0  }
0x1c: {  	s21 =	rddreg [dreg:$0x6];
	[sflag:s1] =	ssyncadd.s32 $0xFFFFD800  }
0x1d: {  	[hbm4b:s21+s4] =	stream.linear.scatter [tilespmem:s31], [sflag:$0x9], $0x2800, $0x38;
	[tilespmem:$0x14400] =	vst v63  }
0x1e: {  	_ =	swait.ge [sflag:s28], $0x2800  }
0x1f: {  	s12 =	simm.s32 $0xA400;
	[sflag:s28] =	ssyncset.done $0x0  }
0x20: {  	s23 =	simm.s32 $0xB;
	s22 =	rddreg [dreg:$0x7];
	[sflag:s28] =	ssyncadd.s32 $0xFFFFD800  }
0x21: {  	[hbm4b:s22+s4] =	stream.linear.scatter [tilespmem:s12], [sflag:$0xD], $0x2800, $0x38;
	[tilespmem:$0x14400] =	vst v63  }
0x22: {  	_ =	swait.ge [sflag:s23], $0x2800  }
0x23: {  	[sflag:s23] =	ssyncset.done $0x0  }
0x24: {  	s25 =	simm.s32 $0xF;
	[sflag:s23] =	ssyncadd.s32 $0xFFFFD800  }
0x25: {  	_ =	swait.ge [sflag:s25], $0x2800  }
0x26: {  	[sflag:s25] =	ssyncset.done $0x0  }
0x27: {  	s26 =	simm.s32 $0xC;
	[sflag:s25] =	ssyncadd.s32 $0xFFFFD800  }
0x28: {  	_ =	swait.ge [sflag:s26], $0x2800  }
0x29: {  	[sflag:s26] =	ssyncset.done $0x0  }
0x2a: {  	s29 =	simm.s32 $0x10;
	[sflag:s26] =	ssyncadd.s32 $0xFFFFD800  }
0x2b: {  	_ =	swait.ge [sflag:s29], $0x2800  }
0x2c: {  	[sflag:s29] =	ssyncset.done $0x0  }
0x2d: {  	[sflag:s29] =	ssyncadd.s32 $0xFFFFD800  }
0x2e: {  	_ =	swait.ge [sflag:s24], $0x2800  }
0x2f: {  	[sflag:s24] =	ssyncset.done $0x0  }
0x30: {  	[sflag:s24] =	ssyncadd.s32 $0xFFFFD800  }
0x31: {  	_ =	swait.ge [sflag:s0], $0x2800  }
0x32: {  	s16 =	rddreg [dreg:$0xd]  }
0x33: {  	s30 =	rddreg [dreg:$0x8];
	s16 =	sadd.s32 $0x1, s16  }
0x34: {  	p0 =	sne.s32 s16, s30  }
.Ltmp1:
0x35: {  	_ = 	snop;
	(pc) =	sbr.rel @!p0 .LBB2_5-.Ltmp1, $3  }
0x36: {  	_ =	sdelay $0x1  }
0x37: {  	[sflag:s0] =	ssyncset.done $0x0  }
0x38: {  	s9 =	simm.s32 $0x2C00;
	s15 =	simm.s32 $0xCC00;
	[sflag:s0] =	ssyncadd.s32 $0xFFFFD800  }
.LBB2_1:
0x39: {  	[dreg:$0xd] =	wrdreg s16  }
0x3a: {  	s1 =	rddreg [dreg:$0x4]  }
0x3b: {  	[tilespmem:s4], [sflag:$0x11] =	stream.linear.gather [hbm4b:s1+s4], $0xA0, $0x38;
	[tilespmem:$0x14400] =	vst v63  }
0x3c: {  	_ =	swait.ge [sflag:s18], $0xA0  }
0x3d: {  	[sflag:s18] =	ssyncset.done $0x0  }
0x3e: {  	[sflag:s18] =	ssyncadd.s32 $0xFFFFFF60  }
0x3f: {  	[tilespmem:s31], [sflag:$0x1] =	stream.indirect.gather [hbm4b:s6+s19], $0x80, s4, s19, $0xb8;
	[tilespmem:$0x14400] =	vst v63  }
0x40: {  	_ = 	snop  }
0x41: {  	[tilespmem:s12], [sflag:$0x5] =	stream.indirect.gather [hbm4b:s6+s19], $0x80, s19, s19, $0xb8;
	[tilespmem:$0x14400] =	vst v63  }
0x42: {  	s26 =	simm.s32 $0x100;
	s25 =	rddreg [dreg:$0x5]  }
0x43: {  	[tilespmem:s26], [sflag:$0x11] =	stream.linear.gather [hbm4b:s25+s4], $0xA0, $0x38;
	[tilespmem:$0x14400] =	vst v63  }
0x44: {  	_ =	swait.ge [sflag:s18], $0xA0  }
0x45: {  	[sflag:s18] =	ssyncset.done $0x0  }
0x46: {  	s30 =	simm.s32 $0x150;
	[sflag:s18] =	ssyncadd.s32 $0xFFFFFF60  }
0x47: {  	[tilespmem:s9], [sflag:$0x2] =	stream.indirect.gather [hbm4b:s6+s19], $0x80, s26, s19, $0xb8;
	[tilespmem:$0x14400] =	vst v63  }
0x48: {  	s29 =	simm.s32 $0xCC00;
	s23 =	simm.s32 $0x3;
	s22 =	rddreg [dreg:$0xb]  }
0x49: {  	[tilespmem:s15], [sflag:$0x6] =	stream.indirect.gather [hbm4b:s6+s19], $0x80, s30, s19, $0xb8;
	[tilespmem:$0x14400] =	vst v63  }
0x4a: {  	s25 =	simm.s32 $0x0;
	s26 =	simm.s32 $0x2C00;
	s15 =	rddreg [dreg:$0xc]  }
.LBB2_2:
0x4b: {  	s1 =	simm.s32 $0x1  }
0x4c: {  	_ =	swait.ge [sflag:s1], $0x2800  }
0x4d: {  	[sflag:s1] =	ssyncset.done $0x0;
	s21 =	rddreg [dreg:$0x9]  }
0x4e: {  	[sflag:s1] =	ssyncadd.s32 $0xFFFFD800;
	s20 =	sadd.s32 s25, s21  }
0x4f: {  	[hbm4b:s20+s4] =	stream.linear.scatter [tilespmem:s31], [sflag:$0x9], $0x2800, $0x38;
	[tilespmem:$0x14400] =	vst v63  }
0x50: {  	s12 =	simm.s32 $0xA400;
	p0 =	seq.s32 s25, $0x0;
	_ =	swait.ge [sflag:s28], $0x2800  }
0x51: {  	s31 =	sadd.s32 @!p0 $0xFFFFFFFF, s23;
	[sflag:s28] =	ssyncset.done $0x0;
	s30 =	rddreg [dreg:$0xa]  }
0x52: {  	[sflag:s28] =	ssyncadd.s32 $0xFFFFD800;
	s21 =	sadd.s32 s25, s30;
	s30 =	simm.s32 @!p0 $0xB  }
0x53: {  	[hbm4b:s21+s4] =	stream.linear.scatter [tilespmem:s12], [sflag:$0xD], $0x2800, $0x38;
	[tilespmem:$0x14400] =	vst v63  }
0x54: {  	s31 =	simm.s32 @p0 $0x2;
	_ =	swait.ge @!p0 [sflag:s30], $0x2800  }
0x55: {  	s9 =	smul.u32 $0xA0, s31;
	[sflag:s30] =	ssyncset.done @!p0 $0x0  }
0x56: {  	[sflag:s30] =	ssyncadd.s32 @!p0 $0xFFFFD800;
	s30 =	simm.s32 @!p0 $0xF  }
0x57: {  	s1 =	sadd.s32 s5, s9;
	_ =	swait.ge @!p0 [sflag:s30], $0x2800  }
0x58: {  	s1 =	sshrl.u32 s1, $0x3;
	[sflag:s30] =	ssyncset.done @!p0 $0x0  }
0x59: {  	s16 =	simm.s32 $0x200;
	s1 =	sadd.s32 s7, s1;
	[sflag:s30] =	ssyncadd.s32 @!p0 $0xFFFFD800  }
0x5a: {  	[tilespmem:s16], [sflag:$0x11] =	stream.linear.gather [hbm4b:s1+s4], $0xA0, $0x38;
	[tilespmem:$0x14400] =	vst v63  }
0x5b: {  	_ =	swait.ge [sflag:s18], $0xA0  }
0x5c: {  	[sflag:s18] =	ssyncset.done $0x0  }
0x5d: {  	s9 =	simm.s32 $0x5400;
	[sflag:s18] =	ssyncadd.s32 $0xFFFFFF60  }
0x5e: {  	[tilespmem:s9], [sflag:$0x3] =	stream.indirect.gather [hbm4b:s6+s19], $0x80, s16, s19, $0xb8;
	[tilespmem:$0x14400] =	vst v63  }
0x5f: {  	s30 =	simm.s32 $0x250;
	s16 =	simm.s32 $0xF400  }
0x60: {  	[tilespmem:s16], [sflag:$0x7] =	stream.indirect.gather [hbm4b:s6+s19], $0x80, s30, s19, $0xb8;
	[tilespmem:$0x14400] =	vst v63  }
0x61: {  	s30 =	simm.s32 $0x2  }
0x62: {  	_ =	swait.ge [sflag:s30], $0x2800  }
0x63: {  	[sflag:s30] =	ssyncset.done $0x0  }
0x64: {  	s20 =	sadd.s32 $0x500, s20;
	[sflag:s30] =	ssyncadd.s32 $0xFFFFD800  }
0x65: {  	[hbm4b:s20+s4] =	stream.linear.scatter [tilespmem:s26], [sflag:$0xA], $0x2800, $0x38;
	[tilespmem:$0x14400] =	vst v63  }
0x66: {  	_ =	swait.ge [sflag:s10], $0x2800  }
0x67: {  	s1 =	simm.s32 @!p0 $0xC;
	[sflag:s10] =	ssyncset.done $0x0  }
0x68: {  	s26 =	sadd.s32 $0x500, s21;
	s20 =	smov.u32 s23;
	[sflag:s10] =	ssyncadd.s32 $0xFFFFD800  }
0x69: {  	[hbm4b:s26+s4] =	stream.linear.scatter [tilespmem:s29], [sflag:$0xE], $0x2800, $0x38;
	[tilespmem:$0x14400] =	vst v63  }
0x6a: {  	s20 =	simm.s32 @p0 $0x3;
	_ =	swait.ge @!p0 [sflag:s1], $0x2800  }
0x6b: {  	s30 =	smul.u32 $0xA0, s20;
	[sflag:s1] =	ssyncset.done @!p0 $0x0  }
0x6c: {  	[sflag:s1] =	ssyncadd.s32 @!p0 $0xFFFFD800;
	s1 =	simm.s32 @!p0 $0x10  }
0x6d: {  	s21 =	sadd.s32 s5, s30;
	_ =	swait.ge @!p0 [sflag:s1], $0x2800  }
0x6e: {  	s21 =	sshrl.u32 s21, $0x3;
	[sflag:s1] =	ssyncset.done @!p0 $0x0  }
0x6f: {  	s26 =	simm.s32 $0x300;
	s21 =	sadd.s32 s7, s21;
	[sflag:s1] =	ssyncadd.s32 @!p0 $0xFFFFD800  }
0x70: {  	[tilespmem:s26], [sflag:$0x11] =	stream.linear.gather [hbm4b:s21+s4], $0xA0, $0x38;
	[tilespmem:$0x14400] =	vst v63  }
0x71: {  	_ =	swait.ge [sflag:s18], $0xA0  }
0x72: {  	[sflag:s18] =	ssyncset.done $0x0  }
0x73: {  	s29 =	simm.s32 $0x7C00;
	[sflag:s18] =	ssyncadd.s32 $0xFFFFFF60  }
0x74: {  	[tilespmem:s29], [sflag:$0x4] =	stream.indirect.gather [hbm4b:s6+s19], $0x80, s26, s19, $0xb8;
	[tilespmem:$0x14400] =	vst v63  }
0x75: {  	s30 =	simm.s32 $0x350;
	s26 =	simm.s32 $0x11C00  }
0x76: {  	[tilespmem:s26], [sflag:$0x8] =	stream.indirect.gather [hbm4b:s6+s19], $0x80, s30, s19, $0xb8;
	[tilespmem:$0x14400] =	vst v63  }
0x77: {  	s1 =	smul.u32 $0x50, s31;
	_ =	swait.ge [sflag:s11], $0x2800  }
0x78: {  	[sflag:s11] =	ssyncset.done $0x0  }
0x79: {  	s1 =	sadd.s32 s8, s1;
	[sflag:s11] =	ssyncadd.s32 $0xFFFFD800  }
0x7a: {  	s1 =	sshll.u32 s1, $0x4;
	s30 =	rddreg [dreg:$0x1]  }
0x7b: {  	s21 =	sadd.s32 s30, s1  }
0x7c: {  	[hbm4b:s21+s4] =	stream.linear.scatter [tilespmem:s9], [sflag:$0xB], $0x2800, $0x38;
	[tilespmem:$0x14400] =	vst v63  }
0x7d: {  	_ =	swait.ge [sflag:s17], $0x2800  }
0x7e: {  	[sflag:s17] =	ssyncset.done $0x0  }
0x7f: {  	[sflag:s17] =	ssyncadd.s32 $0xFFFFD800  }
0x80: {  	s9 =	rddreg [dreg:$0x2]  }
0x81: {  	s1 =	sadd.s32 s9, s1  }
0x82: {  	[hbm4b:s1+s4] =	stream.linear.scatter [tilespmem:s16], [sflag:$0xF], $0x2800, $0x38;
	[tilespmem:$0x14400] =	vst v63  }
0x83: {  	_ =	swait.ge [sflag:s24], $0x2800  }
0x84: {  	[sflag:s24] =	ssyncset.done $0x0  }
0x85: {  	[sflag:s24] =	ssyncadd.s32 $0xFFFFD800  }
0x86: {  	_ =	swait.ge [sflag:s0], $0x2800  }
0x87: {  	s16 =	sshrl.u32 s15, $0x3;
	[sflag:s0] =	ssyncset.done $0x0  }
0x88: {  	s1 =	sadd.s32 s7, s16;
	[sflag:s0] =	ssyncadd.s32 $0xFFFFD800  }
0x89: {  	[tilespmem:s4], [sflag:$0x11] =	stream.linear.gather [hbm4b:s1+s4], $0xA0, $0x38;
	[tilespmem:$0x14400] =	vst v63  }
0x8a: {  	_ =	swait.ge [sflag:s18], $0xA0  }
0x8b: {  	[sflag:s18] =	ssyncset.done $0x0  }
0x8c: {  	s31 =	simm.s32 $0x400;
	[sflag:s18] =	ssyncadd.s32 $0xFFFFFF60  }
0x8d: {  	[tilespmem:s31], [sflag:$0x1] =	stream.indirect.gather [hbm4b:s6+s19], $0x80, s4, s19, $0xb8;
	[tilespmem:$0x14400] =	vst v63  }
0x8e: {  	s20 =	smul.u32 $0x50, s20  }
0x8f: {  	[tilespmem:s12], [sflag:$0x5] =	stream.indirect.gather [hbm4b:s6+s19], $0x80, s19, s19, $0xb8;
	[tilespmem:$0x14400] =	vst v63  }
0x90: {  	s1 =	sadd.s32 s8, s20;
	_ =	swait.ge [sflag:s13], $0x2800  }
0x91: {  	s1 =	sshll.u32 s1, $0x4;
	[sflag:s13] =	ssyncset.done $0x0  }
0x92: {  	s30 =	sadd.s32 s30, s1;
	[sflag:s13] =	ssyncadd.s32 $0xFFFFD800  }
0x93: {  	[hbm4b:s30+s4] =	stream.linear.scatter [tilespmem:s29], [sflag:$0xC], $0x2800, $0x38;
	[tilespmem:$0x14400] =	vst v63  }
0x94: {  	_ =	swait.ge [sflag:s2], $0x2800  }
0x95: {  	[sflag:s2] =	ssyncset.done $0x0  }
0x96: {  	s1 =	sadd.s32 s9, s1;
	[sflag:s2] =	ssyncadd.s32 $0xFFFFD800  }
0x97: {  	[hbm4b:s1+s4] =	stream.linear.scatter [tilespmem:s26], [sflag:$0x10], $0x2800, $0x38;
	[tilespmem:$0x14400] =	vst v63  }
0x98: {  	p0 =	seq.s32 s25, $0x25800;
	_ =	swait.ge [sflag:s3], $0x2800  }
.Ltmp2:
0x99: {  	[sflag:s3] =	ssyncset.done $0x0;
	(pc) =	sbr.rel @p0 .LBB2_4-.Ltmp2, $4  }
0x9a: {  	[sflag:s3] =	ssyncadd.s32 $0xFFFFD800  }
0x9b: {  	_ =	swait.ge [sflag:s14], $0x2800  }
0x9c: {  	[sflag:s14] =	ssyncset.done $0x0  }
0x9d: {  	[sflag:s14] =	ssyncadd.s32 $0xFFFFD800  }
0x9e: {  	s1 =	simm.s32 $0x100  }
0x9f: {  	[tilespmem:s1], [sflag:$0x11] =	stream.linear.gather [hbm4b:s22+s4], $0xA0, $0x38;
	[tilespmem:$0x14400] =	vst v63  }
0xa0: {  	s26 =	simm.s32 $0x2C00;
	_ =	swait.ge [sflag:s18], $0xA0  }
.Ltmp3:
0xa1: {  	s30 =	simm.s32 $0x150;
	[sflag:s18] =	ssyncset.done $0x0;
	(pc) =	sbr.rel .LBB2_2-.Ltmp3, $4  }
0xa2: {  	s29 =	simm.s32 $0xCC00;
	s25 =	sadd.s32 $0x1400, s25;
	[sflag:s18] =	ssyncadd.s32 $0xFFFFFF60  }
0xa3: {  	[tilespmem:s26], [sflag:$0x2] =	stream.indirect.gather [hbm4b:s6+s19], $0x80, s1, s19, $0xb8;
	[tilespmem:$0x14400] =	vst v63  }
0xa4: {  	s23 =	sadd.s32 $0x4, s23;
	s15 =	sadd.s32 $0x280, s15;
	s22 =	sadd.s32 $0x50, s22  }
0xa5: {  	[tilespmem:s29], [sflag:$0x6] =	stream.indirect.gather [hbm4b:s6+s19], $0x80, s30, s19, $0xb8;
	[tilespmem:$0x14400] =	vst v63  }
.LBB2_5:
0xa6: {  	_ =	sfence.sel $0x180000  }
0xa7: {  	[bflag:$0x0] =	sbarrier.arrive $0xFFFF  }
0xa8: {  	_ =	strace $0x90000050  }
0xa9: {  	s0 =	stileid.u32;
	[bflag:$0x2] =	sbarrier.arrive $0xFFFF  }
0xaa: {  	p0 =	sne.s32 s0, $0x0;
	s0 =	rddreg [dreg:$0x3]  }
0xab: {  	s0 =	sadd.s32 @!p0 $0x100000, s0  }
0xac: {  	[sflag:s0] =	ssyncadd.tile.s32 @!p0 $0x1;
	_ =	shalt  }
.Lfunc_end2:
_tile_overlayer_lowered:
.L_overlay_start_2:
0xad: {  	(tag) =	ssettag $0x2  }
0xae: {  	s0 =	rddreg [dreg:$0x0];
	s2 =	stileid.u32  }
0xaf: {  	s1 =	rddreg [dreg:$0x1];
	p0 =	sne.s32 s2, $0x0  }
0xb0: {  	s3 =	rddreg [dreg:$0x2];
	[bflag:$0x3] =	sbarrier.arrive $0xFFFF;
	s2 =	simm.s32 @!p0 $0x1C11  }
0xb1: {  	[timem:s3], [sflag:s2] =	dma.local @!p0 [hbm:s0], s1  }
0xb2: {  	s0 =	simm.s32 @!p0 $0x11  }
0xb3: {  	_ =	swait.ge @!p0 [sflag:s0], s1  }
0xb4: {  	s1 =	ssub.s32 @!p0 $0x0, s1;
	[sflag:s0] =	ssyncset.done @!p0 $0x0  }
0xb5: {  	[sflag:s0] =	ssyncadd.s32 @!p0 s1  }
0xb6: {  	[bflag:$0x3] =	sbarrier.arrive $0xFFFF  }
0xb7: {  	_ =	shalt  }

// kernel: kernel.8.cloned.1.call-start
scs
__scs_entry_jumppad:
0x0: {  	(pc) =	sbr.rel $0x88, $3  }
0x1: {  	(tag) =	ssettag $0x0;
	lr =	simm.s32 $0x1  }
0x2: {  	[smem:$0x3F97] =	sst lr;
	_ =	strace $0xD0000000  }
0x3: {  	_ = 	snop  }
0x4: {  	_ = 	snop  }
0x5: {  	_ = 	snop  }
0x6: {  	_ = 	snop  }
0x7: {  	_ = 	snop  }
__scs_overlays_trampoline_lowered:
0x8: {  	[smem:$0x3FA6] =	sst s0  }
0x9: {  	[smem:$0x3FA7] =	sst s1  }
0xa: {  	[smem:$0x3FA8] =	sst s2  }
0xb: {  	[smem:$0x3FA9] =	sst s3  }
0xc: {  	[smem:$0x3FAA] =	sst s4  }
0xd: {  	[smem:$0x3FAB] =	sst s5  }
0xe: {  	[smem:$0x3FAC] =	sst s6  }
0xf: {  	[smem:$0x3FAD] =	sst s7  }
0x10: {  	[smem:$0x3FAE] =	sst s8  }
0x11: {  	[smem:$0x3FAF] =	sst s9;
	s0 =	simm.s32 @!p0 $0x0  }
0x12: {  	s1 =	sld [smem:$0x3F95];
	s0 =	simm.s32 @p0 $0x1  }
0x13: {  	[smem:$0x3FB0] =	sst s0;
	s0 =	simm.s32 @!p1 $0x0  }
0x14: {  	s2 =	sld [smem:$0x3F94];
	s0 =	simm.s32 @p1 $0x1  }
0x15: {  	[smem:$0x3FB1] =	sst s0;
	s0 =	simm.s32 @!p2 $0x0  }
0x16: {  	s3 =	sld [smem:$0x3FDB];
	s0 =	simm.s32 @p2 $0x1  }
0x17: {  	s4 =	simm.s32 $0x1BF5;
	[smem:$0x3FB3] =	sst s0  }
0x18: {  	s0 =	sld [smem:$0x3F96];
	_ =	swait.ge [sflag:s4], $0x0  }
0x19: {  	s7 =	sld [smem:$0x3F97]  }
0x1a: {  	s8 =	sadd.s32 $0xFFFFE003, lr  }
0x1b: {  	s9 =	sadd.s32 $0xFFFFFEF7, lr;
	s5 =	simm.s32 $0xFFFFFFFF;
	p2 =	slt.u32 s8, $0xFFFFF086  }
0x1c: {  	p1 =	slt.u32 s9, $0xF7A;
	s5 =	simm.s32 @!p2 $0x0  }
0x1d: {  	s5 =	simm.s32 @p1 $0x1;
	p0 =	seq.s32 s7, s2  }
0x1e: {  	s7 =	smul.u32 @!p0 $0xF7A, s2;
	p2 =	seq.s32 @!p0 s5, $0x0  }
0x1f: {  	s9 =	smul.u32 $0xF7A, s1;
	s8 =	simm.s32 @!p0 $0x1BF5;
	p2 =	por !p2, p0  }
0x20: {  	[sflag:s8] =	ssyncset.s32 @!p0 $0xFFFFF086;
	s6 =	sadd.s32 @!p0 s3, s7;
	s7 =	simm.s32 @!p0 $0x108  }
0x21: {  	s3 =	sadd.s32 s3, s9;
	s6 =	sadd.s32 @!p0 $0x88, s6;
	s7 =	simm.s32 @p2 $0x1082  }
0x22: {  	[simem:s7], [sflag:s8] =	dma.local @!p0 [hbm:s6], $0xF7A  }
0x23: {  	s9 =	sor.u32 $0xD0000000, s2;
	s6 =	simm.s32 $0x108;
	_ =	swait.ge @!p0 [sflag:s8], $0x0  }
0x24: {  	s3 =	sadd.s32 $0x88, s3;
	s6 =	simm.s32 @!p1 $0x1082;
	[sflag:s4] =	ssyncset.s32 $0xFFFFF086  }
0x25: {  	[simem:s6], [sflag:s4] =	dma.local [hbm:s3], $0xF7A  }
0x26: {  	[smem:$0x3F97] =	sst s1;
	(tag) =	ssettag s2;
	_ =	strace s9  }
0x27: {  	s1 =	sld [smem:$0x3FA7]  }
0x28: {  	s2 =	sld [smem:$0x3FA8]  }
0x29: {  	s4 =	sld [smem:$0x3FAA]  }
0x2a: {  	p0 =	seq.s32 s5, $0x0;
	s5 =	sld [smem:$0x3FAB]  }
0x2b: {  	s6 =	sld [smem:$0x3FAC]  }
0x2c: {  	s7 =	sld [smem:$0x3FAD]  }
0x2d: {  	s3 =	simm.s32 $0x108;
	s8 =	sld [smem:$0x3FAE]  }
0x2e: {  	s3 =	simm.s32 @!p0 $0x1082;
	s9 =	sld [smem:$0x3FAF]  }
0x2f: {  	lr =	sadd.s32 s0, s3;
	s0 =	sld [smem:$0x3FA6]  }
0x30: {  	s3 =	sld [smem:$0x3FA9]  }
0x31: {  	[smem:$0x3FB2] =	sst s10  }
0x32: {  	s10 =	sld [smem:$0x3FB0];
	_ =	sdelay $0x3  }
0x33: {  	p0 =	seq.s32 s10, $0x1;
	s10 =	sld [smem:$0x3FB2];
	_ =	sdelay $0x3  }
0x34: {  	[smem:$0x3FB2] =	sst s10  }
0x35: {  	s10 =	sld [smem:$0x3FB1];
	_ =	sdelay $0x3  }
0x36: {  	p1 =	seq.s32 s10, $0x1;
	s10 =	sld [smem:$0x3FB2];
	_ =	sdelay $0x3  }
0x37: {  	[smem:$0x3FB2] =	sst s10  }
0x38: {  	s10 =	sld [smem:$0x3FB3]  }
0x39: {  	_ = 	snop;
	(pc) =	sbr.ind lr, $3  }
0x3a: {  	_ = 	snop  }
0x3b: {  	_ = 	snop  }
0x3c: {  	p2 =	seq.s32 s10, $0x1;
	s10 =	sld [smem:$0x3FB2]  }
0x3d: {  	_ =	shalt  }
0x3e: {  	_ =	shalt  }
0x3f: {  	_ =	shalt  }
0x40: {  	_ =	shalt  }
0x41: {  	_ =	shalt  }
0x42: {  	_ =	shalt  }
0x43: {  	_ =	shalt  }
0x44: {  	_ =	shalt  }
0x45: {  	_ =	shalt  }
0x46: {  	_ =	shalt  }
0x47: {  	_ =	shalt  }
0x48: {  	_ =	shalt  }
0x49: {  	_ =	shalt  }
0x4a: {  	_ =	shalt  }
0x4b: {  	_ =	shalt  }
0x4c: {  	_ =	shalt  }
0x4d: {  	_ =	shalt  }
0x4e: {  	_ =	shalt  }
0x4f: {  	_ =	shalt  }
0x50: {  	_ =	shalt  }
0x51: {  	_ =	shalt  }
0x52: {  	_ =	shalt  }
0x53: {  	_ =	shalt  }
0x54: {  	_ =	shalt  }
0x55: {  	_ =	shalt  }
0x56: {  	_ =	shalt  }
0x57: {  	_ =	shalt  }
0x58: {  	_ =	shalt  }
0x59: {  	_ =	shalt  }
0x5a: {  	_ =	shalt  }
0x5b: {  	_ =	shalt  }
0x5c: {  	_ =	shalt  }
0x5d: {  	_ =	shalt  }
0x5e: {  	_ =	shalt  }
0x5f: {  	_ =	shalt  }
0x60: {  	_ =	shalt  }
0x61: {  	_ =	shalt  }
0x62: {  	_ =	shalt  }
0x63: {  	_ =	shalt  }
0x64: {  	_ =	shalt  }
0x65: {  	_ =	shalt  }
0x66: {  	_ =	shalt  }
0x67: {  	_ =	shalt  }
0x68: {  	_ =	shalt  }
0x69: {  	_ =	shalt  }
0x6a: {  	_ =	shalt  }
0x6b: {  	_ =	shalt  }
0x6c: {  	_ =	shalt  }
0x6d: {  	_ =	shalt  }
0x6e: {  	_ =	shalt  }
0x6f: {  	_ =	shalt  }
0x70: {  	_ =	shalt  }
0x71: {  	_ =	shalt  }
0x72: {  	_ =	shalt  }
0x73: {  	_ =	shalt  }
0x74: {  	_ =	shalt  }
0x75: {  	_ =	shalt  }
0x76: {  	_ =	shalt  }
0x77: {  	_ =	shalt  }
0x78: {  	_ =	shalt  }
0x79: {  	_ =	shalt  }
0x7a: {  	_ =	shalt  }
0x7b: {  	_ =	shalt  }
0x7c: {  	_ =	shalt  }
0x7d: {  	_ =	shalt  }
0x7e: {  	_ =	shalt  }
0x7f: {  	_ =	shalt  }
0x80: {  	_ =	shalt  }
0x81: {  	_ =	shalt  }
0x82: {  	_ =	shalt  }
0x83: {  	_ =	shalt  }
0x84: {  	_ =	shalt  }
0x85: {  	_ =	shalt  }
0x86: {  	_ =	shalt  }
0x87: {  	_ =	shalt  }
.Lfunc_end0:
.L_simem_size_0:
called_computation_lowered:
.L_overlay_start_0:
0x88: {  	s2 =	sld [smem:$0x3FD9]  }
0x89: {  	s3 =	sld [smem:$0x3FFE];
	_ =	sdelay $0x1  }
0x8a: {  	s1 =	srdreg.scid  }
0x8b: {  	s0 =	sand.u32 $0x1, s1  }
0x8c: {  	s15 =	sshll.u32 s0, $0xA;
	s2 =	sadd.s32 s3, s2  }
0x8d: {  	s2 =	sadd.s32 s2, s15  }
0x8e: {  	[smem:$0x3FBE] =	sst s2  }
0x8f: {  	_ = 	snop  }
0x90: {  	s2 =	sld [smem:$0x3FD0];
	_ =	sdelay $0x2  }
0x91: {  	s4 =	simm.s32 $0xB;
	s5 =	simm.s32 $0x10;
	s16 =	sld [smem:$0x3FC9]  }
0x92: {  	[smem:s5], [sflag:s4] =	dma.local [hbm:s2], $0x1  }
0x93: {  	_ =	swait.eq [sflag:s4], $0x1  }
0x94: {  	[sflag:s4] =	ssyncset.done $0x0  }
0x95: {  	[sflag:s4] =	ssyncadd.s32 $0xFFFFFFFF  }
0x96: {  	s17 =	sld [smem:$0x11];
	(tm) =	ssettm $0x1  }
0x97: {  	s18 =	sld [smem:$0x3FFB];
	_ =	sdelay $0x3  }
0x98: {  	_ =	strace s18  }
0x99: {  	s2 =	sld [smem:$0x3FFC];
	_ =	sdelay $0x3  }
0x9a: {  	_ =	strace s2  }
0x9b: {  	s2 =	sld [smem:$0x3FFD];
	_ =	sdelay $0x3  }
0x9c: {  	_ =	strace s2  }
0x9d: {  	_ =	strace $0x8FFFFFFF  }
0x9e: {  	s19 =	sld [smem:$0x3FDB];
	_ =	sdelay $0x1  }
0x9f: {  	s20 =	simm.s32 $_scs_section_size  }
0xa0: {  	s6 =	simm.s32 $_size__tile_overlayer_lowered;
	s7 =	simm.s32 $_tile_overlayer_lowered  }
0xa1: {  	s8 =	simm.s32 $0x1BFF;
	s21 =	sshll.u32 s7, $0x1;
	s5 =	sadd.s32 s20, s19  }
0xa2: {  	s22 =	simm.s32 $0x0;
	s6 =	sshll.u32 s6, $0x1;
	s7 =	sadd.s32 s21, s5  }
0xa3: {  	[timem:s22], [sflag:s8] =	dma.local [hbm:s7], s6  }
0xa4: {  	_ =	swait.ge [sflag:s8], s6  }
0xa5: {  	s6 =	ssub.s32 $0x0, s6;
	[sflag:s8] =	ssyncset.done $0x0  }
0xa6: {  	[sflag:s8] =	ssyncadd.s32 s6;
	_ =	sdelay $0x1  }
0xa7: {  	s23 =	simm.s32 $0x1B8B  }
0xa8: {  	_ =	swait.ge [sflag:s23], $0x1  }
0xa9: {  	[sflag:s23] =	ssyncset.done $0x0  }
0xaa: {  	[sflag:s23] =	ssyncadd.s32 $0xFFFFFFFF  }
0xab: {  	s6 =	sld [smem:$0x0]  }
0xac: {  	s7 =	sand.u32 $0xFFFFFFFE, s1  }
0xad: {  	p0 =	sne.s32 s1, s7  }
0xae: {  	s7 =	sshll.u32 @p0 s7, $0xE  }
0xaf: {  	s7 =	sadd.s32 @p0 $0x11B8D, s7;
	s8 =	sshll.u32 @p0 s6, $0x11  }
0xb0: {  	s7 =	sor.u32 @p0 s8, s7  }
0xb1: {  	[sflag:s7] =	ssyncadd.remote.s32 @p0 $0x1;
	_ =	sdelay $0x1  }
0xb2: {  	s7 =	simm.s32 @p0 $0x1B8D  }
0xb3: {  	_ =	swait.eq @p0 [sflag:s7], $0x1  }
0xb4: {  	[sflag:s7] =	ssyncadd.s32 @p0 $0xFFFFFFFF  }
0xb5: {  	s8 =	sshll.u32 @!p0 s1, $0xE  }
0xb6: {  	s8 =	sor.u32 @!p0 $0x4000, s8;
	s7 =	simm.s32 @!p0 $0x1B8D  }
0xb7: {  	s6 =	sshll.u32 @!p0 s6, $0x11;
	s8 =	sadd.s32 @!p0 $0x11B8D, s8;
	_ =	swait.eq @!p0 [sflag:s7], $0x1  }
0xb8: {  	s6 =	sor.u32 @!p0 s6, s8;
	[sflag:s7] =	ssyncadd.s32 @!p0 $0xFFFFFFFF  }
0xb9: {  	s25 =	simm.s32 $0x1B8E;
	s24 =	sld [smem:$0x3FFE];
	[sflag:s6] =	ssyncadd.remote.s32 @!p0 $0x1  }
0xba: {  	s26 =	simm.s32 $execute0_lowered;
	[smem:$0x3FD2] =	sst s25  }
0xbb: {  	s7 =	sshll.u32 s26, $0x1;
	_ =	strace $0x80000049;
	[dreg:$0x1] =	wrdreg $0xFFFFFFFF  }
0xbc: {  	s28 =	simm.s32 $_size_execute0_lowered;
	s5 =	sadd.s32 s5, s7;
	[dreg:$0x0] =	wrdreg $0x0  }
0xbd: {  	s7 =	sshll.u32 s28, $0x1;
	[dreg:$0x2] =	wrdreg s5  }
0xbe: {  	[dreg:$0x3] =	wrdreg s7  }
0xbf: {  	[dreg:$0x4] =	wrdreg $0xC0  }
0xc0: {  	_ =	task [dreg:s22], $0x5FFFF  }
0xc1: {  	[dreg:$0x1] =	wrdreg $0xFFFFFFFF  }
0xc2: {  	[dreg:$0x0] =	wrdreg $0x60  }
0xc3: {  	[dreg:$0x2] =	wrdreg s16  }
0xc4: {  	[dreg:$0x3] =	wrdreg s24  }
0xc5: {  	[dreg:$0x4] =	wrdreg s17  }
0xc6: {  	[dreg:$0x5] =	wrdreg $0xA6000  }
0xc7: {  	[dreg:$0x6] =	wrdreg $0x9  }
0xc8: {  	_ =	task.clear_ibuf [dreg:s22], $0x7FFFF;
	_ =	strace $0x90000049  }
0xc9: {  	s29 =	simm.s32 $0x9;
	_ =	strace $0x8000004B  }
0xca: {  	_ =	swait.ge [sflag:s29], $0x1  }
0xcb: {  	[sflag:s29] =	ssyncadd.s32 $0xFFFFFFFF  }
0xcc: {  	_ =	strace $0x9000004B  }
0xcd: {  	_ =	sfence  }
0xce: {  	s30 =	sld [smem:$0x0];
	_ =	sdelay $0x2  }
0xcf: {  	s31 =	sshll.u32 s1, $0xD;
	s1 =	sshrl.u32 s1, $0x2  }
0xd0: {  	s4 =	sand.u32 $0x4000, s31;
	s1 =	sadd.s32 s1, s30  }
0xd1: {  	s0 =	sor.u32 s4, s0;
	s1 =	sshll.u32 s1, $0x11  }
0xd2: {  	s0 =	sor.u32 s1, s0  }
0xd3: {  	s0 =	sadd.s32 $0x8F2B, s0  }
0xd4: {  	[sflag:s0] =	ssyncadd.remote.s32 $0x1  }
0xd5: {  	_ =	sfence.sel $0xFFFF  }
0xd6: {  	[dreg:$0x0] =	wrdreg $0xFFFFFFFF;
	(pc) =	sbr.abs _section_cstart, $3  }
0xd7: {  	[dreg:$0x1] =	wrdreg $0xFFFFFFFF  }
0xd8: {  	_ =	task.clear_ibuf [dreg:s22], $0x2FFFF;
	_ =	strace $0x9FFFFFFF  }
0xd9: {  	(tm) =	ssettm $0x7FFFFFFF  }
tec
execute0_lowered:
.L_overlay_start_1:
0x0: {  	(tag) =	ssettag $0x1  }
0x1: {  	s1 =	rddreg [dreg:$0x0]  }
0x2: {  	s0 =	rddreg [dreg:$0x1]  }
0x3: {  	s2 =	rddreg [dreg:$0x2]  }
0x4: {  	s3 =	rddreg [dreg:$0x3]  }
0x5: {  	s4 =	simm.s32 $0x0;
	s12 =	stileid.u32;
	s6 =	srdreg.scid  }
0x6: {  	s16 =	simm.s32 $0x9;
	s17 =	simm.s32 $0x50;
	s28 =	simm.s32 $0x300  }
0x7: {  	s29 =	simm.s32 $0x7E00;
	s30 =	simm.s32 $0x3;
	s31 =	simm.s32 $0x500  }
0x8: {  	s14 =	simm.s32 $0x0;
	[smem:$0x7FF] =	sst s4;
	s7 =	smul.u32 $0x13C00, s12  }
0x9: {  	s5 =	sadd.s32 $0x35000, s0;
	s9 =	sand.u32 $0x1, s6;
	s18 =	sshll.u32 s12, $0x1  }
0xa: {  	s11 =	smul.u32 $0x4F000, s12;
	s22 =	sshll.u32 s12, $0x6;
	_ =	strace $0x8000004A  }
0xb: {  	s10 =	ssub.s32 $0x2, s9;
	s6 =	sor.u32 s9, s18;
	s9 =	smul.u32 $0x13C000, s9  }
0xc: {  	s18 =	simm.s32 $0x600;
	s8 =	sshrl.u32 s7, $0x3;
	s19 =	sshrl.u32 s10, $0x1  }
0xd: {  	s6 =	smul.u32 $0x4E20, s6;
	s20 =	sshrl.u32 s11, $0x2;
	s0 =	sadd.s32 s8, s0  }
0xe: {  	s8 =	ssub.s32 s10, s19;
	s10 =	sadd.s32 s20, s3;
	s24 =	sadd.s32 s7, s9  }
0xf: {  	s9 =	sor.u32 $0x1C09, s22;
	s19 =	simm.s32 $0x100;
	s20 =	simm.s32 $0x2E00  }
0x10: {  	s22 =	simm.s32 $0x400;
	s7 =	simm.s32 $0x580;
	s0 =	sadd.s32 $0xD800, s0  }
0x11: {  	s21 =	sshrl.u32 s6, $0x3;
	s11 =	sadd.s32 $0x280, s6;
	s12 =	sadd.s32 $0x320, s6  }
0x12: {  	s26 =	smax.u32 s8, $0x1;
	s13 =	sshrl.u32 s10, $0x3;
	s10 =	simm.s32 $0x6  }
0x13: {  	[dreg:$0x5] =	wrdreg s0;
	s23 =	sadd.s32 s5, s21;
	s0 =	sshrl.u32 s24, $0x3  }
.Ltmp0:
0x14: {  	[dreg:$0x9] =	wrdreg s26;
	s21 =	simm.s32 $0x1;
	(pc) =	sbr.rel .LBB2_1-.Ltmp0, $4  }
0x15: {  	s24 =	simm.s32 $0x5600;
	s26 =	simm.s32 $0x480;
	[dreg:$0xa] =	wrdreg s13  }
0x16: {  	[dreg:$0x6] =	wrdreg s23;
	s25 =	sadd.s32 $0x14, s23;
	s0 =	sadd.s32 s2, s0  }
0x17: {  	s23 =	simm.s32 $0x200;
	s2 =	simm.s32 $0x4;
	[dreg:$0x7] =	wrdreg s25  }
0x18: {  	[dreg:$0x8] =	wrdreg s0;
	s25 =	simm.s32 $0x2;
	s0 =	simm.s32 $0x5  }
.LBB2_4:
0x19: {  	_ =	swait.ge [sflag:s21], $0x2800  }
0x1a: {  	[sflag:s21] =	ssyncset.done $0x0  }
0x1b: {  	s8 =	simm.s32 $0x7;
	[sflag:s21] =	ssyncadd.s32 $0xFFFFD800  }
0x1c: {  	[spmem:s3] =	stream.indirect.scatter.add.f32 [tilespmem:s18], [sflag:$0x5], $0x80, s22, s17, $0xb8;
	[tilespmem:$0x1E200] =	vst v63  }
0x1d: {  	_ =	swait.ge [sflag:s8], $0x2800  }
0x1e: {  	[sflag:s8] =	ssyncset.done $0x0  }
0x1f: {  	s13 =	simm.s32 $0x8;
	[sflag:s8] =	ssyncadd.s32 $0xFFFFD800  }
0x20: {  	_ =	swait.ge [sflag:s13], $0x2800  }
0x21: {  	[sflag:s13] =	ssyncset.done $0x0  }
0x22: {  	[sflag:s13] =	ssyncadd.s32 $0xFFFFD800  }
0x23: {  	_ =	swait.ge [sflag:s0], $0x2800  }
0x24: {  	[sflag:s0] =	ssyncset.done $0x0  }
0x25: {  	[sflag:s0] =	ssyncadd.s32 $0xFFFFD800  }
0x26: {  	[bflag:$0x0] =	sbarrier.arrive $0xFFFF  }
0x27: {  	s8 =	rddreg [dreg:$0x8]  }
0x28: {  	s13 =	rddreg [dreg:$0xa]  }
0x29: {  	[hbm:s8], [sflag:s15] =	dma.local [spmem:s13], $0x2780  }
0x2a: {  	_ =	swait.ge [sflag:s16], $0x2780  }
0x2b: {  	s9 =	smov.u32 s15;
	s14 =	sadd.s32 $0x1, s14;
	s15 =	rddreg [dreg:$0x9]  }
0x2c: {  	p0 =	sne.s32 s14, s15  }
.Ltmp1:
0x2d: {  	_ = 	snop;
	(pc) =	sbr.rel @!p0 .LBB2_5-.Ltmp1, $3  }
0x2e: {  	_ =	sdelay $0x1  }
0x2f: {  	[sflag:s16] =	ssyncset.done $0x0  }
0x30: {  	[sflag:s16] =	ssyncadd.s32 $0xFFFFD880  }
.LBB2_1:
0x31: {  	s8 =	rddreg [dreg:$0x5]  }
0x32: {  	[spmem:s13], [sflag:s9] =	dma.local [hbm:s8], $0x2780  }
0x33: {  	_ =	swait.ge [sflag:s16], $0x2780  }
0x34: {  	[sflag:s16] =	ssyncset.done $0x0  }
0x35: {  	[sflag:s16] =	ssyncadd.s32 $0xFFFFD880  }
0x36: {  	[bflag:$0x0] =	sbarrier.arrive $0xFFFF  }
0x37: {  	s15 =	smov.u32 s9;
	s9 =	rddreg [dreg:$0x6]  }
0x38: {  	[tilespmem:s4], [sflag:$0x9] =	stream.linear.gather [hbm4b:s9+s4], $0xA0, $0x38;
	[tilespmem:$0x1E200] =	vst v63  }
0x39: {  	_ =	swait.ge [sflag:s16], $0xA0  }
0x3a: {  	[sflag:s16] =	ssyncset.done $0x0  }
0x3b: {  	[sflag:s16] =	ssyncadd.s32 $0xFFFFFF60  }
0x3c: {  	v0 =	vld [tilespmem:$0x50]  }
0x3d: {  	v1 =	vld [tilespmem:$0x60]  }
0x3e: {  	v2 =	vld [tilespmem:$0x70]  }
0x3f: {  	v3 =	vld [tilespmem:$0x80]  }
0x40: {  	v4 =	vld [tilespmem:$0x90]  }
0x41: {  	[tilespmem:$0x400] =	vst v0  }
0x42: {  	[tilespmem:$0x410] =	vst v1  }
0x43: {  	[tilespmem:$0x420] =	vst v2  }
0x44: {  	[tilespmem:$0x430] =	vst v3  }
0x45: {  	[tilespmem:$0x440] =	vst v4  }
0x46: {  	[tilespmem:s18], [sflag:$0x1] =	stream.indirect.gather [hbm4b:s1+s17], $0x80, s4, s17, $0xb8;
	[tilespmem:$0x1E200] =	vst v63  }
0x47: {  	s13 =	rddreg [dreg:$0x7]  }
0x48: {  	[tilespmem:s19], [sflag:$0x9] =	stream.linear.gather [hbm4b:s13+s4], $0xA0, $0x38;
	[tilespmem:$0x1E200] =	vst v63  }
0x49: {  	_ =	swait.ge [sflag:s16], $0xA0  }
0x4a: {  	[sflag:s16] =	ssyncset.done $0x0  }
0x4b: {  	[sflag:s16] =	ssyncadd.s32 $0xFFFFFF60  }
0x4c: {  	v59 =	vld [tilespmem:$0x150]  }
0x4d: {  	v60 =	vld [tilespmem:$0x160]  }
0x4e: {  	v61 =	vld [tilespmem:$0x170]  }
0x4f: {  	v62 =	vld [tilespmem:$0x180]  }
0x50: {  	v63 =	vld [tilespmem:$0x190]  }
0x51: {  	[tilespmem:$0x480] =	vst v59  }
0x52: {  	[tilespmem:$0x490] =	vst v60  }
0x53: {  	[tilespmem:$0x4A0] =	vst v61  }
0x54: {  	[tilespmem:$0x4B0] =	vst v62  }
0x55: {  	s13 =	simm.s32 $0x0;
	[tilespmem:$0x4C0] =	vst v63  }
0x56: {  	[tilespmem:s20], [sflag:$0x2] =	stream.indirect.gather [hbm4b:s1+s17], $0x80, s19, s17, $0xb8;
	[tilespmem:$0x1E200] =	vst v63  }
.LBB2_2:
0x57: {  	_ =	swait.ge [sflag:s21], $0x2800;
	p0 =	seq.s32 s13, $0x0  }
0x58: {  	[sflag:s21] =	ssyncset.done $0x0;
	s8 =	sadd.s32 @!p0 $0x140, s13  }
0x59: {  	s9 =	simm.s32 @!p0 $0x7;
	[sflag:s21] =	ssyncadd.s32 $0xFFFFD800;
	s8 =	simm.s32 @p0 $0x140  }
0x5a: {  	[spmem:s3] =	stream.indirect.scatter.add.f32 [tilespmem:s18], [sflag:$0x5], $0x80, s22, s17, $0xb8;
	[tilespmem:$0x1E200] =	vst v63  }
0x5b: {  	s8 =	sadd.s32 s6, s8;
	_ =	swait.ge @!p0 [sflag:s9], $0x2800  }
0x5c: {  	s8 =	sshrl.u32 s8, $0x3;
	[sflag:s9] =	ssyncset.done @!p0 $0x0  }
0x5d: {  	s8 =	sadd.s32 s5, s8;
	[sflag:s9] =	ssyncadd.s32 @!p0 $0xFFFFD800  }
0x5e: {  	[tilespmem:s23], [sflag:$0x9] =	stream.linear.gather [hbm4b:s8+s4], $0xA0, $0x38;
	[tilespmem:$0x1E200] =	vst v63  }
0x5f: {  	_ =	swait.ge [sflag:s16], $0xA0  }
0x60: {  	[sflag:s16] =	ssyncset.done $0x0  }
0x61: {  	[sflag:s16] =	ssyncadd.s32 $0xFFFFFF60  }
0x62: {  	v0 =	vld [tilespmem:$0x250]  }
0x63: {  	v1 =	vld [tilespmem:$0x260]  }
0x64: {  	v2 =	vld [tilespmem:$0x270]  }
0x65: {  	v3 =	vld [tilespmem:$0x280]  }
0x66: {  	v4 =	vld [tilespmem:$0x290]  }
0x67: {  	[tilespmem:$0x500] =	vst v0  }
0x68: {  	[tilespmem:$0x510] =	vst v1  }
0x69: {  	[tilespmem:$0x520] =	vst v2  }
0x6a: {  	[tilespmem:$0x530] =	vst v3  }
0x6b: {  	[tilespmem:$0x540] =	vst v4  }
0x6c: {  	[tilespmem:s24], [sflag:$0x3] =	stream.indirect.gather [hbm4b:s1+s17], $0x80, s23, s17, $0xb8;
	[tilespmem:$0x1E200] =	vst v63  }
0x6d: {  	_ =	swait.ge [sflag:s25], $0x2800  }
0x6e: {  	s8 =	sadd.s32 @!p0 $0x1E0, s13;
	[sflag:s25] =	ssyncset.done $0x0  }
0x6f: {  	s9 =	simm.s32 @!p0 $0x8;
	s8 =	simm.s32 @p0 $0x1E0;
	[sflag:s25] =	ssyncadd.s32 $0xFFFFD800  }
0x70: {  	[spmem:s3] =	stream.indirect.scatter.add.f32 [tilespmem:s20], [sflag:$0x6], $0x80, s26, s17, $0xb8;
	[tilespmem:$0x1E200] =	vst v63  }
0x71: {  	s8 =	sadd.s32 s6, s8;
	_ =	swait.ge @!p0 [sflag:s9], $0x2800  }
0x72: {  	s8 =	sshrl.u32 s8, $0x3;
	[sflag:s9] =	ssyncset.done @!p0 $0x0  }
0x73: {  	s8 =	sadd.s32 s5, s8;
	[sflag:s9] =	ssyncadd.s32 @!p0 $0xFFFFD800  }
0x74: {  	[tilespmem:s28], [sflag:$0x9] =	stream.linear.gather [hbm4b:s8+s4], $0xA0, $0x38;
	[tilespmem:$0x1E200] =	vst v63  }
0x75: {  	_ =	swait.ge [sflag:s16], $0xA0  }
0x76: {  	[sflag:s16] =	ssyncset.done $0x0  }
0x77: {  	[sflag:s16] =	ssyncadd.s32 $0xFFFFFF60  }
0x78: {  	v54 =	vld [tilespmem:$0x350]  }
0x79: {  	v55 =	vld [tilespmem:$0x360]  }
0x7a: {  	v56 =	vld [tilespmem:$0x370]  }
0x7b: {  	v57 =	vld [tilespmem:$0x380]  }
0x7c: {  	v58 =	vld [tilespmem:$0x390]  }
0x7d: {  	[tilespmem:$0x580] =	vst v54  }
0x7e: {  	[tilespmem:$0x590] =	vst v55  }
0x7f: {  	[tilespmem:$0x5A0] =	vst v56  }
0x80: {  	[tilespmem:$0x5B0] =	vst v57  }
0x81: {  	[tilespmem:$0x5C0] =	vst v58  }
0x82: {  	[tilespmem:s29], [sflag:$0x4] =	stream.indirect.gather [hbm4b:s1+s17], $0x80, s28, s17, $0xb8;
	[tilespmem:$0x1E200] =	vst v63  }
0x83: {  	_ =	swait.ge [sflag:s30], $0x2800  }
0x84: {  	s8 =	smov.u32 s13;
	[sflag:s30] =	ssyncset.done $0x0  }
0x85: {  	s8 =	simm.s32 @p0 $0x0;
	[sflag:s30] =	ssyncadd.s32 $0xFFFFD800  }
0x86: {  	[spmem:s3] =	stream.indirect.scatter.add.f32 [tilespmem:s24], [sflag:$0x7], $0x80, s31, s17, $0xb8;
	[tilespmem:$0x1E200] =	vst v63  }
0x87: {  	s9 =	sadd.s32 s8, s11;
	_ =	swait.ge [sflag:s0], $0x2800  }
0x88: {  	s9 =	sshrl.u32 s9, $0x3;
	[sflag:s0] =	ssyncset.done $0x0  }
0x89: {  	s9 =	sadd.s32 s5, s9;
	[sflag:s0] =	ssyncadd.s32 $0xFFFFD800  }
0x8a: {  	[tilespmem:s4], [sflag:$0x9] =	stream.linear.gather [hbm4b:s9+s4], $0xA0, $0x38;
	[tilespmem:$0x1E200] =	vst v63  }
0x8b: {  	_ =	swait.ge [sflag:s16], $0xA0  }
0x8c: {  	[sflag:s16] =	ssyncset.done $0x0  }
0x8d: {  	[sflag:s16] =	ssyncadd.s32 $0xFFFFFF60  }
0x8e: {  	v59 =	vld [tilespmem:$0x50]  }
0x8f: {  	v60 =	vld [tilespmem:$0x60]  }
0x90: {  	v61 =	vld [tilespmem:$0x70]  }
0x91: {  	v62 =	vld [tilespmem:$0x80]  }
0x92: {  	v63 =	vld [tilespmem:$0x90]  }
0x93: {  	[tilespmem:$0x400] =	vst v59  }
0x94: {  	[tilespmem:$0x410] =	vst v60  }
0x95: {  	[tilespmem:$0x420] =	vst v61  }
0x96: {  	[tilespmem:$0x430] =	vst v62  }
0x97: {  	[tilespmem:$0x440] =	vst v63  }
0x98: {  	[tilespmem:s18], [sflag:$0x1] =	stream.indirect.gather [hbm4b:s1+s17], $0x80, s4, s17, $0xb8;
	[tilespmem:$0x1E200] =	vst v63  }
0x99: {  	_ =	swait.ge [sflag:s2], $0x2800  }
0x9a: {  	p0 =	seq.s32 s13, $0x4B00;
	[sflag:s2] =	ssyncset.done $0x0  }
.Ltmp2:
0x9b: {  	[sflag:s2] =	ssyncadd.s32 $0xFFFFD800;
	(pc) =	sbr.rel @p0 .LBB2_4-.Ltmp2, $4  }
0x9c: {  	[spmem:s3] =	stream.indirect.scatter.add.f32 [tilespmem:s29], [sflag:$0x8], $0x80, s7, s17, $0xb8;
	[tilespmem:$0x1E200] =	vst v63  }
0x9d: {  	_ =	swait.ge [sflag:s10], $0x2800  }
0x9e: {  	[sflag:s10] =	ssyncset.done $0x0  }
0x9f: {  	[sflag:s10] =	ssyncadd.s32 $0xFFFFD800  }
0xa0: {  	s8 =	sadd.s32 s8, s12  }
0xa1: {  	s8 =	sshrl.u32 s8, $0x3  }
0xa2: {  	s8 =	sadd.s32 s5, s8  }
0xa3: {  	[tilespmem:s19], [sflag:$0x9] =	stream.linear.gather [hbm4b:s8+s4], $0xA0, $0x38;
	[tilespmem:$0x1E200] =	vst v63  }
0xa4: {  	_ =	swait.ge [sflag:s16], $0xA0  }
0xa5: {  	[sflag:s16] =	ssyncset.done $0x0  }
0xa6: {  	[sflag:s16] =	ssyncadd.s32 $0xFFFFFF60  }
0xa7: {  	v0 =	vld [tilespmem:$0x150]  }
0xa8: {  	v1 =	vld [tilespmem:$0x160]  }
0xa9: {  	v2 =	vld [tilespmem:$0x170]  }
0xaa: {  	v3 =	vld [tilespmem:$0x180]  }
0xab: {  	v4 =	vld [tilespmem:$0x190]  }
0xac: {  	[tilespmem:$0x480] =	vst v0  }
.Ltmp3:
0xad: {  	[tilespmem:$0x490] =	vst v1;
	(pc) =	sbr.rel .LBB2_2-.Ltmp3, $4  }
0xae: {  	[tilespmem:$0x4A0] =	vst v2  }
0xaf: {  	[tilespmem:$0x4B0] =	vst v3  }
0xb0: {  	s13 =	sadd.s32 $0x280, s13;
	[tilespmem:$0x4C0] =	vst v4  }
0xb1: {  	[tilespmem:s20], [sflag:$0x2] =	stream.indirect.gather [hbm4b:s1+s17], $0x80, s19, s17, $0xb8;
	[tilespmem:$0x1E200] =	vst v63  }
.LBB2_5:
0xb2: {  	_ =	sfence.sel $0x180000  }
0xb3: {  	[bflag:$0x0] =	sbarrier.arrive $0xFFFF  }
0xb4: {  	_ =	strace $0x9000004A  }
0xb5: {  	s0 =	stileid.u32;
	[bflag:$0x2] =	sbarrier.arrive $0xFFFF  }
0xb6: {  	p0 =	sne.s32 s0, $0x0;
	s0 =	rddreg [dreg:$0x4]  }
0xb7: {  	s0 =	sadd.s32 @!p0 $0x100000, s0  }
0xb8: {  	[sflag:s0] =	ssyncadd.tile.s32 @!p0 $0x1;
	_ =	shalt  }
.Lfunc_end2:
_tile_overlayer_lowered:
.L_overlay_start_2:
0xb9: {  	(tag) =	ssettag $0x2  }
0xba: {  	s0 =	rddreg [dreg:$0x0];
	s2 =	stileid.u32  }
0xbb: {  	s1 =	rddreg [dreg:$0x1];
	p0 =	sne.s32 s2, $0x0  }
0xbc: {  	s3 =	rddreg [dreg:$0x2];
	[bflag:$0x3] =	sbarrier.arrive $0xFFFF;
	s2 =	simm.s32 @!p0 $0x1C09  }
0xbd: {  	[timem:s3], [sflag:s2] =	dma.local @!p0 [hbm:s0], s1  }
0xbe: {  	s0 =	simm.s32 @!p0 $0x9  }
0xbf: {  	_ =	swait.ge @!p0 [sflag:s0], s1  }
0xc0: {  	s1 =	ssub.s32 @!p0 $0x0, s1;
	[sflag:s0] =	ssyncset.done @!p0 $0x0  }
0xc1: {  	[sflag:s0] =	ssyncadd.s32 @!p0 s1  }
0xc2: {  	[bflag:$0x3] =	sbarrier.arrive $0xFFFF  }
0xc3: {  	_ =	shalt  }

</sc_bundles>
